<compile_context>
chip_gen: v7x
topology: tpu7x:2x2x1
jax: 0.10.2.dev20260603
libtpu: 0.0.44.dev20260713+nightly
codegen_flags: <defaults>
</compile_context>

<pallas_src>
import jax
import jax.numpy as jnp
from jax import lax
from jax.experimental import pallas as pl
from jax.experimental.pallas import tpu as pltpu
from jax.experimental.pallas import tpu_sc as plsc

N = 10000
G = 100
NPG = 100
E = 320000
D_IN = 128
DIM = 64
K1 = 50
K2 = 25

NC = 2
NS = 16
NW = NC * NS
ROWLEN = 125
EROWS = E // ROWLEN
WROWS = EROWS // NW
KCH = 8
NBLK = WROWS // KCH
ACCR = 10240
RPT = ACCR // NS
OBR = RPT // 2

_BIG = 10 ** 6
_NEG = float("-inf")

def _dot(a, b, dims):
    return lax.dot_general(a, b, (dims, ((), ())),
                           preferred_element_type=jnp.float32)


def _score(h, pw):
    hb = h.astype(jnp.bfloat16).astype(jnp.float32)
    pb = pw.astype(jnp.bfloat16).astype(jnp.float32)
    nrm = jnp.sqrt(jnp.sum(pw * pw, axis=1, keepdims=True))
    return jnp.sum(hb * pb, axis=1, keepdims=True), nrm



def _mm1_body(x_ref, w_ref, o_ref):
    o_ref[...] = _dot(x_ref[...], w_ref[...], (((1,), (1,))))


LW = 128


def _sort_desc(arrs, win):
    iota = lax.broadcasted_iota(jnp.int32, arrs[0].shape, 1)
    k = 2
    while k <= LW:
        j = k // 2
        while j >= 1:
            bitj = (iota & j) != 0
            P = [jnp.where(bitj, pltpu.roll(a, j, axis=1),
                           pltpu.roll(a, LW - j, axis=1)) for a in arrs]
            sw = win(arrs, P)
            take_w = bitj == ((iota & k) != 0)
            keep = take_w == sw
            arrs = [jnp.where(keep, a, p) for a, p in zip(arrs, P)]
            j //= 2
        k *= 2
    return arrs


def _tokey(s):
    b = lax.bitcast_convert_type(s, jnp.int32)
    return jnp.where(b < 0, b ^ jnp.int32(0x7FFFFFFF), b)


def _fromkey(k):
    b = jnp.where(k < 0, k ^ jnp.int32(0x7FFFFFFF), k)
    return lax.bitcast_convert_type(b, jnp.float32)


def _pad_min(x):
    return jnp.concatenate(
        [x, jnp.full((x.shape[0], LW - NPG), jnp.int32(-2 ** 31))], axis=1)


GB = 1
GPB = G // GB
RPB = GPB * NPG


def _stage1_body(ap, b1, pw, w2,
                 v_ref, selm_ref, sg_ref, x1_ref, hl2_ref):
    h = jax.nn.relu(ap[0] + ap[1] + b1[...])
    pre, nrm = _score(h, pw[...])
    sg_ref[0] = jnp.tanh(pre / nrm).reshape(GPB, NPG)
    sg = sg_ref[0]
    iota = lax.broadcasted_iota(jnp.int32, (GPB, LW), 1)
    kg = _tokey(sg)

    def win(a, b):
        return (a[0] > b[0]) | ((a[0] == b[0]) & (a[1] < b[1]))

    ks, si = _sort_desc([_pad_min(kg), iota], win)
    v_ref[0] = jax.nn.sigmoid(_fromkey(ks[:, :K1]))
    t_k = ks[:, K1 - 1:K1]
    t_i = si[:, K1 - 1:K1]
    idc = iota[:, :NPG]
    selm = ((kg > t_k) | ((kg == t_k) & (idc <= t_i))).astype(jnp.float32)
    selm_ref[0] = selm
    H3 = h.reshape(GPB, NPG, DIM)
    hp3 = H3 * (sg * selm).reshape(GPB, NPG, 1)
    sel3 = selm.reshape(GPB, NPG, 1)
    x1_ref[0, :, 0:DIM] = jnp.max(jnp.where(sel3 > 0, hp3, _NEG), axis=1)
    x1_ref[0, :, DIM:2 * DIM] = jnp.sum(hp3, axis=1) * jnp.float32(1.0 / K1)
    hl2_ref[...] = _dot(hp3.reshape(RPB, DIM), w2[...], (((1,), (1,))))


def _stage2_body(ap, b2, pw, selm1_ref, sg1_ref, x1_ref,
                 f1w, f1b, g1, c1, f2w, f2b, g2, c2, f3w, f3b,
                 t1w, t1b, tg1, tc1, t2w, t2b, tg2, tc2, t3w, t3b,
                 v_ref, xy_ref, xs_ref, scr_ref):
    h = jax.nn.relu(ap[0] + ap[1] + b2[...])
    pre, nrm = _score(h, pw[...])
    scr_ref[...] = jnp.tanh(pre / nrm).reshape(GPB, NPG)
    sg = scr_ref[...]
    sg1 = sg1_ref[0]
    sm = jnp.where(selm1_ref[0] > 0, sg, _NEG)
    iota = lax.broadcasted_iota(jnp.int32, (GPB, LW), 1)
    km = _tokey(sm)
    k1g = _tokey(sg1)

    def win(a, b):
        return ((a[0] > b[0])
                | ((a[0] == b[0])
                   & ((a[1] > b[1])
                      | ((a[1] == b[1]) & (a[2] < b[2])))))

    ks, k1s, si = _sort_desc([_pad_min(km), _pad_min(k1g), iota], win)
    v_ref[0] = jax.nn.sigmoid(_fromkey(ks[:, :K2]))
    t_k = ks[:, K2 - 1:K2]
    t_1 = k1s[:, K2 - 1:K2]
    t_i = si[:, K2 - 1:K2]
    idc = iota[:, :NPG]
    selm2 = ((km > t_k)
             | ((km == t_k)
                & ((k1g > t_1)
                   | ((k1g == t_1) & (idc <= t_i))))).astype(jnp.float32)
    Q3 = h.reshape(GPB, NPG, DIM) * (sg * selm2).reshape(GPB, NPG, 1)
    sel3 = selm2.reshape(GPB, NPG, 1)
    mx = jnp.max(jnp.where(sel3 > 0, Q3, _NEG), axis=1)
    mn = jnp.sum(Q3, axis=1) * jnp.float32(1.0 / K2)
    xg = jnp.concatenate([x1_ref[0], mx, mn], axis=1)
    ibn = jnp.float32(1.0) / jnp.sqrt(jnp.float32(1.0 + 1e-5))

    def fc(v, w, b):
        return _dot(v, w, (((1,), (1,)))) + b[...]

    def lsm(v):
        z = v - jnp.max(v, axis=1, keepdims=True)
        return z - jnp.log(jnp.sum(jnp.exp(z), axis=1, keepdims=True))

    y = jax.nn.relu(fc(xg, f1w[...], f1b)) * ibn * g1[...] + c1[...]
    y = jax.nn.relu(fc(y, f2w[...], f2b)) * ibn * g2[...] + c2[...]
    xy_ref[0] = lsm(fc(y, f3w[...], f3b))
    z = jax.nn.relu(fc(xg, t1w[...], t1b)) * ibn * tg1[...] + tc1[...]
    z = jax.nn.relu(fc(z, t2w[...], t2b)) * ibn * tg2[...] + tc2[...]
    xs_ref[0] = lsm(fc(z, t3w[...], t3b))


def _tc(body, out_shape):
    return pl.pallas_call(body, out_shape=out_shape)



NBUF = 4


def _sc_scatter_body(hlin, srcr, dstr, zer, out, sidx, didx, rb0, rb1, rb2,
                     rb3, obuf, acc, gs0, gs1, gs2, gs3, ss0, ss1, ss2, ss3):
    c = lax.axis_index("c")
    s = lax.axis_index("s")
    w = s * NC + c
    row0 = s * RPT
    rbs = (rb0, rb1, rb2, rb3)
    gss = (gs0, gs1, gs2, gs3)
    sss = (ss0, ss1, ss2, ss3)
    pltpu.sync_copy(zer, obuf)
    pltpu.sync_copy(obuf, acc.at[pl.ds(row0, OBR)])
    pltpu.sync_copy(obuf, acc.at[pl.ds(row0 + OBR, OBR)])
    pltpu.sync_copy(srcr.at[pl.ds(w * WROWS, WROWS)], sidx)
    pltpu.sync_copy(dstr.at[pl.ds(w * WROWS, WROWS)], didx)
    plsc.subcore_barrier()

    for k in range(NBUF):
        pltpu.async_copy(hlin.at[sidx.at[k]], rbs[k], gss[k])

    def blk(t, carry):
        i = NBUF * t
        for k in range(NBUF):
            pltpu.make_async_copy(hlin.at[sidx.at[i + k]], rbs[k],
                                  gss[k]).wait()
            pltpu.async_copy(rbs[k], acc.at[didx.at[i + k]], sss[k], add=True)
        for k in range(NBUF):
            pltpu.make_async_copy(rbs[k], acc.at[didx.at[i + k]],
                                  sss[k]).wait()

            @pl.when(i + NBUF + k < WROWS)
            def _():
                pltpu.async_copy(hlin.at[sidx.at[i + NBUF + k]], rbs[k],
                                 gss[k])

        return carry

    lax.fori_loop(0, WROWS // NBUF, blk, 0)
    plsc.subcore_barrier()
    pltpu.sync_copy(acc.at[pl.ds(row0, OBR)], obuf)
    pltpu.sync_copy(obuf, out.at[c, pl.ds(row0, OBR)])
    pltpu.sync_copy(acc.at[pl.ds(row0 + OBR, OBR)], obuf)
    pltpu.sync_copy(obuf, out.at[c, pl.ds(row0 + OBR, OBR)])


def _scatter_edges(hlin, src2d, dst2d, zer):
    mesh = plsc.VectorSubcoreMesh(core_axis_name="c", subcore_axis_name="s")
    f = pl.kernel(
        _sc_scatter_body,
        out_type=jax.ShapeDtypeStruct((NC, ACCR, DIM), jnp.float32),
        mesh=mesh,
        scratch_types=[
            pltpu.VMEM((WROWS, ROWLEN), jnp.int32),
            pltpu.VMEM((WROWS, ROWLEN), jnp.int32),
            pltpu.VMEM((ROWLEN, DIM), jnp.float32),
            pltpu.VMEM((ROWLEN, DIM), jnp.float32),
            pltpu.VMEM((ROWLEN, DIM), jnp.float32),
            pltpu.VMEM((ROWLEN, DIM), jnp.float32),
            pltpu.VMEM((OBR, DIM), jnp.float32),
            pltpu.VMEM_SHARED((ACCR, DIM), jnp.float32),
            pltpu.SemaphoreType.DMA,
            pltpu.SemaphoreType.DMA,
            pltpu.SemaphoreType.DMA,
            pltpu.SemaphoreType.DMA,
            pltpu.SemaphoreType.DMA,
            pltpu.SemaphoreType.DMA,
            pltpu.SemaphoreType.DMA,
            pltpu.SemaphoreType.DMA,
        ],
        compiler_params=pltpu.CompilerParams(use_tc_tiling_on_sc=False),
    )
    return f(hlin, src2d, dst2d, zer)



def kernel(x, edge_index, edge_attr, batch, W1, b1, p1w, W2, b2, p2w,
           fc1W, fc1b, bn1g, bn1b, fc2W, fc2b, bn2g, bn2b, fc3W, fc3b,
           sW1, sb1, sg1, sbb1, sW2, sb2, sg2, sbb2, sW3, sb3):
    src2d = edge_index[0].reshape(EROWS, ROWLEN)
    dst2d = edge_index[1].reshape(EROWS, ROWLEN)
    zer = jnp.zeros((OBR, DIM), jnp.float32)
    r1 = lambda v: v.reshape(1, -1)

    hlin1 = _tc(_mm1_body, jax.ShapeDtypeStruct((N, DIM), jnp.float32))(x, W1)

    parts1 = _scatter_edges(hlin1, src2d, dst2d, zer)

    def _full(shape):
        return pl.BlockSpec(shape, lambda i: tuple(0 for _ in shape))

    def _gblk(minor):
        return pl.BlockSpec((1, GPB, minor), lambda i: (i, 0, 0))

    ap_spec = pl.BlockSpec((2, RPB, DIM), lambda i: (0, i, 0))

    vals1, selm1, sc1, x1, hlin2 = pl.pallas_call(
        _stage1_body,
        grid=(GB,),
        in_specs=[ap_spec, _full((1, DIM)), _full((1, DIM)),
                  _full((DIM, DIM))],
        out_specs=[_gblk(K1), _gblk(NPG), _gblk(NPG), _gblk(2 * DIM),
                   pl.BlockSpec((RPB, DIM), lambda i: (i, 0))],
        out_shape=(
            jax.ShapeDtypeStruct((GB, GPB, K1), jnp.float32),
            jax.ShapeDtypeStruct((GB, GPB, NPG), jnp.float32),
            jax.ShapeDtypeStruct((GB, GPB, NPG), jnp.float32),
            jax.ShapeDtypeStruct((GB, GPB, 2 * DIM), jnp.float32),
            jax.ShapeDtypeStruct((N, DIM), jnp.float32)))(
        parts1, r1(b1), r1(p1w), W2)

    parts2 = _scatter_edges(hlin2, src2d, dst2d, zer)

    vals2, xy, xs = pl.pallas_call(
        _stage2_body,
        grid=(GB,),
        scratch_shapes=[pltpu.VMEM((GPB, NPG), jnp.float32)],
        in_specs=[ap_spec, _full((1, DIM)), _full((1, DIM)),
                  _gblk(NPG), _gblk(NPG), _gblk(2 * DIM),
                  _full(fc1W.shape), _full((1, fc1b.shape[0])),
                  _full((1, bn1g.shape[0])), _full((1, bn1b.shape[0])),
                  _full(fc2W.shape), _full((1, fc2b.shape[0])),
                  _full((1, bn2g.shape[0])), _full((1, bn2b.shape[0])),
                  _full(fc3W.shape), _full((1, fc3b.shape[0])),
                  _full(sW1.shape), _full((1, sb1.shape[0])),
                  _full((1, sg1.shape[0])), _full((1, sbb1.shape[0])),
                  _full(sW2.shape), _full((1, sb2.shape[0])),
                  _full((1, sg2.shape[0])), _full((1, sbb2.shape[0])),
                  _full(sW3.shape), _full((1, sb3.shape[0]))],
        out_specs=[_gblk(K2), _gblk(2), _gblk(20)],
        out_shape=(
            jax.ShapeDtypeStruct((GB, GPB, K2), jnp.float32),
            jax.ShapeDtypeStruct((GB, GPB, 2), jnp.float32),
            jax.ShapeDtypeStruct((GB, GPB, 20), jnp.float32)))(
        parts2, r1(b2), r1(p2w), selm1, sc1, x1,
        fc1W, r1(fc1b), r1(bn1g), r1(bn1b),
        fc2W, r1(fc2b), r1(bn2g), r1(bn2b), fc3W, r1(fc3b),
        sW1, r1(sb1), r1(sg1), r1(sbb1),
        sW2, r1(sb2), r1(sg2), r1(sbb2), sW3, r1(sb3))

    return (xy.reshape(G, 2), xs.reshape(G, 20),
            vals1.reshape(G, K1), vals2.reshape(G, K2))

# --- scband reference (transcript-rebuilt; emitter-appended) ---
"""Pipeline reference for scband-graph-classifier-44624710205923 (READ-ONLY COPY).

The authoritative reference and input builder live on the scoring server;
editing this copy changes nothing except your own understanding.
"""

import jax, jax.numpy as jnp
import numpy as np

N = 10000
G = 100
NPG = 100
E = 320000
D_IN = 128
DIM = 64
K1 = 50
K2 = 25
OUT = 2
NSITE = 20
D_EDGE = 4


def _p(k, shape, fan_in):
    return jax.random.normal(k, shape, dtype=jnp.float32) / np.sqrt(fan_in)


def setup_inputs(seed: int = 0):
    key = jax.random.key(seed)
    ks = jax.random.split(key, 24)
    inp = {}
    inp['x'] = jax.random.normal(ks[0], (N, D_IN), dtype=jnp.float32)
    inp['edge_index'] = jax.random.randint(ks[1], (2, E), 0, N, dtype=jnp.int32)
    inp['edge_attr'] = jax.random.normal(ks[2], (E, D_EDGE), dtype=jnp.float32)
    inp['batch'] = jnp.arange(N, dtype=jnp.int32) // NPG
    inp['W1'] = _p(ks[3], (DIM, D_IN), D_IN)
    inp['b1'] = jnp.zeros((DIM,), jnp.float32)
    inp['p1w'] = _p(ks[4], (DIM,), DIM)
    inp['W2'] = _p(ks[5], (DIM, DIM), DIM)
    inp['b2'] = jnp.zeros((DIM,), jnp.float32)
    inp['p2w'] = _p(ks[6], (DIM,), DIM)
    d2 = 2 * DIM
    inp['fc1W'] = _p(ks[7], (4 * d2, 2 * d2), 2 * d2)
    inp['fc1b'] = jnp.zeros((4 * d2,), jnp.float32)
    inp['bn1g'] = jnp.ones((4 * d2,), jnp.float32)
    inp['bn1b'] = jnp.zeros((4 * d2,), jnp.float32)
    inp['fc2W'] = _p(ks[8], (8 * d2, 4 * d2), 4 * d2)
    inp['fc2b'] = jnp.zeros((8 * d2,), jnp.float32)
    inp['bn2g'] = jnp.ones((8 * d2,), jnp.float32)
    inp['bn2b'] = jnp.zeros((8 * d2,), jnp.float32)
    inp['fc3W'] = _p(ks[9], (OUT, 8 * d2), 8 * d2)
    inp['fc3b'] = jnp.zeros((OUT,), jnp.float32)
    sin = 2 * d2
    sd = sin // 2
    inp['sW1'] = _p(ks[10], (sd, sin), sin)
    inp['sb1'] = jnp.zeros((sd,), jnp.float32)
    inp['sg1'] = jnp.ones((sd,), jnp.float32)
    inp['sbb1'] = jnp.zeros((sd,), jnp.float32)
    inp['sW2'] = _p(ks[11], (2 * sd, sd), sd)
    inp['sb2'] = jnp.zeros((2 * sd,), jnp.float32)
    inp['sg2'] = jnp.ones((2 * sd,), jnp.float32)
    inp['sbb2'] = jnp.zeros((2 * sd,), jnp.float32)
    inp['sW3'] = _p(ks[12], (NSITE, 2 * sd), 2 * sd)
    inp['sb3'] = jnp.zeros((NSITE,), jnp.float32)
    return inp


@jax.custom_vjp
def grad_reverse(x):
    return x


def _gr_fwd(x):
    return x, None


def _gr_bwd(res, g):
    return (-0.8 * g,)


grad_reverse.defvjp(_gr_fwd, _gr_bwd)


def _bn(v, g, b):
    # eval-mode BatchNorm1d with running_mean=0, running_var=1
    return v / jnp.sqrt(1.0 + 1e-5) * g + b


def _gcn(x, src, dst, ew, W, b, n):
    # GCNConv(normalize=False): linear -> scatter-add over edges -> bias
    h = x @ W.T
    agg = jnp.zeros((n, W.shape[0]), jnp.float32).at[dst].add(h[src] * ew[:, None])
    return agg + b


def _pool(x, pw, g, npg, k):
    # TopKPooling: score=tanh(x.w/||w||), per-graph top-k, gate by score
    s = jnp.tanh((x @ pw) / jnp.linalg.norm(pw))
    vals, idx = jax.lax.top_k(s.reshape(g, npg), k)
    perm = (idx + (jnp.arange(g) * npg)[:, None]).reshape(-1)
    return x[perm] * vals.reshape(-1, 1), perm, vals


def _forward(x, edge_attr, W1, b1, p1w, W2, b2, p2w, fc1W, fc1b, bn1g, bn1b, fc2W, fc2b, bn2g, bn2b, fc3W, fc3b, sW1, sb1, sg1, sbb1, sW2, sb2, sg2, sbb2, sW3, sb3, edge_index, batch):
    src, dst = edge_index[0], edge_index[1]
    ew = jnp.ones((E,), jnp.float32)
    h = jax.nn.relu(_gcn(x, src, dst, ew, W1, b1, N))
    h, perm1, vals1 = _pool(h, p1w, G, NPG, K1)
    hr = h.reshape(G, K1, DIM)
    x1 = jnp.concatenate([hr.max(axis=1), hr.mean(axis=1)], axis=1)
    n2 = G * K1
    sel = jnp.zeros((N,), dtype=jnp.bool_).at[perm1].set(True)
    mapping = jnp.zeros((N,), jnp.int32).at[perm1].set(jnp.arange(n2, dtype=jnp.int32))
    emask = sel[src] & sel[dst]
    src2 = jnp.where(emask, mapping[src], 0)
    dst2 = jnp.where(emask, mapping[dst], 0)
    ew2 = emask.astype(jnp.float32)
    h = jax.nn.relu(_gcn(h, src2, dst2, ew2, W2, b2, n2))
    h, perm2, vals2 = _pool(h, p2w, G, K1, K2)
    hr2 = h.reshape(G, K2, DIM)
    x2 = jnp.concatenate([hr2.max(axis=1), hr2.mean(axis=1)], axis=1)
    xg = jnp.concatenate([x1, x2], axis=1)
    xy = _bn(jax.nn.relu(xg @ fc1W.T + fc1b), bn1g, bn1b)
    xy = _bn(jax.nn.relu(xy @ fc2W.T + fc2b), bn2g, bn2b)
    xy = jax.nn.log_softmax(xy @ fc3W.T + fc3b, axis=-1)
    xs = grad_reverse(xg)
    xs = _bn(jax.nn.relu(xs @ sW1.T + sb1), sg1, sbb1)
    xs = _bn(jax.nn.relu(xs @ sW2.T + sb2), sg2, sbb2)
    xs = jax.nn.log_softmax(xs @ sW3.T + sb3, axis=-1)
    return (xy, xs, jax.nn.sigmoid(vals1), jax.nn.sigmoid(vals2))


def reference(x, edge_index, edge_attr, batch, W1, b1, p1w, W2, b2, p2w, fc1W, fc1b, bn1g, bn1b, fc2W, fc2b, bn2g, bn2b, fc3W, fc3b, sW1, sb1, sg1, sbb1, sW2, sb2, sg2, sbb2, sW3, sb3):
    return _forward(x, edge_attr, W1, b1, p1w, W2, b2, p2w, fc1W, fc1b, bn1g, bn1b, fc2W, fc2b, bn2g, bn2b, fc3W, fc3b, sW1, sb1, sg1, sbb1, sW2, sb2, sg2, sbb2, sW3, sb3, edge_index, batch)

if __name__ == "__main__":
    import jax
    _d = setup_inputs()
    print(jax.jit(kernel)(*tuple(_d.values())))

</pallas_src>

<mosaic_0001>
#map = affine_map<(d0, d1) -> (0, 0)>
#map1 = affine_map<(d0, d1) -> (0, 0, 0)>
module attributes {stable_mosaic.version = 14 : i64} {
  func.func @_sc_scatter_body(%arg0: i32, %arg1: i32, %arg2: memref<10000x64xf32, #tpu.memory_space<hbm>>, %arg3: memref<2560x125xi32, #tpu.memory_space<hbm>>, %arg4: memref<2560x125xi32, #tpu.memory_space<hbm>>, %arg5: memref<320x64xf32, #tpu.memory_space<hbm>>, %arg6: memref<2x10240x64xf32, #tpu.memory_space<hbm>>, %arg7: memref<80x125xi32, #tpu.memory_space<vmem>>, %arg8: memref<80x125xi32, #tpu.memory_space<vmem>>, %arg9: memref<125x64xf32, #tpu.memory_space<vmem>>, %arg10: memref<125x64xf32, #tpu.memory_space<vmem>>, %arg11: memref<125x64xf32, #tpu.memory_space<vmem>>, %arg12: memref<125x64xf32, #tpu.memory_space<vmem>>, %arg13: memref<320x64xf32, #tpu.memory_space<vmem>>, %arg14: memref<10240x64xf32, #tpu.memory_space<vmem_shared>>, %arg15: memref<!tpu.dma_semaphore, #tpu.memory_space<semaphore_mem>>, %arg16: memref<!tpu.dma_semaphore, #tpu.memory_space<semaphore_mem>>, %arg17: memref<!tpu.dma_semaphore, #tpu.memory_space<semaphore_mem>>, %arg18: memref<!tpu.dma_semaphore, #tpu.memory_space<semaphore_mem>>, %arg19: memref<!tpu.dma_semaphore, #tpu.memory_space<semaphore_mem>>, %arg20: memref<!tpu.dma_semaphore, #tpu.memory_space<semaphore_mem>>, %arg21: memref<!tpu.dma_semaphore, #tpu.memory_space<semaphore_mem>>, %arg22: memref<!tpu.dma_semaphore, #tpu.memory_space<semaphore_mem>>) attributes {dimension_semantics = [#tpu.dimension_semantics<core_parallel>, #tpu.dimension_semantics<subcore_parallel>], iteration_bounds = array<i64: 2, 16>, scalar_prefetch = 0 : i64, scratch_operands = 16 : i64, tpu.core_type = #tpu.core_type<sc_vector_subcore>, window_params = [{transform_indices = #map}, {transform_indices = #map}, {transform_indices = #map}, {transform_indices = #map}, {transform_indices = #map1}]} {
    %mul3A = arith.constant 2 : i32
    %mul3A_0 = arith.muli %arg1, %mul3A : i32
    %add3A = arith.addi %mul3A_0, %arg0 : i32
    %mul3A_1 = arith.constant 640 : i32
    %mul3A_2 = arith.muli %arg1, %mul3A_1 : i32
    "tpu.region"() ({
      %run_scoped3A = tpu.sem_alloc : memref<!tpu.dma_semaphore, #tpu.memory_space<semaphore_mem>>
      tpu.enqueue_dma source(%arg5 : memref<320x64xf32, #tpu.memory_space<hbm>>) target(%arg13 : memref<320x64xf32, #tpu.memory_space<vmem>>) target_semaphore(%run_scoped3A : memref<!tpu.dma_semaphore, #tpu.memory_space<semaphore_mem>>)
      tpu.wait_dma2 semaphore(%run_scoped3A : memref<!tpu.dma_semaphore, #tpu.memory_space<semaphore_mem>>) src(%arg5 : memref<320x64xf32, #tpu.memory_space<hbm>>) dst(%arg13 : memref<320x64xf32, #tpu.memory_space<vmem>>)
      tpu.yield
    }) : () -> ()
    "tpu.region"() ({
      %run_scoped3A = tpu.sem_alloc : memref<!tpu.dma_semaphore, #tpu.memory_space<semaphore_mem>>
      %dma_start3A_46 = arith.constant 0 : i32
      %dma_start3A_47 = tpu.memref_slice %arg14[%mul3A_2, %dma_start3A_46] : memref<10240x64xf32, #tpu.memory_space<vmem_shared>> -> memref<320x64xf32, #tpu.memory_space<vmem_shared>>
      %dma_start3A_48 = arith.constant 0 : i32
      %dma_start3A_49 = tpu.memref_slice %arg14[%mul3A_2, %dma_start3A_48] : memref<10240x64xf32, #tpu.memory_space<vmem_shared>> -> memref<320x64xf32, #tpu.memory_space<vmem_shared>>
      tpu.enqueue_dma source(%arg13 : memref<320x64xf32, #tpu.memory_space<vmem>>) target(%dma_start3A_49 : memref<320x64xf32, #tpu.memory_space<vmem_shared>>) target_semaphore(%run_scoped3A : memref<!tpu.dma_semaphore, #tpu.memory_space<semaphore_mem>>)
      %dma_wait3A = arith.constant 0 : i32
      %dma_wait3A_50 = tpu.memref_slice %arg14[%mul3A_2, %dma_wait3A] : memref<10240x64xf32, #tpu.memory_space<vmem_shared>> -> memref<320x64xf32, #tpu.memory_space<vmem_shared>>
      %dma_wait3A_51 = arith.constant 0 : i32
      %dma_wait3A_52 = tpu.memref_slice %arg14[%mul3A_2, %dma_wait3A_51] : memref<10240x64xf32, #tpu.memory_space<vmem_shared>> -> memref<320x64xf32, #tpu.memory_space<vmem_shared>>
      tpu.wait_dma2 semaphore(%run_scoped3A : memref<!tpu.dma_semaphore, #tpu.memory_space<semaphore_mem>>) src(%arg13 : memref<320x64xf32, #tpu.memory_space<vmem>>) dst(%dma_wait3A_52 : memref<320x64xf32, #tpu.memory_space<vmem_shared>>)
      tpu.yield
    }) : () -> ()
    %add3A_3 = arith.constant 320 : i32
    %add3A_4 = arith.addi %mul3A_2, %add3A_3 : i32
    "tpu.region"() ({
      %run_scoped3A = tpu.sem_alloc : memref<!tpu.dma_semaphore, #tpu.memory_space<semaphore_mem>>
      %dma_start3A_46 = arith.constant 0 : i32
      %dma_start3A_47 = tpu.memref_slice %arg14[%add3A_4, %dma_start3A_46] : memref<10240x64xf32, #tpu.memory_space<vmem_shared>> -> memref<320x64xf32, #tpu.memory_space<vmem_shared>>
      %dma_start3A_48 = arith.constant 0 : i32
      %dma_start3A_49 = tpu.memref_slice %arg14[%add3A_4, %dma_start3A_48] : memref<10240x64xf32, #tpu.memory_space<vmem_shared>> -> memref<320x64xf32, #tpu.memory_space<vmem_shared>>
      tpu.enqueue_dma source(%arg13 : memref<320x64xf32, #tpu.memory_space<vmem>>) target(%dma_start3A_49 : memref<320x64xf32, #tpu.memory_space<vmem_shared>>) target_semaphore(%run_scoped3A : memref<!tpu.dma_semaphore, #tpu.memory_space<semaphore_mem>>)
      %dma_wait3A = arith.constant 0 : i32
      %dma_wait3A_50 = tpu.memref_slice %arg14[%add3A_4, %dma_wait3A] : memref<10240x64xf32, #tpu.memory_space<vmem_shared>> -> memref<320x64xf32, #tpu.memory_space<vmem_shared>>
      %dma_wait3A_51 = arith.constant 0 : i32
      %dma_wait3A_52 = tpu.memref_slice %arg14[%add3A_4, %dma_wait3A_51] : memref<10240x64xf32, #tpu.memory_space<vmem_shared>> -> memref<320x64xf32, #tpu.memory_space<vmem_shared>>
      tpu.wait_dma2 semaphore(%run_scoped3A : memref<!tpu.dma_semaphore, #tpu.memory_space<semaphore_mem>>) src(%arg13 : memref<320x64xf32, #tpu.memory_space<vmem>>) dst(%dma_wait3A_52 : memref<320x64xf32, #tpu.memory_space<vmem_shared>>)
      tpu.yield
    }) : () -> ()
    %mul3A_5 = arith.constant 80 : i32
    %mul3A_6 = arith.muli %add3A, %mul3A_5 : i32
    "tpu.region"() ({
      %run_scoped3A = tpu.sem_alloc : memref<!tpu.dma_semaphore, #tpu.memory_space<semaphore_mem>>
      %dma_start3A_46 = arith.constant 0 : i32
      %dma_start3A_47 = tpu.memref_slice %arg3[%mul3A_6, %dma_start3A_46] : memref<2560x125xi32, #tpu.memory_space<hbm>> -> memref<80x125xi32, #tpu.memory_space<hbm>>
      %dma_start3A_48 = arith.constant 0 : i32
      %dma_start3A_49 = tpu.memref_slice %arg3[%mul3A_6, %dma_start3A_48] : memref<2560x125xi32, #tpu.memory_space<hbm>> -> memref<80x125xi32, #tpu.memory_space<hbm>>
      tpu.enqueue_dma source(%dma_start3A_49 : memref<80x125xi32, #tpu.memory_space<hbm>>) target(%arg7 : memref<80x125xi32, #tpu.memory_space<vmem>>) target_semaphore(%run_scoped3A : memref<!tpu.dma_semaphore, #tpu.memory_space<semaphore_mem>>)
      %dma_wait3A = arith.constant 0 : i32
      %dma_wait3A_50 = tpu.memref_slice %arg3[%mul3A_6, %dma_wait3A] : memref<2560x125xi32, #tpu.memory_space<hbm>> -> memref<80x125xi32, #tpu.memory_space<hbm>>
      %dma_wait3A_51 = arith.constant 0 : i32
      %dma_wait3A_52 = tpu.memref_slice %arg3[%mul3A_6, %dma_wait3A_51] : memref<2560x125xi32, #tpu.memory_space<hbm>> -> memref<80x125xi32, #tpu.memory_space<hbm>>
      tpu.wait_dma2 semaphore(%run_scoped3A : memref<!tpu.dma_semaphore, #tpu.memory_space<semaphore_mem>>) src(%dma_wait3A_52 : memref<80x125xi32, #tpu.memory_space<hbm>>) dst(%arg7 : memref<80x125xi32, #tpu.memory_space<vmem>>)
      tpu.yield
    }) : () -> ()
    %mul3A_7 = arith.constant 80 : i32
    %mul3A_8 = arith.muli %add3A, %mul3A_7 : i32
    "tpu.region"() ({
      %run_scoped3A = tpu.sem_alloc : memref<!tpu.dma_semaphore, #tpu.memory_space<semaphore_mem>>
      %dma_start3A_46 = arith.constant 0 : i32
      %dma_start3A_47 = tpu.memref_slice %arg4[%mul3A_8, %dma_start3A_46] : memref<2560x125xi32, #tpu.memory_space<hbm>> -> memref<80x125xi32, #tpu.memory_space<hbm>>
      %dma_start3A_48 = arith.constant 0 : i32
      %dma_start3A_49 = tpu.memref_slice %arg4[%mul3A_8, %dma_start3A_48] : memref<2560x125xi32, #tpu.memory_space<hbm>> -> memref<80x125xi32, #tpu.memory_space<hbm>>
      tpu.enqueue_dma source(%dma_start3A_49 : memref<80x125xi32, #tpu.memory_space<hbm>>) target(%arg8 : memref<80x125xi32, #tpu.memory_space<vmem>>) target_semaphore(%run_scoped3A : memref<!tpu.dma_semaphore, #tpu.memory_space<semaphore_mem>>)
      %dma_wait3A = arith.constant 0 : i32
      %dma_wait3A_50 = tpu.memref_slice %arg4[%mul3A_8, %dma_wait3A] : memref<2560x125xi32, #tpu.memory_space<hbm>> -> memref<80x125xi32, #tpu.memory_space<hbm>>
      %dma_wait3A_51 = arith.constant 0 : i32
      %dma_wait3A_52 = tpu.memref_slice %arg4[%mul3A_8, %dma_wait3A_51] : memref<2560x125xi32, #tpu.memory_space<hbm>> -> memref<80x125xi32, #tpu.memory_space<hbm>>
      tpu.wait_dma2 semaphore(%run_scoped3A : memref<!tpu.dma_semaphore, #tpu.memory_space<semaphore_mem>>) src(%dma_wait3A_52 : memref<80x125xi32, #tpu.memory_space<hbm>>) dst(%arg8 : memref<80x125xi32, #tpu.memory_space<vmem>>)
      tpu.yield
    }) : () -> ()
    %barrier3A = arith.constant 0 : index
    tpu.barrier barrier_id(%barrier3A)
    %dma_start3A = arith.constant 0 : i32
    %dma_start3A_9 = arith.constant 0 : i32
    %dma_start3A_10 = tpu.memref_slice %arg7[%dma_start3A, %dma_start3A_9] : memref<80x125xi32, #tpu.memory_space<vmem>> -> memref<1x125xi32, #tpu.memory_space<vmem>>
    %dma_start3A_11 = tpu.memref_squeeze %dma_start3A_10 : memref<1x125xi32, #tpu.memory_space<vmem>> -> memref<125xi32, #tpu.memory_space<vmem>>
    %dma_start3A_12 = arith.constant 0 : i32
    %dma_start3A_13 = arith.constant 0 : i32
    %dma_start3A_14 = tpu.memref_slice %arg2[%dma_start3A_12, %dma_start3A_13] : memref<10000x64xf32, #tpu.memory_space<hbm>> -> memref<10000x64xf32, #tpu.memory_space<hbm>>
    tpu.enqueue_indirect_dma source(%dma_start3A_14 : memref<10000x64xf32, #tpu.memory_space<hbm>>) target(%arg9 : memref<125x64xf32, #tpu.memory_space<vmem>>) offsets(%dma_start3A_11 : memref<125xi32, #tpu.memory_space<vmem>>) semaphore(%arg15 : memref<!tpu.dma_semaphore, #tpu.memory_space<semaphore_mem>>)
    %dma_start3A_15 = arith.constant 1 : i32
    %dma_start3A_16 = arith.constant 0 : i32
    %dma_start3A_17 = tpu.memref_slice %arg7[%dma_start3A_15, %dma_start3A_16] : memref<80x125xi32, #tpu.memory_space<vmem>> -> memref<1x125xi32, #tpu.memory_space<vmem>>
    %dma_start3A_18 = tpu.memref_squeeze %dma_start3A_17 : memref<1x125xi32, #tpu.memory_space<vmem>> -> memref<125xi32, #tpu.memory_space<vmem>>
    %dma_start3A_19 = arith.constant 0 : i32
    %dma_start3A_20 = arith.constant 0 : i32
    %dma_start3A_21 = tpu.memref_slice %arg2[%dma_start3A_19, %dma_start3A_20] : memref<10000x64xf32, #tpu.memory_space<hbm>> -> memref<10000x64xf32, #tpu.memory_space<hbm>>
    tpu.enqueue_indirect_dma source(%dma_start3A_21 : memref<10000x64xf32, #tpu.memory_space<hbm>>) target(%arg10 : memref<125x64xf32, #tpu.memory_space<vmem>>) offsets(%dma_start3A_18 : memref<125xi32, #tpu.memory_space<vmem>>) semaphore(%arg16 : memref<!tpu.dma_semaphore, #tpu.memory_space<semaphore_mem>>)
    %dma_start3A_22 = arith.constant 2 : i32
    %dma_start3A_23 = arith.constant 0 : i32
    %dma_start3A_24 = tpu.memref_slice %arg7[%dma_start3A_22, %dma_start3A_23] : memref<80x125xi32, #tpu.memory_space<vmem>> -> memref<1x125xi32, #tpu.memory_space<vmem>>
    %dma_start3A_25 = tpu.memref_squeeze %dma_start3A_24 : memref<1x125xi32, #tpu.memory_space<vmem>> -> memref<125xi32, #tpu.memory_space<vmem>>
    %dma_start3A_26 = arith.constant 0 : i32
    %dma_start3A_27 = arith.constant 0 : i32
    %dma_start3A_28 = tpu.memref_slice %arg2[%dma_start3A_26, %dma_start3A_27] : memref<10000x64xf32, #tpu.memory_space<hbm>> -> memref<10000x64xf32, #tpu.memory_space<hbm>>
    tpu.enqueue_indirect_dma source(%dma_start3A_28 : memref<10000x64xf32, #tpu.memory_space<hbm>>) target(%arg11 : memref<125x64xf32, #tpu.memory_space<vmem>>) offsets(%dma_start3A_25 : memref<125xi32, #tpu.memory_space<vmem>>) semaphore(%arg17 : memref<!tpu.dma_semaphore, #tpu.memory_space<semaphore_mem>>)
    %dma_start3A_29 = arith.constant 3 : i32
    %dma_start3A_30 = arith.constant 0 : i32
    %dma_start3A_31 = tpu.memref_slice %arg7[%dma_start3A_29, %dma_start3A_30] : memref<80x125xi32, #tpu.memory_space<vmem>> -> memref<1x125xi32, #tpu.memory_space<vmem>>
    %dma_start3A_32 = tpu.memref_squeeze %dma_start3A_31 : memref<1x125xi32, #tpu.memory_space<vmem>> -> memref<125xi32, #tpu.memory_space<vmem>>
    %dma_start3A_33 = arith.constant 0 : i32
    %dma_start3A_34 = arith.constant 0 : i32
    %dma_start3A_35 = tpu.memref_slice %arg2[%dma_start3A_33, %dma_start3A_34] : memref<10000x64xf32, #tpu.memory_space<hbm>> -> memref<10000x64xf32, #tpu.memory_space<hbm>>
    tpu.enqueue_indirect_dma source(%dma_start3A_35 : memref<10000x64xf32, #tpu.memory_space<hbm>>) target(%arg12 : memref<125x64xf32, #tpu.memory_space<vmem>>) offsets(%dma_start3A_32 : memref<125xi32, #tpu.memory_space<vmem>>) semaphore(%arg18 : memref<!tpu.dma_semaphore, #tpu.memory_space<semaphore_mem>>)
    %scan3A = arith.constant 0 : i32
    %scan3A_36 = arith.constant 0 : i32
    %scan3A_37 = arith.constant 20 : i32
    %scan3A_38 = arith.addi %scan3A_36, %scan3A_37 : i32
    %scan3A_39 = arith.constant 1 : i32
    scf.for %scan3A_46 = %scan3A_36 to %scan3A_38 step %scan3A_39  : i32 {
      %mul3A_47 = arith.constant 4 : i32
      %mul3A_48 = arith.muli %mul3A_47, %scan3A_46 : i32
      %add3A_49 = arith.constant 0 : i32
      %add3A_50 = arith.addi %mul3A_48, %add3A_49 : i32
      %dma_wait3A = arith.constant 0 : i32
      %dma_wait3A_51 = tpu.memref_slice %arg7[%add3A_50, %dma_wait3A] : memref<80x125xi32, #tpu.memory_space<vmem>> -> memref<1x125xi32, #tpu.memory_space<vmem>>
      %dma_wait3A_52 = tpu.memref_squeeze %dma_wait3A_51 : memref<1x125xi32, #tpu.memory_space<vmem>> -> memref<125xi32, #tpu.memory_space<vmem>>
      %dma_wait3A_53 = arith.constant 0 : i32
      %dma_wait3A_54 = arith.constant 0 : i32
      %dma_wait3A_55 = tpu.memref_slice %arg2[%dma_wait3A_53, %dma_wait3A_54] : memref<10000x64xf32, #tpu.memory_space<hbm>> -> memref<10000x64xf32, #tpu.memory_space<hbm>>
      tpu.wait_indirect_dma semaphore(%arg15 : memref<!tpu.dma_semaphore, #tpu.memory_space<semaphore_mem>>) src(%dma_wait3A_55 : memref<10000x64xf32, #tpu.memory_space<hbm>>) dst(%arg9 : memref<125x64xf32, #tpu.memory_space<vmem>>)
      %add3A_56 = arith.constant 0 : i32
      %add3A_57 = arith.addi %mul3A_48, %add3A_56 : i32
      %dma_start3A_58 = arith.constant 0 : i32
      %dma_start3A_59 = tpu.memref_slice %arg8[%add3A_57, %dma_start3A_58] : memref<80x125xi32, #tpu.memory_space<vmem>> -> memref<1x125xi32, #tpu.memory_space<vmem>>
      %dma_start3A_60 = tpu.memref_squeeze %dma_start3A_59 : memref<1x125xi32, #tpu.memory_space<vmem>> -> memref<125xi32, #tpu.memory_space<vmem>>
      %dma_start3A_61 = arith.constant 0 : i32
      %dma_start3A_62 = arith.constant 0 : i32
      %dma_start3A_63 = tpu.memref_slice %arg14[%dma_start3A_61, %dma_start3A_62] : memref<10240x64xf32, #tpu.memory_space<vmem_shared>> -> memref<10240x64xf32, #tpu.memory_space<vmem_shared>>
      tpu.enqueue_indirect_dma source(%arg9 : memref<125x64xf32, #tpu.memory_space<vmem>>) target(%dma_start3A_63 : memref<10240x64xf32, #tpu.memory_space<vmem_shared>>) offsets(%dma_start3A_60 : memref<125xi32, #tpu.memory_space<vmem>>) semaphore(%arg19 : memref<!tpu.dma_semaphore, #tpu.memory_space<semaphore_mem>>) {add = true}
      %add3A_64 = arith.constant 1 : i32
      %add3A_65 = arith.addi %mul3A_48, %add3A_64 : i32
      %dma_wait3A_66 = arith.constant 0 : i32
      %dma_wait3A_67 = tpu.memref_slice %arg7[%add3A_65, %dma_wait3A_66] : memref<80x125xi32, #tpu.memory_space<vmem>> -> memref<1x125xi32, #tpu.memory_space<vmem>>
      %dma_wait3A_68 = tpu.memref_squeeze %dma_wait3A_67 : memref<1x125xi32, #tpu.memory_space<vmem>> -> memref<125xi32, #tpu.memory_space<vmem>>
      %dma_wait3A_69 = arith.constant 0 : i32
      %dma_wait3A_70 = arith.constant 0 : i32
      %dma_wait3A_71 = tpu.memref_slice %arg2[%dma_wait3A_69, %dma_wait3A_70] : memref<10000x64xf32, #tpu.memory_space<hbm>> -> memref<10000x64xf32, #tpu.memory_space<hbm>>
      tpu.wait_indirect_dma semaphore(%arg16 : memref<!tpu.dma_semaphore, #tpu.memory_space<semaphore_mem>>) src(%dma_wait3A_71 : memref<10000x64xf32, #tpu.memory_space<hbm>>) dst(%arg10 : memref<125x64xf32, #tpu.memory_space<vmem>>)
      %add3A_72 = arith.constant 1 : i32
      %add3A_73 = arith.addi %mul3A_48, %add3A_72 : i32
      %dma_start3A_74 = arith.constant 0 : i32
      %dma_start3A_75 = tpu.memref_slice %arg8[%add3A_73, %dma_start3A_74] : memref<80x125xi32, #tpu.memory_space<vmem>> -> memref<1x125xi32, #tpu.memory_space<vmem>>
      %dma_start3A_76 = tpu.memref_squeeze %dma_start3A_75 : memref<1x125xi32, #tpu.memory_space<vmem>> -> memref<125xi32, #tpu.memory_space<vmem>>
      %dma_start3A_77 = arith.constant 0 : i32
      %dma_start3A_78 = arith.constant 0 : i32
      %dma_start3A_79 = tpu.memref_slice %arg14[%dma_start3A_77, %dma_start3A_78] : memref<10240x64xf32, #tpu.memory_space<vmem_shared>> -> memref<10240x64xf32, #tpu.memory_space<vmem_shared>>
      tpu.enqueue_indirect_dma source(%arg10 : memref<125x64xf32, #tpu.memory_space<vmem>>) target(%dma_start3A_79 : memref<10240x64xf32, #tpu.memory_space<vmem_shared>>) offsets(%dma_start3A_76 : memref<125xi32, #tpu.memory_space<vmem>>) semaphore(%arg20 : memref<!tpu.dma_semaphore, #tpu.memory_space<semaphore_mem>>) {add = true}
      %add3A_80 = arith.constant 2 : i32
      %add3A_81 = arith.addi %mul3A_48, %add3A_80 : i32
      %dma_wait3A_82 = arith.constant 0 : i32
      %dma_wait3A_83 = tpu.memref_slice %arg7[%add3A_81, %dma_wait3A_82] : memref<80x125xi32, #tpu.memory_space<vmem>> -> memref<1x125xi32, #tpu.memory_space<vmem>>
      %dma_wait3A_84 = tpu.memref_squeeze %dma_wait3A_83 : memref<1x125xi32, #tpu.memory_space<vmem>> -> memref<125xi32, #tpu.memory_space<vmem>>
      %dma_wait3A_85 = arith.constant 0 : i32
      %dma_wait3A_86 = arith.constant 0 : i32
      %dma_wait3A_87 = tpu.memref_slice %arg2[%dma_wait3A_85, %dma_wait3A_86] : memref<10000x64xf32, #tpu.memory_space<hbm>> -> memref<10000x64xf32, #tpu.memory_space<hbm>>
      tpu.wait_indirect_dma semaphore(%arg17 : memref<!tpu.dma_semaphore, #tpu.memory_space<semaphore_mem>>) src(%dma_wait3A_87 : memref<10000x64xf32, #tpu.memory_space<hbm>>) dst(%arg11 : memref<125x64xf32, #tpu.memory_space<vmem>>)
      %add3A_88 = arith.constant 2 : i32
      %add3A_89 = arith.addi %mul3A_48, %add3A_88 : i32
      %dma_start3A_90 = arith.constant 0 : i32
      %dma_start3A_91 = tpu.memref_slice %arg8[%add3A_89, %dma_start3A_90] : memref<80x125xi32, #tpu.memory_space<vmem>> -> memref<1x125xi32, #tpu.memory_space<vmem>>
      %dma_start3A_92 = tpu.memref_squeeze %dma_start3A_91 : memref<1x125xi32, #tpu.memory_space<vmem>> -> memref<125xi32, #tpu.memory_space<vmem>>
      %dma_start3A_93 = arith.constant 0 : i32
      %dma_start3A_94 = arith.constant 0 : i32
      %dma_start3A_95 = tpu.memref_slice %arg14[%dma_start3A_93, %dma_start3A_94] : memref<10240x64xf32, #tpu.memory_space<vmem_shared>> -> memref<10240x64xf32, #tpu.memory_space<vmem_shared>>
      tpu.enqueue_indirect_dma source(%arg11 : memref<125x64xf32, #tpu.memory_space<vmem>>) target(%dma_start3A_95 : memref<10240x64xf32, #tpu.memory_space<vmem_shared>>) offsets(%dma_start3A_92 : memref<125xi32, #tpu.memory_space<vmem>>) semaphore(%arg21 : memref<!tpu.dma_semaphore, #tpu.memory_space<semaphore_mem>>) {add = true}
      %add3A_96 = arith.constant 3 : i32
      %add3A_97 = arith.addi %mul3A_48, %add3A_96 : i32
      %dma_wait3A_98 = arith.constant 0 : i32
      %dma_wait3A_99 = tpu.memref_slice %arg7[%add3A_97, %dma_wait3A_98] : memref<80x125xi32, #tpu.memory_space<vmem>> -> memref<1x125xi32, #tpu.memory_space<vmem>>
      %dma_wait3A_100 = tpu.memref_squeeze %dma_wait3A_99 : memref<1x125xi32, #tpu.memory_space<vmem>> -> memref<125xi32, #tpu.memory_space<vmem>>
      %dma_wait3A_101 = arith.constant 0 : i32
      %dma_wait3A_102 = arith.constant 0 : i32
      %dma_wait3A_103 = tpu.memref_slice %arg2[%dma_wait3A_101, %dma_wait3A_102] : memref<10000x64xf32, #tpu.memory_space<hbm>> -> memref<10000x64xf32, #tpu.memory_space<hbm>>
      tpu.wait_indirect_dma semaphore(%arg18 : memref<!tpu.dma_semaphore, #tpu.memory_space<semaphore_mem>>) src(%dma_wait3A_103 : memref<10000x64xf32, #tpu.memory_space<hbm>>) dst(%arg12 : memref<125x64xf32, #tpu.memory_space<vmem>>)
      %add3A_104 = arith.constant 3 : i32
      %add3A_105 = arith.addi %mul3A_48, %add3A_104 : i32
      %dma_start3A_106 = arith.constant 0 : i32
      %dma_start3A_107 = tpu.memref_slice %arg8[%add3A_105, %dma_start3A_106] : memref<80x125xi32, #tpu.memory_space<vmem>> -> memref<1x125xi32, #tpu.memory_space<vmem>>
      %dma_start3A_108 = tpu.memref_squeeze %dma_start3A_107 : memref<1x125xi32, #tpu.memory_space<vmem>> -> memref<125xi32, #tpu.memory_space<vmem>>
      %dma_start3A_109 = arith.constant 0 : i32
      %dma_start3A_110 = arith.constant 0 : i32
      %dma_start3A_111 = tpu.memref_slice %arg14[%dma_start3A_109, %dma_start3A_110] : memref<10240x64xf32, #tpu.memory_space<vmem_shared>> -> memref<10240x64xf32, #tpu.memory_space<vmem_shared>>
      tpu.enqueue_indirect_dma source(%arg12 : memref<125x64xf32, #tpu.memory_space<vmem>>) target(%dma_start3A_111 : memref<10240x64xf32, #tpu.memory_space<vmem_shared>>) offsets(%dma_start3A_108 : memref<125xi32, #tpu.memory_space<vmem>>) semaphore(%arg22 : memref<!tpu.dma_semaphore, #tpu.memory_space<semaphore_mem>>) {add = true}
      %add3A_112 = arith.constant 0 : i32
      %add3A_113 = arith.addi %mul3A_48, %add3A_112 : i32
      %dma_wait3A_114 = arith.constant 0 : i32
      %dma_wait3A_115 = tpu.memref_slice %arg8[%add3A_113, %dma_wait3A_114] : memref<80x125xi32, #tpu.memory_space<vmem>> -> memref<1x125xi32, #tpu.memory_space<vmem>>
      %dma_wait3A_116 = tpu.memref_squeeze %dma_wait3A_115 : memref<1x125xi32, #tpu.memory_space<vmem>> -> memref<125xi32, #tpu.memory_space<vmem>>
      %dma_wait3A_117 = arith.constant 0 : i32
      %dma_wait3A_118 = arith.constant 0 : i32
      %dma_wait3A_119 = tpu.memref_slice %arg14[%dma_wait3A_117, %dma_wait3A_118] : memref<10240x64xf32, #tpu.memory_space<vmem_shared>> -> memref<10240x64xf32, #tpu.memory_space<vmem_shared>>
      tpu.wait_indirect_dma semaphore(%arg19 : memref<!tpu.dma_semaphore, #tpu.memory_space<semaphore_mem>>) src(%arg9 : memref<125x64xf32, #tpu.memory_space<vmem>>) dst(%dma_wait3A_119 : memref<10240x64xf32, #tpu.memory_space<vmem_shared>>)
      %add3A_120 = arith.constant 4 : i32
      %add3A_121 = arith.addi %mul3A_48, %add3A_120 : i32
      %add3A_122 = arith.constant 0 : i32
      %add3A_123 = arith.addi %add3A_121, %add3A_122 : i32
      %lt3A = arith.constant 80 : i32
      %lt3A_124 = arith.cmpi slt, %add3A_123, %lt3A : i32
      %convert_element_type3A = arith.extui %lt3A_124 : i1 to i32
      %cond3A = arith.constant 0 : i32
      %cond3A_125 = arith.cmpi ne, %convert_element_type3A, %cond3A : i32
      scf.if %cond3A_125 {
        %add3A_177 = arith.constant 4 : i32
        %add3A_178 = arith.addi %mul3A_48, %add3A_177 : i32
        %add3A_179 = arith.constant 0 : i32
        %add3A_180 = arith.addi %add3A_178, %add3A_179 : i32
        %dma_start3A_181 = arith.constant 0 : i32
        %dma_start3A_182 = tpu.memref_slice %arg7[%add3A_180, %dma_start3A_181] : memref<80x125xi32, #tpu.memory_space<vmem>> -> memref<1x125xi32, #tpu.memory_space<vmem>>
        %dma_start3A_183 = tpu.memref_squeeze %dma_start3A_182 : memref<1x125xi32, #tpu.memory_space<vmem>> -> memref<125xi32, #tpu.memory_space<vmem>>
        %dma_start3A_184 = arith.constant 0 : i32
        %dma_start3A_185 = arith.constant 0 : i32
        %dma_start3A_186 = tpu.memref_slice %arg2[%dma_start3A_184, %dma_start3A_185] : memref<10000x64xf32, #tpu.memory_space<hbm>> -> memref<10000x64xf32, #tpu.memory_space<hbm>>
        tpu.enqueue_indirect_dma source(%dma_start3A_186 : memref<10000x64xf32, #tpu.memory_space<hbm>>) target(%arg9 : memref<125x64xf32, #tpu.memory_space<vmem>>) offsets(%dma_start3A_183 : memref<125xi32, #tpu.memory_space<vmem>>) semaphore(%arg15 : memref<!tpu.dma_semaphore, #tpu.memory_space<semaphore_mem>>)
      } else {
      }
      %add3A_126 = arith.constant 1 : i32
      %add3A_127 = arith.addi %mul3A_48, %add3A_126 : i32
      %dma_wait3A_128 = arith.constant 0 : i32
      %dma_wait3A_129 = tpu.memref_slice %arg8[%add3A_127, %dma_wait3A_128] : memref<80x125xi32, #tpu.memory_space<vmem>> -> memref<1x125xi32, #tpu.memory_space<vmem>>
      %dma_wait3A_130 = tpu.memref_squeeze %dma_wait3A_129 : memref<1x125xi32, #tpu.memory_space<vmem>> -> memref<125xi32, #tpu.memory_space<vmem>>
      %dma_wait3A_131 = arith.constant 0 : i32
      %dma_wait3A_132 = arith.constant 0 : i32
      %dma_wait3A_133 = tpu.memref_slice %arg14[%dma_wait3A_131, %dma_wait3A_132] : memref<10240x64xf32, #tpu.memory_space<vmem_shared>> -> memref<10240x64xf32, #tpu.memory_space<vmem_shared>>
      tpu.wait_indirect_dma semaphore(%arg20 : memref<!tpu.dma_semaphore, #tpu.memory_space<semaphore_mem>>) src(%arg10 : memref<125x64xf32, #tpu.memory_space<vmem>>) dst(%dma_wait3A_133 : memref<10240x64xf32, #tpu.memory_space<vmem_shared>>)
      %add3A_134 = arith.constant 4 : i32
      %add3A_135 = arith.addi %mul3A_48, %add3A_134 : i32
      %add3A_136 = arith.constant 1 : i32
      %add3A_137 = arith.addi %add3A_135, %add3A_136 : i32
      %lt3A_138 = arith.constant 80 : i32
      %lt3A_139 = arith.cmpi slt, %add3A_137, %lt3A_138 : i32
      %convert_element_type3A_140 = arith.extui %lt3A_139 : i1 to i32
      %cond3A_141 = arith.constant 0 : i32
      %cond3A_142 = arith.cmpi ne, %convert_element_type3A_140, %cond3A_141 : i32
      scf.if %cond3A_142 {
        %add3A_177 = arith.constant 4 : i32
        %add3A_178 = arith.addi %mul3A_48, %add3A_177 : i32
        %add3A_179 = arith.constant 1 : i32
        %add3A_180 = arith.addi %add3A_178, %add3A_179 : i32
        %dma_start3A_181 = arith.constant 0 : i32
        %dma_start3A_182 = tpu.memref_slice %arg7[%add3A_180, %dma_start3A_181] : memref<80x125xi32, #tpu.memory_space<vmem>> -> memref<1x125xi32, #tpu.memory_space<vmem>>
        %dma_start3A_183 = tpu.memref_squeeze %dma_start3A_182 : memref<1x125xi32, #tpu.memory_space<vmem>> -> memref<125xi32, #tpu.memory_space<vmem>>
        %dma_start3A_184 = arith.constant 0 : i32
        %dma_start3A_185 = arith.constant 0 : i32
        %dma_start3A_186 = tpu.memref_slice %arg2[%dma_start3A_184, %dma_start3A_185] : memref<10000x64xf32, #tpu.memory_space<hbm>> -> memref<10000x64xf32, #tpu.memory_space<hbm>>
        tpu.enqueue_indirect_dma source(%dma_start3A_186 : memref<10000x64xf32, #tpu.memory_space<hbm>>) target(%arg10 : memref<125x64xf32, #tpu.memory_space<vmem>>) offsets(%dma_start3A_183 : memref<125xi32, #tpu.memory_space<vmem>>) semaphore(%arg16 : memref<!tpu.dma_semaphore, #tpu.memory_space<semaphore_mem>>)
      } else {
      }
      %add3A_143 = arith.constant 2 : i32
      %add3A_144 = arith.addi %mul3A_48, %add3A_143 : i32
      %dma_wait3A_145 = arith.constant 0 : i32
      %dma_wait3A_146 = tpu.memref_slice %arg8[%add3A_144, %dma_wait3A_145] : memref<80x125xi32, #tpu.memory_space<vmem>> -> memref<1x125xi32, #tpu.memory_space<vmem>>
      %dma_wait3A_147 = tpu.memref_squeeze %dma_wait3A_146 : memref<1x125xi32, #tpu.memory_space<vmem>> -> memref<125xi32, #tpu.memory_space<vmem>>
      %dma_wait3A_148 = arith.constant 0 : i32
      %dma_wait3A_149 = arith.constant 0 : i32
      %dma_wait3A_150 = tpu.memref_slice %arg14[%dma_wait3A_148, %dma_wait3A_149] : memref<10240x64xf32, #tpu.memory_space<vmem_shared>> -> memref<10240x64xf32, #tpu.memory_space<vmem_shared>>
      tpu.wait_indirect_dma semaphore(%arg21 : memref<!tpu.dma_semaphore, #tpu.memory_space<semaphore_mem>>) src(%arg11 : memref<125x64xf32, #tpu.memory_space<vmem>>) dst(%dma_wait3A_150 : memref<10240x64xf32, #tpu.memory_space<vmem_shared>>)
      %add3A_151 = arith.constant 4 : i32
      %add3A_152 = arith.addi %mul3A_48, %add3A_151 : i32
      %add3A_153 = arith.constant 2 : i32
      %add3A_154 = arith.addi %add3A_152, %add3A_153 : i32
      %lt3A_155 = arith.constant 80 : i32
      %lt3A_156 = arith.cmpi slt, %add3A_154, %lt3A_155 : i32
      %convert_element_type3A_157 = arith.extui %lt3A_156 : i1 to i32
      %cond3A_158 = arith.constant 0 : i32
      %cond3A_159 = arith.cmpi ne, %convert_element_type3A_157, %cond3A_158 : i32
      scf.if %cond3A_159 {
        %add3A_177 = arith.constant 4 : i32
        %add3A_178 = arith.addi %mul3A_48, %add3A_177 : i32
        %add3A_179 = arith.constant 2 : i32
        %add3A_180 = arith.addi %add3A_178, %add3A_179 : i32
        %dma_start3A_181 = arith.constant 0 : i32
        %dma_start3A_182 = tpu.memref_slice %arg7[%add3A_180, %dma_start3A_181] : memref<80x125xi32, #tpu.memory_space<vmem>> -> memref<1x125xi32, #tpu.memory_space<vmem>>
        %dma_start3A_183 = tpu.memref_squeeze %dma_start3A_182 : memref<1x125xi32, #tpu.memory_space<vmem>> -> memref<125xi32, #tpu.memory_space<vmem>>
        %dma_start3A_184 = arith.constant 0 : i32
        %dma_start3A_185 = arith.constant 0 : i32
        %dma_start3A_186 = tpu.memref_slice %arg2[%dma_start3A_184, %dma_start3A_185] : memref<10000x64xf32, #tpu.memory_space<hbm>> -> memref<10000x64xf32, #tpu.memory_space<hbm>>
        tpu.enqueue_indirect_dma source(%dma_start3A_186 : memref<10000x64xf32, #tpu.memory_space<hbm>>) target(%arg11 : memref<125x64xf32, #tpu.memory_space<vmem>>) offsets(%dma_start3A_183 : memref<125xi32, #tpu.memory_space<vmem>>) semaphore(%arg17 : memref<!tpu.dma_semaphore, #tpu.memory_space<semaphore_mem>>)
      } else {
      }
      %add3A_160 = arith.constant 3 : i32
      %add3A_161 = arith.addi %mul3A_48, %add3A_160 : i32
      %dma_wait3A_162 = arith.constant 0 : i32
      %dma_wait3A_163 = tpu.memref_slice %arg8[%add3A_161, %dma_wait3A_162] : memref<80x125xi32, #tpu.memory_space<vmem>> -> memref<1x125xi32, #tpu.memory_space<vmem>>
      %dma_wait3A_164 = tpu.memref_squeeze %dma_wait3A_163 : memref<1x125xi32, #tpu.memory_space<vmem>> -> memref<125xi32, #tpu.memory_space<vmem>>
      %dma_wait3A_165 = arith.constant 0 : i32
      %dma_wait3A_166 = arith.constant 0 : i32
      %dma_wait3A_167 = tpu.memref_slice %arg14[%dma_wait3A_165, %dma_wait3A_166] : memref<10240x64xf32, #tpu.memory_space<vmem_shared>> -> memref<10240x64xf32, #tpu.memory_space<vmem_shared>>
      tpu.wait_indirect_dma semaphore(%arg22 : memref<!tpu.dma_semaphore, #tpu.memory_space<semaphore_mem>>) src(%arg12 : memref<125x64xf32, #tpu.memory_space<vmem>>) dst(%dma_wait3A_167 : memref<10240x64xf32, #tpu.memory_space<vmem_shared>>)
      %add3A_168 = arith.constant 4 : i32
      %add3A_169 = arith.addi %mul3A_48, %add3A_168 : i32
      %add3A_170 = arith.constant 3 : i32
      %add3A_171 = arith.addi %add3A_169, %add3A_170 : i32
      %lt3A_172 = arith.constant 80 : i32
      %lt3A_173 = arith.cmpi slt, %add3A_171, %lt3A_172 : i32
      %convert_element_type3A_174 = arith.extui %lt3A_173 : i1 to i32
      %cond3A_175 = arith.constant 0 : i32
      %cond3A_176 = arith.cmpi ne, %convert_element_type3A_174, %cond3A_175 : i32
      scf.if %cond3A_176 {
        %add3A_177 = arith.constant 4 : i32
        %add3A_178 = arith.addi %mul3A_48, %add3A_177 : i32
        %add3A_179 = arith.constant 3 : i32
        %add3A_180 = arith.addi %add3A_178, %add3A_179 : i32
        %dma_start3A_181 = arith.constant 0 : i32
        %dma_start3A_182 = tpu.memref_slice %arg7[%add3A_180, %dma_start3A_181] : memref<80x125xi32, #tpu.memory_space<vmem>> -> memref<1x125xi32, #tpu.memory_space<vmem>>
        %dma_start3A_183 = tpu.memref_squeeze %dma_start3A_182 : memref<1x125xi32, #tpu.memory_space<vmem>> -> memref<125xi32, #tpu.memory_space<vmem>>
        %dma_start3A_184 = arith.constant 0 : i32
        %dma_start3A_185 = arith.constant 0 : i32
        %dma_start3A_186 = tpu.memref_slice %arg2[%dma_start3A_184, %dma_start3A_185] : memref<10000x64xf32, #tpu.memory_space<hbm>> -> memref<10000x64xf32, #tpu.memory_space<hbm>>
        tpu.enqueue_indirect_dma source(%dma_start3A_186 : memref<10000x64xf32, #tpu.memory_space<hbm>>) target(%arg12 : memref<125x64xf32, #tpu.memory_space<vmem>>) offsets(%dma_start3A_183 : memref<125xi32, #tpu.memory_space<vmem>>) semaphore(%arg18 : memref<!tpu.dma_semaphore, #tpu.memory_space<semaphore_mem>>)
      } else {
      }
    }
    %scan3A_40 = arith.constant 20 : i32
    %barrier3A_41 = arith.constant 0 : index
    tpu.barrier barrier_id(%barrier3A_41)
    "tpu.region"() ({
      %run_scoped3A = tpu.sem_alloc : memref<!tpu.dma_semaphore, #tpu.memory_space<semaphore_mem>>
      %dma_start3A_46 = arith.constant 0 : i32
      %dma_start3A_47 = tpu.memref_slice %arg14[%mul3A_2, %dma_start3A_46] : memref<10240x64xf32, #tpu.memory_space<vmem_shared>> -> memref<320x64xf32, #tpu.memory_space<vmem_shared>>
      %dma_start3A_48 = arith.constant 0 : i32
      %dma_start3A_49 = tpu.memref_slice %arg14[%mul3A_2, %dma_start3A_48] : memref<10240x64xf32, #tpu.memory_space<vmem_shared>> -> memref<320x64xf32, #tpu.memory_space<vmem_shared>>
      tpu.enqueue_dma source(%dma_start3A_49 : memref<320x64xf32, #tpu.memory_space<vmem_shared>>) target(%arg13 : memref<320x64xf32, #tpu.memory_space<vmem>>) target_semaphore(%run_scoped3A : memref<!tpu.dma_semaphore, #tpu.memory_space<semaphore_mem>>)
      %dma_wait3A = arith.constant 0 : i32
      %dma_wait3A_50 = tpu.memref_slice %arg14[%mul3A_2, %dma_wait3A] : memref<10240x64xf32, #tpu.memory_space<vmem_shared>> -> memref<320x64xf32, #tpu.memory_space<vmem_shared>>
      %dma_wait3A_51 = arith.constant 0 : i32
      %dma_wait3A_52 = tpu.memref_slice %arg14[%mul3A_2, %dma_wait3A_51] : memref<10240x64xf32, #tpu.memory_space<vmem_shared>> -> memref<320x64xf32, #tpu.memory_space<vmem_shared>>
      tpu.wait_dma2 semaphore(%run_scoped3A : memref<!tpu.dma_semaphore, #tpu.memory_space<semaphore_mem>>) src(%dma_wait3A_52 : memref<320x64xf32, #tpu.memory_space<vmem_shared>>) dst(%arg13 : memref<320x64xf32, #tpu.memory_space<vmem>>)
      tpu.yield
    }) : () -> ()
    "tpu.region"() ({
      %run_scoped3A = tpu.sem_alloc : memref<!tpu.dma_semaphore, #tpu.memory_space<semaphore_mem>>
      %dma_start3A_46 = arith.constant 0 : i32
      %dma_start3A_47 = tpu.memref_slice %arg6[%arg0, %mul3A_2, %dma_start3A_46] : memref<2x10240x64xf32, #tpu.memory_space<hbm>> -> memref<1x320x64xf32, #tpu.memory_space<hbm>>
      %dma_start3A_48 = tpu.memref_squeeze %dma_start3A_47 : memref<1x320x64xf32, #tpu.memory_space<hbm>> -> memref<320x64xf32, #tpu.memory_space<hbm>>
      %dma_start3A_49 = arith.constant 0 : i32
      %dma_start3A_50 = tpu.memref_slice %arg6[%arg0, %mul3A_2, %dma_start3A_49] : memref<2x10240x64xf32, #tpu.memory_space<hbm>> -> memref<1x320x64xf32, #tpu.memory_space<hbm>>
      %dma_start3A_51 = tpu.memref_squeeze %dma_start3A_50 : memref<1x320x64xf32, #tpu.memory_space<hbm>> -> memref<320x64xf32, #tpu.memory_space<hbm>>
      tpu.enqueue_dma source(%arg13 : memref<320x64xf32, #tpu.memory_space<vmem>>) target(%dma_start3A_51 : memref<320x64xf32, #tpu.memory_space<hbm>>) target_semaphore(%run_scoped3A : memref<!tpu.dma_semaphore, #tpu.memory_space<semaphore_mem>>)
      %dma_wait3A = arith.constant 0 : i32
      %dma_wait3A_52 = tpu.memref_slice %arg6[%arg0, %mul3A_2, %dma_wait3A] : memref<2x10240x64xf32, #tpu.memory_space<hbm>> -> memref<1x320x64xf32, #tpu.memory_space<hbm>>
      %dma_wait3A_53 = tpu.memref_squeeze %dma_wait3A_52 : memref<1x320x64xf32, #tpu.memory_space<hbm>> -> memref<320x64xf32, #tpu.memory_space<hbm>>
      %dma_wait3A_54 = arith.constant 0 : i32
      %dma_wait3A_55 = tpu.memref_slice %arg6[%arg0, %mul3A_2, %dma_wait3A_54] : memref<2x10240x64xf32, #tpu.memory_space<hbm>> -> memref<1x320x64xf32, #tpu.memory_space<hbm>>
      %dma_wait3A_56 = tpu.memref_squeeze %dma_wait3A_55 : memref<1x320x64xf32, #tpu.memory_space<hbm>> -> memref<320x64xf32, #tpu.memory_space<hbm>>
      tpu.wait_dma2 semaphore(%run_scoped3A : memref<!tpu.dma_semaphore, #tpu.memory_space<semaphore_mem>>) src(%arg13 : memref<320x64xf32, #tpu.memory_space<vmem>>) dst(%dma_wait3A_56 : memref<320x64xf32, #tpu.memory_space<hbm>>)
      tpu.yield
    }) : () -> ()
    %add3A_42 = arith.constant 320 : i32
    %add3A_43 = arith.addi %mul3A_2, %add3A_42 : i32
    "tpu.region"() ({
      %run_scoped3A = tpu.sem_alloc : memref<!tpu.dma_semaphore, #tpu.memory_space<semaphore_mem>>
      %dma_start3A_46 = arith.constant 0 : i32
      %dma_start3A_47 = tpu.memref_slice %arg14[%add3A_43, %dma_start3A_46] : memref<10240x64xf32, #tpu.memory_space<vmem_shared>> -> memref<320x64xf32, #tpu.memory_space<vmem_shared>>
      %dma_start3A_48 = arith.constant 0 : i32
      %dma_start3A_49 = tpu.memref_slice %arg14[%add3A_43, %dma_start3A_48] : memref<10240x64xf32, #tpu.memory_space<vmem_shared>> -> memref<320x64xf32, #tpu.memory_space<vmem_shared>>
      tpu.enqueue_dma source(%dma_start3A_49 : memref<320x64xf32, #tpu.memory_space<vmem_shared>>) target(%arg13 : memref<320x64xf32, #tpu.memory_space<vmem>>) target_semaphore(%run_scoped3A : memref<!tpu.dma_semaphore, #tpu.memory_space<semaphore_mem>>)
      %dma_wait3A = arith.constant 0 : i32
      %dma_wait3A_50 = tpu.memref_slice %arg14[%add3A_43, %dma_wait3A] : memref<10240x64xf32, #tpu.memory_space<vmem_shared>> -> memref<320x64xf32, #tpu.memory_space<vmem_shared>>
      %dma_wait3A_51 = arith.constant 0 : i32
      %dma_wait3A_52 = tpu.memref_slice %arg14[%add3A_43, %dma_wait3A_51] : memref<10240x64xf32, #tpu.memory_space<vmem_shared>> -> memref<320x64xf32, #tpu.memory_space<vmem_shared>>
      tpu.wait_dma2 semaphore(%run_scoped3A : memref<!tpu.dma_semaphore, #tpu.memory_space<semaphore_mem>>) src(%dma_wait3A_52 : memref<320x64xf32, #tpu.memory_space<vmem_shared>>) dst(%arg13 : memref<320x64xf32, #tpu.memory_space<vmem>>)
      tpu.yield
    }) : () -> ()
    %add3A_44 = arith.constant 320 : i32
    %add3A_45 = arith.addi %mul3A_2, %add3A_44 : i32
    "tpu.region"() ({
      %run_scoped3A = tpu.sem_alloc : memref<!tpu.dma_semaphore, #tpu.memory_space<semaphore_mem>>
      %dma_start3A_46 = arith.constant 0 : i32
      %dma_start3A_47 = tpu.memref_slice %arg6[%arg0, %add3A_45, %dma_start3A_46] : memref<2x10240x64xf32, #tpu.memory_space<hbm>> -> memref<1x320x64xf32, #tpu.memory_space<hbm>>
      %dma_start3A_48 = tpu.memref_squeeze %dma_start3A_47 : memref<1x320x64xf32, #tpu.memory_space<hbm>> -> memref<320x64xf32, #tpu.memory_space<hbm>>
      %dma_start3A_49 = arith.constant 0 : i32
      %dma_start3A_50 = tpu.memref_slice %arg6[%arg0, %add3A_45, %dma_start3A_49] : memref<2x10240x64xf32, #tpu.memory_space<hbm>> -> memref<1x320x64xf32, #tpu.memory_space<hbm>>
      %dma_start3A_51 = tpu.memref_squeeze %dma_start3A_50 : memref<1x320x64xf32, #tpu.memory_space<hbm>> -> memref<320x64xf32, #tpu.memory_space<hbm>>
      tpu.enqueue_dma source(%arg13 : memref<320x64xf32, #tpu.memory_space<vmem>>) target(%dma_start3A_51 : memref<320x64xf32, #tpu.memory_space<hbm>>) target_semaphore(%run_scoped3A : memref<!tpu.dma_semaphore, #tpu.memory_space<semaphore_mem>>)
      %dma_wait3A = arith.constant 0 : i32
      %dma_wait3A_52 = tpu.memref_slice %arg6[%arg0, %add3A_45, %dma_wait3A] : memref<2x10240x64xf32, #tpu.memory_space<hbm>> -> memref<1x320x64xf32, #tpu.memory_space<hbm>>
      %dma_wait3A_53 = tpu.memref_squeeze %dma_wait3A_52 : memref<1x320x64xf32, #tpu.memory_space<hbm>> -> memref<320x64xf32, #tpu.memory_space<hbm>>
      %dma_wait3A_54 = arith.constant 0 : i32
      %dma_wait3A_55 = tpu.memref_slice %arg6[%arg0, %add3A_45, %dma_wait3A_54] : memref<2x10240x64xf32, #tpu.memory_space<hbm>> -> memref<1x320x64xf32, #tpu.memory_space<hbm>>
      %dma_wait3A_56 = tpu.memref_squeeze %dma_wait3A_55 : memref<1x320x64xf32, #tpu.memory_space<hbm>> -> memref<320x64xf32, #tpu.memory_space<hbm>>
      tpu.wait_dma2 semaphore(%run_scoped3A : memref<!tpu.dma_semaphore, #tpu.memory_space<semaphore_mem>>) src(%arg13 : memref<320x64xf32, #tpu.memory_space<vmem>>) dst(%dma_wait3A_56 : memref<320x64xf32, #tpu.memory_space<hbm>>)
      tpu.yield
    }) : () -> ()
    return
  }
}

#map = affine_map<(d0, d1) -> (0, 0)>
#map1 = affine_map<(d0, d1) -> (0, 0, 0)>
module attributes {stable_mosaic.version = 14 : i64} {
  func.func @_sc_scatter_body(%arg0: i32, %arg1: i32, %arg2: memref<10000x64xf32, #tpu.memory_space<hbm>>, %arg3: memref<2560x125xi32, #tpu.memory_space<hbm>>, %arg4: memref<2560x125xi32, #tpu.memory_space<hbm>>, %arg5: memref<320x64xf32, #tpu.memory_space<hbm>>, %arg6: memref<2x10240x64xf32, #tpu.memory_space<hbm>>, %arg7: memref<80x125xi32, #tpu.memory_space<vmem>>, %arg8: memref<80x125xi32, #tpu.memory_space<vmem>>, %arg9: memref<125x64xf32, #tpu.memory_space<vmem>>, %arg10: memref<125x64xf32, #tpu.memory_space<vmem>>, %arg11: memref<125x64xf32, #tpu.memory_space<vmem>>, %arg12: memref<125x64xf32, #tpu.memory_space<vmem>>, %arg13: memref<320x64xf32, #tpu.memory_space<vmem>>, %arg14: memref<10240x64xf32, #tpu.memory_space<vmem_shared>>, %arg15: memref<!tpu.dma_semaphore, #tpu.memory_space<semaphore_mem>>, %arg16: memref<!tpu.dma_semaphore, #tpu.memory_space<semaphore_mem>>, %arg17: memref<!tpu.dma_semaphore, #tpu.memory_space<semaphore_mem>>, %arg18: memref<!tpu.dma_semaphore, #tpu.memory_space<semaphore_mem>>, %arg19: memref<!tpu.dma_semaphore, #tpu.memory_space<semaphore_mem>>, %arg20: memref<!tpu.dma_semaphore, #tpu.memory_space<semaphore_mem>>, %arg21: memref<!tpu.dma_semaphore, #tpu.memory_space<semaphore_mem>>, %arg22: memref<!tpu.dma_semaphore, #tpu.memory_space<semaphore_mem>>) attributes {dimension_semantics = [#tpu.dimension_semantics<core_parallel>, #tpu.dimension_semantics<subcore_parallel>], iteration_bounds = array<i64: 2, 16>, scalar_prefetch = 0 : i64, scratch_operands = 16 : i64, tpu.core_type = #tpu.core_type<sc_vector_subcore>, window_params = [{transform_indices = #map}, {transform_indices = #map}, {transform_indices = #map}, {transform_indices = #map}, {transform_indices = #map1}]} {
    %mul3A = arith.constant 2 : i32
    %mul3A_0 = arith.muli %arg1, %mul3A : i32
    %add3A = arith.addi %mul3A_0, %arg0 : i32
    %mul3A_1 = arith.constant 640 : i32
    %mul3A_2 = arith.muli %arg1, %mul3A_1 : i32
    "tpu.region"() ({
      %run_scoped3A = tpu.sem_alloc : memref<!tpu.dma_semaphore, #tpu.memory_space<semaphore_mem>>
      tpu.enqueue_dma source(%arg5 : memref<320x64xf32, #tpu.memory_space<hbm>>) target(%arg13 : memref<320x64xf32, #tpu.memory_space<vmem>>) target_semaphore(%run_scoped3A : memref<!tpu.dma_semaphore, #tpu.memory_space<semaphore_mem>>)
      tpu.wait_dma2 semaphore(%run_scoped3A : memref<!tpu.dma_semaphore, #tpu.memory_space<semaphore_mem>>) src(%arg5 : memref<320x64xf32, #tpu.memory_space<hbm>>) dst(%arg13 : memref<320x64xf32, #tpu.memory_space<vmem>>)
      tpu.yield
    }) : () -> ()
    "tpu.region"() ({
      %run_scoped3A = tpu.sem_alloc : memref<!tpu.dma_semaphore, #tpu.memory_space<semaphore_mem>>
      %dma_start3A_46 = arith.constant 0 : i32
      %dma_start3A_47 = tpu.memref_slice %arg14[%mul3A_2, %dma_start3A_46] : memref<10240x64xf32, #tpu.memory_space<vmem_shared>> -> memref<320x64xf32, #tpu.memory_space<vmem_shared>>
      %dma_start3A_48 = arith.constant 0 : i32
      %dma_start3A_49 = tpu.memref_slice %arg14[%mul3A_2, %dma_start3A_48] : memref<10240x64xf32, #tpu.memory_space<vmem_shared>> -> memref<320x64xf32, #tpu.memory_space<vmem_shared>>
      tpu.enqueue_dma source(%arg13 : memref<320x64xf32, #tpu.memory_space<vmem>>) target(%dma_start3A_49 : memref<320x64xf32, #tpu.memory_space<vmem_shared>>) target_semaphore(%run_scoped3A : memref<!tpu.dma_semaphore, #tpu.memory_space<semaphore_mem>>)
      %dma_wait3A = arith.constant 0 : i32
      %dma_wait3A_50 = tpu.memref_slice %arg14[%mul3A_2, %dma_wait3A] : memref<10240x64xf32, #tpu.memory_space<vmem_shared>> -> memref<320x64xf32, #tpu.memory_space<vmem_shared>>
      %dma_wait3A_51 = arith.constant 0 : i32
      %dma_wait3A_52 = tpu.memref_slice %arg14[%mul3A_2, %dma_wait3A_51] : memref<10240x64xf32, #tpu.memory_space<vmem_shared>> -> memref<320x64xf32, #tpu.memory_space<vmem_shared>>
      tpu.wait_dma2 semaphore(%run_scoped3A : memref<!tpu.dma_semaphore, #tpu.memory_space<semaphore_mem>>) src(%arg13 : memref<320x64xf32, #tpu.memory_space<vmem>>) dst(%dma_wait3A_52 : memref<320x64xf32, #tpu.memory_space<vmem_shared>>)
      tpu.yield
    }) : () -> ()
    %add3A_3 = arith.constant 320 : i32
    %add3A_4 = arith.addi %mul3A_2, %add3A_3 : i32
    "tpu.region"() ({
      %run_scoped3A = tpu.sem_alloc : memref<!tpu.dma_semaphore, #tpu.memory_space<semaphore_mem>>
      %dma_start3A_46 = arith.constant 0 : i32
      %dma_start3A_47 = tpu.memref_slice %arg14[%add3A_4, %dma_start3A_46] : memref<10240x64xf32, #tpu.memory_space<vmem_shared>> -> memref<320x64xf32, #tpu.memory_space<vmem_shared>>
      %dma_start3A_48 = arith.constant 0 : i32
      %dma_start3A_49 = tpu.memref_slice %arg14[%add3A_4, %dma_start3A_48] : memref<10240x64xf32, #tpu.memory_space<vmem_shared>> -> memref<320x64xf32, #tpu.memory_space<vmem_shared>>
      tpu.enqueue_dma source(%arg13 : memref<320x64xf32, #tpu.memory_space<vmem>>) target(%dma_start3A_49 : memref<320x64xf32, #tpu.memory_space<vmem_shared>>) target_semaphore(%run_scoped3A : memref<!tpu.dma_semaphore, #tpu.memory_space<semaphore_mem>>)
      %dma_wait3A = arith.constant 0 : i32
      %dma_wait3A_50 = tpu.memref_slice %arg14[%add3A_4, %dma_wait3A] : memref<10240x64xf32, #tpu.memory_space<vmem_shared>> -> memref<320x64xf32, #tpu.memory_space<vmem_shared>>
      %dma_wait3A_51 = arith.constant 0 : i32
      %dma_wait3A_52 = tpu.memref_slice %arg14[%add3A_4, %dma_wait3A_51] : memref<10240x64xf32, #tpu.memory_space<vmem_shared>> -> memref<320x64xf32, #tpu.memory_space<vmem_shared>>
      tpu.wait_dma2 semaphore(%run_scoped3A : memref<!tpu.dma_semaphore, #tpu.memory_space<semaphore_mem>>) src(%arg13 : memref<320x64xf32, #tpu.memory_space<vmem>>) dst(%dma_wait3A_52 : memref<320x64xf32, #tpu.memory_space<vmem_shared>>)
      tpu.yield
    }) : () -> ()
    %mul3A_5 = arith.constant 80 : i32
    %mul3A_6 = arith.muli %add3A, %mul3A_5 : i32
    "tpu.region"() ({
      %run_scoped3A = tpu.sem_alloc : memref<!tpu.dma_semaphore, #tpu.memory_space<semaphore_mem>>
      %dma_start3A_46 = arith.constant 0 : i32
      %dma_start3A_47 = tpu.memref_slice %arg3[%mul3A_6, %dma_start3A_46] : memref<2560x125xi32, #tpu.memory_space<hbm>> -> memref<80x125xi32, #tpu.memory_space<hbm>>
      %dma_start3A_48 = arith.constant 0 : i32
      %dma_start3A_49 = tpu.memref_slice %arg3[%mul3A_6, %dma_start3A_48] : memref<2560x125xi32, #tpu.memory_space<hbm>> -> memref<80x125xi32, #tpu.memory_space<hbm>>
      tpu.enqueue_dma source(%dma_start3A_49 : memref<80x125xi32, #tpu.memory_space<hbm>>) target(%arg7 : memref<80x125xi32, #tpu.memory_space<vmem>>) target_semaphore(%run_scoped3A : memref<!tpu.dma_semaphore, #tpu.memory_space<semaphore_mem>>)
      %dma_wait3A = arith.constant 0 : i32
      %dma_wait3A_50 = tpu.memref_slice %arg3[%mul3A_6, %dma_wait3A] : memref<2560x125xi32, #tpu.memory_space<hbm>> -> memref<80x125xi32, #tpu.memory_space<hbm>>
      %dma_wait3A_51 = arith.constant 0 : i32
      %dma_wait3A_52 = tpu.memref_slice %arg3[%mul3A_6, %dma_wait3A_51] : memref<2560x125xi32, #tpu.memory_space<hbm>> -> memref<80x125xi32, #tpu.memory_space<hbm>>
      tpu.wait_dma2 semaphore(%run_scoped3A : memref<!tpu.dma_semaphore, #tpu.memory_space<semaphore_mem>>) src(%dma_wait3A_52 : memref<80x125xi32, #tpu.memory_space<hbm>>) dst(%arg7 : memref<80x125xi32, #tpu.memory_space<vmem>>)
      tpu.yield
    }) : () -> ()
    %mul3A_7 = arith.constant 80 : i32
    %mul3A_8 = arith.muli %add3A, %mul3A_7 : i32
    "tpu.region"() ({
      %run_scoped3A = tpu.sem_alloc : memref<!tpu.dma_semaphore, #tpu.memory_space<semaphore_mem>>
      %dma_start3A_46 = arith.constant 0 : i32
      %dma_start3A_47 = tpu.memref_slice %arg4[%mul3A_8, %dma_start3A_46] : memref<2560x125xi32, #tpu.memory_space<hbm>> -> memref<80x125xi32, #tpu.memory_space<hbm>>
      %dma_start3A_48 = arith.constant 0 : i32
      %dma_start3A_49 = tpu.memref_slice %arg4[%mul3A_8, %dma_start3A_48] : memref<2560x125xi32, #tpu.memory_space<hbm>> -> memref<80x125xi32, #tpu.memory_space<hbm>>
      tpu.enqueue_dma source(%dma_start3A_49 : memref<80x125xi32, #tpu.memory_space<hbm>>) target(%arg8 : memref<80x125xi32, #tpu.memory_space<vmem>>) target_semaphore(%run_scoped3A : memref<!tpu.dma_semaphore, #tpu.memory_space<semaphore_mem>>)
      %dma_wait3A = arith.constant 0 : i32
      %dma_wait3A_50 = tpu.memref_slice %arg4[%mul3A_8, %dma_wait3A] : memref<2560x125xi32, #tpu.memory_space<hbm>> -> memref<80x125xi32, #tpu.memory_space<hbm>>
      %dma_wait3A_51 = arith.constant 0 : i32
      %dma_wait3A_52 = tpu.memref_slice %arg4[%mul3A_8, %dma_wait3A_51] : memref<2560x125xi32, #tpu.memory_space<hbm>> -> memref<80x125xi32, #tpu.memory_space<hbm>>
      tpu.wait_dma2 semaphore(%run_scoped3A : memref<!tpu.dma_semaphore, #tpu.memory_space<semaphore_mem>>) src(%dma_wait3A_52 : memref<80x125xi32, #tpu.memory_space<hbm>>) dst(%arg8 : memref<80x125xi32, #tpu.memory_space<vmem>>)
      tpu.yield
    }) : () -> ()
    %barrier3A = arith.constant 0 : index
    tpu.barrier barrier_id(%barrier3A)
    %dma_start3A = arith.constant 0 : i32
    %dma_start3A_9 = arith.constant 0 : i32
    %dma_start3A_10 = tpu.memref_slice %arg7[%dma_start3A, %dma_start3A_9] : memref<80x125xi32, #tpu.memory_space<vmem>> -> memref<1x125xi32, #tpu.memory_space<vmem>>
    %dma_start3A_11 = tpu.memref_squeeze %dma_start3A_10 : memref<1x125xi32, #tpu.memory_space<vmem>> -> memref<125xi32, #tpu.memory_space<vmem>>
    %dma_start3A_12 = arith.constant 0 : i32
    %dma_start3A_13 = arith.constant 0 : i32
    %dma_start3A_14 = tpu.memref_slice %arg2[%dma_start3A_12, %dma_start3A_13] : memref<10000x64xf32, #tpu.memory_space<hbm>> -> memref<10000x64xf32, #tpu.memory_space<hbm>>
    tpu.enqueue_indirect_dma source(%dma_start3A_14 : memref<10000x64xf32, #tpu.memory_space<hbm>>) target(%arg9 : memref<125x64xf32, #tpu.memory_space<vmem>>) offsets(%dma_start3A_11 : memref<125xi32, #tpu.memory_space<vmem>>) semaphore(%arg15 : memref<!tpu.dma_semaphore, #tpu.memory_space<semaphore_mem>>)
    %dma_start3A_15 = arith.constant 1 : i32
    %dma_start3A_16 = arith.constant 0 : i32
    %dma_start3A_17 = tpu.memref_slice %arg7[%dma_start3A_15, %dma_start3A_16] : memref<80x125xi32, #tpu.memory_space<vmem>> -> memref<1x125xi32, #tpu.memory_space<vmem>>
    %dma_start3A_18 = tpu.memref_squeeze %dma_start3A_17 : memref<1x125xi32, #tpu.memory_space<vmem>> -> memref<125xi32, #tpu.memory_space<vmem>>
    %dma_start3A_19 = arith.constant 0 : i32
    %dma_start3A_20 = arith.constant 0 : i32
    %dma_start3A_21 = tpu.memref_slice %arg2[%dma_start3A_19, %dma_start3A_20] : memref<10000x64xf32, #tpu.memory_space<hbm>> -> memref<10000x64xf32, #tpu.memory_space<hbm>>
    tpu.enqueue_indirect_dma source(%dma_start3A_21 : memref<10000x64xf32, #tpu.memory_space<hbm>>) target(%arg10 : memref<125x64xf32, #tpu.memory_space<vmem>>) offsets(%dma_start3A_18 : memref<125xi32, #tpu.memory_space<vmem>>) semaphore(%arg16 : memref<!tpu.dma_semaphore, #tpu.memory_space<semaphore_mem>>)
    %dma_start3A_22 = arith.constant 2 : i32
    %dma_start3A_23 = arith.constant 0 : i32
    %dma_start3A_24 = tpu.memref_slice %arg7[%dma_start3A_22, %dma_start3A_23] : memref<80x125xi32, #tpu.memory_space<vmem>> -> memref<1x125xi32, #tpu.memory_space<vmem>>
    %dma_start3A_25 = tpu.memref_squeeze %dma_start3A_24 : memref<1x125xi32, #tpu.memory_space<vmem>> -> memref<125xi32, #tpu.memory_space<vmem>>
    %dma_start3A_26 = arith.constant 0 : i32
    %dma_start3A_27 = arith.constant 0 : i32
    %dma_start3A_28 = tpu.memref_slice %arg2[%dma_start3A_26, %dma_start3A_27] : memref<10000x64xf32, #tpu.memory_space<hbm>> -> memref<10000x64xf32, #tpu.memory_space<hbm>>
    tpu.enqueue_indirect_dma source(%dma_start3A_28 : memref<10000x64xf32, #tpu.memory_space<hbm>>) target(%arg11 : memref<125x64xf32, #tpu.memory_space<vmem>>) offsets(%dma_start3A_25 : memref<125xi32, #tpu.memory_space<vmem>>) semaphore(%arg17 : memref<!tpu.dma_semaphore, #tpu.memory_space<semaphore_mem>>)
    %dma_start3A_29 = arith.constant 3 : i32
    %dma_start3A_30 = arith.constant 0 : i32
    %dma_start3A_31 = tpu.memref_slice %arg7[%dma_start3A_29, %dma_start3A_30] : memref<80x125xi32, #tpu.memory_space<vmem>> -> memref<1x125xi32, #tpu.memory_space<vmem>>
    %dma_start3A_32 = tpu.memref_squeeze %dma_start3A_31 : memref<1x125xi32, #tpu.memory_space<vmem>> -> memref<125xi32, #tpu.memory_space<vmem>>
    %dma_start3A_33 = arith.constant 0 : i32
    %dma_start3A_34 = arith.constant 0 : i32
    %dma_start3A_35 = tpu.memref_slice %arg2[%dma_start3A_33, %dma_start3A_34] : memref<10000x64xf32, #tpu.memory_space<hbm>> -> memref<10000x64xf32, #tpu.memory_space<hbm>>
    tpu.enqueue_indirect_dma source(%dma_start3A_35 : memref<10000x64xf32, #tpu.memory_space<hbm>>) target(%arg12 : memref<125x64xf32, #tpu.memory_space<vmem>>) offsets(%dma_start3A_32 : memref<125xi32, #tpu.memory_space<vmem>>) semaphore(%arg18 : memref<!tpu.dma_semaphore, #tpu.memory_space<semaphore_mem>>)
    %scan3A = arith.constant 0 : i32
    %scan3A_36 = arith.constant 0 : i32
    %scan3A_37 = arith.constant 20 : i32
    %scan3A_38 = arith.addi %scan3A_36, %scan3A_37 : i32
    %scan3A_39 = arith.constant 1 : i32
    scf.for %scan3A_46 = %scan3A_36 to %scan3A_38 step %scan3A_39  : i32 {
      %mul3A_47 = arith.constant 4 : i32
      %mul3A_48 = arith.muli %mul3A_47, %scan3A_46 : i32
      %add3A_49 = arith.constant 0 : i32
      %add3A_50 = arith.addi %mul3A_48, %add3A_49 : i32
      %dma_wait3A = arith.constant 0 : i32
      %dma_wait3A_51 = tpu.memref_slice %arg7[%add3A_50, %dma_wait3A] : memref<80x125xi32, #tpu.memory_space<vmem>> -> memref<1x125xi32, #tpu.memory_space<vmem>>
      %dma_wait3A_52 = tpu.memref_squeeze %dma_wait3A_51 : memref<1x125xi32, #tpu.memory_space<vmem>> -> memref<125xi32, #tpu.memory_space<vmem>>
      %dma_wait3A_53 = arith.constant 0 : i32
      %dma_wait3A_54 = arith.constant 0 : i32
      %dma_wait3A_55 = tpu.memref_slice %arg2[%dma_wait3A_53, %dma_wait3A_54] : memref<10000x64xf32, #tpu.memory_space<hbm>> -> memref<10000x64xf32, #tpu.memory_space<hbm>>
      tpu.wait_indirect_dma semaphore(%arg15 : memref<!tpu.dma_semaphore, #tpu.memory_space<semaphore_mem>>) src(%dma_wait3A_55 : memref<10000x64xf32, #tpu.memory_space<hbm>>) dst(%arg9 : memref<125x64xf32, #tpu.memory_space<vmem>>)
      %add3A_56 = arith.constant 0 : i32
      %add3A_57 = arith.addi %mul3A_48, %add3A_56 : i32
      %dma_start3A_58 = arith.constant 0 : i32
      %dma_start3A_59 = tpu.memref_slice %arg8[%add3A_57, %dma_start3A_58] : memref<80x125xi32, #tpu.memory_space<vmem>> -> memref<1x125xi32, #tpu.memory_space<vmem>>
      %dma_start3A_60 = tpu.memref_squeeze %dma_start3A_59 : memref<1x125xi32, #tpu.memory_space<vmem>> -> memref<125xi32, #tpu.memory_space<vmem>>
      %dma_start3A_61 = arith.constant 0 : i32
      %dma_start3A_62 = arith.constant 0 : i32
      %dma_start3A_63 = tpu.memref_slice %arg14[%dma_start3A_61, %dma_start3A_62] : memref<10240x64xf32, #tpu.memory_space<vmem_shared>> -> memref<10240x64xf32, #tpu.memory_space<vmem_shared>>
      tpu.enqueue_indirect_dma source(%arg9 : memref<125x64xf32, #tpu.memory_space<vmem>>) target(%dma_start3A_63 : memref<10240x64xf32, #tpu.memory_space<vmem_shared>>) offsets(%dma_start3A_60 : memref<125xi32, #tpu.memory_space<vmem>>) semaphore(%arg19 : memref<!tpu.dma_semaphore, #tpu.memory_space<semaphore_mem>>) {add = true}
      %add3A_64 = arith.constant 1 : i32
      %add3A_65 = arith.addi %mul3A_48, %add3A_64 : i32
      %dma_wait3A_66 = arith.constant 0 : i32
      %dma_wait3A_67 = tpu.memref_slice %arg7[%add3A_65, %dma_wait3A_66] : memref<80x125xi32, #tpu.memory_space<vmem>> -> memref<1x125xi32, #tpu.memory_space<vmem>>
      %dma_wait3A_68 = tpu.memref_squeeze %dma_wait3A_67 : memref<1x125xi32, #tpu.memory_space<vmem>> -> memref<125xi32, #tpu.memory_space<vmem>>
      %dma_wait3A_69 = arith.constant 0 : i32
      %dma_wait3A_70 = arith.constant 0 : i32
      %dma_wait3A_71 = tpu.memref_slice %arg2[%dma_wait3A_69, %dma_wait3A_70] : memref<10000x64xf32, #tpu.memory_space<hbm>> -> memref<10000x64xf32, #tpu.memory_space<hbm>>
      tpu.wait_indirect_dma semaphore(%arg16 : memref<!tpu.dma_semaphore, #tpu.memory_space<semaphore_mem>>) src(%dma_wait3A_71 : memref<10000x64xf32, #tpu.memory_space<hbm>>) dst(%arg10 : memref<125x64xf32, #tpu.memory_space<vmem>>)
      %add3A_72 = arith.constant 1 : i32
      %add3A_73 = arith.addi %mul3A_48, %add3A_72 : i32
      %dma_start3A_74 = arith.constant 0 : i32
      %dma_start3A_75 = tpu.memref_slice %arg8[%add3A_73, %dma_start3A_74] : memref<80x125xi32, #tpu.memory_space<vmem>> -> memref<1x125xi32, #tpu.memory_space<vmem>>
      %dma_start3A_76 = tpu.memref_squeeze %dma_start3A_75 : memref<1x125xi32, #tpu.memory_space<vmem>> -> memref<125xi32, #tpu.memory_space<vmem>>
      %dma_start3A_77 = arith.constant 0 : i32
      %dma_start3A_78 = arith.constant 0 : i32
      %dma_start3A_79 = tpu.memref_slice %arg14[%dma_start3A_77, %dma_start3A_78] : memref<10240x64xf32, #tpu.memory_space<vmem_shared>> -> memref<10240x64xf32, #tpu.memory_space<vmem_shared>>
      tpu.enqueue_indirect_dma source(%arg10 : memref<125x64xf32, #tpu.memory_space<vmem>>) target(%dma_start3A_79 : memref<10240x64xf32, #tpu.memory_space<vmem_shared>>) offsets(%dma_start3A_76 : memref<125xi32, #tpu.memory_space<vmem>>) semaphore(%arg20 : memref<!tpu.dma_semaphore, #tpu.memory_space<semaphore_mem>>) {add = true}
      %add3A_80 = arith.constant 2 : i32
      %add3A_81 = arith.addi %mul3A_48, %add3A_80 : i32
      %dma_wait3A_82 = arith.constant 0 : i32
      %dma_wait3A_83 = tpu.memref_slice %arg7[%add3A_81, %dma_wait3A_82] : memref<80x125xi32, #tpu.memory_space<vmem>> -> memref<1x125xi32, #tpu.memory_space<vmem>>
      %dma_wait3A_84 = tpu.memref_squeeze %dma_wait3A_83 : memref<1x125xi32, #tpu.memory_space<vmem>> -> memref<125xi32, #tpu.memory_space<vmem>>
      %dma_wait3A_85 = arith.constant 0 : i32
      %dma_wait3A_86 = arith.constant 0 : i32
      %dma_wait3A_87 = tpu.memref_slice %arg2[%dma_wait3A_85, %dma_wait3A_86] : memref<10000x64xf32, #tpu.memory_space<hbm>> -> memref<10000x64xf32, #tpu.memory_space<hbm>>
      tpu.wait_indirect_dma semaphore(%arg17 : memref<!tpu.dma_semaphore, #tpu.memory_space<semaphore_mem>>) src(%dma_wait3A_87 : memref<10000x64xf32, #tpu.memory_space<hbm>>) dst(%arg11 : memref<125x64xf32, #tpu.memory_space<vmem>>)
      %add3A_88 = arith.constant 2 : i32
      %add3A_89 = arith.addi %mul3A_48, %add3A_88 : i32
      %dma_start3A_90 = arith.constant 0 : i32
      %dma_start3A_91 = tpu.memref_slice %arg8[%add3A_89, %dma_start3A_90] : memref<80x125xi32, #tpu.memory_space<vmem>> -> memref<1x125xi32, #tpu.memory_space<vmem>>
      %dma_start3A_92 = tpu.memref_squeeze %dma_start3A_91 : memref<1x125xi32, #tpu.memory_space<vmem>> -> memref<125xi32, #tpu.memory_space<vmem>>
      %dma_start3A_93 = arith.constant 0 : i32
      %dma_start3A_94 = arith.constant 0 : i32
      %dma_start3A_95 = tpu.memref_slice %arg14[%dma_start3A_93, %dma_start3A_94] : memref<10240x64xf32, #tpu.memory_space<vmem_shared>> -> memref<10240x64xf32, #tpu.memory_space<vmem_shared>>
      tpu.enqueue_indirect_dma source(%arg11 : memref<125x64xf32, #tpu.memory_space<vmem>>) target(%dma_start3A_95 : memref<10240x64xf32, #tpu.memory_space<vmem_shared>>) offsets(%dma_start3A_92 : memref<125xi32, #tpu.memory_space<vmem>>) semaphore(%arg21 : memref<!tpu.dma_semaphore, #tpu.memory_space<semaphore_mem>>) {add = true}
      %add3A_96 = arith.constant 3 : i32
      %add3A_97 = arith.addi %mul3A_48, %add3A_96 : i32
      %dma_wait3A_98 = arith.constant 0 : i32
      %dma_wait3A_99 = tpu.memref_slice %arg7[%add3A_97, %dma_wait3A_98] : memref<80x125xi32, #tpu.memory_space<vmem>> -> memref<1x125xi32, #tpu.memory_space<vmem>>
      %dma_wait3A_100 = tpu.memref_squeeze %dma_wait3A_99 : memref<1x125xi32, #tpu.memory_space<vmem>> -> memref<125xi32, #tpu.memory_space<vmem>>
      %dma_wait3A_101 = arith.constant 0 : i32
      %dma_wait3A_102 = arith.constant 0 : i32
      %dma_wait3A_103 = tpu.memref_slice %arg2[%dma_wait3A_101, %dma_wait3A_102] : memref<10000x64xf32, #tpu.memory_space<hbm>> -> memref<10000x64xf32, #tpu.memory_space<hbm>>
      tpu.wait_indirect_dma semaphore(%arg18 : memref<!tpu.dma_semaphore, #tpu.memory_space<semaphore_mem>>) src(%dma_wait3A_103 : memref<10000x64xf32, #tpu.memory_space<hbm>>) dst(%arg12 : memref<125x64xf32, #tpu.memory_space<vmem>>)
      %add3A_104 = arith.constant 3 : i32
      %add3A_105 = arith.addi %mul3A_48, %add3A_104 : i32
      %dma_start3A_106 = arith.constant 0 : i32
      %dma_start3A_107 = tpu.memref_slice %arg8[%add3A_105, %dma_start3A_106] : memref<80x125xi32, #tpu.memory_space<vmem>> -> memref<1x125xi32, #tpu.memory_space<vmem>>
      %dma_start3A_108 = tpu.memref_squeeze %dma_start3A_107 : memref<1x125xi32, #tpu.memory_space<vmem>> -> memref<125xi32, #tpu.memory_space<vmem>>
      %dma_start3A_109 = arith.constant 0 : i32
      %dma_start3A_110 = arith.constant 0 : i32
      %dma_start3A_111 = tpu.memref_slice %arg14[%dma_start3A_109, %dma_start3A_110] : memref<10240x64xf32, #tpu.memory_space<vmem_shared>> -> memref<10240x64xf32, #tpu.memory_space<vmem_shared>>
      tpu.enqueue_indirect_dma source(%arg12 : memref<125x64xf32, #tpu.memory_space<vmem>>) target(%dma_start3A_111 : memref<10240x64xf32, #tpu.memory_space<vmem_shared>>) offsets(%dma_start3A_108 : memref<125xi32, #tpu.memory_space<vmem>>) semaphore(%arg22 : memref<!tpu.dma_semaphore, #tpu.memory_space<semaphore_mem>>) {add = true}
      %add3A_112 = arith.constant 0 : i32
      %add3A_113 = arith.addi %mul3A_48, %add3A_112 : i32
      %dma_wait3A_114 = arith.constant 0 : i32
      %dma_wait3A_115 = tpu.memref_slice %arg8[%add3A_113, %dma_wait3A_114] : memref<80x125xi32, #tpu.memory_space<vmem>> -> memref<1x125xi32, #tpu.memory_space<vmem>>
      %dma_wait3A_116 = tpu.memref_squeeze %dma_wait3A_115 : memref<1x125xi32, #tpu.memory_space<vmem>> -> memref<125xi32, #tpu.memory_space<vmem>>
      %dma_wait3A_117 = arith.constant 0 : i32
      %dma_wait3A_118 = arith.constant 0 : i32
      %dma_wait3A_119 = tpu.memref_slice %arg14[%dma_wait3A_117, %dma_wait3A_118] : memref<10240x64xf32, #tpu.memory_space<vmem_shared>> -> memref<10240x64xf32, #tpu.memory_space<vmem_shared>>
      tpu.wait_indirect_dma semaphore(%arg19 : memref<!tpu.dma_semaphore, #tpu.memory_space<semaphore_mem>>) src(%arg9 : memref<125x64xf32, #tpu.memory_space<vmem>>) dst(%dma_wait3A_119 : memref<10240x64xf32, #tpu.memory_space<vmem_shared>>)
      %add3A_120 = arith.constant 4 : i32
      %add3A_121 = arith.addi %mul3A_48, %add3A_120 : i32
      %add3A_122 = arith.constant 0 : i32
      %add3A_123 = arith.addi %add3A_121, %add3A_122 : i32
      %lt3A = arith.constant 80 : i32
      %lt3A_124 = arith.cmpi slt, %add3A_123, %lt3A : i32
      %convert_element_type3A = arith.extui %lt3A_124 : i1 to i32
      %cond3A = arith.constant 0 : i32
      %cond3A_125 = arith.cmpi ne, %convert_element_type3A, %cond3A : i32
      scf.if %cond3A_125 {
        %add3A_177 = arith.constant 4 : i32
        %add3A_178 = arith.addi %mul3A_48, %add3A_177 : i32
        %add3A_179 = arith.constant 0 : i32
        %add3A_180 = arith.addi %add3A_178, %add3A_179 : i32
        %dma_start3A_181 = arith.constant 0 : i32
        %dma_start3A_182 = tpu.memref_slice %arg7[%add3A_180, %dma_start3A_181] : memref<80x125xi32, #tpu.memory_space<vmem>> -> memref<1x125xi32, #tpu.memory_space<vmem>>
        %dma_start3A_183 = tpu.memref_squeeze %dma_start3A_182 : memref<1x125xi32, #tpu.memory_space<vmem>> -> memref<125xi32, #tpu.memory_space<vmem>>
        %dma_start3A_184 = arith.constant 0 : i32
        %dma_start3A_185 = arith.constant 0 : i32
        %dma_start3A_186 = tpu.memref_slice %arg2[%dma_start3A_184, %dma_start3A_185] : memref<10000x64xf32, #tpu.memory_space<hbm>> -> memref<10000x64xf32, #tpu.memory_space<hbm>>
        tpu.enqueue_indirect_dma source(%dma_start3A_186 : memref<10000x64xf32, #tpu.memory_space<hbm>>) target(%arg9 : memref<125x64xf32, #tpu.memory_space<vmem>>) offsets(%dma_start3A_183 : memref<125xi32, #tpu.memory_space<vmem>>) semaphore(%arg15 : memref<!tpu.dma_semaphore, #tpu.memory_space<semaphore_mem>>)
      } else {
      }
      %add3A_126 = arith.constant 1 : i32
      %add3A_127 = arith.addi %mul3A_48, %add3A_126 : i32
      %dma_wait3A_128 = arith.constant 0 : i32
      %dma_wait3A_129 = tpu.memref_slice %arg8[%add3A_127, %dma_wait3A_128] : memref<80x125xi32, #tpu.memory_space<vmem>> -> memref<1x125xi32, #tpu.memory_space<vmem>>
      %dma_wait3A_130 = tpu.memref_squeeze %dma_wait3A_129 : memref<1x125xi32, #tpu.memory_space<vmem>> -> memref<125xi32, #tpu.memory_space<vmem>>
      %dma_wait3A_131 = arith.constant 0 : i32
      %dma_wait3A_132 = arith.constant 0 : i32
      %dma_wait3A_133 = tpu.memref_slice %arg14[%dma_wait3A_131, %dma_wait3A_132] : memref<10240x64xf32, #tpu.memory_space<vmem_shared>> -> memref<10240x64xf32, #tpu.memory_space<vmem_shared>>
      tpu.wait_indirect_dma semaphore(%arg20 : memref<!tpu.dma_semaphore, #tpu.memory_space<semaphore_mem>>) src(%arg10 : memref<125x64xf32, #tpu.memory_space<vmem>>) dst(%dma_wait3A_133 : memref<10240x64xf32, #tpu.memory_space<vmem_shared>>)
      %add3A_134 = arith.constant 4 : i32
      %add3A_135 = arith.addi %mul3A_48, %add3A_134 : i32
      %add3A_136 = arith.constant 1 : i32
      %add3A_137 = arith.addi %add3A_135, %add3A_136 : i32
      %lt3A_138 = arith.constant 80 : i32
      %lt3A_139 = arith.cmpi slt, %add3A_137, %lt3A_138 : i32
      %convert_element_type3A_140 = arith.extui %lt3A_139 : i1 to i32
      %cond3A_141 = arith.constant 0 : i32
      %cond3A_142 = arith.cmpi ne, %convert_element_type3A_140, %cond3A_141 : i32
      scf.if %cond3A_142 {
        %add3A_177 = arith.constant 4 : i32
        %add3A_178 = arith.addi %mul3A_48, %add3A_177 : i32
        %add3A_179 = arith.constant 1 : i32
        %add3A_180 = arith.addi %add3A_178, %add3A_179 : i32
        %dma_start3A_181 = arith.constant 0 : i32
        %dma_start3A_182 = tpu.memref_slice %arg7[%add3A_180, %dma_start3A_181] : memref<80x125xi32, #tpu.memory_space<vmem>> -> memref<1x125xi32, #tpu.memory_space<vmem>>
        %dma_start3A_183 = tpu.memref_squeeze %dma_start3A_182 : memref<1x125xi32, #tpu.memory_space<vmem>> -> memref<125xi32, #tpu.memory_space<vmem>>
        %dma_start3A_184 = arith.constant 0 : i32
        %dma_start3A_185 = arith.constant 0 : i32
        %dma_start3A_186 = tpu.memref_slice %arg2[%dma_start3A_184, %dma_start3A_185] : memref<10000x64xf32, #tpu.memory_space<hbm>> -> memref<10000x64xf32, #tpu.memory_space<hbm>>
        tpu.enqueue_indirect_dma source(%dma_start3A_186 : memref<10000x64xf32, #tpu.memory_space<hbm>>) target(%arg10 : memref<125x64xf32, #tpu.memory_space<vmem>>) offsets(%dma_start3A_183 : memref<125xi32, #tpu.memory_space<vmem>>) semaphore(%arg16 : memref<!tpu.dma_semaphore, #tpu.memory_space<semaphore_mem>>)
      } else {
      }
      %add3A_143 = arith.constant 2 : i32
      %add3A_144 = arith.addi %mul3A_48, %add3A_143 : i32
      %dma_wait3A_145 = arith.constant 0 : i32
      %dma_wait3A_146 = tpu.memref_slice %arg8[%add3A_144, %dma_wait3A_145] : memref<80x125xi32, #tpu.memory_space<vmem>> -> memref<1x125xi32, #tpu.memory_space<vmem>>
      %dma_wait3A_147 = tpu.memref_squeeze %dma_wait3A_146 : memref<1x125xi32, #tpu.memory_space<vmem>> -> memref<125xi32, #tpu.memory_space<vmem>>
      %dma_wait3A_148 = arith.constant 0 : i32
      %dma_wait3A_149 = arith.constant 0 : i32
      %dma_wait3A_150 = tpu.memref_slice %arg14[%dma_wait3A_148, %dma_wait3A_149] : memref<10240x64xf32, #tpu.memory_space<vmem_shared>> -> memref<10240x64xf32, #tpu.memory_space<vmem_shared>>
      tpu.wait_indirect_dma semaphore(%arg21 : memref<!tpu.dma_semaphore, #tpu.memory_space<semaphore_mem>>) src(%arg11 : memref<125x64xf32, #tpu.memory_space<vmem>>) dst(%dma_wait3A_150 : memref<10240x64xf32, #tpu.memory_space<vmem_shared>>)
      %add3A_151 = arith.constant 4 : i32
      %add3A_152 = arith.addi %mul3A_48, %add3A_151 : i32
      %add3A_153 = arith.constant 2 : i32
      %add3A_154 = arith.addi %add3A_152, %add3A_153 : i32
      %lt3A_155 = arith.constant 80 : i32
      %lt3A_156 = arith.cmpi slt, %add3A_154, %lt3A_155 : i32
      %convert_element_type3A_157 = arith.extui %lt3A_156 : i1 to i32
      %cond3A_158 = arith.constant 0 : i32
      %cond3A_159 = arith.cmpi ne, %convert_element_type3A_157, %cond3A_158 : i32
      scf.if %cond3A_159 {
        %add3A_177 = arith.constant 4 : i32
        %add3A_178 = arith.addi %mul3A_48, %add3A_177 : i32
        %add3A_179 = arith.constant 2 : i32
        %add3A_180 = arith.addi %add3A_178, %add3A_179 : i32
        %dma_start3A_181 = arith.constant 0 : i32
        %dma_start3A_182 = tpu.memref_slice %arg7[%add3A_180, %dma_start3A_181] : memref<80x125xi32, #tpu.memory_space<vmem>> -> memref<1x125xi32, #tpu.memory_space<vmem>>
        %dma_start3A_183 = tpu.memref_squeeze %dma_start3A_182 : memref<1x125xi32, #tpu.memory_space<vmem>> -> memref<125xi32, #tpu.memory_space<vmem>>
        %dma_start3A_184 = arith.constant 0 : i32
        %dma_start3A_185 = arith.constant 0 : i32
        %dma_start3A_186 = tpu.memref_slice %arg2[%dma_start3A_184, %dma_start3A_185] : memref<10000x64xf32, #tpu.memory_space<hbm>> -> memref<10000x64xf32, #tpu.memory_space<hbm>>
        tpu.enqueue_indirect_dma source(%dma_start3A_186 : memref<10000x64xf32, #tpu.memory_space<hbm>>) target(%arg11 : memref<125x64xf32, #tpu.memory_space<vmem>>) offsets(%dma_start3A_183 : memref<125xi32, #tpu.memory_space<vmem>>) semaphore(%arg17 : memref<!tpu.dma_semaphore, #tpu.memory_space<semaphore_mem>>)
      } else {
      }
      %add3A_160 = arith.constant 3 : i32
      %add3A_161 = arith.addi %mul3A_48, %add3A_160 : i32
      %dma_wait3A_162 = arith.constant 0 : i32
      %dma_wait3A_163 = tpu.memref_slice %arg8[%add3A_161, %dma_wait3A_162] : memref<80x125xi32, #tpu.memory_space<vmem>> -> memref<1x125xi32, #tpu.memory_space<vmem>>
      %dma_wait3A_164 = tpu.memref_squeeze %dma_wait3A_163 : memref<1x125xi32, #tpu.memory_space<vmem>> -> memref<125xi32, #tpu.memory_space<vmem>>
      %dma_wait3A_165 = arith.constant 0 : i32
      %dma_wait3A_166 = arith.constant 0 : i32
      %dma_wait3A_167 = tpu.memref_slice %arg14[%dma_wait3A_165, %dma_wait3A_166] : memref<10240x64xf32, #tpu.memory_space<vmem_shared>> -> memref<10240x64xf32, #tpu.memory_space<vmem_shared>>
      tpu.wait_indirect_dma semaphore(%arg22 : memref<!tpu.dma_semaphore, #tpu.memory_space<semaphore_mem>>) src(%arg12 : memref<125x64xf32, #tpu.memory_space<vmem>>) dst(%dma_wait3A_167 : memref<10240x64xf32, #tpu.memory_space<vmem_shared>>)
      %add3A_168 = arith.constant 4 : i32
      %add3A_169 = arith.addi %mul3A_48, %add3A_168 : i32
      %add3A_170 = arith.constant 3 : i32
      %add3A_171 = arith.addi %add3A_169, %add3A_170 : i32
      %lt3A_172 = arith.constant 80 : i32
      %lt3A_173 = arith.cmpi slt, %add3A_171, %lt3A_172 : i32
      %convert_element_type3A_174 = arith.extui %lt3A_173 : i1 to i32
      %cond3A_175 = arith.constant 0 : i32
      %cond3A_176 = arith.cmpi ne, %convert_element_type3A_174, %cond3A_175 : i32
      scf.if %cond3A_176 {
        %add3A_177 = arith.constant 4 : i32
        %add3A_178 = arith.addi %mul3A_48, %add3A_177 : i32
        %add3A_179 = arith.constant 3 : i32
        %add3A_180 = arith.addi %add3A_178, %add3A_179 : i32
        %dma_start3A_181 = arith.constant 0 : i32
        %dma_start3A_182 = tpu.memref_slice %arg7[%add3A_180, %dma_start3A_181] : memref<80x125xi32, #tpu.memory_space<vmem>> -> memref<1x125xi32, #tpu.memory_space<vmem>>
        %dma_start3A_183 = tpu.memref_squeeze %dma_start3A_182 : memref<1x125xi32, #tpu.memory_space<vmem>> -> memref<125xi32, #tpu.memory_space<vmem>>
        %dma_start3A_184 = arith.constant 0 : i32
        %dma_start3A_185 = arith.constant 0 : i32
        %dma_start3A_186 = tpu.memref_slice %arg2[%dma_start3A_184, %dma_start3A_185] : memref<10000x64xf32, #tpu.memory_space<hbm>> -> memref<10000x64xf32, #tpu.memory_space<hbm>>
        tpu.enqueue_indirect_dma source(%dma_start3A_186 : memref<10000x64xf32, #tpu.memory_space<hbm>>) target(%arg12 : memref<125x64xf32, #tpu.memory_space<vmem>>) offsets(%dma_start3A_183 : memref<125xi32, #tpu.memory_space<vmem>>) semaphore(%arg18 : memref<!tpu.dma_semaphore, #tpu.memory_space<semaphore_mem>>)
      } else {
      }
    }
    %scan3A_40 = arith.constant 20 : i32
    %barrier3A_41 = arith.constant 0 : index
    tpu.barrier barrier_id(%barrier3A_41)
    "tpu.region"() ({
      %run_scoped3A = tpu.sem_alloc : memref<!tpu.dma_semaphore, #tpu.memory_space<semaphore_mem>>
      %dma_start3A_46 = arith.constant 0 : i32
      %dma_start3A_47 = tpu.memref_slice %arg14[%mul3A_2, %dma_start3A_46] : memref<10240x64xf32, #tpu.memory_space<vmem_shared>> -> memref<320x64xf32, #tpu.memory_space<vmem_shared>>
      %dma_start3A_48 = arith.constant 0 : i32
      %dma_start3A_49 = tpu.memref_slice %arg14[%mul3A_2, %dma_start3A_48] : memref<10240x64xf32, #tpu.memory_space<vmem_shared>> -> memref<320x64xf32, #tpu.memory_space<vmem_shared>>
      tpu.enqueue_dma source(%dma_start3A_49 : memref<320x64xf32, #tpu.memory_space<vmem_shared>>) target(%arg13 : memref<320x64xf32, #tpu.memory_space<vmem>>) target_semaphore(%run_scoped3A : memref<!tpu.dma_semaphore, #tpu.memory_space<semaphore_mem>>)
      %dma_wait3A = arith.constant 0 : i32
      %dma_wait3A_50 = tpu.memref_slice %arg14[%mul3A_2, %dma_wait3A] : memref<10240x64xf32, #tpu.memory_space<vmem_shared>> -> memref<320x64xf32, #tpu.memory_space<vmem_shared>>
      %dma_wait3A_51 = arith.constant 0 : i32
      %dma_wait3A_52 = tpu.memref_slice %arg14[%mul3A_2, %dma_wait3A_51] : memref<10240x64xf32, #tpu.memory_space<vmem_shared>> -> memref<320x64xf32, #tpu.memory_space<vmem_shared>>
      tpu.wait_dma2 semaphore(%run_scoped3A : memref<!tpu.dma_semaphore, #tpu.memory_space<semaphore_mem>>) src(%dma_wait3A_52 : memref<320x64xf32, #tpu.memory_space<vmem_shared>>) dst(%arg13 : memref<320x64xf32, #tpu.memory_space<vmem>>)
      tpu.yield
    }) : () -> ()
    "tpu.region"() ({
      %run_scoped3A = tpu.sem_alloc : memref<!tpu.dma_semaphore, #tpu.memory_space<semaphore_mem>>
      %dma_start3A_46 = arith.constant 0 : i32
      %dma_start3A_47 = tpu.memref_slice %arg6[%arg0, %mul3A_2, %dma_start3A_46] : memref<2x10240x64xf32, #tpu.memory_space<hbm>> -> memref<1x320x64xf32, #tpu.memory_space<hbm>>
      %dma_start3A_48 = tpu.memref_squeeze %dma_start3A_47 : memref<1x320x64xf32, #tpu.memory_space<hbm>> -> memref<320x64xf32, #tpu.memory_space<hbm>>
      %dma_start3A_49 = arith.constant 0 : i32
      %dma_start3A_50 = tpu.memref_slice %arg6[%arg0, %mul3A_2, %dma_start3A_49] : memref<2x10240x64xf32, #tpu.memory_space<hbm>> -> memref<1x320x64xf32, #tpu.memory_space<hbm>>
      %dma_start3A_51 = tpu.memref_squeeze %dma_start3A_50 : memref<1x320x64xf32, #tpu.memory_space<hbm>> -> memref<320x64xf32, #tpu.memory_space<hbm>>
      tpu.enqueue_dma source(%arg13 : memref<320x64xf32, #tpu.memory_space<vmem>>) target(%dma_start3A_51 : memref<320x64xf32, #tpu.memory_space<hbm>>) target_semaphore(%run_scoped3A : memref<!tpu.dma_semaphore, #tpu.memory_space<semaphore_mem>>)
      %dma_wait3A = arith.constant 0 : i32
      %dma_wait3A_52 = tpu.memref_slice %arg6[%arg0, %mul3A_2, %dma_wait3A] : memref<2x10240x64xf32, #tpu.memory_space<hbm>> -> memref<1x320x64xf32, #tpu.memory_space<hbm>>
      %dma_wait3A_53 = tpu.memref_squeeze %dma_wait3A_52 : memref<1x320x64xf32, #tpu.memory_space<hbm>> -> memref<320x64xf32, #tpu.memory_space<hbm>>
      %dma_wait3A_54 = arith.constant 0 : i32
      %dma_wait3A_55 = tpu.memref_slice %arg6[%arg0, %mul3A_2, %dma_wait3A_54] : memref<2x10240x64xf32, #tpu.memory_space<hbm>> -> memref<1x320x64xf32, #tpu.memory_space<hbm>>
      %dma_wait3A_56 = tpu.memref_squeeze %dma_wait3A_55 : memref<1x320x64xf32, #tpu.memory_space<hbm>> -> memref<320x64xf32, #tpu.memory_space<hbm>>
      tpu.wait_dma2 semaphore(%run_scoped3A : memref<!tpu.dma_semaphore, #tpu.memory_space<semaphore_mem>>) src(%arg13 : memref<320x64xf32, #tpu.memory_space<vmem>>) dst(%dma_wait3A_56 : memref<320x64xf32, #tpu.memory_space<hbm>>)
      tpu.yield
    }) : () -> ()
    %add3A_42 = arith.constant 320 : i32
    %add3A_43 = arith.addi %mul3A_2, %add3A_42 : i32
    "tpu.region"() ({
      %run_scoped3A = tpu.sem_alloc : memref<!tpu.dma_semaphore, #tpu.memory_space<semaphore_mem>>
      %dma_start3A_46 = arith.constant 0 : i32
      %dma_start3A_47 = tpu.memref_slice %arg14[%add3A_43, %dma_start3A_46] : memref<10240x64xf32, #tpu.memory_space<vmem_shared>> -> memref<320x64xf32, #tpu.memory_space<vmem_shared>>
      %dma_start3A_48 = arith.constant 0 : i32
      %dma_start3A_49 = tpu.memref_slice %arg14[%add3A_43, %dma_start3A_48] : memref<10240x64xf32, #tpu.memory_space<vmem_shared>> -> memref<320x64xf32, #tpu.memory_space<vmem_shared>>
      tpu.enqueue_dma source(%dma_start3A_49 : memref<320x64xf32, #tpu.memory_space<vmem_shared>>) target(%arg13 : memref<320x64xf32, #tpu.memory_space<vmem>>) target_semaphore(%run_scoped3A : memref<!tpu.dma_semaphore, #tpu.memory_space<semaphore_mem>>)
      %dma_wait3A = arith.constant 0 : i32
      %dma_wait3A_50 = tpu.memref_slice %arg14[%add3A_43, %dma_wait3A] : memref<10240x64xf32, #tpu.memory_space<vmem_shared>> -> memref<320x64xf32, #tpu.memory_space<vmem_shared>>
      %dma_wait3A_51 = arith.constant 0 : i32
      %dma_wait3A_52 = tpu.memref_slice %arg14[%add3A_43, %dma_wait3A_51] : memref<10240x64xf32, #tpu.memory_space<vmem_shared>> -> memref<320x64xf32, #tpu.memory_space<vmem_shared>>
      tpu.wait_dma2 semaphore(%run_scoped3A : memref<!tpu.dma_semaphore, #tpu.memory_space<semaphore_mem>>) src(%dma_wait3A_52 : memref<320x64xf32, #tpu.memory_space<vmem_shared>>) dst(%arg13 : memref<320x64xf32, #tpu.memory_space<vmem>>)
      tpu.yield
    }) : () -> ()
    %add3A_44 = arith.constant 320 : i32
    %add3A_45 = arith.addi %mul3A_2, %add3A_44 : i32
    "tpu.region"() ({
      %run_scoped3A = tpu.sem_alloc : memref<!tpu.dma_semaphore, #tpu.memory_space<semaphore_mem>>
      %dma_start3A_46 = arith.constant 0 : i32
      %dma_start3A_47 = tpu.memref_slice %arg6[%arg0, %add3A_45, %dma_start3A_46] : memref<2x10240x64xf32, #tpu.memory_space<hbm>> -> memref<1x320x64xf32, #tpu.memory_space<hbm>>
      %dma_start3A_48 = tpu.memref_squeeze %dma_start3A_47 : memref<1x320x64xf32, #tpu.memory_space<hbm>> -> memref<320x64xf32, #tpu.memory_space<hbm>>
      %dma_start3A_49 = arith.constant 0 : i32
      %dma_start3A_50 = tpu.memref_slice %arg6[%arg0, %add3A_45, %dma_start3A_49] : memref<2x10240x64xf32, #tpu.memory_space<hbm>> -> memref<1x320x64xf32, #tpu.memory_space<hbm>>
      %dma_start3A_51 = tpu.memref_squeeze %dma_start3A_50 : memref<1x320x64xf32, #tpu.memory_space<hbm>> -> memref<320x64xf32, #tpu.memory_space<hbm>>
      tpu.enqueue_dma source(%arg13 : memref<320x64xf32, #tpu.memory_space<vmem>>) target(%dma_start3A_51 : memref<320x64xf32, #tpu.memory_space<hbm>>) target_semaphore(%run_scoped3A : memref<!tpu.dma_semaphore, #tpu.memory_space<semaphore_mem>>)
      %dma_wait3A = arith.constant 0 : i32
      %dma_wait3A_52 = tpu.memref_slice %arg6[%arg0, %add3A_45, %dma_wait3A] : memref<2x10240x64xf32, #tpu.memory_space<hbm>> -> memref<1x320x64xf32, #tpu.memory_space<hbm>>
      %dma_wait3A_53 = tpu.memref_squeeze %dma_wait3A_52 : memref<1x320x64xf32, #tpu.memory_space<hbm>> -> memref<320x64xf32, #tpu.memory_space<hbm>>
      %dma_wait3A_54 = arith.constant 0 : i32
      %dma_wait3A_55 = tpu.memref_slice %arg6[%arg0, %add3A_45, %dma_wait3A_54] : memref<2x10240x64xf32, #tpu.memory_space<hbm>> -> memref<1x320x64xf32, #tpu.memory_space<hbm>>
      %dma_wait3A_56 = tpu.memref_squeeze %dma_wait3A_55 : memref<1x320x64xf32, #tpu.memory_space<hbm>> -> memref<320x64xf32, #tpu.memory_space<hbm>>
      tpu.wait_dma2 semaphore(%run_scoped3A : memref<!tpu.dma_semaphore, #tpu.memory_space<semaphore_mem>>) src(%arg13 : memref<320x64xf32, #tpu.memory_space<vmem>>) dst(%dma_wait3A_56 : memref<320x64xf32, #tpu.memory_space<hbm>>)
      tpu.yield
    }) : () -> ()
    return
  }
}

module attributes {stable_mosaic.version = 14 : i64} {
  func.func @_mm1_body(%arg0: memref<10000x128xf32, #tpu.memory_space<vmem>>, %arg1: memref<64x128xf32, #tpu.memory_space<vmem>>, %arg2: memref<10000x64xf32, #tpu.memory_space<vmem>>) attributes {dimension_semantics = [], scalar_prefetch = 0 : i64, scratch_operands = 0 : i64, tpu.core_type = #tpu.core_type<tc>} {
    %get3A = arith.constant 0 : index
    %get3A_0 = arith.constant 0 : index
    %get3A_1 = vector.load %arg0[%get3A, %get3A_0] : memref<10000x128xf32, #tpu.memory_space<vmem>>, vector<10000x128xf32>
    %get3A_2 = arith.constant 0 : index
    %get3A_3 = arith.constant 0 : index
    %get3A_4 = vector.load %arg1[%get3A_2, %get3A_3] : memref<64x128xf32, #tpu.memory_space<vmem>>, vector<64x128xf32>
    %dot_general3A = arith.constant dense<0.000000e+00> : vector<10000x64xf32>
    %dot_general3A_5 = tpu.matmul %get3A_1, %get3A_4, %dot_general3A {dimension_numbers = #tpu.dot_dimension_numbers<[1], [1], [0], [0], [0, 0, 1, 0], [], []>, transpose_lhs_hint = false} : vector<10000x128xf32>, vector<64x128xf32>, vector<10000x64xf32> -> vector<10000x64xf32>
    %swap3A = arith.constant 0 : index
    %swap3A_6 = arith.constant 0 : index
    %swap3A_7 = vector.load %arg2[%swap3A, %swap3A_6] : memref<10000x64xf32, #tpu.memory_space<vmem>>, vector<10000x64xf32>
    tpu.vector_store %arg2[%swap3A, %swap3A_6], %dot_general3A_5 {strides = array<i32>} : memref<10000x64xf32, #tpu.memory_space<vmem>>, vector<10000x64xf32>,
    return
  }
}

module attributes {stable_mosaic.version = 14 : i64} {
  func.func @_stage1_body(%arg0: i32, %arg1: memref<2x10000x64xf32, #tpu.memory_space<vmem>>, %arg2: memref<1x64xf32, #tpu.memory_space<vmem>>, %arg3: memref<1x64xf32, #tpu.memory_space<vmem>>, %arg4: memref<64x64xf32, #tpu.memory_space<vmem>>, %arg5: memref<1x100x50xf32, #tpu.memory_space<vmem>>, %arg6: memref<1x100x100xf32, #tpu.memory_space<vmem>>, %arg7: memref<1x100x100xf32, #tpu.memory_space<vmem>>, %arg8: memref<1x100x128xf32, #tpu.memory_space<vmem>>, %arg9: memref<10000x64xf32, #tpu.memory_space<vmem>>) attributes {dimension_semantics = [#tpu.dimension_semantics<arbitrary>], iteration_bounds = array<i64: 1>, scalar_prefetch = 0 : i64, scratch_operands = 0 : i64, tpu.core_type = #tpu.core_type<tc>, window_params = [{transform_indices = @transform_0, window_bounds = array<i64: 2, 10000, 64>}, {pipeline_mode = #tpu.pipeline_mode<synchronous>, transform_indices = @transform_1, window_bounds = array<i64: 1, 64>}, {pipeline_mode = #tpu.pipeline_mode<synchronous>, transform_indices = @transform_2, window_bounds = array<i64: 1, 64>}, {pipeline_mode = #tpu.pipeline_mode<synchronous>, transform_indices = @transform_3, window_bounds = array<i64: 64, 64>}, {transform_indices = @transform_4, window_bounds = array<i64: 1, 100, 50>}, {transform_indices = @transform_5, window_bounds = array<i64: 1, 100, 100>}, {transform_indices = @transform_6, window_bounds = array<i64: 1, 100, 100>}, {transform_indices = @transform_7, window_bounds = array<i64: 1, 100, 128>}, {transform_indices = @transform_8, window_bounds = array<i64: 10000, 64>}]} {
    %get3A = arith.constant 0 : index
    %get3A_0 = arith.constant 0 : index
    %get3A_1 = arith.constant 0 : index
    %get3A_2 = vector.load %arg1[%get3A, %get3A_0, %get3A_1] : memref<2x10000x64xf32, #tpu.memory_space<vmem>>, vector<1x10000x64xf32>
    %get3A_3 = vector.shape_cast %get3A_2 : vector<1x10000x64xf32> to vector<10000x64xf32>
    %get3A_4 = arith.constant 1 : index
    %get3A_5 = arith.constant 0 : index
    %get3A_6 = arith.constant 0 : index
    %get3A_7 = vector.load %arg1[%get3A_4, %get3A_5, %get3A_6] : memref<2x10000x64xf32, #tpu.memory_space<vmem>>, vector<1x10000x64xf32>
    %get3A_8 = vector.shape_cast %get3A_7 : vector<1x10000x64xf32> to vector<10000x64xf32>
    %add3A = arith.addf %get3A_3, %get3A_8 : vector<10000x64xf32>
    %get3A_9 = arith.constant 0 : index
    %get3A_10 = arith.constant 0 : index
    %get3A_11 = vector.load %arg2[%get3A_9, %get3A_10] : memref<1x64xf32, #tpu.memory_space<vmem>>, vector<1x64xf32>
    %add3A_12 = vector.broadcast %get3A_11 : vector<1x64xf32> to vector<10000x64xf32>
    %add3A_13 = arith.addf %add3A, %add3A_12 : vector<10000x64xf32>
    %max3A = arith.constant 0.000000e+00 : f32
    %max3A_14 = vector.broadcast %max3A : f32 to vector<10000x64xf32>
    %max3A_15 = arith.maximumf %add3A_13, %max3A_14 : vector<10000x64xf32>
    %get3A_16 = arith.constant 0 : index
    %get3A_17 = arith.constant 0 : index
    %get3A_18 = vector.load %arg3[%get3A_16, %get3A_17] : memref<1x64xf32, #tpu.memory_space<vmem>>, vector<1x64xf32>
    %convert_element_type3A = arith.truncf %max3A_15 : vector<10000x64xf32> to vector<10000x64xbf16>
    %convert_element_type3A_19 = arith.extf %convert_element_type3A : vector<10000x64xbf16> to vector<10000x64xf32>
    %convert_element_type3A_20 = arith.truncf %get3A_18 : vector<1x64xf32> to vector<1x64xbf16>
    %convert_element_type3A_21 = arith.extf %convert_element_type3A_20 : vector<1x64xbf16> to vector<1x64xf32>
    %mul3A = arith.mulf %get3A_18, %get3A_18 : vector<1x64xf32>
    %reduce_sum3A = arith.constant dense<0.000000e+00> : vector<1xf32>
    %reduce_sum3A_22 = vector.multi_reduction <add>, %mul3A, %reduce_sum3A [1] : vector<1x64xf32> to vector<1xf32>
    %broadcast_in_dim3A = vector.shape_cast %reduce_sum3A_22 : vector<1xf32> to vector<1x1xf32>
    %sqrt3A = math.sqrt %broadcast_in_dim3A : vector<1x1xf32>
    %mul3A_23 = vector.broadcast %convert_element_type3A_21 : vector<1x64xf32> to vector<10000x64xf32>
    %mul3A_24 = arith.mulf %convert_element_type3A_19, %mul3A_23 : vector<10000x64xf32>
    %reduce_sum3A_25 = arith.constant dense<0.000000e+00> : vector<10000xf32>
    %reduce_sum3A_26 = vector.multi_reduction <add>, %mul3A_24, %reduce_sum3A_25 [1] : vector<10000x64xf32> to vector<10000xf32>
    %broadcast_in_dim3A_27 = vector.shape_cast %reduce_sum3A_26 : vector<10000xf32> to vector<10000x1xf32>
    %div3A = vector.broadcast %sqrt3A : vector<1x1xf32> to vector<10000x1xf32>
    %div3A_28 = arith.divf %broadcast_in_dim3A_27, %div3A : vector<10000x1xf32>
    %tanh3A = math.tanh %div3A_28 : vector<10000x1xf32>
    %reshape3A = vector.shape_cast %tanh3A : vector<10000x1xf32> to vector<100x100xf32>
    %swap3A = arith.constant 0 : index
    %swap3A_29 = arith.constant 0 : index
    %swap3A_30 = arith.constant 0 : index
    %swap3A_31 = vector.load %arg7[%swap3A, %swap3A_29, %swap3A_30] : memref<1x100x100xf32, #tpu.memory_space<vmem>>, vector<1x100x100xf32>
    %swap3A_32 = vector.shape_cast %swap3A_31 : vector<1x100x100xf32> to vector<100x100xf32>
    %swap3A_33 = vector.shape_cast %reshape3A : vector<100x100xf32> to vector<1x100x100xf32>
    tpu.vector_store %arg7[%swap3A, %swap3A_29, %swap3A_30], %swap3A_33 {strides = array<i32>} : memref<1x100x100xf32, #tpu.memory_space<vmem>>, vector<1x100x100xf32>,
    %get3A_34 = arith.constant 0 : index
    %get3A_35 = arith.constant 0 : index
    %get3A_36 = arith.constant 0 : index
    %get3A_37 = vector.load %arg7[%get3A_34, %get3A_35, %get3A_36] : memref<1x100x100xf32, #tpu.memory_space<vmem>>, vector<1x100x100xf32>
    %get3A_38 = vector.shape_cast %get3A_37 : vector<1x100x100xf32> to vector<100x100xf32>
    %iota3A = tpu.iota {dimensions = array<i32: 1>} : vector<100x128xi32>
    %bitcast_convert_type3A = tpu.bitcast %get3A_38 : vector<100x100xf32> -> vector<100x100xi32>
    %lt3A = arith.constant 0 : i32
    %lt3A_39 = vector.broadcast %lt3A : i32 to vector<100x100xi32>
    %lt3A_40 = arith.cmpi slt, %bitcast_convert_type3A, %lt3A_39 : vector<100x100xi32>
    %xor3A = arith.constant 2147483647 : i32
    %xor3A_41 = vector.broadcast %xor3A : i32 to vector<100x100xi32>
    %xor3A_42 = arith.xori %bitcast_convert_type3A, %xor3A_41 : vector<100x100xi32>
    %select_n3A = arith.select %lt3A_40, %xor3A_42, %bitcast_convert_type3A : vector<100x100xi1>, vector<100x100xi32>
    %broadcast_in_dim3A_43 = arith.constant -2147483648 : i32
    %broadcast_in_dim3A_44 = vector.broadcast %broadcast_in_dim3A_43 : i32 to vector<100x28xi32>
    %concatenate3A = tpu.concatenate %select_n3A, %broadcast_in_dim3A_44 in 1 : vector<100x100xi32>, vector<100x28xi32> -> vector<100x128xi32>
    %iota3A_45 = tpu.iota {dimensions = array<i32: 1>} : vector<100x128xi32>
    %and3A = arith.constant 1 : i32
    %and3A_46 = vector.broadcast %and3A : i32 to vector<100x128xi32>
    %and3A_47 = arith.andi %iota3A_45, %and3A_46 : vector<100x128xi32>
    %ne3A = arith.constant 0 : i32
    %ne3A_48 = vector.broadcast %ne3A : i32 to vector<100x128xi32>
    %ne3A_49 = arith.cmpi ne, %and3A_47, %ne3A_48 : vector<100x128xi32>
    %roll3A = arith.constant 1 : i32
    %roll3A_50 = tpu.dynamic_rotate %concatenate3A by %roll3A dim 1 : vector<100x128xi32>, i32 -> vector<100x128xi32>
    %roll3A_51 = arith.constant 127 : i32
    %roll3A_52 = tpu.dynamic_rotate %concatenate3A by %roll3A_51 dim 1 : vector<100x128xi32>, i32 -> vector<100x128xi32>
    %select_n3A_53 = arith.select %ne3A_49, %roll3A_50, %roll3A_52 : vector<100x128xi1>, vector<100x128xi32>
    %roll3A_54 = arith.constant 1 : i32
    %roll3A_55 = tpu.dynamic_rotate %iota3A by %roll3A_54 dim 1 : vector<100x128xi32>, i32 -> vector<100x128xi32>
    %roll3A_56 = arith.constant 127 : i32
    %roll3A_57 = tpu.dynamic_rotate %iota3A by %roll3A_56 dim 1 : vector<100x128xi32>, i32 -> vector<100x128xi32>
    %select_n3A_58 = arith.select %ne3A_49, %roll3A_55, %roll3A_57 : vector<100x128xi1>, vector<100x128xi32>
    %gt3A = arith.cmpi sgt, %concatenate3A, %select_n3A_53 : vector<100x128xi32>
    %eq3A = arith.cmpi eq, %concatenate3A, %select_n3A_53 : vector<100x128xi32>
    %lt3A_59 = arith.cmpi slt, %iota3A, %select_n3A_58 : vector<100x128xi32>
    %and3A_60 = arith.andi %eq3A, %lt3A_59 : vector<100x128xi1>
    %or3A = arith.ori %gt3A, %and3A_60 : vector<100x128xi1>
    %and3A_61 = arith.constant 2 : i32
    %and3A_62 = vector.broadcast %and3A_61 : i32 to vector<100x128xi32>
    %and3A_63 = arith.andi %iota3A_45, %and3A_62 : vector<100x128xi32>
    %ne3A_64 = arith.constant 0 : i32
    %ne3A_65 = vector.broadcast %ne3A_64 : i32 to vector<100x128xi32>
    %ne3A_66 = arith.cmpi ne, %and3A_63, %ne3A_65 : vector<100x128xi32>
    %eq3A_67 = arith.xori %ne3A_49, %ne3A_66 : vector<100x128xi1>
    %eq3A_68 = arith.constant dense<true> : vector<100x128xi1>
    %eq3A_69 = arith.xori %eq3A_67, %eq3A_68 : vector<100x128xi1>
    %eq3A_70 = arith.xori %eq3A_69, %or3A : vector<100x128xi1>
    %eq3A_71 = arith.constant dense<true> : vector<100x128xi1>
    %eq3A_72 = arith.xori %eq3A_70, %eq3A_71 : vector<100x128xi1>
    %select_n3A_73 = arith.select %eq3A_72, %concatenate3A, %select_n3A_53 : vector<100x128xi1>, vector<100x128xi32>
    %select_n3A_74 = arith.select %eq3A_72, %iota3A, %select_n3A_58 : vector<100x128xi1>, vector<100x128xi32>
    %and3A_75 = arith.constant 2 : i32
    %and3A_76 = vector.broadcast %and3A_75 : i32 to vector<100x128xi32>
    %and3A_77 = arith.andi %iota3A_45, %and3A_76 : vector<100x128xi32>
    %ne3A_78 = arith.constant 0 : i32
    %ne3A_79 = vector.broadcast %ne3A_78 : i32 to vector<100x128xi32>
    %ne3A_80 = arith.cmpi ne, %and3A_77, %ne3A_79 : vector<100x128xi32>
    %roll3A_81 = arith.constant 2 : i32
    %roll3A_82 = tpu.dynamic_rotate %select_n3A_73 by %roll3A_81 dim 1 : vector<100x128xi32>, i32 -> vector<100x128xi32>
    %roll3A_83 = arith.constant 126 : i32
    %roll3A_84 = tpu.dynamic_rotate %select_n3A_73 by %roll3A_83 dim 1 : vector<100x128xi32>, i32 -> vector<100x128xi32>
    %select_n3A_85 = arith.select %ne3A_80, %roll3A_82, %roll3A_84 : vector<100x128xi1>, vector<100x128xi32>
    %roll3A_86 = arith.constant 2 : i32
    %roll3A_87 = tpu.dynamic_rotate %select_n3A_74 by %roll3A_86 dim 1 : vector<100x128xi32>, i32 -> vector<100x128xi32>
    %roll3A_88 = arith.constant 126 : i32
    %roll3A_89 = tpu.dynamic_rotate %select_n3A_74 by %roll3A_88 dim 1 : vector<100x128xi32>, i32 -> vector<100x128xi32>
    %select_n3A_90 = arith.select %ne3A_80, %roll3A_87, %roll3A_89 : vector<100x128xi1>, vector<100x128xi32>
    %gt3A_91 = arith.cmpi sgt, %select_n3A_73, %select_n3A_85 : vector<100x128xi32>
    %eq3A_92 = arith.cmpi eq, %select_n3A_73, %select_n3A_85 : vector<100x128xi32>
    %lt3A_93 = arith.cmpi slt, %select_n3A_74, %select_n3A_90 : vector<100x128xi32>
    %and3A_94 = arith.andi %eq3A_92, %lt3A_93 : vector<100x128xi1>
    %or3A_95 = arith.ori %gt3A_91, %and3A_94 : vector<100x128xi1>
    %and3A_96 = arith.constant 4 : i32
    %and3A_97 = vector.broadcast %and3A_96 : i32 to vector<100x128xi32>
    %and3A_98 = arith.andi %iota3A_45, %and3A_97 : vector<100x128xi32>
    %ne3A_99 = arith.constant 0 : i32
    %ne3A_100 = vector.broadcast %ne3A_99 : i32 to vector<100x128xi32>
    %ne3A_101 = arith.cmpi ne, %and3A_98, %ne3A_100 : vector<100x128xi32>
    %eq3A_102 = arith.xori %ne3A_80, %ne3A_101 : vector<100x128xi1>
    %eq3A_103 = arith.constant dense<true> : vector<100x128xi1>
    %eq3A_104 = arith.xori %eq3A_102, %eq3A_103 : vector<100x128xi1>
    %eq3A_105 = arith.xori %eq3A_104, %or3A_95 : vector<100x128xi1>
    %eq3A_106 = arith.constant dense<true> : vector<100x128xi1>
    %eq3A_107 = arith.xori %eq3A_105, %eq3A_106 : vector<100x128xi1>
    %select_n3A_108 = arith.select %eq3A_107, %select_n3A_73, %select_n3A_85 : vector<100x128xi1>, vector<100x128xi32>
    %select_n3A_109 = arith.select %eq3A_107, %select_n3A_74, %select_n3A_90 : vector<100x128xi1>, vector<100x128xi32>
    %and3A_110 = arith.constant 1 : i32
    %and3A_111 = vector.broadcast %and3A_110 : i32 to vector<100x128xi32>
    %and3A_112 = arith.andi %iota3A_45, %and3A_111 : vector<100x128xi32>
    %ne3A_113 = arith.constant 0 : i32
    %ne3A_114 = vector.broadcast %ne3A_113 : i32 to vector<100x128xi32>
    %ne3A_115 = arith.cmpi ne, %and3A_112, %ne3A_114 : vector<100x128xi32>
    %roll3A_116 = arith.constant 1 : i32
    %roll3A_117 = tpu.dynamic_rotate %select_n3A_108 by %roll3A_116 dim 1 : vector<100x128xi32>, i32 -> vector<100x128xi32>
    %roll3A_118 = arith.constant 127 : i32
    %roll3A_119 = tpu.dynamic_rotate %select_n3A_108 by %roll3A_118 dim 1 : vector<100x128xi32>, i32 -> vector<100x128xi32>
    %select_n3A_120 = arith.select %ne3A_115, %roll3A_117, %roll3A_119 : vector<100x128xi1>, vector<100x128xi32>
    %roll3A_121 = arith.constant 1 : i32
    %roll3A_122 = tpu.dynamic_rotate %select_n3A_109 by %roll3A_121 dim 1 : vector<100x128xi32>, i32 -> vector<100x128xi32>
    %roll3A_123 = arith.constant 127 : i32
    %roll3A_124 = tpu.dynamic_rotate %select_n3A_109 by %roll3A_123 dim 1 : vector<100x128xi32>, i32 -> vector<100x128xi32>
    %select_n3A_125 = arith.select %ne3A_115, %roll3A_122, %roll3A_124 : vector<100x128xi1>, vector<100x128xi32>
    %gt3A_126 = arith.cmpi sgt, %select_n3A_108, %select_n3A_120 : vector<100x128xi32>
    %eq3A_127 = arith.cmpi eq, %select_n3A_108, %select_n3A_120 : vector<100x128xi32>
    %lt3A_128 = arith.cmpi slt, %select_n3A_109, %select_n3A_125 : vector<100x128xi32>
    %and3A_129 = arith.andi %eq3A_127, %lt3A_128 : vector<100x128xi1>
    %or3A_130 = arith.ori %gt3A_126, %and3A_129 : vector<100x128xi1>
    %and3A_131 = arith.constant 4 : i32
    %and3A_132 = vector.broadcast %and3A_131 : i32 to vector<100x128xi32>
    %and3A_133 = arith.andi %iota3A_45, %and3A_132 : vector<100x128xi32>
    %ne3A_134 = arith.constant 0 : i32
    %ne3A_135 = vector.broadcast %ne3A_134 : i32 to vector<100x128xi32>
    %ne3A_136 = arith.cmpi ne, %and3A_133, %ne3A_135 : vector<100x128xi32>
    %eq3A_137 = arith.xori %ne3A_115, %ne3A_136 : vector<100x128xi1>
    %eq3A_138 = arith.constant dense<true> : vector<100x128xi1>
    %eq3A_139 = arith.xori %eq3A_137, %eq3A_138 : vector<100x128xi1>
    %eq3A_140 = arith.xori %eq3A_139, %or3A_130 : vector<100x128xi1>
    %eq3A_141 = arith.constant dense<true> : vector<100x128xi1>
    %eq3A_142 = arith.xori %eq3A_140, %eq3A_141 : vector<100x128xi1>
    %select_n3A_143 = arith.select %eq3A_142, %select_n3A_108, %select_n3A_120 : vector<100x128xi1>, vector<100x128xi32>
    %select_n3A_144 = arith.select %eq3A_142, %select_n3A_109, %select_n3A_125 : vector<100x128xi1>, vector<100x128xi32>
    %and3A_145 = arith.constant 4 : i32
    %and3A_146 = vector.broadcast %and3A_145 : i32 to vector<100x128xi32>
    %and3A_147 = arith.andi %iota3A_45, %and3A_146 : vector<100x128xi32>
    %ne3A_148 = arith.constant 0 : i32
    %ne3A_149 = vector.broadcast %ne3A_148 : i32 to vector<100x128xi32>
    %ne3A_150 = arith.cmpi ne, %and3A_147, %ne3A_149 : vector<100x128xi32>
    %roll3A_151 = arith.constant 4 : i32
    %roll3A_152 = tpu.dynamic_rotate %select_n3A_143 by %roll3A_151 dim 1 : vector<100x128xi32>, i32 -> vector<100x128xi32>
    %roll3A_153 = arith.constant 124 : i32
    %roll3A_154 = tpu.dynamic_rotate %select_n3A_143 by %roll3A_153 dim 1 : vector<100x128xi32>, i32 -> vector<100x128xi32>
    %select_n3A_155 = arith.select %ne3A_150, %roll3A_152, %roll3A_154 : vector<100x128xi1>, vector<100x128xi32>
    %roll3A_156 = arith.constant 4 : i32
    %roll3A_157 = tpu.dynamic_rotate %select_n3A_144 by %roll3A_156 dim 1 : vector<100x128xi32>, i32 -> vector<100x128xi32>
    %roll3A_158 = arith.constant 124 : i32
    %roll3A_159 = tpu.dynamic_rotate %select_n3A_144 by %roll3A_158 dim 1 : vector<100x128xi32>, i32 -> vector<100x128xi32>
    %select_n3A_160 = arith.select %ne3A_150, %roll3A_157, %roll3A_159 : vector<100x128xi1>, vector<100x128xi32>
    %gt3A_161 = arith.cmpi sgt, %select_n3A_143, %select_n3A_155 : vector<100x128xi32>
    %eq3A_162 = arith.cmpi eq, %select_n3A_143, %select_n3A_155 : vector<100x128xi32>
    %lt3A_163 = arith.cmpi slt, %select_n3A_144, %select_n3A_160 : vector<100x128xi32>
    %and3A_164 = arith.andi %eq3A_162, %lt3A_163 : vector<100x128xi1>
    %or3A_165 = arith.ori %gt3A_161, %and3A_164 : vector<100x128xi1>
    %and3A_166 = arith.constant 8 : i32
    %and3A_167 = vector.broadcast %and3A_166 : i32 to vector<100x128xi32>
    %and3A_168 = arith.andi %iota3A_45, %and3A_167 : vector<100x128xi32>
    %ne3A_169 = arith.constant 0 : i32
    %ne3A_170 = vector.broadcast %ne3A_169 : i32 to vector<100x128xi32>
    %ne3A_171 = arith.cmpi ne, %and3A_168, %ne3A_170 : vector<100x128xi32>
    %eq3A_172 = arith.xori %ne3A_150, %ne3A_171 : vector<100x128xi1>
    %eq3A_173 = arith.constant dense<true> : vector<100x128xi1>
    %eq3A_174 = arith.xori %eq3A_172, %eq3A_173 : vector<100x128xi1>
    %eq3A_175 = arith.xori %eq3A_174, %or3A_165 : vector<100x128xi1>
    %eq3A_176 = arith.constant dense<true> : vector<100x128xi1>
    %eq3A_177 = arith.xori %eq3A_175, %eq3A_176 : vector<100x128xi1>
    %select_n3A_178 = arith.select %eq3A_177, %select_n3A_143, %select_n3A_155 : vector<100x128xi1>, vector<100x128xi32>
    %select_n3A_179 = arith.select %eq3A_177, %select_n3A_144, %select_n3A_160 : vector<100x128xi1>, vector<100x128xi32>
    %and3A_180 = arith.constant 2 : i32
    %and3A_181 = vector.broadcast %and3A_180 : i32 to vector<100x128xi32>
    %and3A_182 = arith.andi %iota3A_45, %and3A_181 : vector<100x128xi32>
    %ne3A_183 = arith.constant 0 : i32
    %ne3A_184 = vector.broadcast %ne3A_183 : i32 to vector<100x128xi32>
    %ne3A_185 = arith.cmpi ne, %and3A_182, %ne3A_184 : vector<100x128xi32>
    %roll3A_186 = arith.constant 2 : i32
    %roll3A_187 = tpu.dynamic_rotate %select_n3A_178 by %roll3A_186 dim 1 : vector<100x128xi32>, i32 -> vector<100x128xi32>
    %roll3A_188 = arith.constant 126 : i32
    %roll3A_189 = tpu.dynamic_rotate %select_n3A_178 by %roll3A_188 dim 1 : vector<100x128xi32>, i32 -> vector<100x128xi32>
    %select_n3A_190 = arith.select %ne3A_185, %roll3A_187, %roll3A_189 : vector<100x128xi1>, vector<100x128xi32>
    %roll3A_191 = arith.constant 2 : i32
    %roll3A_192 = tpu.dynamic_rotate %select_n3A_179 by %roll3A_191 dim 1 : vector<100x128xi32>, i32 -> vector<100x128xi32>
    %roll3A_193 = arith.constant 126 : i32
    %roll3A_194 = tpu.dynamic_rotate %select_n3A_179 by %roll3A_193 dim 1 : vector<100x128xi32>, i32 -> vector<100x128xi32>
    %select_n3A_195 = arith.select %ne3A_185, %roll3A_192, %roll3A_194 : vector<100x128xi1>, vector<100x128xi32>
    %gt3A_196 = arith.cmpi sgt, %select_n3A_178, %select_n3A_190 : vector<100x128xi32>
    %eq3A_197 = arith.cmpi eq, %select_n3A_178, %select_n3A_190 : vector<100x128xi32>
    %lt3A_198 = arith.cmpi slt, %select_n3A_179, %select_n3A_195 : vector<100x128xi32>
    %and3A_199 = arith.andi %eq3A_197, %lt3A_198 : vector<100x128xi1>
    %or3A_200 = arith.ori %gt3A_196, %and3A_199 : vector<100x128xi1>
    %and3A_201 = arith.constant 8 : i32
    %and3A_202 = vector.broadcast %and3A_201 : i32 to vector<100x128xi32>
    %and3A_203 = arith.andi %iota3A_45, %and3A_202 : vector<100x128xi32>
    %ne3A_204 = arith.constant 0 : i32
    %ne3A_205 = vector.broadcast %ne3A_204 : i32 to vector<100x128xi32>
    %ne3A_206 = arith.cmpi ne, %and3A_203, %ne3A_205 : vector<100x128xi32>
    %eq3A_207 = arith.xori %ne3A_185, %ne3A_206 : vector<100x128xi1>
    %eq3A_208 = arith.constant dense<true> : vector<100x128xi1>
    %eq3A_209 = arith.xori %eq3A_207, %eq3A_208 : vector<100x128xi1>
    %eq3A_210 = arith.xori %eq3A_209, %or3A_200 : vector<100x128xi1>
    %eq3A_211 = arith.constant dense<true> : vector<100x128xi1>
    %eq3A_212 = arith.xori %eq3A_210, %eq3A_211 : vector<100x128xi1>
    %select_n3A_213 = arith.select %eq3A_212, %select_n3A_178, %select_n3A_190 : vector<100x128xi1>, vector<100x128xi32>
    %select_n3A_214 = arith.select %eq3A_212, %select_n3A_179, %select_n3A_195 : vector<100x128xi1>, vector<100x128xi32>
    %and3A_215 = arith.constant 1 : i32
    %and3A_216 = vector.broadcast %and3A_215 : i32 to vector<100x128xi32>
    %and3A_217 = arith.andi %iota3A_45, %and3A_216 : vector<100x128xi32>
    %ne3A_218 = arith.constant 0 : i32
    %ne3A_219 = vector.broadcast %ne3A_218 : i32 to vector<100x128xi32>
    %ne3A_220 = arith.cmpi ne, %and3A_217, %ne3A_219 : vector<100x128xi32>
    %roll3A_221 = arith.constant 1 : i32
    %roll3A_222 = tpu.dynamic_rotate %select_n3A_213 by %roll3A_221 dim 1 : vector<100x128xi32>, i32 -> vector<100x128xi32>
    %roll3A_223 = arith.constant 127 : i32
    %roll3A_224 = tpu.dynamic_rotate %select_n3A_213 by %roll3A_223 dim 1 : vector<100x128xi32>, i32 -> vector<100x128xi32>
    %select_n3A_225 = arith.select %ne3A_220, %roll3A_222, %roll3A_224 : vector<100x128xi1>, vector<100x128xi32>
    %roll3A_226 = arith.constant 1 : i32
    %roll3A_227 = tpu.dynamic_rotate %select_n3A_214 by %roll3A_226 dim 1 : vector<100x128xi32>, i32 -> vector<100x128xi32>
    %roll3A_228 = arith.constant 127 : i32
    %roll3A_229 = tpu.dynamic_rotate %select_n3A_214 by %roll3A_228 dim 1 : vector<100x128xi32>, i32 -> vector<100x128xi32>
    %select_n3A_230 = arith.select %ne3A_220, %roll3A_227, %roll3A_229 : vector<100x128xi1>, vector<100x128xi32>
    %gt3A_231 = arith.cmpi sgt, %select_n3A_213, %select_n3A_225 : vector<100x128xi32>
    %eq3A_232 = arith.cmpi eq, %select_n3A_213, %select_n3A_225 : vector<100x128xi32>
    %lt3A_233 = arith.cmpi slt, %select_n3A_214, %select_n3A_230 : vector<100x128xi32>
    %and3A_234 = arith.andi %eq3A_232, %lt3A_233 : vector<100x128xi1>
    %or3A_235 = arith.ori %gt3A_231, %and3A_234 : vector<100x128xi1>
    %and3A_236 = arith.constant 8 : i32
    %and3A_237 = vector.broadcast %and3A_236 : i32 to vector<100x128xi32>
    %and3A_238 = arith.andi %iota3A_45, %and3A_237 : vector<100x128xi32>
    %ne3A_239 = arith.constant 0 : i32
    %ne3A_240 = vector.broadcast %ne3A_239 : i32 to vector<100x128xi32>
    %ne3A_241 = arith.cmpi ne, %and3A_238, %ne3A_240 : vector<100x128xi32>
    %eq3A_242 = arith.xori %ne3A_220, %ne3A_241 : vector<100x128xi1>
    %eq3A_243 = arith.constant dense<true> : vector<100x128xi1>
    %eq3A_244 = arith.xori %eq3A_242, %eq3A_243 : vector<100x128xi1>
    %eq3A_245 = arith.xori %eq3A_244, %or3A_235 : vector<100x128xi1>
    %eq3A_246 = arith.constant dense<true> : vector<100x128xi1>
    %eq3A_247 = arith.xori %eq3A_245, %eq3A_246 : vector<100x128xi1>
    %select_n3A_248 = arith.select %eq3A_247, %select_n3A_213, %select_n3A_225 : vector<100x128xi1>, vector<100x128xi32>
    %select_n3A_249 = arith.select %eq3A_247, %select_n3A_214, %select_n3A_230 : vector<100x128xi1>, vector<100x128xi32>
    %and3A_250 = arith.constant 8 : i32
    %and3A_251 = vector.broadcast %and3A_250 : i32 to vector<100x128xi32>
    %and3A_252 = arith.andi %iota3A_45, %and3A_251 : vector<100x128xi32>
    %ne3A_253 = arith.constant 0 : i32
    %ne3A_254 = vector.broadcast %ne3A_253 : i32 to vector<100x128xi32>
    %ne3A_255 = arith.cmpi ne, %and3A_252, %ne3A_254 : vector<100x128xi32>
    %roll3A_256 = arith.constant 8 : i32
    %roll3A_257 = tpu.dynamic_rotate %select_n3A_248 by %roll3A_256 dim 1 : vector<100x128xi32>, i32 -> vector<100x128xi32>
    %roll3A_258 = arith.constant 120 : i32
    %roll3A_259 = tpu.dynamic_rotate %select_n3A_248 by %roll3A_258 dim 1 : vector<100x128xi32>, i32 -> vector<100x128xi32>
    %select_n3A_260 = arith.select %ne3A_255, %roll3A_257, %roll3A_259 : vector<100x128xi1>, vector<100x128xi32>
    %roll3A_261 = arith.constant 8 : i32
    %roll3A_262 = tpu.dynamic_rotate %select_n3A_249 by %roll3A_261 dim 1 : vector<100x128xi32>, i32 -> vector<100x128xi32>
    %roll3A_263 = arith.constant 120 : i32
    %roll3A_264 = tpu.dynamic_rotate %select_n3A_249 by %roll3A_263 dim 1 : vector<100x128xi32>, i32 -> vector<100x128xi32>
    %select_n3A_265 = arith.select %ne3A_255, %roll3A_262, %roll3A_264 : vector<100x128xi1>, vector<100x128xi32>
    %gt3A_266 = arith.cmpi sgt, %select_n3A_248, %select_n3A_260 : vector<100x128xi32>
    %eq3A_267 = arith.cmpi eq, %select_n3A_248, %select_n3A_260 : vector<100x128xi32>
    %lt3A_268 = arith.cmpi slt, %select_n3A_249, %select_n3A_265 : vector<100x128xi32>
    %and3A_269 = arith.andi %eq3A_267, %lt3A_268 : vector<100x128xi1>
    %or3A_270 = arith.ori %gt3A_266, %and3A_269 : vector<100x128xi1>
    %and3A_271 = arith.constant 16 : i32
    %and3A_272 = vector.broadcast %and3A_271 : i32 to vector<100x128xi32>
    %and3A_273 = arith.andi %iota3A_45, %and3A_272 : vector<100x128xi32>
    %ne3A_274 = arith.constant 0 : i32
    %ne3A_275 = vector.broadcast %ne3A_274 : i32 to vector<100x128xi32>
    %ne3A_276 = arith.cmpi ne, %and3A_273, %ne3A_275 : vector<100x128xi32>
    %eq3A_277 = arith.xori %ne3A_255, %ne3A_276 : vector<100x128xi1>
    %eq3A_278 = arith.constant dense<true> : vector<100x128xi1>
    %eq3A_279 = arith.xori %eq3A_277, %eq3A_278 : vector<100x128xi1>
    %eq3A_280 = arith.xori %eq3A_279, %or3A_270 : vector<100x128xi1>
    %eq3A_281 = arith.constant dense<true> : vector<100x128xi1>
    %eq3A_282 = arith.xori %eq3A_280, %eq3A_281 : vector<100x128xi1>
    %select_n3A_283 = arith.select %eq3A_282, %select_n3A_248, %select_n3A_260 : vector<100x128xi1>, vector<100x128xi32>
    %select_n3A_284 = arith.select %eq3A_282, %select_n3A_249, %select_n3A_265 : vector<100x128xi1>, vector<100x128xi32>
    %and3A_285 = arith.constant 4 : i32
    %and3A_286 = vector.broadcast %and3A_285 : i32 to vector<100x128xi32>
    %and3A_287 = arith.andi %iota3A_45, %and3A_286 : vector<100x128xi32>
    %ne3A_288 = arith.constant 0 : i32
    %ne3A_289 = vector.broadcast %ne3A_288 : i32 to vector<100x128xi32>
    %ne3A_290 = arith.cmpi ne, %and3A_287, %ne3A_289 : vector<100x128xi32>
    %roll3A_291 = arith.constant 4 : i32
    %roll3A_292 = tpu.dynamic_rotate %select_n3A_283 by %roll3A_291 dim 1 : vector<100x128xi32>, i32 -> vector<100x128xi32>
    %roll3A_293 = arith.constant 124 : i32
    %roll3A_294 = tpu.dynamic_rotate %select_n3A_283 by %roll3A_293 dim 1 : vector<100x128xi32>, i32 -> vector<100x128xi32>
    %select_n3A_295 = arith.select %ne3A_290, %roll3A_292, %roll3A_294 : vector<100x128xi1>, vector<100x128xi32>
    %roll3A_296 = arith.constant 4 : i32
    %roll3A_297 = tpu.dynamic_rotate %select_n3A_284 by %roll3A_296 dim 1 : vector<100x128xi32>, i32 -> vector<100x128xi32>
    %roll3A_298 = arith.constant 124 : i32
    %roll3A_299 = tpu.dynamic_rotate %select_n3A_284 by %roll3A_298 dim 1 : vector<100x128xi32>, i32 -> vector<100x128xi32>
    %select_n3A_300 = arith.select %ne3A_290, %roll3A_297, %roll3A_299 : vector<100x128xi1>, vector<100x128xi32>
    %gt3A_301 = arith.cmpi sgt, %select_n3A_283, %select_n3A_295 : vector<100x128xi32>
    %eq3A_302 = arith.cmpi eq, %select_n3A_283, %select_n3A_295 : vector<100x128xi32>
    %lt3A_303 = arith.cmpi slt, %select_n3A_284, %select_n3A_300 : vector<100x128xi32>
    %and3A_304 = arith.andi %eq3A_302, %lt3A_303 : vector<100x128xi1>
    %or3A_305 = arith.ori %gt3A_301, %and3A_304 : vector<100x128xi1>
    %and3A_306 = arith.constant 16 : i32
    %and3A_307 = vector.broadcast %and3A_306 : i32 to vector<100x128xi32>
    %and3A_308 = arith.andi %iota3A_45, %and3A_307 : vector<100x128xi32>
    %ne3A_309 = arith.constant 0 : i32
    %ne3A_310 = vector.broadcast %ne3A_309 : i32 to vector<100x128xi32>
    %ne3A_311 = arith.cmpi ne, %and3A_308, %ne3A_310 : vector<100x128xi32>
    %eq3A_312 = arith.xori %ne3A_290, %ne3A_311 : vector<100x128xi1>
    %eq3A_313 = arith.constant dense<true> : vector<100x128xi1>
    %eq3A_314 = arith.xori %eq3A_312, %eq3A_313 : vector<100x128xi1>
    %eq3A_315 = arith.xori %eq3A_314, %or3A_305 : vector<100x128xi1>
    %eq3A_316 = arith.constant dense<true> : vector<100x128xi1>
    %eq3A_317 = arith.xori %eq3A_315, %eq3A_316 : vector<100x128xi1>
    %select_n3A_318 = arith.select %eq3A_317, %select_n3A_283, %select_n3A_295 : vector<100x128xi1>, vector<100x128xi32>
    %select_n3A_319 = arith.select %eq3A_317, %select_n3A_284, %select_n3A_300 : vector<100x128xi1>, vector<100x128xi32>
    %and3A_320 = arith.constant 2 : i32
    %and3A_321 = vector.broadcast %and3A_320 : i32 to vector<100x128xi32>
    %and3A_322 = arith.andi %iota3A_45, %and3A_321 : vector<100x128xi32>
    %ne3A_323 = arith.constant 0 : i32
    %ne3A_324 = vector.broadcast %ne3A_323 : i32 to vector<100x128xi32>
    %ne3A_325 = arith.cmpi ne, %and3A_322, %ne3A_324 : vector<100x128xi32>
    %roll3A_326 = arith.constant 2 : i32
    %roll3A_327 = tpu.dynamic_rotate %select_n3A_318 by %roll3A_326 dim 1 : vector<100x128xi32>, i32 -> vector<100x128xi32>
    %roll3A_328 = arith.constant 126 : i32
    %roll3A_329 = tpu.dynamic_rotate %select_n3A_318 by %roll3A_328 dim 1 : vector<100x128xi32>, i32 -> vector<100x128xi32>
    %select_n3A_330 = arith.select %ne3A_325, %roll3A_327, %roll3A_329 : vector<100x128xi1>, vector<100x128xi32>
    %roll3A_331 = arith.constant 2 : i32
    %roll3A_332 = tpu.dynamic_rotate %select_n3A_319 by %roll3A_331 dim 1 : vector<100x128xi32>, i32 -> vector<100x128xi32>
    %roll3A_333 = arith.constant 126 : i32
    %roll3A_334 = tpu.dynamic_rotate %select_n3A_319 by %roll3A_333 dim 1 : vector<100x128xi32>, i32 -> vector<100x128xi32>
    %select_n3A_335 = arith.select %ne3A_325, %roll3A_332, %roll3A_334 : vector<100x128xi1>, vector<100x128xi32>
    %gt3A_336 = arith.cmpi sgt, %select_n3A_318, %select_n3A_330 : vector<100x128xi32>
    %eq3A_337 = arith.cmpi eq, %select_n3A_318, %select_n3A_330 : vector<100x128xi32>
    %lt3A_338 = arith.cmpi slt, %select_n3A_319, %select_n3A_335 : vector<100x128xi32>
    %and3A_339 = arith.andi %eq3A_337, %lt3A_338 : vector<100x128xi1>
    %or3A_340 = arith.ori %gt3A_336, %and3A_339 : vector<100x128xi1>
    %and3A_341 = arith.constant 16 : i32
    %and3A_342 = vector.broadcast %and3A_341 : i32 to vector<100x128xi32>
    %and3A_343 = arith.andi %iota3A_45, %and3A_342 : vector<100x128xi32>
    %ne3A_344 = arith.constant 0 : i32
    %ne3A_345 = vector.broadcast %ne3A_344 : i32 to vector<100x128xi32>
    %ne3A_346 = arith.cmpi ne, %and3A_343, %ne3A_345 : vector<100x128xi32>
    %eq3A_347 = arith.xori %ne3A_325, %ne3A_346 : vector<100x128xi1>
    %eq3A_348 = arith.constant dense<true> : vector<100x128xi1>
    %eq3A_349 = arith.xori %eq3A_347, %eq3A_348 : vector<100x128xi1>
    %eq3A_350 = arith.xori %eq3A_349, %or3A_340 : vector<100x128xi1>
    %eq3A_351 = arith.constant dense<true> : vector<100x128xi1>
    %eq3A_352 = arith.xori %eq3A_350, %eq3A_351 : vector<100x128xi1>
    %select_n3A_353 = arith.select %eq3A_352, %select_n3A_318, %select_n3A_330 : vector<100x128xi1>, vector<100x128xi32>
    %select_n3A_354 = arith.select %eq3A_352, %select_n3A_319, %select_n3A_335 : vector<100x128xi1>, vector<100x128xi32>
    %and3A_355 = arith.constant 1 : i32
    %and3A_356 = vector.broadcast %and3A_355 : i32 to vector<100x128xi32>
    %and3A_357 = arith.andi %iota3A_45, %and3A_356 : vector<100x128xi32>
    %ne3A_358 = arith.constant 0 : i32
    %ne3A_359 = vector.broadcast %ne3A_358 : i32 to vector<100x128xi32>
    %ne3A_360 = arith.cmpi ne, %and3A_357, %ne3A_359 : vector<100x128xi32>
    %roll3A_361 = arith.constant 1 : i32
    %roll3A_362 = tpu.dynamic_rotate %select_n3A_353 by %roll3A_361 dim 1 : vector<100x128xi32>, i32 -> vector<100x128xi32>
    %roll3A_363 = arith.constant 127 : i32
    %roll3A_364 = tpu.dynamic_rotate %select_n3A_353 by %roll3A_363 dim 1 : vector<100x128xi32>, i32 -> vector<100x128xi32>
    %select_n3A_365 = arith.select %ne3A_360, %roll3A_362, %roll3A_364 : vector<100x128xi1>, vector<100x128xi32>
    %roll3A_366 = arith.constant 1 : i32
    %roll3A_367 = tpu.dynamic_rotate %select_n3A_354 by %roll3A_366 dim 1 : vector<100x128xi32>, i32 -> vector<100x128xi32>
    %roll3A_368 = arith.constant 127 : i32
    %roll3A_369 = tpu.dynamic_rotate %select_n3A_354 by %roll3A_368 dim 1 : vector<100x128xi32>, i32 -> vector<100x128xi32>
    %select_n3A_370 = arith.select %ne3A_360, %roll3A_367, %roll3A_369 : vector<100x128xi1>, vector<100x128xi32>
    %gt3A_371 = arith.cmpi sgt, %select_n3A_353, %select_n3A_365 : vector<100x128xi32>
    %eq3A_372 = arith.cmpi eq, %select_n3A_353, %select_n3A_365 : vector<100x128xi32>
    %lt3A_373 = arith.cmpi slt, %select_n3A_354, %select_n3A_370 : vector<100x128xi32>
    %and3A_374 = arith.andi %eq3A_372, %lt3A_373 : vector<100x128xi1>
    %or3A_375 = arith.ori %gt3A_371, %and3A_374 : vector<100x128xi1>
    %and3A_376 = arith.constant 16 : i32
    %and3A_377 = vector.broadcast %and3A_376 : i32 to vector<100x128xi32>
    %and3A_378 = arith.andi %iota3A_45, %and3A_377 : vector<100x128xi32>
    %ne3A_379 = arith.constant 0 : i32
    %ne3A_380 = vector.broadcast %ne3A_379 : i32 to vector<100x128xi32>
    %ne3A_381 = arith.cmpi ne, %and3A_378, %ne3A_380 : vector<100x128xi32>
    %eq3A_382 = arith.xori %ne3A_360, %ne3A_381 : vector<100x128xi1>
    %eq3A_383 = arith.constant dense<true> : vector<100x128xi1>
    %eq3A_384 = arith.xori %eq3A_382, %eq3A_383 : vector<100x128xi1>
    %eq3A_385 = arith.xori %eq3A_384, %or3A_375 : vector<100x128xi1>
    %eq3A_386 = arith.constant dense<true> : vector<100x128xi1>
    %eq3A_387 = arith.xori %eq3A_385, %eq3A_386 : vector<100x128xi1>
    %select_n3A_388 = arith.select %eq3A_387, %select_n3A_353, %select_n3A_365 : vector<100x128xi1>, vector<100x128xi32>
    %select_n3A_389 = arith.select %eq3A_387, %select_n3A_354, %select_n3A_370 : vector<100x128xi1>, vector<100x128xi32>
    %and3A_390 = arith.constant 16 : i32
    %and3A_391 = vector.broadcast %and3A_390 : i32 to vector<100x128xi32>
    %and3A_392 = arith.andi %iota3A_45, %and3A_391 : vector<100x128xi32>
    %ne3A_393 = arith.constant 0 : i32
    %ne3A_394 = vector.broadcast %ne3A_393 : i32 to vector<100x128xi32>
    %ne3A_395 = arith.cmpi ne, %and3A_392, %ne3A_394 : vector<100x128xi32>
    %roll3A_396 = arith.constant 16 : i32
    %roll3A_397 = tpu.dynamic_rotate %select_n3A_388 by %roll3A_396 dim 1 : vector<100x128xi32>, i32 -> vector<100x128xi32>
    %roll3A_398 = arith.constant 112 : i32
    %roll3A_399 = tpu.dynamic_rotate %select_n3A_388 by %roll3A_398 dim 1 : vector<100x128xi32>, i32 -> vector<100x128xi32>
    %select_n3A_400 = arith.select %ne3A_395, %roll3A_397, %roll3A_399 : vector<100x128xi1>, vector<100x128xi32>
    %roll3A_401 = arith.constant 16 : i32
    %roll3A_402 = tpu.dynamic_rotate %select_n3A_389 by %roll3A_401 dim 1 : vector<100x128xi32>, i32 -> vector<100x128xi32>
    %roll3A_403 = arith.constant 112 : i32
    %roll3A_404 = tpu.dynamic_rotate %select_n3A_389 by %roll3A_403 dim 1 : vector<100x128xi32>, i32 -> vector<100x128xi32>
    %select_n3A_405 = arith.select %ne3A_395, %roll3A_402, %roll3A_404 : vector<100x128xi1>, vector<100x128xi32>
    %gt3A_406 = arith.cmpi sgt, %select_n3A_388, %select_n3A_400 : vector<100x128xi32>
    %eq3A_407 = arith.cmpi eq, %select_n3A_388, %select_n3A_400 : vector<100x128xi32>
    %lt3A_408 = arith.cmpi slt, %select_n3A_389, %select_n3A_405 : vector<100x128xi32>
    %and3A_409 = arith.andi %eq3A_407, %lt3A_408 : vector<100x128xi1>
    %or3A_410 = arith.ori %gt3A_406, %and3A_409 : vector<100x128xi1>
    %and3A_411 = arith.constant 32 : i32
    %and3A_412 = vector.broadcast %and3A_411 : i32 to vector<100x128xi32>
    %and3A_413 = arith.andi %iota3A_45, %and3A_412 : vector<100x128xi32>
    %ne3A_414 = arith.constant 0 : i32
    %ne3A_415 = vector.broadcast %ne3A_414 : i32 to vector<100x128xi32>
    %ne3A_416 = arith.cmpi ne, %and3A_413, %ne3A_415 : vector<100x128xi32>
    %eq3A_417 = arith.xori %ne3A_395, %ne3A_416 : vector<100x128xi1>
    %eq3A_418 = arith.constant dense<true> : vector<100x128xi1>
    %eq3A_419 = arith.xori %eq3A_417, %eq3A_418 : vector<100x128xi1>
    %eq3A_420 = arith.xori %eq3A_419, %or3A_410 : vector<100x128xi1>
    %eq3A_421 = arith.constant dense<true> : vector<100x128xi1>
    %eq3A_422 = arith.xori %eq3A_420, %eq3A_421 : vector<100x128xi1>
    %select_n3A_423 = arith.select %eq3A_422, %select_n3A_388, %select_n3A_400 : vector<100x128xi1>, vector<100x128xi32>
    %select_n3A_424 = arith.select %eq3A_422, %select_n3A_389, %select_n3A_405 : vector<100x128xi1>, vector<100x128xi32>
    %and3A_425 = arith.constant 8 : i32
    %and3A_426 = vector.broadcast %and3A_425 : i32 to vector<100x128xi32>
    %and3A_427 = arith.andi %iota3A_45, %and3A_426 : vector<100x128xi32>
    %ne3A_428 = arith.constant 0 : i32
    %ne3A_429 = vector.broadcast %ne3A_428 : i32 to vector<100x128xi32>
    %ne3A_430 = arith.cmpi ne, %and3A_427, %ne3A_429 : vector<100x128xi32>
    %roll3A_431 = arith.constant 8 : i32
    %roll3A_432 = tpu.dynamic_rotate %select_n3A_423 by %roll3A_431 dim 1 : vector<100x128xi32>, i32 -> vector<100x128xi32>
    %roll3A_433 = arith.constant 120 : i32
    %roll3A_434 = tpu.dynamic_rotate %select_n3A_423 by %roll3A_433 dim 1 : vector<100x128xi32>, i32 -> vector<100x128xi32>
    %select_n3A_435 = arith.select %ne3A_430, %roll3A_432, %roll3A_434 : vector<100x128xi1>, vector<100x128xi32>
    %roll3A_436 = arith.constant 8 : i32
    %roll3A_437 = tpu.dynamic_rotate %select_n3A_424 by %roll3A_436 dim 1 : vector<100x128xi32>, i32 -> vector<100x128xi32>
    %roll3A_438 = arith.constant 120 : i32
    %roll3A_439 = tpu.dynamic_rotate %select_n3A_424 by %roll3A_438 dim 1 : vector<100x128xi32>, i32 -> vector<100x128xi32>
    %select_n3A_440 = arith.select %ne3A_430, %roll3A_437, %roll3A_439 : vector<100x128xi1>, vector<100x128xi32>
    %gt3A_441 = arith.cmpi sgt, %select_n3A_423, %select_n3A_435 : vector<100x128xi32>
    %eq3A_442 = arith.cmpi eq, %select_n3A_423, %select_n3A_435 : vector<100x128xi32>
    %lt3A_443 = arith.cmpi slt, %select_n3A_424, %select_n3A_440 : vector<100x128xi32>
    %and3A_444 = arith.andi %eq3A_442, %lt3A_443 : vector<100x128xi1>
    %or3A_445 = arith.ori %gt3A_441, %and3A_444 : vector<100x128xi1>
    %and3A_446 = arith.constant 32 : i32
    %and3A_447 = vector.broadcast %and3A_446 : i32 to vector<100x128xi32>
    %and3A_448 = arith.andi %iota3A_45, %and3A_447 : vector<100x128xi32>
    %ne3A_449 = arith.constant 0 : i32
    %ne3A_450 = vector.broadcast %ne3A_449 : i32 to vector<100x128xi32>
    %ne3A_451 = arith.cmpi ne, %and3A_448, %ne3A_450 : vector<100x128xi32>
    %eq3A_452 = arith.xori %ne3A_430, %ne3A_451 : vector<100x128xi1>
    %eq3A_453 = arith.constant dense<true> : vector<100x128xi1>
    %eq3A_454 = arith.xori %eq3A_452, %eq3A_453 : vector<100x128xi1>
    %eq3A_455 = arith.xori %eq3A_454, %or3A_445 : vector<100x128xi1>
    %eq3A_456 = arith.constant dense<true> : vector<100x128xi1>
    %eq3A_457 = arith.xori %eq3A_455, %eq3A_456 : vector<100x128xi1>
    %select_n3A_458 = arith.select %eq3A_457, %select_n3A_423, %select_n3A_435 : vector<100x128xi1>, vector<100x128xi32>
    %select_n3A_459 = arith.select %eq3A_457, %select_n3A_424, %select_n3A_440 : vector<100x128xi1>, vector<100x128xi32>
    %and3A_460 = arith.constant 4 : i32
    %and3A_461 = vector.broadcast %and3A_460 : i32 to vector<100x128xi32>
    %and3A_462 = arith.andi %iota3A_45, %and3A_461 : vector<100x128xi32>
    %ne3A_463 = arith.constant 0 : i32
    %ne3A_464 = vector.broadcast %ne3A_463 : i32 to vector<100x128xi32>
    %ne3A_465 = arith.cmpi ne, %and3A_462, %ne3A_464 : vector<100x128xi32>
    %roll3A_466 = arith.constant 4 : i32
    %roll3A_467 = tpu.dynamic_rotate %select_n3A_458 by %roll3A_466 dim 1 : vector<100x128xi32>, i32 -> vector<100x128xi32>
    %roll3A_468 = arith.constant 124 : i32
    %roll3A_469 = tpu.dynamic_rotate %select_n3A_458 by %roll3A_468 dim 1 : vector<100x128xi32>, i32 -> vector<100x128xi32>
    %select_n3A_470 = arith.select %ne3A_465, %roll3A_467, %roll3A_469 : vector<100x128xi1>, vector<100x128xi32>
    %roll3A_471 = arith.constant 4 : i32
    %roll3A_472 = tpu.dynamic_rotate %select_n3A_459 by %roll3A_471 dim 1 : vector<100x128xi32>, i32 -> vector<100x128xi32>
    %roll3A_473 = arith.constant 124 : i32
    %roll3A_474 = tpu.dynamic_rotate %select_n3A_459 by %roll3A_473 dim 1 : vector<100x128xi32>, i32 -> vector<100x128xi32>
    %select_n3A_475 = arith.select %ne3A_465, %roll3A_472, %roll3A_474 : vector<100x128xi1>, vector<100x128xi32>
    %gt3A_476 = arith.cmpi sgt, %select_n3A_458, %select_n3A_470 : vector<100x128xi32>
    %eq3A_477 = arith.cmpi eq, %select_n3A_458, %select_n3A_470 : vector<100x128xi32>
    %lt3A_478 = arith.cmpi slt, %select_n3A_459, %select_n3A_475 : vector<100x128xi32>
    %and3A_479 = arith.andi %eq3A_477, %lt3A_478 : vector<100x128xi1>
    %or3A_480 = arith.ori %gt3A_476, %and3A_479 : vector<100x128xi1>
    %and3A_481 = arith.constant 32 : i32
    %and3A_482 = vector.broadcast %and3A_481 : i32 to vector<100x128xi32>
    %and3A_483 = arith.andi %iota3A_45, %and3A_482 : vector<100x128xi32>
    %ne3A_484 = arith.constant 0 : i32
    %ne3A_485 = vector.broadcast %ne3A_484 : i32 to vector<100x128xi32>
    %ne3A_486 = arith.cmpi ne, %and3A_483, %ne3A_485 : vector<100x128xi32>
    %eq3A_487 = arith.xori %ne3A_465, %ne3A_486 : vector<100x128xi1>
    %eq3A_488 = arith.constant dense<true> : vector<100x128xi1>
    %eq3A_489 = arith.xori %eq3A_487, %eq3A_488 : vector<100x128xi1>
    %eq3A_490 = arith.xori %eq3A_489, %or3A_480 : vector<100x128xi1>
    %eq3A_491 = arith.constant dense<true> : vector<100x128xi1>
    %eq3A_492 = arith.xori %eq3A_490, %eq3A_491 : vector<100x128xi1>
    %select_n3A_493 = arith.select %eq3A_492, %select_n3A_458, %select_n3A_470 : vector<100x128xi1>, vector<100x128xi32>
    %select_n3A_494 = arith.select %eq3A_492, %select_n3A_459, %select_n3A_475 : vector<100x128xi1>, vector<100x128xi32>
    %and3A_495 = arith.constant 2 : i32
    %and3A_496 = vector.broadcast %and3A_495 : i32 to vector<100x128xi32>
    %and3A_497 = arith.andi %iota3A_45, %and3A_496 : vector<100x128xi32>
    %ne3A_498 = arith.constant 0 : i32
    %ne3A_499 = vector.broadcast %ne3A_498 : i32 to vector<100x128xi32>
    %ne3A_500 = arith.cmpi ne, %and3A_497, %ne3A_499 : vector<100x128xi32>
    %roll3A_501 = arith.constant 2 : i32
    %roll3A_502 = tpu.dynamic_rotate %select_n3A_493 by %roll3A_501 dim 1 : vector<100x128xi32>, i32 -> vector<100x128xi32>
    %roll3A_503 = arith.constant 126 : i32
    %roll3A_504 = tpu.dynamic_rotate %select_n3A_493 by %roll3A_503 dim 1 : vector<100x128xi32>, i32 -> vector<100x128xi32>
    %select_n3A_505 = arith.select %ne3A_500, %roll3A_502, %roll3A_504 : vector<100x128xi1>, vector<100x128xi32>
    %roll3A_506 = arith.constant 2 : i32
    %roll3A_507 = tpu.dynamic_rotate %select_n3A_494 by %roll3A_506 dim 1 : vector<100x128xi32>, i32 -> vector<100x128xi32>
    %roll3A_508 = arith.constant 126 : i32
    %roll3A_509 = tpu.dynamic_rotate %select_n3A_494 by %roll3A_508 dim 1 : vector<100x128xi32>, i32 -> vector<100x128xi32>
    %select_n3A_510 = arith.select %ne3A_500, %roll3A_507, %roll3A_509 : vector<100x128xi1>, vector<100x128xi32>
    %gt3A_511 = arith.cmpi sgt, %select_n3A_493, %select_n3A_505 : vector<100x128xi32>
    %eq3A_512 = arith.cmpi eq, %select_n3A_493, %select_n3A_505 : vector<100x128xi32>
    %lt3A_513 = arith.cmpi slt, %select_n3A_494, %select_n3A_510 : vector<100x128xi32>
    %and3A_514 = arith.andi %eq3A_512, %lt3A_513 : vector<100x128xi1>
    %or3A_515 = arith.ori %gt3A_511, %and3A_514 : vector<100x128xi1>
    %and3A_516 = arith.constant 32 : i32
    %and3A_517 = vector.broadcast %and3A_516 : i32 to vector<100x128xi32>
    %and3A_518 = arith.andi %iota3A_45, %and3A_517 : vector<100x128xi32>
    %ne3A_519 = arith.constant 0 : i32
    %ne3A_520 = vector.broadcast %ne3A_519 : i32 to vector<100x128xi32>
    %ne3A_521 = arith.cmpi ne, %and3A_518, %ne3A_520 : vector<100x128xi32>
    %eq3A_522 = arith.xori %ne3A_500, %ne3A_521 : vector<100x128xi1>
    %eq3A_523 = arith.constant dense<true> : vector<100x128xi1>
    %eq3A_524 = arith.xori %eq3A_522, %eq3A_523 : vector<100x128xi1>
    %eq3A_525 = arith.xori %eq3A_524, %or3A_515 : vector<100x128xi1>
    %eq3A_526 = arith.constant dense<true> : vector<100x128xi1>
    %eq3A_527 = arith.xori %eq3A_525, %eq3A_526 : vector<100x128xi1>
    %select_n3A_528 = arith.select %eq3A_527, %select_n3A_493, %select_n3A_505 : vector<100x128xi1>, vector<100x128xi32>
    %select_n3A_529 = arith.select %eq3A_527, %select_n3A_494, %select_n3A_510 : vector<100x128xi1>, vector<100x128xi32>
    %and3A_530 = arith.constant 1 : i32
    %and3A_531 = vector.broadcast %and3A_530 : i32 to vector<100x128xi32>
    %and3A_532 = arith.andi %iota3A_45, %and3A_531 : vector<100x128xi32>
    %ne3A_533 = arith.constant 0 : i32
    %ne3A_534 = vector.broadcast %ne3A_533 : i32 to vector<100x128xi32>
    %ne3A_535 = arith.cmpi ne, %and3A_532, %ne3A_534 : vector<100x128xi32>
    %roll3A_536 = arith.constant 1 : i32
    %roll3A_537 = tpu.dynamic_rotate %select_n3A_528 by %roll3A_536 dim 1 : vector<100x128xi32>, i32 -> vector<100x128xi32>
    %roll3A_538 = arith.constant 127 : i32
    %roll3A_539 = tpu.dynamic_rotate %select_n3A_528 by %roll3A_538 dim 1 : vector<100x128xi32>, i32 -> vector<100x128xi32>
    %select_n3A_540 = arith.select %ne3A_535, %roll3A_537, %roll3A_539 : vector<100x128xi1>, vector<100x128xi32>
    %roll3A_541 = arith.constant 1 : i32
    %roll3A_542 = tpu.dynamic_rotate %select_n3A_529 by %roll3A_541 dim 1 : vector<100x128xi32>, i32 -> vector<100x128xi32>
    %roll3A_543 = arith.constant 127 : i32
    %roll3A_544 = tpu.dynamic_rotate %select_n3A_529 by %roll3A_543 dim 1 : vector<100x128xi32>, i32 -> vector<100x128xi32>
    %select_n3A_545 = arith.select %ne3A_535, %roll3A_542, %roll3A_544 : vector<100x128xi1>, vector<100x128xi32>
    %gt3A_546 = arith.cmpi sgt, %select_n3A_528, %select_n3A_540 : vector<100x128xi32>
    %eq3A_547 = arith.cmpi eq, %select_n3A_528, %select_n3A_540 : vector<100x128xi32>
    %lt3A_548 = arith.cmpi slt, %select_n3A_529, %select_n3A_545 : vector<100x128xi32>
    %and3A_549 = arith.andi %eq3A_547, %lt3A_548 : vector<100x128xi1>
    %or3A_550 = arith.ori %gt3A_546, %and3A_549 : vector<100x128xi1>
    %and3A_551 = arith.constant 32 : i32
    %and3A_552 = vector.broadcast %and3A_551 : i32 to vector<100x128xi32>
    %and3A_553 = arith.andi %iota3A_45, %and3A_552 : vector<100x128xi32>
    %ne3A_554 = arith.constant 0 : i32
    %ne3A_555 = vector.broadcast %ne3A_554 : i32 to vector<100x128xi32>
    %ne3A_556 = arith.cmpi ne, %and3A_553, %ne3A_555 : vector<100x128xi32>
    %eq3A_557 = arith.xori %ne3A_535, %ne3A_556 : vector<100x128xi1>
    %eq3A_558 = arith.constant dense<true> : vector<100x128xi1>
    %eq3A_559 = arith.xori %eq3A_557, %eq3A_558 : vector<100x128xi1>
    %eq3A_560 = arith.xori %eq3A_559, %or3A_550 : vector<100x128xi1>
    %eq3A_561 = arith.constant dense<true> : vector<100x128xi1>
    %eq3A_562 = arith.xori %eq3A_560, %eq3A_561 : vector<100x128xi1>
    %select_n3A_563 = arith.select %eq3A_562, %select_n3A_528, %select_n3A_540 : vector<100x128xi1>, vector<100x128xi32>
    %select_n3A_564 = arith.select %eq3A_562, %select_n3A_529, %select_n3A_545 : vector<100x128xi1>, vector<100x128xi32>
    %and3A_565 = arith.constant 32 : i32
    %and3A_566 = vector.broadcast %and3A_565 : i32 to vector<100x128xi32>
    %and3A_567 = arith.andi %iota3A_45, %and3A_566 : vector<100x128xi32>
    %ne3A_568 = arith.constant 0 : i32
    %ne3A_569 = vector.broadcast %ne3A_568 : i32 to vector<100x128xi32>
    %ne3A_570 = arith.cmpi ne, %and3A_567, %ne3A_569 : vector<100x128xi32>
    %roll3A_571 = arith.constant 32 : i32
    %roll3A_572 = tpu.dynamic_rotate %select_n3A_563 by %roll3A_571 dim 1 : vector<100x128xi32>, i32 -> vector<100x128xi32>
    %roll3A_573 = arith.constant 96 : i32
    %roll3A_574 = tpu.dynamic_rotate %select_n3A_563 by %roll3A_573 dim 1 : vector<100x128xi32>, i32 -> vector<100x128xi32>
    %select_n3A_575 = arith.select %ne3A_570, %roll3A_572, %roll3A_574 : vector<100x128xi1>, vector<100x128xi32>
    %roll3A_576 = arith.constant 32 : i32
    %roll3A_577 = tpu.dynamic_rotate %select_n3A_564 by %roll3A_576 dim 1 : vector<100x128xi32>, i32 -> vector<100x128xi32>
    %roll3A_578 = arith.constant 96 : i32
    %roll3A_579 = tpu.dynamic_rotate %select_n3A_564 by %roll3A_578 dim 1 : vector<100x128xi32>, i32 -> vector<100x128xi32>
    %select_n3A_580 = arith.select %ne3A_570, %roll3A_577, %roll3A_579 : vector<100x128xi1>, vector<100x128xi32>
    %gt3A_581 = arith.cmpi sgt, %select_n3A_563, %select_n3A_575 : vector<100x128xi32>
    %eq3A_582 = arith.cmpi eq, %select_n3A_563, %select_n3A_575 : vector<100x128xi32>
    %lt3A_583 = arith.cmpi slt, %select_n3A_564, %select_n3A_580 : vector<100x128xi32>
    %and3A_584 = arith.andi %eq3A_582, %lt3A_583 : vector<100x128xi1>
    %or3A_585 = arith.ori %gt3A_581, %and3A_584 : vector<100x128xi1>
    %and3A_586 = arith.constant 64 : i32
    %and3A_587 = vector.broadcast %and3A_586 : i32 to vector<100x128xi32>
    %and3A_588 = arith.andi %iota3A_45, %and3A_587 : vector<100x128xi32>
    %ne3A_589 = arith.constant 0 : i32
    %ne3A_590 = vector.broadcast %ne3A_589 : i32 to vector<100x128xi32>
    %ne3A_591 = arith.cmpi ne, %and3A_588, %ne3A_590 : vector<100x128xi32>
    %eq3A_592 = arith.xori %ne3A_570, %ne3A_591 : vector<100x128xi1>
    %eq3A_593 = arith.constant dense<true> : vector<100x128xi1>
    %eq3A_594 = arith.xori %eq3A_592, %eq3A_593 : vector<100x128xi1>
    %eq3A_595 = arith.xori %eq3A_594, %or3A_585 : vector<100x128xi1>
    %eq3A_596 = arith.constant dense<true> : vector<100x128xi1>
    %eq3A_597 = arith.xori %eq3A_595, %eq3A_596 : vector<100x128xi1>
    %select_n3A_598 = arith.select %eq3A_597, %select_n3A_563, %select_n3A_575 : vector<100x128xi1>, vector<100x128xi32>
    %select_n3A_599 = arith.select %eq3A_597, %select_n3A_564, %select_n3A_580 : vector<100x128xi1>, vector<100x128xi32>
    %and3A_600 = arith.constant 16 : i32
    %and3A_601 = vector.broadcast %and3A_600 : i32 to vector<100x128xi32>
    %and3A_602 = arith.andi %iota3A_45, %and3A_601 : vector<100x128xi32>
    %ne3A_603 = arith.constant 0 : i32
    %ne3A_604 = vector.broadcast %ne3A_603 : i32 to vector<100x128xi32>
    %ne3A_605 = arith.cmpi ne, %and3A_602, %ne3A_604 : vector<100x128xi32>
    %roll3A_606 = arith.constant 16 : i32
    %roll3A_607 = tpu.dynamic_rotate %select_n3A_598 by %roll3A_606 dim 1 : vector<100x128xi32>, i32 -> vector<100x128xi32>
    %roll3A_608 = arith.constant 112 : i32
    %roll3A_609 = tpu.dynamic_rotate %select_n3A_598 by %roll3A_608 dim 1 : vector<100x128xi32>, i32 -> vector<100x128xi32>
    %select_n3A_610 = arith.select %ne3A_605, %roll3A_607, %roll3A_609 : vector<100x128xi1>, vector<100x128xi32>
    %roll3A_611 = arith.constant 16 : i32
    %roll3A_612 = tpu.dynamic_rotate %select_n3A_599 by %roll3A_611 dim 1 : vector<100x128xi32>, i32 -> vector<100x128xi32>
    %roll3A_613 = arith.constant 112 : i32
    %roll3A_614 = tpu.dynamic_rotate %select_n3A_599 by %roll3A_613 dim 1 : vector<100x128xi32>, i32 -> vector<100x128xi32>
    %select_n3A_615 = arith.select %ne3A_605, %roll3A_612, %roll3A_614 : vector<100x128xi1>, vector<100x128xi32>
    %gt3A_616 = arith.cmpi sgt, %select_n3A_598, %select_n3A_610 : vector<100x128xi32>
    %eq3A_617 = arith.cmpi eq, %select_n3A_598, %select_n3A_610 : vector<100x128xi32>
    %lt3A_618 = arith.cmpi slt, %select_n3A_599, %select_n3A_615 : vector<100x128xi32>
    %and3A_619 = arith.andi %eq3A_617, %lt3A_618 : vector<100x128xi1>
    %or3A_620 = arith.ori %gt3A_616, %and3A_619 : vector<100x128xi1>
    %and3A_621 = arith.constant 64 : i32
    %and3A_622 = vector.broadcast %and3A_621 : i32 to vector<100x128xi32>
    %and3A_623 = arith.andi %iota3A_45, %and3A_622 : vector<100x128xi32>
    %ne3A_624 = arith.constant 0 : i32
    %ne3A_625 = vector.broadcast %ne3A_624 : i32 to vector<100x128xi32>
    %ne3A_626 = arith.cmpi ne, %and3A_623, %ne3A_625 : vector<100x128xi32>
    %eq3A_627 = arith.xori %ne3A_605, %ne3A_626 : vector<100x128xi1>
    %eq3A_628 = arith.constant dense<true> : vector<100x128xi1>
    %eq3A_629 = arith.xori %eq3A_627, %eq3A_628 : vector<100x128xi1>
    %eq3A_630 = arith.xori %eq3A_629, %or3A_620 : vector<100x128xi1>
    %eq3A_631 = arith.constant dense<true> : vector<100x128xi1>
    %eq3A_632 = arith.xori %eq3A_630, %eq3A_631 : vector<100x128xi1>
    %select_n3A_633 = arith.select %eq3A_632, %select_n3A_598, %select_n3A_610 : vector<100x128xi1>, vector<100x128xi32>
    %select_n3A_634 = arith.select %eq3A_632, %select_n3A_599, %select_n3A_615 : vector<100x128xi1>, vector<100x128xi32>
    %and3A_635 = arith.constant 8 : i32
    %and3A_636 = vector.broadcast %and3A_635 : i32 to vector<100x128xi32>
    %and3A_637 = arith.andi %iota3A_45, %and3A_636 : vector<100x128xi32>
    %ne3A_638 = arith.constant 0 : i32
    %ne3A_639 = vector.broadcast %ne3A_638 : i32 to vector<100x128xi32>
    %ne3A_640 = arith.cmpi ne, %and3A_637, %ne3A_639 : vector<100x128xi32>
    %roll3A_641 = arith.constant 8 : i32
    %roll3A_642 = tpu.dynamic_rotate %select_n3A_633 by %roll3A_641 dim 1 : vector<100x128xi32>, i32 -> vector<100x128xi32>
    %roll3A_643 = arith.constant 120 : i32
    %roll3A_644 = tpu.dynamic_rotate %select_n3A_633 by %roll3A_643 dim 1 : vector<100x128xi32>, i32 -> vector<100x128xi32>
    %select_n3A_645 = arith.select %ne3A_640, %roll3A_642, %roll3A_644 : vector<100x128xi1>, vector<100x128xi32>
    %roll3A_646 = arith.constant 8 : i32
    %roll3A_647 = tpu.dynamic_rotate %select_n3A_634 by %roll3A_646 dim 1 : vector<100x128xi32>, i32 -> vector<100x128xi32>
    %roll3A_648 = arith.constant 120 : i32
    %roll3A_649 = tpu.dynamic_rotate %select_n3A_634 by %roll3A_648 dim 1 : vector<100x128xi32>, i32 -> vector<100x128xi32>
    %select_n3A_650 = arith.select %ne3A_640, %roll3A_647, %roll3A_649 : vector<100x128xi1>, vector<100x128xi32>
    %gt3A_651 = arith.cmpi sgt, %select_n3A_633, %select_n3A_645 : vector<100x128xi32>
    %eq3A_652 = arith.cmpi eq, %select_n3A_633, %select_n3A_645 : vector<100x128xi32>
    %lt3A_653 = arith.cmpi slt, %select_n3A_634, %select_n3A_650 : vector<100x128xi32>
    %and3A_654 = arith.andi %eq3A_652, %lt3A_653 : vector<100x128xi1>
    %or3A_655 = arith.ori %gt3A_651, %and3A_654 : vector<100x128xi1>
    %and3A_656 = arith.constant 64 : i32
    %and3A_657 = vector.broadcast %and3A_656 : i32 to vector<100x128xi32>
    %and3A_658 = arith.andi %iota3A_45, %and3A_657 : vector<100x128xi32>
    %ne3A_659 = arith.constant 0 : i32
    %ne3A_660 = vector.broadcast %ne3A_659 : i32 to vector<100x128xi32>
    %ne3A_661 = arith.cmpi ne, %and3A_658, %ne3A_660 : vector<100x128xi32>
    %eq3A_662 = arith.xori %ne3A_640, %ne3A_661 : vector<100x128xi1>
    %eq3A_663 = arith.constant dense<true> : vector<100x128xi1>
    %eq3A_664 = arith.xori %eq3A_662, %eq3A_663 : vector<100x128xi1>
    %eq3A_665 = arith.xori %eq3A_664, %or3A_655 : vector<100x128xi1>
    %eq3A_666 = arith.constant dense<true> : vector<100x128xi1>
    %eq3A_667 = arith.xori %eq3A_665, %eq3A_666 : vector<100x128xi1>
    %select_n3A_668 = arith.select %eq3A_667, %select_n3A_633, %select_n3A_645 : vector<100x128xi1>, vector<100x128xi32>
    %select_n3A_669 = arith.select %eq3A_667, %select_n3A_634, %select_n3A_650 : vector<100x128xi1>, vector<100x128xi32>
    %and3A_670 = arith.constant 4 : i32
    %and3A_671 = vector.broadcast %and3A_670 : i32 to vector<100x128xi32>
    %and3A_672 = arith.andi %iota3A_45, %and3A_671 : vector<100x128xi32>
    %ne3A_673 = arith.constant 0 : i32
    %ne3A_674 = vector.broadcast %ne3A_673 : i32 to vector<100x128xi32>
    %ne3A_675 = arith.cmpi ne, %and3A_672, %ne3A_674 : vector<100x128xi32>
    %roll3A_676 = arith.constant 4 : i32
    %roll3A_677 = tpu.dynamic_rotate %select_n3A_668 by %roll3A_676 dim 1 : vector<100x128xi32>, i32 -> vector<100x128xi32>
    %roll3A_678 = arith.constant 124 : i32
    %roll3A_679 = tpu.dynamic_rotate %select_n3A_668 by %roll3A_678 dim 1 : vector<100x128xi32>, i32 -> vector<100x128xi32>
    %select_n3A_680 = arith.select %ne3A_675, %roll3A_677, %roll3A_679 : vector<100x128xi1>, vector<100x128xi32>
    %roll3A_681 = arith.constant 4 : i32
    %roll3A_682 = tpu.dynamic_rotate %select_n3A_669 by %roll3A_681 dim 1 : vector<100x128xi32>, i32 -> vector<100x128xi32>
    %roll3A_683 = arith.constant 124 : i32
    %roll3A_684 = tpu.dynamic_rotate %select_n3A_669 by %roll3A_683 dim 1 : vector<100x128xi32>, i32 -> vector<100x128xi32>
    %select_n3A_685 = arith.select %ne3A_675, %roll3A_682, %roll3A_684 : vector<100x128xi1>, vector<100x128xi32>
    %gt3A_686 = arith.cmpi sgt, %select_n3A_668, %select_n3A_680 : vector<100x128xi32>
    %eq3A_687 = arith.cmpi eq, %select_n3A_668, %select_n3A_680 : vector<100x128xi32>
    %lt3A_688 = arith.cmpi slt, %select_n3A_669, %select_n3A_685 : vector<100x128xi32>
    %and3A_689 = arith.andi %eq3A_687, %lt3A_688 : vector<100x128xi1>
    %or3A_690 = arith.ori %gt3A_686, %and3A_689 : vector<100x128xi1>
    %and3A_691 = arith.constant 64 : i32
    %and3A_692 = vector.broadcast %and3A_691 : i32 to vector<100x128xi32>
    %and3A_693 = arith.andi %iota3A_45, %and3A_692 : vector<100x128xi32>
    %ne3A_694 = arith.constant 0 : i32
    %ne3A_695 = vector.broadcast %ne3A_694 : i32 to vector<100x128xi32>
    %ne3A_696 = arith.cmpi ne, %and3A_693, %ne3A_695 : vector<100x128xi32>
    %eq3A_697 = arith.xori %ne3A_675, %ne3A_696 : vector<100x128xi1>
    %eq3A_698 = arith.constant dense<true> : vector<100x128xi1>
    %eq3A_699 = arith.xori %eq3A_697, %eq3A_698 : vector<100x128xi1>
    %eq3A_700 = arith.xori %eq3A_699, %or3A_690 : vector<100x128xi1>
    %eq3A_701 = arith.constant dense<true> : vector<100x128xi1>
    %eq3A_702 = arith.xori %eq3A_700, %eq3A_701 : vector<100x128xi1>
    %select_n3A_703 = arith.select %eq3A_702, %select_n3A_668, %select_n3A_680 : vector<100x128xi1>, vector<100x128xi32>
    %select_n3A_704 = arith.select %eq3A_702, %select_n3A_669, %select_n3A_685 : vector<100x128xi1>, vector<100x128xi32>
    %and3A_705 = arith.constant 2 : i32
    %and3A_706 = vector.broadcast %and3A_705 : i32 to vector<100x128xi32>
    %and3A_707 = arith.andi %iota3A_45, %and3A_706 : vector<100x128xi32>
    %ne3A_708 = arith.constant 0 : i32
    %ne3A_709 = vector.broadcast %ne3A_708 : i32 to vector<100x128xi32>
    %ne3A_710 = arith.cmpi ne, %and3A_707, %ne3A_709 : vector<100x128xi32>
    %roll3A_711 = arith.constant 2 : i32
    %roll3A_712 = tpu.dynamic_rotate %select_n3A_703 by %roll3A_711 dim 1 : vector<100x128xi32>, i32 -> vector<100x128xi32>
    %roll3A_713 = arith.constant 126 : i32
    %roll3A_714 = tpu.dynamic_rotate %select_n3A_703 by %roll3A_713 dim 1 : vector<100x128xi32>, i32 -> vector<100x128xi32>
    %select_n3A_715 = arith.select %ne3A_710, %roll3A_712, %roll3A_714 : vector<100x128xi1>, vector<100x128xi32>
    %roll3A_716 = arith.constant 2 : i32
    %roll3A_717 = tpu.dynamic_rotate %select_n3A_704 by %roll3A_716 dim 1 : vector<100x128xi32>, i32 -> vector<100x128xi32>
    %roll3A_718 = arith.constant 126 : i32
    %roll3A_719 = tpu.dynamic_rotate %select_n3A_704 by %roll3A_718 dim 1 : vector<100x128xi32>, i32 -> vector<100x128xi32>
    %select_n3A_720 = arith.select %ne3A_710, %roll3A_717, %roll3A_719 : vector<100x128xi1>, vector<100x128xi32>
    %gt3A_721 = arith.cmpi sgt, %select_n3A_703, %select_n3A_715 : vector<100x128xi32>
    %eq3A_722 = arith.cmpi eq, %select_n3A_703, %select_n3A_715 : vector<100x128xi32>
    %lt3A_723 = arith.cmpi slt, %select_n3A_704, %select_n3A_720 : vector<100x128xi32>
    %and3A_724 = arith.andi %eq3A_722, %lt3A_723 : vector<100x128xi1>
    %or3A_725 = arith.ori %gt3A_721, %and3A_724 : vector<100x128xi1>
    %and3A_726 = arith.constant 64 : i32
    %and3A_727 = vector.broadcast %and3A_726 : i32 to vector<100x128xi32>
    %and3A_728 = arith.andi %iota3A_45, %and3A_727 : vector<100x128xi32>
    %ne3A_729 = arith.constant 0 : i32
    %ne3A_730 = vector.broadcast %ne3A_729 : i32 to vector<100x128xi32>
    %ne3A_731 = arith.cmpi ne, %and3A_728, %ne3A_730 : vector<100x128xi32>
    %eq3A_732 = arith.xori %ne3A_710, %ne3A_731 : vector<100x128xi1>
    %eq3A_733 = arith.constant dense<true> : vector<100x128xi1>
    %eq3A_734 = arith.xori %eq3A_732, %eq3A_733 : vector<100x128xi1>
    %eq3A_735 = arith.xori %eq3A_734, %or3A_725 : vector<100x128xi1>
    %eq3A_736 = arith.constant dense<true> : vector<100x128xi1>
    %eq3A_737 = arith.xori %eq3A_735, %eq3A_736 : vector<100x128xi1>
    %select_n3A_738 = arith.select %eq3A_737, %select_n3A_703, %select_n3A_715 : vector<100x128xi1>, vector<100x128xi32>
    %select_n3A_739 = arith.select %eq3A_737, %select_n3A_704, %select_n3A_720 : vector<100x128xi1>, vector<100x128xi32>
    %and3A_740 = arith.constant 1 : i32
    %and3A_741 = vector.broadcast %and3A_740 : i32 to vector<100x128xi32>
    %and3A_742 = arith.andi %iota3A_45, %and3A_741 : vector<100x128xi32>
    %ne3A_743 = arith.constant 0 : i32
    %ne3A_744 = vector.broadcast %ne3A_743 : i32 to vector<100x128xi32>
    %ne3A_745 = arith.cmpi ne, %and3A_742, %ne3A_744 : vector<100x128xi32>
    %roll3A_746 = arith.constant 1 : i32
    %roll3A_747 = tpu.dynamic_rotate %select_n3A_738 by %roll3A_746 dim 1 : vector<100x128xi32>, i32 -> vector<100x128xi32>
    %roll3A_748 = arith.constant 127 : i32
    %roll3A_749 = tpu.dynamic_rotate %select_n3A_738 by %roll3A_748 dim 1 : vector<100x128xi32>, i32 -> vector<100x128xi32>
    %select_n3A_750 = arith.select %ne3A_745, %roll3A_747, %roll3A_749 : vector<100x128xi1>, vector<100x128xi32>
    %roll3A_751 = arith.constant 1 : i32
    %roll3A_752 = tpu.dynamic_rotate %select_n3A_739 by %roll3A_751 dim 1 : vector<100x128xi32>, i32 -> vector<100x128xi32>
    %roll3A_753 = arith.constant 127 : i32
    %roll3A_754 = tpu.dynamic_rotate %select_n3A_739 by %roll3A_753 dim 1 : vector<100x128xi32>, i32 -> vector<100x128xi32>
    %select_n3A_755 = arith.select %ne3A_745, %roll3A_752, %roll3A_754 : vector<100x128xi1>, vector<100x128xi32>
    %gt3A_756 = arith.cmpi sgt, %select_n3A_738, %select_n3A_750 : vector<100x128xi32>
    %eq3A_757 = arith.cmpi eq, %select_n3A_738, %select_n3A_750 : vector<100x128xi32>
    %lt3A_758 = arith.cmpi slt, %select_n3A_739, %select_n3A_755 : vector<100x128xi32>
    %and3A_759 = arith.andi %eq3A_757, %lt3A_758 : vector<100x128xi1>
    %or3A_760 = arith.ori %gt3A_756, %and3A_759 : vector<100x128xi1>
    %and3A_761 = arith.constant 64 : i32
    %and3A_762 = vector.broadcast %and3A_761 : i32 to vector<100x128xi32>
    %and3A_763 = arith.andi %iota3A_45, %and3A_762 : vector<100x128xi32>
    %ne3A_764 = arith.constant 0 : i32
    %ne3A_765 = vector.broadcast %ne3A_764 : i32 to vector<100x128xi32>
    %ne3A_766 = arith.cmpi ne, %and3A_763, %ne3A_765 : vector<100x128xi32>
    %eq3A_767 = arith.xori %ne3A_745, %ne3A_766 : vector<100x128xi1>
    %eq3A_768 = arith.constant dense<true> : vector<100x128xi1>
    %eq3A_769 = arith.xori %eq3A_767, %eq3A_768 : vector<100x128xi1>
    %eq3A_770 = arith.xori %eq3A_769, %or3A_760 : vector<100x128xi1>
    %eq3A_771 = arith.constant dense<true> : vector<100x128xi1>
    %eq3A_772 = arith.xori %eq3A_770, %eq3A_771 : vector<100x128xi1>
    %select_n3A_773 = arith.select %eq3A_772, %select_n3A_738, %select_n3A_750 : vector<100x128xi1>, vector<100x128xi32>
    %select_n3A_774 = arith.select %eq3A_772, %select_n3A_739, %select_n3A_755 : vector<100x128xi1>, vector<100x128xi32>
    %and3A_775 = arith.constant 64 : i32
    %and3A_776 = vector.broadcast %and3A_775 : i32 to vector<100x128xi32>
    %and3A_777 = arith.andi %iota3A_45, %and3A_776 : vector<100x128xi32>
    %ne3A_778 = arith.constant 0 : i32
    %ne3A_779 = vector.broadcast %ne3A_778 : i32 to vector<100x128xi32>
    %ne3A_780 = arith.cmpi ne, %and3A_777, %ne3A_779 : vector<100x128xi32>
    %roll3A_781 = arith.constant 64 : i32
    %roll3A_782 = tpu.dynamic_rotate %select_n3A_773 by %roll3A_781 dim 1 : vector<100x128xi32>, i32 -> vector<100x128xi32>
    %roll3A_783 = arith.constant 64 : i32
    %roll3A_784 = tpu.dynamic_rotate %select_n3A_773 by %roll3A_783 dim 1 : vector<100x128xi32>, i32 -> vector<100x128xi32>
    %select_n3A_785 = arith.select %ne3A_780, %roll3A_782, %roll3A_784 : vector<100x128xi1>, vector<100x128xi32>
    %roll3A_786 = arith.constant 64 : i32
    %roll3A_787 = tpu.dynamic_rotate %select_n3A_774 by %roll3A_786 dim 1 : vector<100x128xi32>, i32 -> vector<100x128xi32>
    %roll3A_788 = arith.constant 64 : i32
    %roll3A_789 = tpu.dynamic_rotate %select_n3A_774 by %roll3A_788 dim 1 : vector<100x128xi32>, i32 -> vector<100x128xi32>
    %select_n3A_790 = arith.select %ne3A_780, %roll3A_787, %roll3A_789 : vector<100x128xi1>, vector<100x128xi32>
    %gt3A_791 = arith.cmpi sgt, %select_n3A_773, %select_n3A_785 : vector<100x128xi32>
    %eq3A_792 = arith.cmpi eq, %select_n3A_773, %select_n3A_785 : vector<100x128xi32>
    %lt3A_793 = arith.cmpi slt, %select_n3A_774, %select_n3A_790 : vector<100x128xi32>
    %and3A_794 = arith.andi %eq3A_792, %lt3A_793 : vector<100x128xi1>
    %or3A_795 = arith.ori %gt3A_791, %and3A_794 : vector<100x128xi1>
    %and3A_796 = arith.constant 128 : i32
    %and3A_797 = vector.broadcast %and3A_796 : i32 to vector<100x128xi32>
    %and3A_798 = arith.andi %iota3A_45, %and3A_797 : vector<100x128xi32>
    %ne3A_799 = arith.constant 0 : i32
    %ne3A_800 = vector.broadcast %ne3A_799 : i32 to vector<100x128xi32>
    %ne3A_801 = arith.cmpi ne, %and3A_798, %ne3A_800 : vector<100x128xi32>
    %eq3A_802 = arith.xori %ne3A_780, %ne3A_801 : vector<100x128xi1>
    %eq3A_803 = arith.constant dense<true> : vector<100x128xi1>
    %eq3A_804 = arith.xori %eq3A_802, %eq3A_803 : vector<100x128xi1>
    %eq3A_805 = arith.xori %eq3A_804, %or3A_795 : vector<100x128xi1>
    %eq3A_806 = arith.constant dense<true> : vector<100x128xi1>
    %eq3A_807 = arith.xori %eq3A_805, %eq3A_806 : vector<100x128xi1>
    %select_n3A_808 = arith.select %eq3A_807, %select_n3A_773, %select_n3A_785 : vector<100x128xi1>, vector<100x128xi32>
    %select_n3A_809 = arith.select %eq3A_807, %select_n3A_774, %select_n3A_790 : vector<100x128xi1>, vector<100x128xi32>
    %and3A_810 = arith.constant 32 : i32
    %and3A_811 = vector.broadcast %and3A_810 : i32 to vector<100x128xi32>
    %and3A_812 = arith.andi %iota3A_45, %and3A_811 : vector<100x128xi32>
    %ne3A_813 = arith.constant 0 : i32
    %ne3A_814 = vector.broadcast %ne3A_813 : i32 to vector<100x128xi32>
    %ne3A_815 = arith.cmpi ne, %and3A_812, %ne3A_814 : vector<100x128xi32>
    %roll3A_816 = arith.constant 32 : i32
    %roll3A_817 = tpu.dynamic_rotate %select_n3A_808 by %roll3A_816 dim 1 : vector<100x128xi32>, i32 -> vector<100x128xi32>
    %roll3A_818 = arith.constant 96 : i32
    %roll3A_819 = tpu.dynamic_rotate %select_n3A_808 by %roll3A_818 dim 1 : vector<100x128xi32>, i32 -> vector<100x128xi32>
    %select_n3A_820 = arith.select %ne3A_815, %roll3A_817, %roll3A_819 : vector<100x128xi1>, vector<100x128xi32>
    %roll3A_821 = arith.constant 32 : i32
    %roll3A_822 = tpu.dynamic_rotate %select_n3A_809 by %roll3A_821 dim 1 : vector<100x128xi32>, i32 -> vector<100x128xi32>
    %roll3A_823 = arith.constant 96 : i32
    %roll3A_824 = tpu.dynamic_rotate %select_n3A_809 by %roll3A_823 dim 1 : vector<100x128xi32>, i32 -> vector<100x128xi32>
    %select_n3A_825 = arith.select %ne3A_815, %roll3A_822, %roll3A_824 : vector<100x128xi1>, vector<100x128xi32>
    %gt3A_826 = arith.cmpi sgt, %select_n3A_808, %select_n3A_820 : vector<100x128xi32>
    %eq3A_827 = arith.cmpi eq, %select_n3A_808, %select_n3A_820 : vector<100x128xi32>
    %lt3A_828 = arith.cmpi slt, %select_n3A_809, %select_n3A_825 : vector<100x128xi32>
    %and3A_829 = arith.andi %eq3A_827, %lt3A_828 : vector<100x128xi1>
    %or3A_830 = arith.ori %gt3A_826, %and3A_829 : vector<100x128xi1>
    %and3A_831 = arith.constant 128 : i32
    %and3A_832 = vector.broadcast %and3A_831 : i32 to vector<100x128xi32>
    %and3A_833 = arith.andi %iota3A_45, %and3A_832 : vector<100x128xi32>
    %ne3A_834 = arith.constant 0 : i32
    %ne3A_835 = vector.broadcast %ne3A_834 : i32 to vector<100x128xi32>
    %ne3A_836 = arith.cmpi ne, %and3A_833, %ne3A_835 : vector<100x128xi32>
    %eq3A_837 = arith.xori %ne3A_815, %ne3A_836 : vector<100x128xi1>
    %eq3A_838 = arith.constant dense<true> : vector<100x128xi1>
    %eq3A_839 = arith.xori %eq3A_837, %eq3A_838 : vector<100x128xi1>
    %eq3A_840 = arith.xori %eq3A_839, %or3A_830 : vector<100x128xi1>
    %eq3A_841 = arith.constant dense<true> : vector<100x128xi1>
    %eq3A_842 = arith.xori %eq3A_840, %eq3A_841 : vector<100x128xi1>
    %select_n3A_843 = arith.select %eq3A_842, %select_n3A_808, %select_n3A_820 : vector<100x128xi1>, vector<100x128xi32>
    %select_n3A_844 = arith.select %eq3A_842, %select_n3A_809, %select_n3A_825 : vector<100x128xi1>, vector<100x128xi32>
    %and3A_845 = arith.constant 16 : i32
    %and3A_846 = vector.broadcast %and3A_845 : i32 to vector<100x128xi32>
    %and3A_847 = arith.andi %iota3A_45, %and3A_846 : vector<100x128xi32>
    %ne3A_848 = arith.constant 0 : i32
    %ne3A_849 = vector.broadcast %ne3A_848 : i32 to vector<100x128xi32>
    %ne3A_850 = arith.cmpi ne, %and3A_847, %ne3A_849 : vector<100x128xi32>
    %roll3A_851 = arith.constant 16 : i32
    %roll3A_852 = tpu.dynamic_rotate %select_n3A_843 by %roll3A_851 dim 1 : vector<100x128xi32>, i32 -> vector<100x128xi32>
    %roll3A_853 = arith.constant 112 : i32
    %roll3A_854 = tpu.dynamic_rotate %select_n3A_843 by %roll3A_853 dim 1 : vector<100x128xi32>, i32 -> vector<100x128xi32>
    %select_n3A_855 = arith.select %ne3A_850, %roll3A_852, %roll3A_854 : vector<100x128xi1>, vector<100x128xi32>
    %roll3A_856 = arith.constant 16 : i32
    %roll3A_857 = tpu.dynamic_rotate %select_n3A_844 by %roll3A_856 dim 1 : vector<100x128xi32>, i32 -> vector<100x128xi32>
    %roll3A_858 = arith.constant 112 : i32
    %roll3A_859 = tpu.dynamic_rotate %select_n3A_844 by %roll3A_858 dim 1 : vector<100x128xi32>, i32 -> vector<100x128xi32>
    %select_n3A_860 = arith.select %ne3A_850, %roll3A_857, %roll3A_859 : vector<100x128xi1>, vector<100x128xi32>
    %gt3A_861 = arith.cmpi sgt, %select_n3A_843, %select_n3A_855 : vector<100x128xi32>
    %eq3A_862 = arith.cmpi eq, %select_n3A_843, %select_n3A_855 : vector<100x128xi32>
    %lt3A_863 = arith.cmpi slt, %select_n3A_844, %select_n3A_860 : vector<100x128xi32>
    %and3A_864 = arith.andi %eq3A_862, %lt3A_863 : vector<100x128xi1>
    %or3A_865 = arith.ori %gt3A_861, %and3A_864 : vector<100x128xi1>
    %and3A_866 = arith.constant 128 : i32
    %and3A_867 = vector.broadcast %and3A_866 : i32 to vector<100x128xi32>
    %and3A_868 = arith.andi %iota3A_45, %and3A_867 : vector<100x128xi32>
    %ne3A_869 = arith.constant 0 : i32
    %ne3A_870 = vector.broadcast %ne3A_869 : i32 to vector<100x128xi32>
    %ne3A_871 = arith.cmpi ne, %and3A_868, %ne3A_870 : vector<100x128xi32>
    %eq3A_872 = arith.xori %ne3A_850, %ne3A_871 : vector<100x128xi1>
    %eq3A_873 = arith.constant dense<true> : vector<100x128xi1>
    %eq3A_874 = arith.xori %eq3A_872, %eq3A_873 : vector<100x128xi1>
    %eq3A_875 = arith.xori %eq3A_874, %or3A_865 : vector<100x128xi1>
    %eq3A_876 = arith.constant dense<true> : vector<100x128xi1>
    %eq3A_877 = arith.xori %eq3A_875, %eq3A_876 : vector<100x128xi1>
    %select_n3A_878 = arith.select %eq3A_877, %select_n3A_843, %select_n3A_855 : vector<100x128xi1>, vector<100x128xi32>
    %select_n3A_879 = arith.select %eq3A_877, %select_n3A_844, %select_n3A_860 : vector<100x128xi1>, vector<100x128xi32>
    %and3A_880 = arith.constant 8 : i32
    %and3A_881 = vector.broadcast %and3A_880 : i32 to vector<100x128xi32>
    %and3A_882 = arith.andi %iota3A_45, %and3A_881 : vector<100x128xi32>
    %ne3A_883 = arith.constant 0 : i32
    %ne3A_884 = vector.broadcast %ne3A_883 : i32 to vector<100x128xi32>
    %ne3A_885 = arith.cmpi ne, %and3A_882, %ne3A_884 : vector<100x128xi32>
    %roll3A_886 = arith.constant 8 : i32
    %roll3A_887 = tpu.dynamic_rotate %select_n3A_878 by %roll3A_886 dim 1 : vector<100x128xi32>, i32 -> vector<100x128xi32>
    %roll3A_888 = arith.constant 120 : i32
    %roll3A_889 = tpu.dynamic_rotate %select_n3A_878 by %roll3A_888 dim 1 : vector<100x128xi32>, i32 -> vector<100x128xi32>
    %select_n3A_890 = arith.select %ne3A_885, %roll3A_887, %roll3A_889 : vector<100x128xi1>, vector<100x128xi32>
    %roll3A_891 = arith.constant 8 : i32
    %roll3A_892 = tpu.dynamic_rotate %select_n3A_879 by %roll3A_891 dim 1 : vector<100x128xi32>, i32 -> vector<100x128xi32>
    %roll3A_893 = arith.constant 120 : i32
    %roll3A_894 = tpu.dynamic_rotate %select_n3A_879 by %roll3A_893 dim 1 : vector<100x128xi32>, i32 -> vector<100x128xi32>
    %select_n3A_895 = arith.select %ne3A_885, %roll3A_892, %roll3A_894 : vector<100x128xi1>, vector<100x128xi32>
    %gt3A_896 = arith.cmpi sgt, %select_n3A_878, %select_n3A_890 : vector<100x128xi32>
    %eq3A_897 = arith.cmpi eq, %select_n3A_878, %select_n3A_890 : vector<100x128xi32>
    %lt3A_898 = arith.cmpi slt, %select_n3A_879, %select_n3A_895 : vector<100x128xi32>
    %and3A_899 = arith.andi %eq3A_897, %lt3A_898 : vector<100x128xi1>
    %or3A_900 = arith.ori %gt3A_896, %and3A_899 : vector<100x128xi1>
    %and3A_901 = arith.constant 128 : i32
    %and3A_902 = vector.broadcast %and3A_901 : i32 to vector<100x128xi32>
    %and3A_903 = arith.andi %iota3A_45, %and3A_902 : vector<100x128xi32>
    %ne3A_904 = arith.constant 0 : i32
    %ne3A_905 = vector.broadcast %ne3A_904 : i32 to vector<100x128xi32>
    %ne3A_906 = arith.cmpi ne, %and3A_903, %ne3A_905 : vector<100x128xi32>
    %eq3A_907 = arith.xori %ne3A_885, %ne3A_906 : vector<100x128xi1>
    %eq3A_908 = arith.constant dense<true> : vector<100x128xi1>
    %eq3A_909 = arith.xori %eq3A_907, %eq3A_908 : vector<100x128xi1>
    %eq3A_910 = arith.xori %eq3A_909, %or3A_900 : vector<100x128xi1>
    %eq3A_911 = arith.constant dense<true> : vector<100x128xi1>
    %eq3A_912 = arith.xori %eq3A_910, %eq3A_911 : vector<100x128xi1>
    %select_n3A_913 = arith.select %eq3A_912, %select_n3A_878, %select_n3A_890 : vector<100x128xi1>, vector<100x128xi32>
    %select_n3A_914 = arith.select %eq3A_912, %select_n3A_879, %select_n3A_895 : vector<100x128xi1>, vector<100x128xi32>
    %and3A_915 = arith.constant 4 : i32
    %and3A_916 = vector.broadcast %and3A_915 : i32 to vector<100x128xi32>
    %and3A_917 = arith.andi %iota3A_45, %and3A_916 : vector<100x128xi32>
    %ne3A_918 = arith.constant 0 : i32
    %ne3A_919 = vector.broadcast %ne3A_918 : i32 to vector<100x128xi32>
    %ne3A_920 = arith.cmpi ne, %and3A_917, %ne3A_919 : vector<100x128xi32>
    %roll3A_921 = arith.constant 4 : i32
    %roll3A_922 = tpu.dynamic_rotate %select_n3A_913 by %roll3A_921 dim 1 : vector<100x128xi32>, i32 -> vector<100x128xi32>
    %roll3A_923 = arith.constant 124 : i32
    %roll3A_924 = tpu.dynamic_rotate %select_n3A_913 by %roll3A_923 dim 1 : vector<100x128xi32>, i32 -> vector<100x128xi32>
    %select_n3A_925 = arith.select %ne3A_920, %roll3A_922, %roll3A_924 : vector<100x128xi1>, vector<100x128xi32>
    %roll3A_926 = arith.constant 4 : i32
    %roll3A_927 = tpu.dynamic_rotate %select_n3A_914 by %roll3A_926 dim 1 : vector<100x128xi32>, i32 -> vector<100x128xi32>
    %roll3A_928 = arith.constant 124 : i32
    %roll3A_929 = tpu.dynamic_rotate %select_n3A_914 by %roll3A_928 dim 1 : vector<100x128xi32>, i32 -> vector<100x128xi32>
    %select_n3A_930 = arith.select %ne3A_920, %roll3A_927, %roll3A_929 : vector<100x128xi1>, vector<100x128xi32>
    %gt3A_931 = arith.cmpi sgt, %select_n3A_913, %select_n3A_925 : vector<100x128xi32>
    %eq3A_932 = arith.cmpi eq, %select_n3A_913, %select_n3A_925 : vector<100x128xi32>
    %lt3A_933 = arith.cmpi slt, %select_n3A_914, %select_n3A_930 : vector<100x128xi32>
    %and3A_934 = arith.andi %eq3A_932, %lt3A_933 : vector<100x128xi1>
    %or3A_935 = arith.ori %gt3A_931, %and3A_934 : vector<100x128xi1>
    %and3A_936 = arith.constant 128 : i32
    %and3A_937 = vector.broadcast %and3A_936 : i32 to vector<100x128xi32>
    %and3A_938 = arith.andi %iota3A_45, %and3A_937 : vector<100x128xi32>
    %ne3A_939 = arith.constant 0 : i32
    %ne3A_940 = vector.broadcast %ne3A_939 : i32 to vector<100x128xi32>
    %ne3A_941 = arith.cmpi ne, %and3A_938, %ne3A_940 : vector<100x128xi32>
    %eq3A_942 = arith.xori %ne3A_920, %ne3A_941 : vector<100x128xi1>
    %eq3A_943 = arith.constant dense<true> : vector<100x128xi1>
    %eq3A_944 = arith.xori %eq3A_942, %eq3A_943 : vector<100x128xi1>
    %eq3A_945 = arith.xori %eq3A_944, %or3A_935 : vector<100x128xi1>
    %eq3A_946 = arith.constant dense<true> : vector<100x128xi1>
    %eq3A_947 = arith.xori %eq3A_945, %eq3A_946 : vector<100x128xi1>
    %select_n3A_948 = arith.select %eq3A_947, %select_n3A_913, %select_n3A_925 : vector<100x128xi1>, vector<100x128xi32>
    %select_n3A_949 = arith.select %eq3A_947, %select_n3A_914, %select_n3A_930 : vector<100x128xi1>, vector<100x128xi32>
    %and3A_950 = arith.constant 2 : i32
    %and3A_951 = vector.broadcast %and3A_950 : i32 to vector<100x128xi32>
    %and3A_952 = arith.andi %iota3A_45, %and3A_951 : vector<100x128xi32>
    %ne3A_953 = arith.constant 0 : i32
    %ne3A_954 = vector.broadcast %ne3A_953 : i32 to vector<100x128xi32>
    %ne3A_955 = arith.cmpi ne, %and3A_952, %ne3A_954 : vector<100x128xi32>
    %roll3A_956 = arith.constant 2 : i32
    %roll3A_957 = tpu.dynamic_rotate %select_n3A_948 by %roll3A_956 dim 1 : vector<100x128xi32>, i32 -> vector<100x128xi32>
    %roll3A_958 = arith.constant 126 : i32
    %roll3A_959 = tpu.dynamic_rotate %select_n3A_948 by %roll3A_958 dim 1 : vector<100x128xi32>, i32 -> vector<100x128xi32>
    %select_n3A_960 = arith.select %ne3A_955, %roll3A_957, %roll3A_959 : vector<100x128xi1>, vector<100x128xi32>
    %roll3A_961 = arith.constant 2 : i32
    %roll3A_962 = tpu.dynamic_rotate %select_n3A_949 by %roll3A_961 dim 1 : vector<100x128xi32>, i32 -> vector<100x128xi32>
    %roll3A_963 = arith.constant 126 : i32
    %roll3A_964 = tpu.dynamic_rotate %select_n3A_949 by %roll3A_963 dim 1 : vector<100x128xi32>, i32 -> vector<100x128xi32>
    %select_n3A_965 = arith.select %ne3A_955, %roll3A_962, %roll3A_964 : vector<100x128xi1>, vector<100x128xi32>
    %gt3A_966 = arith.cmpi sgt, %select_n3A_948, %select_n3A_960 : vector<100x128xi32>
    %eq3A_967 = arith.cmpi eq, %select_n3A_948, %select_n3A_960 : vector<100x128xi32>
    %lt3A_968 = arith.cmpi slt, %select_n3A_949, %select_n3A_965 : vector<100x128xi32>
    %and3A_969 = arith.andi %eq3A_967, %lt3A_968 : vector<100x128xi1>
    %or3A_970 = arith.ori %gt3A_966, %and3A_969 : vector<100x128xi1>
    %and3A_971 = arith.constant 128 : i32
    %and3A_972 = vector.broadcast %and3A_971 : i32 to vector<100x128xi32>
    %and3A_973 = arith.andi %iota3A_45, %and3A_972 : vector<100x128xi32>
    %ne3A_974 = arith.constant 0 : i32
    %ne3A_975 = vector.broadcast %ne3A_974 : i32 to vector<100x128xi32>
    %ne3A_976 = arith.cmpi ne, %and3A_973, %ne3A_975 : vector<100x128xi32>
    %eq3A_977 = arith.xori %ne3A_955, %ne3A_976 : vector<100x128xi1>
    %eq3A_978 = arith.constant dense<true> : vector<100x128xi1>
    %eq3A_979 = arith.xori %eq3A_977, %eq3A_978 : vector<100x128xi1>
    %eq3A_980 = arith.xori %eq3A_979, %or3A_970 : vector<100x128xi1>
    %eq3A_981 = arith.constant dense<true> : vector<100x128xi1>
    %eq3A_982 = arith.xori %eq3A_980, %eq3A_981 : vector<100x128xi1>
    %select_n3A_983 = arith.select %eq3A_982, %select_n3A_948, %select_n3A_960 : vector<100x128xi1>, vector<100x128xi32>
    %select_n3A_984 = arith.select %eq3A_982, %select_n3A_949, %select_n3A_965 : vector<100x128xi1>, vector<100x128xi32>
    %and3A_985 = arith.constant 1 : i32
    %and3A_986 = vector.broadcast %and3A_985 : i32 to vector<100x128xi32>
    %and3A_987 = arith.andi %iota3A_45, %and3A_986 : vector<100x128xi32>
    %ne3A_988 = arith.constant 0 : i32
    %ne3A_989 = vector.broadcast %ne3A_988 : i32 to vector<100x128xi32>
    %ne3A_990 = arith.cmpi ne, %and3A_987, %ne3A_989 : vector<100x128xi32>
    %roll3A_991 = arith.constant 1 : i32
    %roll3A_992 = tpu.dynamic_rotate %select_n3A_983 by %roll3A_991 dim 1 : vector<100x128xi32>, i32 -> vector<100x128xi32>
    %roll3A_993 = arith.constant 127 : i32
    %roll3A_994 = tpu.dynamic_rotate %select_n3A_983 by %roll3A_993 dim 1 : vector<100x128xi32>, i32 -> vector<100x128xi32>
    %select_n3A_995 = arith.select %ne3A_990, %roll3A_992, %roll3A_994 : vector<100x128xi1>, vector<100x128xi32>
    %roll3A_996 = arith.constant 1 : i32
    %roll3A_997 = tpu.dynamic_rotate %select_n3A_984 by %roll3A_996 dim 1 : vector<100x128xi32>, i32 -> vector<100x128xi32>
    %roll3A_998 = arith.constant 127 : i32
    %roll3A_999 = tpu.dynamic_rotate %select_n3A_984 by %roll3A_998 dim 1 : vector<100x128xi32>, i32 -> vector<100x128xi32>
    %select_n3A_1000 = arith.select %ne3A_990, %roll3A_997, %roll3A_999 : vector<100x128xi1>, vector<100x128xi32>
    %gt3A_1001 = arith.cmpi sgt, %select_n3A_983, %select_n3A_995 : vector<100x128xi32>
    %eq3A_1002 = arith.cmpi eq, %select_n3A_983, %select_n3A_995 : vector<100x128xi32>
    %lt3A_1003 = arith.cmpi slt, %select_n3A_984, %select_n3A_1000 : vector<100x128xi32>
    %and3A_1004 = arith.andi %eq3A_1002, %lt3A_1003 : vector<100x128xi1>
    %or3A_1005 = arith.ori %gt3A_1001, %and3A_1004 : vector<100x128xi1>
    %and3A_1006 = arith.constant 128 : i32
    %and3A_1007 = vector.broadcast %and3A_1006 : i32 to vector<100x128xi32>
    %and3A_1008 = arith.andi %iota3A_45, %and3A_1007 : vector<100x128xi32>
    %ne3A_1009 = arith.constant 0 : i32
    %ne3A_1010 = vector.broadcast %ne3A_1009 : i32 to vector<100x128xi32>
    %ne3A_1011 = arith.cmpi ne, %and3A_1008, %ne3A_1010 : vector<100x128xi32>
    %eq3A_1012 = arith.xori %ne3A_990, %ne3A_1011 : vector<100x128xi1>
    %eq3A_1013 = arith.constant dense<true> : vector<100x128xi1>
    %eq3A_1014 = arith.xori %eq3A_1012, %eq3A_1013 : vector<100x128xi1>
    %eq3A_1015 = arith.xori %eq3A_1014, %or3A_1005 : vector<100x128xi1>
    %eq3A_1016 = arith.constant dense<true> : vector<100x128xi1>
    %eq3A_1017 = arith.xori %eq3A_1015, %eq3A_1016 : vector<100x128xi1>
    %select_n3A_1018 = arith.select %eq3A_1017, %select_n3A_983, %select_n3A_995 : vector<100x128xi1>, vector<100x128xi32>
    %select_n3A_1019 = arith.select %eq3A_1017, %select_n3A_984, %select_n3A_1000 : vector<100x128xi1>, vector<100x128xi32>
    %slice3A = vector.extract_strided_slice %select_n3A_1018 {offsets = [0, 0], sizes = [100, 50], strides = [1, 1]} : vector<100x128xi32> to vector<100x50xi32>
    %lt3A_1020 = arith.constant 0 : i32
    %lt3A_1021 = vector.broadcast %lt3A_1020 : i32 to vector<100x50xi32>
    %lt3A_1022 = arith.cmpi slt, %slice3A, %lt3A_1021 : vector<100x50xi32>
    %xor3A_1023 = arith.constant 2147483647 : i32
    %xor3A_1024 = vector.broadcast %xor3A_1023 : i32 to vector<100x50xi32>
    %xor3A_1025 = arith.xori %slice3A, %xor3A_1024 : vector<100x50xi32>
    %select_n3A_1026 = arith.select %lt3A_1022, %xor3A_1025, %slice3A : vector<100x50xi1>, vector<100x50xi32>
    %bitcast_convert_type3A_1027 = tpu.bitcast %select_n3A_1026 : vector<100x50xi32> -> vector<100x50xf32>
    %logistic3A = arith.negf %bitcast_convert_type3A_1027 : vector<100x50xf32>
    %logistic3A_1028 = math.exp %logistic3A : vector<100x50xf32>
    %logistic3A_1029 = arith.constant 1.000000e+00 : f32
    %logistic3A_1030 = vector.broadcast %logistic3A_1029 : f32 to vector<100x50xf32>
    %logistic3A_1031 = arith.addf %logistic3A_1030, %logistic3A_1028 : vector<100x50xf32>
    %logistic3A_1032 = arith.divf %logistic3A_1030, %logistic3A_1031 : vector<100x50xf32>
    %swap3A_1033 = arith.constant 0 : index
    %swap3A_1034 = arith.constant 0 : index
    %swap3A_1035 = arith.constant 0 : index
    %swap3A_1036 = vector.load %arg5[%swap3A_1033, %swap3A_1034, %swap3A_1035] : memref<1x100x50xf32, #tpu.memory_space<vmem>>, vector<1x100x50xf32>
    %swap3A_1037 = vector.shape_cast %swap3A_1036 : vector<1x100x50xf32> to vector<100x50xf32>
    %swap3A_1038 = vector.shape_cast %logistic3A_1032 : vector<100x50xf32> to vector<1x100x50xf32>
    tpu.vector_store %arg5[%swap3A_1033, %swap3A_1034, %swap3A_1035], %swap3A_1038 {strides = array<i32>} : memref<1x100x50xf32, #tpu.memory_space<vmem>>, vector<1x100x50xf32>,
    %slice3A_1039 = vector.extract_strided_slice %select_n3A_1018 {offsets = [0, 49], sizes = [100, 1], strides = [1, 1]} : vector<100x128xi32> to vector<100x1xi32>
    %slice3A_1040 = vector.extract_strided_slice %select_n3A_1019 {offsets = [0, 49], sizes = [100, 1], strides = [1, 1]} : vector<100x128xi32> to vector<100x1xi32>
    %slice3A_1041 = vector.extract_strided_slice %iota3A {offsets = [0, 0], sizes = [100, 100], strides = [1, 1]} : vector<100x128xi32> to vector<100x100xi32>
    %gt3A_1042 = vector.broadcast %slice3A_1039 : vector<100x1xi32> to vector<100x100xi32>
    %gt3A_1043 = arith.cmpi sgt, %select_n3A, %gt3A_1042 : vector<100x100xi32>
    %eq3A_1044 = vector.broadcast %slice3A_1039 : vector<100x1xi32> to vector<100x100xi32>
    %eq3A_1045 = arith.cmpi eq, %select_n3A, %eq3A_1044 : vector<100x100xi32>
    %le3A = vector.broadcast %slice3A_1040 : vector<100x1xi32> to vector<100x100xi32>
    %le3A_1046 = arith.cmpi sle, %slice3A_1041, %le3A : vector<100x100xi32>
    %and3A_1047 = arith.andi %eq3A_1045, %le3A_1046 : vector<100x100xi1>
    %or3A_1048 = arith.ori %gt3A_1043, %and3A_1047 : vector<100x100xi1>
    %convert_element_type3A_1049 = arith.extui %or3A_1048 : vector<100x100xi1> to vector<100x100xi32>
    %convert_element_type3A_1050 = arith.sitofp %convert_element_type3A_1049 : vector<100x100xi32> to vector<100x100xf32>
    %swap3A_1051 = arith.constant 0 : index
    %swap3A_1052 = arith.constant 0 : index
    %swap3A_1053 = arith.constant 0 : index
    %swap3A_1054 = vector.load %arg6[%swap3A_1051, %swap3A_1052, %swap3A_1053] : memref<1x100x100xf32, #tpu.memory_space<vmem>>, vector<1x100x100xf32>
    %swap3A_1055 = vector.shape_cast %swap3A_1054 : vector<1x100x100xf32> to vector<100x100xf32>
    %swap3A_1056 = vector.shape_cast %convert_element_type3A_1050 : vector<100x100xf32> to vector<1x100x100xf32>
    tpu.vector_store %arg6[%swap3A_1051, %swap3A_1052, %swap3A_1053], %swap3A_1056 {strides = array<i32>} : memref<1x100x100xf32, #tpu.memory_space<vmem>>, vector<1x100x100xf32>,
    %reshape3A_1057 = vector.shape_cast %max3A_15 : vector<10000x64xf32> to vector<100x100x64xf32>
    %mul3A_1058 = arith.mulf %get3A_38, %convert_element_type3A_1050 : vector<100x100xf32>
    %reshape3A_1059 = vector.shape_cast %mul3A_1058 : vector<100x100xf32> to vector<100x100x1xf32>
    %mul3A_1060 = vector.broadcast %reshape3A_1059 : vector<100x100x1xf32> to vector<100x100x64xf32>
    %mul3A_1061 = arith.mulf %reshape3A_1057, %mul3A_1060 : vector<100x100x64xf32>
    %reshape3A_1062 = vector.shape_cast %convert_element_type3A_1050 : vector<100x100xf32> to vector<100x100x1xf32>
    %gt3A_1063 = arith.constant 0.000000e+00 : f32
    %gt3A_1064 = vector.broadcast %gt3A_1063 : f32 to vector<100x100x1xf32>
    %gt3A_1065 = arith.cmpf ogt, %reshape3A_1062, %gt3A_1064 : vector<100x100x1xf32>
    %jit3A = arith.constant 0xFF800000 : f32
    %broadcast_in_dim3A_1066 = vector.shape_cast %gt3A_1065 : vector<100x100x1xi1> to vector<100x100x1xi1>
    %broadcast_in_dim3A_1067 = vector.broadcast %broadcast_in_dim3A_1066 : vector<100x100x1xi1> to vector<100x100x64xi1>
    %broadcast_in_dim3A_1068 = vector.broadcast %jit3A : f32 to vector<100x100x64xf32>
    %select_n3A_1069 = arith.select %broadcast_in_dim3A_1067, %mul3A_1061, %broadcast_in_dim3A_1068 : vector<100x100x64xi1>, vector<100x100x64xf32>
    %reduce_max3A = arith.constant dense<0xFF800000> : vector<100x64xf32>
    %reduce_max3A_1070 = vector.multi_reduction <maximumf>, %select_n3A_1069, %reduce_max3A [1] : vector<100x100x64xf32> to vector<100x64xf32>
    %swap3A_1071 = arith.constant 0 : index
    %swap3A_1072 = arith.constant 0 : index
    %swap3A_1073 = arith.constant 0 : index
    %swap3A_1074 = vector.load %arg8[%swap3A_1071, %swap3A_1072, %swap3A_1073] : memref<1x100x128xf32, #tpu.memory_space<vmem>>, vector<1x100x64xf32>
    %swap3A_1075 = vector.shape_cast %swap3A_1074 : vector<1x100x64xf32> to vector<100x64xf32>
    %swap3A_1076 = vector.shape_cast %reduce_max3A_1070 : vector<100x64xf32> to vector<1x100x64xf32>
    tpu.vector_store %arg8[%swap3A_1071, %swap3A_1072, %swap3A_1073], %swap3A_1076 {strides = array<i32>} : memref<1x100x128xf32, #tpu.memory_space<vmem>>, vector<1x100x64xf32>,
    %reduce_sum3A_1077 = arith.constant dense<0.000000e+00> : vector<100x64xf32>
    %reduce_sum3A_1078 = vector.multi_reduction <add>, %mul3A_1061, %reduce_sum3A_1077 [1] : vector<100x100x64xf32> to vector<100x64xf32>
    %mul3A_1079 = arith.constant 2.000000e-02 : f32
    %mul3A_1080 = vector.broadcast %mul3A_1079 : f32 to vector<100x64xf32>
    %mul3A_1081 = arith.mulf %reduce_sum3A_1078, %mul3A_1080 : vector<100x64xf32>
    %swap3A_1082 = arith.constant 0 : index
    %swap3A_1083 = arith.constant 0 : index
    %swap3A_1084 = arith.constant 64 : index
    %swap3A_1085 = vector.load %arg8[%swap3A_1082, %swap3A_1083, %swap3A_1084] : memref<1x100x128xf32, #tpu.memory_space<vmem>>, vector<1x100x64xf32>
    %swap3A_1086 = vector.shape_cast %swap3A_1085 : vector<1x100x64xf32> to vector<100x64xf32>
    %swap3A_1087 = vector.shape_cast %mul3A_1081 : vector<100x64xf32> to vector<1x100x64xf32>
    tpu.vector_store %arg8[%swap3A_1082, %swap3A_1083, %swap3A_1084], %swap3A_1087 {strides = array<i32>} : memref<1x100x128xf32, #tpu.memory_space<vmem>>, vector<1x100x64xf32>,
    %reshape3A_1088 = vector.shape_cast %mul3A_1061 : vector<100x100x64xf32> to vector<10000x64xf32>
    %get3A_1089 = arith.constant 0 : index
    %get3A_1090 = arith.constant 0 : index
    %get3A_1091 = vector.load %arg4[%get3A_1089, %get3A_1090] : memref<64x64xf32, #tpu.memory_space<vmem>>, vector<64x64xf32>
    %dot_general3A = arith.constant dense<0.000000e+00> : vector<10000x64xf32>
    %dot_general3A_1092 = tpu.matmul %reshape3A_1088, %get3A_1091, %dot_general3A {dimension_numbers = #tpu.dot_dimension_numbers<[1], [1], [0], [0], [0, 0, 1, 0], [], []>, transpose_lhs_hint = false} : vector<10000x64xf32>, vector<64x64xf32>, vector<10000x64xf32> -> vector<10000x64xf32>
    %swap3A_1093 = arith.constant 0 : index
    %swap3A_1094 = arith.constant 0 : index
    %swap3A_1095 = vector.load %arg9[%swap3A_1093, %swap3A_1094] : memref<10000x64xf32, #tpu.memory_space<vmem>>, vector<10000x64xf32>
    tpu.vector_store %arg9[%swap3A_1093, %swap3A_1094], %dot_general3A_1092 {strides = array<i32>} : memref<10000x64xf32, #tpu.memory_space<vmem>>, vector<10000x64xf32>,
    return
  }
  func.func @transform_0(%arg0: i32) -> (i32, i32, i32) {
    %c0_i32 = arith.constant 0 : i32
    %c0_i32_0 = arith.constant 0 : i32
    %c0_i32_1 = arith.constant 0 : i32
    return %c0_i32, %arg0, %c0_i32_0 : i32, i32, i32
  }
  func.func @transform_1(%arg0: i32) -> (i32, i32) {
    %c0_i32 = arith.constant 0 : i32
    %c0_i32_0 = arith.constant 0 : i32
    %c0_i32_1 = arith.constant 0 : i32
    return %c0_i32, %c0_i32_0 : i32, i32
  }
  func.func @transform_2(%arg0: i32) -> (i32, i32) {
    %c0_i32 = arith.constant 0 : i32
    %c0_i32_0 = arith.constant 0 : i32
    %c0_i32_1 = arith.constant 0 : i32
    return %c0_i32, %c0_i32_0 : i32, i32
  }
  func.func @transform_3(%arg0: i32) -> (i32, i32) {
    %c0_i32 = arith.constant 0 : i32
    %c0_i32_0 = arith.constant 0 : i32
    %c0_i32_1 = arith.constant 0 : i32
    return %c0_i32, %c0_i32_0 : i32, i32
  }
  func.func @transform_4(%arg0: i32) -> (i32, i32, i32) {
    %c0_i32 = arith.constant 0 : i32
    %c0_i32_0 = arith.constant 0 : i32
    %c0_i32_1 = arith.constant 0 : i32
    return %arg0, %c0_i32, %c0_i32_0 : i32, i32, i32
  }
  func.func @transform_5(%arg0: i32) -> (i32, i32, i32) {
    %c0_i32 = arith.constant 0 : i32
    %c0_i32_0 = arith.constant 0 : i32
    %c0_i32_1 = arith.constant 0 : i32
    return %arg0, %c0_i32, %c0_i32_0 : i32, i32, i32
  }
  func.func @transform_6(%arg0: i32) -> (i32, i32, i32) {
    %c0_i32 = arith.constant 0 : i32
    %c0_i32_0 = arith.constant 0 : i32
    %c0_i32_1 = arith.constant 0 : i32
    return %arg0, %c0_i32, %c0_i32_0 : i32, i32, i32
  }
  func.func @transform_7(%arg0: i32) -> (i32, i32, i32) {
    %c0_i32 = arith.constant 0 : i32
    %c0_i32_0 = arith.constant 0 : i32
    %c0_i32_1 = arith.constant 0 : i32
    return %arg0, %c0_i32, %c0_i32_0 : i32, i32, i32
  }
  func.func @transform_8(%arg0: i32) -> (i32, i32) {
    %c0_i32 = arith.constant 0 : i32
    %c0_i32_0 = arith.constant 0 : i32
    return %arg0, %c0_i32 : i32, i32
  }
}

module attributes {stable_mosaic.version = 14 : i64} {
  func.func @_stage2_body(%arg0: i32, %arg1: memref<2x10000x64xf32, #tpu.memory_space<vmem>>, %arg2: memref<1x64xf32, #tpu.memory_space<vmem>>, %arg3: memref<1x64xf32, #tpu.memory_space<vmem>>, %arg4: memref<1x100x100xf32, #tpu.memory_space<vmem>>, %arg5: memref<1x100x100xf32, #tpu.memory_space<vmem>>, %arg6: memref<1x100x128xf32, #tpu.memory_space<vmem>>, %arg7: memref<512x256xf32, #tpu.memory_space<vmem>>, %arg8: memref<1x512xf32, #tpu.memory_space<vmem>>, %arg9: memref<1x512xf32, #tpu.memory_space<vmem>>, %arg10: memref<1x512xf32, #tpu.memory_space<vmem>>, %arg11: memref<1024x512xf32, #tpu.memory_space<vmem>>, %arg12: memref<1x1024xf32, #tpu.memory_space<vmem>>, %arg13: memref<1x1024xf32, #tpu.memory_space<vmem>>, %arg14: memref<1x1024xf32, #tpu.memory_space<vmem>>, %arg15: memref<2x1024xf32, #tpu.memory_space<vmem>>, %arg16: memref<1x2xf32, #tpu.memory_space<vmem>>, %arg17: memref<128x256xf32, #tpu.memory_space<vmem>>, %arg18: memref<1x128xf32, #tpu.memory_space<vmem>>, %arg19: memref<1x128xf32, #tpu.memory_space<vmem>>, %arg20: memref<1x128xf32, #tpu.memory_space<vmem>>, %arg21: memref<256x128xf32, #tpu.memory_space<vmem>>, %arg22: memref<1x256xf32, #tpu.memory_space<vmem>>, %arg23: memref<1x256xf32, #tpu.memory_space<vmem>>, %arg24: memref<1x256xf32, #tpu.memory_space<vmem>>, %arg25: memref<20x256xf32, #tpu.memory_space<vmem>>, %arg26: memref<1x20xf32, #tpu.memory_space<vmem>>, %arg27: memref<1x100x25xf32, #tpu.memory_space<vmem>>, %arg28: memref<1x100x2xf32, #tpu.memory_space<vmem>>, %arg29: memref<1x100x20xf32, #tpu.memory_space<vmem>>, %arg30: memref<100x100xf32, #tpu.memory_space<vmem>>) attributes {dimension_semantics = [#tpu.dimension_semantics<arbitrary>], iteration_bounds = array<i64: 1>, scalar_prefetch = 0 : i64, scratch_operands = 1 : i64, tpu.core_type = #tpu.core_type<tc>, window_params = [{transform_indices = @transform_0, window_bounds = array<i64: 2, 10000, 64>}, {pipeline_mode = #tpu.pipeline_mode<synchronous>, transform_indices = @transform_1, window_bounds = array<i64: 1, 64>}, {pipeline_mode = #tpu.pipeline_mode<synchronous>, transform_indices = @transform_2, window_bounds = array<i64: 1, 64>}, {transform_indices = @transform_3, window_bounds = array<i64: 1, 100, 100>}, {transform_indices = @transform_4, window_bounds = array<i64: 1, 100, 100>}, {transform_indices = @transform_5, window_bounds = array<i64: 1, 100, 128>}, {pipeline_mode = #tpu.pipeline_mode<synchronous>, transform_indices = @transform_6, window_bounds = array<i64: 512, 256>}, {pipeline_mode = #tpu.pipeline_mode<synchronous>, transform_indices = @transform_7, window_bounds = array<i64: 1, 512>}, {pipeline_mode = #tpu.pipeline_mode<synchronous>, transform_indices = @transform_8, window_bounds = array<i64: 1, 512>}, {pipeline_mode = #tpu.pipeline_mode<synchronous>, transform_indices = @transform_9, window_bounds = array<i64: 1, 512>}, {pipeline_mode = #tpu.pipeline_mode<synchronous>, transform_indices = @transform_10, window_bounds = array<i64: 1024, 512>}, {pipeline_mode = #tpu.pipeline_mode<synchronous>, transform_indices = @transform_11, window_bounds = array<i64: 1, 1024>}, {pipeline_mode = #tpu.pipeline_mode<synchronous>, transform_indices = @transform_12, window_bounds = array<i64: 1, 1024>}, {pipeline_mode = #tpu.pipeline_mode<synchronous>, transform_indices = @transform_13, window_bounds = array<i64: 1, 1024>}, {pipeline_mode = #tpu.pipeline_mode<synchronous>, transform_indices = @transform_14, window_bounds = array<i64: 2, 1024>}, {pipeline_mode = #tpu.pipeline_mode<synchronous>, transform_indices = @transform_15, window_bounds = array<i64: 1, 2>}, {pipeline_mode = #tpu.pipeline_mode<synchronous>, transform_indices = @transform_16, window_bounds = array<i64: 128, 256>}, {pipeline_mode = #tpu.pipeline_mode<synchronous>, transform_indices = @transform_17, window_bounds = array<i64: 1, 128>}, {pipeline_mode = #tpu.pipeline_mode<synchronous>, transform_indices = @transform_18, window_bounds = array<i64: 1, 128>}, {pipeline_mode = #tpu.pipeline_mode<synchronous>, transform_indices = @transform_19, window_bounds = array<i64: 1, 128>}, {pipeline_mode = #tpu.pipeline_mode<synchronous>, transform_indices = @transform_20, window_bounds = array<i64: 256, 128>}, {pipeline_mode = #tpu.pipeline_mode<synchronous>, transform_indices = @transform_21, window_bounds = array<i64: 1, 256>}, {pipeline_mode = #tpu.pipeline_mode<synchronous>, transform_indices = @transform_22, window_bounds = array<i64: 1, 256>}, {pipeline_mode = #tpu.pipeline_mode<synchronous>, transform_indices = @transform_23, window_bounds = array<i64: 1, 256>}, {pipeline_mode = #tpu.pipeline_mode<synchronous>, transform_indices = @transform_24, window_bounds = array<i64: 20, 256>}, {pipeline_mode = #tpu.pipeline_mode<synchronous>, transform_indices = @transform_25, window_bounds = array<i64: 1, 20>}, {transform_indices = @transform_26, window_bounds = array<i64: 1, 100, 25>}, {transform_indices = @transform_27, window_bounds = array<i64: 1, 100, 2>}, {transform_indices = @transform_28, window_bounds = array<i64: 1, 100, 20>}]} {
    %get3A = arith.constant 0 : index
    %get3A_0 = arith.constant 0 : index
    %get3A_1 = arith.constant 0 : index
    %get3A_2 = vector.load %arg1[%get3A, %get3A_0, %get3A_1] : memref<2x10000x64xf32, #tpu.memory_space<vmem>>, vector<1x10000x64xf32>
    %get3A_3 = vector.shape_cast %get3A_2 : vector<1x10000x64xf32> to vector<10000x64xf32>
    %get3A_4 = arith.constant 1 : index
    %get3A_5 = arith.constant 0 : index
    %get3A_6 = arith.constant 0 : index
    %get3A_7 = vector.load %arg1[%get3A_4, %get3A_5, %get3A_6] : memref<2x10000x64xf32, #tpu.memory_space<vmem>>, vector<1x10000x64xf32>
    %get3A_8 = vector.shape_cast %get3A_7 : vector<1x10000x64xf32> to vector<10000x64xf32>
    %add3A = arith.addf %get3A_3, %get3A_8 : vector<10000x64xf32>
    %get3A_9 = arith.constant 0 : index
    %get3A_10 = arith.constant 0 : index
    %get3A_11 = vector.load %arg2[%get3A_9, %get3A_10] : memref<1x64xf32, #tpu.memory_space<vmem>>, vector<1x64xf32>
    %add3A_12 = vector.broadcast %get3A_11 : vector<1x64xf32> to vector<10000x64xf32>
    %add3A_13 = arith.addf %add3A, %add3A_12 : vector<10000x64xf32>
    %max3A = arith.constant 0.000000e+00 : f32
    %max3A_14 = vector.broadcast %max3A : f32 to vector<10000x64xf32>
    %max3A_15 = arith.maximumf %add3A_13, %max3A_14 : vector<10000x64xf32>
    %get3A_16 = arith.constant 0 : index
    %get3A_17 = arith.constant 0 : index
    %get3A_18 = vector.load %arg3[%get3A_16, %get3A_17] : memref<1x64xf32, #tpu.memory_space<vmem>>, vector<1x64xf32>
    %convert_element_type3A = arith.truncf %max3A_15 : vector<10000x64xf32> to vector<10000x64xbf16>
    %convert_element_type3A_19 = arith.extf %convert_element_type3A : vector<10000x64xbf16> to vector<10000x64xf32>
    %convert_element_type3A_20 = arith.truncf %get3A_18 : vector<1x64xf32> to vector<1x64xbf16>
    %convert_element_type3A_21 = arith.extf %convert_element_type3A_20 : vector<1x64xbf16> to vector<1x64xf32>
    %mul3A = arith.mulf %get3A_18, %get3A_18 : vector<1x64xf32>
    %reduce_sum3A = arith.constant dense<0.000000e+00> : vector<1xf32>
    %reduce_sum3A_22 = vector.multi_reduction <add>, %mul3A, %reduce_sum3A [1] : vector<1x64xf32> to vector<1xf32>
    %broadcast_in_dim3A = vector.shape_cast %reduce_sum3A_22 : vector<1xf32> to vector<1x1xf32>
    %sqrt3A = math.sqrt %broadcast_in_dim3A : vector<1x1xf32>
    %mul3A_23 = vector.broadcast %convert_element_type3A_21 : vector<1x64xf32> to vector<10000x64xf32>
    %mul3A_24 = arith.mulf %convert_element_type3A_19, %mul3A_23 : vector<10000x64xf32>
    %reduce_sum3A_25 = arith.constant dense<0.000000e+00> : vector<10000xf32>
    %reduce_sum3A_26 = vector.multi_reduction <add>, %mul3A_24, %reduce_sum3A_25 [1] : vector<10000x64xf32> to vector<10000xf32>
    %broadcast_in_dim3A_27 = vector.shape_cast %reduce_sum3A_26 : vector<10000xf32> to vector<10000x1xf32>
    %div3A = vector.broadcast %sqrt3A : vector<1x1xf32> to vector<10000x1xf32>
    %div3A_28 = arith.divf %broadcast_in_dim3A_27, %div3A : vector<10000x1xf32>
    %tanh3A = math.tanh %div3A_28 : vector<10000x1xf32>
    %reshape3A = vector.shape_cast %tanh3A : vector<10000x1xf32> to vector<100x100xf32>
    %swap3A = arith.constant 0 : index
    %swap3A_29 = arith.constant 0 : index
    %swap3A_30 = vector.load %arg30[%swap3A, %swap3A_29] : memref<100x100xf32, #tpu.memory_space<vmem>>, vector<100x100xf32>
    tpu.vector_store %arg30[%swap3A, %swap3A_29], %reshape3A {strides = array<i32>} : memref<100x100xf32, #tpu.memory_space<vmem>>, vector<100x100xf32>,
    %get3A_31 = arith.constant 0 : index
    %get3A_32 = arith.constant 0 : index
    %get3A_33 = vector.load %arg30[%get3A_31, %get3A_32] : memref<100x100xf32, #tpu.memory_space<vmem>>, vector<100x100xf32>
    %get3A_34 = arith.constant 0 : index
    %get3A_35 = arith.constant 0 : index
    %get3A_36 = arith.constant 0 : index
    %get3A_37 = vector.load %arg5[%get3A_34, %get3A_35, %get3A_36] : memref<1x100x100xf32, #tpu.memory_space<vmem>>, vector<1x100x100xf32>
    %get3A_38 = vector.shape_cast %get3A_37 : vector<1x100x100xf32> to vector<100x100xf32>
    %get3A_39 = arith.constant 0 : index
    %get3A_40 = arith.constant 0 : index
    %get3A_41 = arith.constant 0 : index
    %get3A_42 = vector.load %arg4[%get3A_39, %get3A_40, %get3A_41] : memref<1x100x100xf32, #tpu.memory_space<vmem>>, vector<1x100x100xf32>
    %get3A_43 = vector.shape_cast %get3A_42 : vector<1x100x100xf32> to vector<100x100xf32>
    %gt3A = arith.constant 0.000000e+00 : f32
    %gt3A_44 = vector.broadcast %gt3A : f32 to vector<100x100xf32>
    %gt3A_45 = arith.cmpf ogt, %get3A_43, %gt3A_44 : vector<100x100xf32>
    %jit3A = arith.constant 0xFF800000 : f32
    %broadcast_in_dim3A_46 = vector.broadcast %jit3A : f32 to vector<100x100xf32>
    %select_n3A = arith.select %gt3A_45, %get3A_33, %broadcast_in_dim3A_46 : vector<100x100xi1>, vector<100x100xf32>
    %iota3A = tpu.iota {dimensions = array<i32: 1>} : vector<100x128xi32>
    %bitcast_convert_type3A = tpu.bitcast %select_n3A : vector<100x100xf32> -> vector<100x100xi32>
    %lt3A = arith.constant 0 : i32
    %lt3A_47 = vector.broadcast %lt3A : i32 to vector<100x100xi32>
    %lt3A_48 = arith.cmpi slt, %bitcast_convert_type3A, %lt3A_47 : vector<100x100xi32>
    %xor3A = arith.constant 2147483647 : i32
    %xor3A_49 = vector.broadcast %xor3A : i32 to vector<100x100xi32>
    %xor3A_50 = arith.xori %bitcast_convert_type3A, %xor3A_49 : vector<100x100xi32>
    %select_n3A_51 = arith.select %lt3A_48, %xor3A_50, %bitcast_convert_type3A : vector<100x100xi1>, vector<100x100xi32>
    %bitcast_convert_type3A_52 = tpu.bitcast %get3A_38 : vector<100x100xf32> -> vector<100x100xi32>
    %lt3A_53 = arith.constant 0 : i32
    %lt3A_54 = vector.broadcast %lt3A_53 : i32 to vector<100x100xi32>
    %lt3A_55 = arith.cmpi slt, %bitcast_convert_type3A_52, %lt3A_54 : vector<100x100xi32>
    %xor3A_56 = arith.constant 2147483647 : i32
    %xor3A_57 = vector.broadcast %xor3A_56 : i32 to vector<100x100xi32>
    %xor3A_58 = arith.xori %bitcast_convert_type3A_52, %xor3A_57 : vector<100x100xi32>
    %select_n3A_59 = arith.select %lt3A_55, %xor3A_58, %bitcast_convert_type3A_52 : vector<100x100xi1>, vector<100x100xi32>
    %broadcast_in_dim3A_60 = arith.constant -2147483648 : i32
    %broadcast_in_dim3A_61 = vector.broadcast %broadcast_in_dim3A_60 : i32 to vector<100x28xi32>
    %concatenate3A = tpu.concatenate %select_n3A_51, %broadcast_in_dim3A_61 in 1 : vector<100x100xi32>, vector<100x28xi32> -> vector<100x128xi32>
    %broadcast_in_dim3A_62 = arith.constant -2147483648 : i32
    %broadcast_in_dim3A_63 = vector.broadcast %broadcast_in_dim3A_62 : i32 to vector<100x28xi32>
    %concatenate3A_64 = tpu.concatenate %select_n3A_59, %broadcast_in_dim3A_63 in 1 : vector<100x100xi32>, vector<100x28xi32> -> vector<100x128xi32>
    %iota3A_65 = tpu.iota {dimensions = array<i32: 1>} : vector<100x128xi32>
    %and3A = arith.constant 1 : i32
    %and3A_66 = vector.broadcast %and3A : i32 to vector<100x128xi32>
    %and3A_67 = arith.andi %iota3A_65, %and3A_66 : vector<100x128xi32>
    %ne3A = arith.constant 0 : i32
    %ne3A_68 = vector.broadcast %ne3A : i32 to vector<100x128xi32>
    %ne3A_69 = arith.cmpi ne, %and3A_67, %ne3A_68 : vector<100x128xi32>
    %roll3A = arith.constant 1 : i32
    %roll3A_70 = tpu.dynamic_rotate %concatenate3A by %roll3A dim 1 : vector<100x128xi32>, i32 -> vector<100x128xi32>
    %roll3A_71 = arith.constant 127 : i32
    %roll3A_72 = tpu.dynamic_rotate %concatenate3A by %roll3A_71 dim 1 : vector<100x128xi32>, i32 -> vector<100x128xi32>
    %select_n3A_73 = arith.select %ne3A_69, %roll3A_70, %roll3A_72 : vector<100x128xi1>, vector<100x128xi32>
    %roll3A_74 = arith.constant 1 : i32
    %roll3A_75 = tpu.dynamic_rotate %concatenate3A_64 by %roll3A_74 dim 1 : vector<100x128xi32>, i32 -> vector<100x128xi32>
    %roll3A_76 = arith.constant 127 : i32
    %roll3A_77 = tpu.dynamic_rotate %concatenate3A_64 by %roll3A_76 dim 1 : vector<100x128xi32>, i32 -> vector<100x128xi32>
    %select_n3A_78 = arith.select %ne3A_69, %roll3A_75, %roll3A_77 : vector<100x128xi1>, vector<100x128xi32>
    %roll3A_79 = arith.constant 1 : i32
    %roll3A_80 = tpu.dynamic_rotate %iota3A by %roll3A_79 dim 1 : vector<100x128xi32>, i32 -> vector<100x128xi32>
    %roll3A_81 = arith.constant 127 : i32
    %roll3A_82 = tpu.dynamic_rotate %iota3A by %roll3A_81 dim 1 : vector<100x128xi32>, i32 -> vector<100x128xi32>
    %select_n3A_83 = arith.select %ne3A_69, %roll3A_80, %roll3A_82 : vector<100x128xi1>, vector<100x128xi32>
    %gt3A_84 = arith.cmpi sgt, %concatenate3A, %select_n3A_73 : vector<100x128xi32>
    %eq3A = arith.cmpi eq, %concatenate3A, %select_n3A_73 : vector<100x128xi32>
    %gt3A_85 = arith.cmpi sgt, %concatenate3A_64, %select_n3A_78 : vector<100x128xi32>
    %eq3A_86 = arith.cmpi eq, %concatenate3A_64, %select_n3A_78 : vector<100x128xi32>
    %lt3A_87 = arith.cmpi slt, %iota3A, %select_n3A_83 : vector<100x128xi32>
    %and3A_88 = arith.andi %eq3A_86, %lt3A_87 : vector<100x128xi1>
    %or3A = arith.ori %gt3A_85, %and3A_88 : vector<100x128xi1>
    %and3A_89 = arith.andi %eq3A, %or3A : vector<100x128xi1>
    %or3A_90 = arith.ori %gt3A_84, %and3A_89 : vector<100x128xi1>
    %and3A_91 = arith.constant 2 : i32
    %and3A_92 = vector.broadcast %and3A_91 : i32 to vector<100x128xi32>
    %and3A_93 = arith.andi %iota3A_65, %and3A_92 : vector<100x128xi32>
    %ne3A_94 = arith.constant 0 : i32
    %ne3A_95 = vector.broadcast %ne3A_94 : i32 to vector<100x128xi32>
    %ne3A_96 = arith.cmpi ne, %and3A_93, %ne3A_95 : vector<100x128xi32>
    %eq3A_97 = arith.xori %ne3A_69, %ne3A_96 : vector<100x128xi1>
    %eq3A_98 = arith.constant dense<true> : vector<100x128xi1>
    %eq3A_99 = arith.xori %eq3A_97, %eq3A_98 : vector<100x128xi1>
    %eq3A_100 = arith.xori %eq3A_99, %or3A_90 : vector<100x128xi1>
    %eq3A_101 = arith.constant dense<true> : vector<100x128xi1>
    %eq3A_102 = arith.xori %eq3A_100, %eq3A_101 : vector<100x128xi1>
    %select_n3A_103 = arith.select %eq3A_102, %concatenate3A, %select_n3A_73 : vector<100x128xi1>, vector<100x128xi32>
    %select_n3A_104 = arith.select %eq3A_102, %concatenate3A_64, %select_n3A_78 : vector<100x128xi1>, vector<100x128xi32>
    %select_n3A_105 = arith.select %eq3A_102, %iota3A, %select_n3A_83 : vector<100x128xi1>, vector<100x128xi32>
    %and3A_106 = arith.constant 2 : i32
    %and3A_107 = vector.broadcast %and3A_106 : i32 to vector<100x128xi32>
    %and3A_108 = arith.andi %iota3A_65, %and3A_107 : vector<100x128xi32>
    %ne3A_109 = arith.constant 0 : i32
    %ne3A_110 = vector.broadcast %ne3A_109 : i32 to vector<100x128xi32>
    %ne3A_111 = arith.cmpi ne, %and3A_108, %ne3A_110 : vector<100x128xi32>
    %roll3A_112 = arith.constant 2 : i32
    %roll3A_113 = tpu.dynamic_rotate %select_n3A_103 by %roll3A_112 dim 1 : vector<100x128xi32>, i32 -> vector<100x128xi32>
    %roll3A_114 = arith.constant 126 : i32
    %roll3A_115 = tpu.dynamic_rotate %select_n3A_103 by %roll3A_114 dim 1 : vector<100x128xi32>, i32 -> vector<100x128xi32>
    %select_n3A_116 = arith.select %ne3A_111, %roll3A_113, %roll3A_115 : vector<100x128xi1>, vector<100x128xi32>
    %roll3A_117 = arith.constant 2 : i32
    %roll3A_118 = tpu.dynamic_rotate %select_n3A_104 by %roll3A_117 dim 1 : vector<100x128xi32>, i32 -> vector<100x128xi32>
    %roll3A_119 = arith.constant 126 : i32
    %roll3A_120 = tpu.dynamic_rotate %select_n3A_104 by %roll3A_119 dim 1 : vector<100x128xi32>, i32 -> vector<100x128xi32>
    %select_n3A_121 = arith.select %ne3A_111, %roll3A_118, %roll3A_120 : vector<100x128xi1>, vector<100x128xi32>
    %roll3A_122 = arith.constant 2 : i32
    %roll3A_123 = tpu.dynamic_rotate %select_n3A_105 by %roll3A_122 dim 1 : vector<100x128xi32>, i32 -> vector<100x128xi32>
    %roll3A_124 = arith.constant 126 : i32
    %roll3A_125 = tpu.dynamic_rotate %select_n3A_105 by %roll3A_124 dim 1 : vector<100x128xi32>, i32 -> vector<100x128xi32>
    %select_n3A_126 = arith.select %ne3A_111, %roll3A_123, %roll3A_125 : vector<100x128xi1>, vector<100x128xi32>
    %gt3A_127 = arith.cmpi sgt, %select_n3A_103, %select_n3A_116 : vector<100x128xi32>
    %eq3A_128 = arith.cmpi eq, %select_n3A_103, %select_n3A_116 : vector<100x128xi32>
    %gt3A_129 = arith.cmpi sgt, %select_n3A_104, %select_n3A_121 : vector<100x128xi32>
    %eq3A_130 = arith.cmpi eq, %select_n3A_104, %select_n3A_121 : vector<100x128xi32>
    %lt3A_131 = arith.cmpi slt, %select_n3A_105, %select_n3A_126 : vector<100x128xi32>
    %and3A_132 = arith.andi %eq3A_130, %lt3A_131 : vector<100x128xi1>
    %or3A_133 = arith.ori %gt3A_129, %and3A_132 : vector<100x128xi1>
    %and3A_134 = arith.andi %eq3A_128, %or3A_133 : vector<100x128xi1>
    %or3A_135 = arith.ori %gt3A_127, %and3A_134 : vector<100x128xi1>
    %and3A_136 = arith.constant 4 : i32
    %and3A_137 = vector.broadcast %and3A_136 : i32 to vector<100x128xi32>
    %and3A_138 = arith.andi %iota3A_65, %and3A_137 : vector<100x128xi32>
    %ne3A_139 = arith.constant 0 : i32
    %ne3A_140 = vector.broadcast %ne3A_139 : i32 to vector<100x128xi32>
    %ne3A_141 = arith.cmpi ne, %and3A_138, %ne3A_140 : vector<100x128xi32>
    %eq3A_142 = arith.xori %ne3A_111, %ne3A_141 : vector<100x128xi1>
    %eq3A_143 = arith.constant dense<true> : vector<100x128xi1>
    %eq3A_144 = arith.xori %eq3A_142, %eq3A_143 : vector<100x128xi1>
    %eq3A_145 = arith.xori %eq3A_144, %or3A_135 : vector<100x128xi1>
    %eq3A_146 = arith.constant dense<true> : vector<100x128xi1>
    %eq3A_147 = arith.xori %eq3A_145, %eq3A_146 : vector<100x128xi1>
    %select_n3A_148 = arith.select %eq3A_147, %select_n3A_103, %select_n3A_116 : vector<100x128xi1>, vector<100x128xi32>
    %select_n3A_149 = arith.select %eq3A_147, %select_n3A_104, %select_n3A_121 : vector<100x128xi1>, vector<100x128xi32>
    %select_n3A_150 = arith.select %eq3A_147, %select_n3A_105, %select_n3A_126 : vector<100x128xi1>, vector<100x128xi32>
    %and3A_151 = arith.constant 1 : i32
    %and3A_152 = vector.broadcast %and3A_151 : i32 to vector<100x128xi32>
    %and3A_153 = arith.andi %iota3A_65, %and3A_152 : vector<100x128xi32>
    %ne3A_154 = arith.constant 0 : i32
    %ne3A_155 = vector.broadcast %ne3A_154 : i32 to vector<100x128xi32>
    %ne3A_156 = arith.cmpi ne, %and3A_153, %ne3A_155 : vector<100x128xi32>
    %roll3A_157 = arith.constant 1 : i32
    %roll3A_158 = tpu.dynamic_rotate %select_n3A_148 by %roll3A_157 dim 1 : vector<100x128xi32>, i32 -> vector<100x128xi32>
    %roll3A_159 = arith.constant 127 : i32
    %roll3A_160 = tpu.dynamic_rotate %select_n3A_148 by %roll3A_159 dim 1 : vector<100x128xi32>, i32 -> vector<100x128xi32>
    %select_n3A_161 = arith.select %ne3A_156, %roll3A_158, %roll3A_160 : vector<100x128xi1>, vector<100x128xi32>
    %roll3A_162 = arith.constant 1 : i32
    %roll3A_163 = tpu.dynamic_rotate %select_n3A_149 by %roll3A_162 dim 1 : vector<100x128xi32>, i32 -> vector<100x128xi32>
    %roll3A_164 = arith.constant 127 : i32
    %roll3A_165 = tpu.dynamic_rotate %select_n3A_149 by %roll3A_164 dim 1 : vector<100x128xi32>, i32 -> vector<100x128xi32>
    %select_n3A_166 = arith.select %ne3A_156, %roll3A_163, %roll3A_165 : vector<100x128xi1>, vector<100x128xi32>
    %roll3A_167 = arith.constant 1 : i32
    %roll3A_168 = tpu.dynamic_rotate %select_n3A_150 by %roll3A_167 dim 1 : vector<100x128xi32>, i32 -> vector<100x128xi32>
    %roll3A_169 = arith.constant 127 : i32
    %roll3A_170 = tpu.dynamic_rotate %select_n3A_150 by %roll3A_169 dim 1 : vector<100x128xi32>, i32 -> vector<100x128xi32>
    %select_n3A_171 = arith.select %ne3A_156, %roll3A_168, %roll3A_170 : vector<100x128xi1>, vector<100x128xi32>
    %gt3A_172 = arith.cmpi sgt, %select_n3A_148, %select_n3A_161 : vector<100x128xi32>
    %eq3A_173 = arith.cmpi eq, %select_n3A_148, %select_n3A_161 : vector<100x128xi32>
    %gt3A_174 = arith.cmpi sgt, %select_n3A_149, %select_n3A_166 : vector<100x128xi32>
    %eq3A_175 = arith.cmpi eq, %select_n3A_149, %select_n3A_166 : vector<100x128xi32>
    %lt3A_176 = arith.cmpi slt, %select_n3A_150, %select_n3A_171 : vector<100x128xi32>
    %and3A_177 = arith.andi %eq3A_175, %lt3A_176 : vector<100x128xi1>
    %or3A_178 = arith.ori %gt3A_174, %and3A_177 : vector<100x128xi1>
    %and3A_179 = arith.andi %eq3A_173, %or3A_178 : vector<100x128xi1>
    %or3A_180 = arith.ori %gt3A_172, %and3A_179 : vector<100x128xi1>
    %and3A_181 = arith.constant 4 : i32
    %and3A_182 = vector.broadcast %and3A_181 : i32 to vector<100x128xi32>
    %and3A_183 = arith.andi %iota3A_65, %and3A_182 : vector<100x128xi32>
    %ne3A_184 = arith.constant 0 : i32
    %ne3A_185 = vector.broadcast %ne3A_184 : i32 to vector<100x128xi32>
    %ne3A_186 = arith.cmpi ne, %and3A_183, %ne3A_185 : vector<100x128xi32>
    %eq3A_187 = arith.xori %ne3A_156, %ne3A_186 : vector<100x128xi1>
    %eq3A_188 = arith.constant dense<true> : vector<100x128xi1>
    %eq3A_189 = arith.xori %eq3A_187, %eq3A_188 : vector<100x128xi1>
    %eq3A_190 = arith.xori %eq3A_189, %or3A_180 : vector<100x128xi1>
    %eq3A_191 = arith.constant dense<true> : vector<100x128xi1>
    %eq3A_192 = arith.xori %eq3A_190, %eq3A_191 : vector<100x128xi1>
    %select_n3A_193 = arith.select %eq3A_192, %select_n3A_148, %select_n3A_161 : vector<100x128xi1>, vector<100x128xi32>
    %select_n3A_194 = arith.select %eq3A_192, %select_n3A_149, %select_n3A_166 : vector<100x128xi1>, vector<100x128xi32>
    %select_n3A_195 = arith.select %eq3A_192, %select_n3A_150, %select_n3A_171 : vector<100x128xi1>, vector<100x128xi32>
    %and3A_196 = arith.constant 4 : i32
    %and3A_197 = vector.broadcast %and3A_196 : i32 to vector<100x128xi32>
    %and3A_198 = arith.andi %iota3A_65, %and3A_197 : vector<100x128xi32>
    %ne3A_199 = arith.constant 0 : i32
    %ne3A_200 = vector.broadcast %ne3A_199 : i32 to vector<100x128xi32>
    %ne3A_201 = arith.cmpi ne, %and3A_198, %ne3A_200 : vector<100x128xi32>
    %roll3A_202 = arith.constant 4 : i32
    %roll3A_203 = tpu.dynamic_rotate %select_n3A_193 by %roll3A_202 dim 1 : vector<100x128xi32>, i32 -> vector<100x128xi32>
    %roll3A_204 = arith.constant 124 : i32
    %roll3A_205 = tpu.dynamic_rotate %select_n3A_193 by %roll3A_204 dim 1 : vector<100x128xi32>, i32 -> vector<100x128xi32>
    %select_n3A_206 = arith.select %ne3A_201, %roll3A_203, %roll3A_205 : vector<100x128xi1>, vector<100x128xi32>
    %roll3A_207 = arith.constant 4 : i32
    %roll3A_208 = tpu.dynamic_rotate %select_n3A_194 by %roll3A_207 dim 1 : vector<100x128xi32>, i32 -> vector<100x128xi32>
    %roll3A_209 = arith.constant 124 : i32
    %roll3A_210 = tpu.dynamic_rotate %select_n3A_194 by %roll3A_209 dim 1 : vector<100x128xi32>, i32 -> vector<100x128xi32>
    %select_n3A_211 = arith.select %ne3A_201, %roll3A_208, %roll3A_210 : vector<100x128xi1>, vector<100x128xi32>
    %roll3A_212 = arith.constant 4 : i32
    %roll3A_213 = tpu.dynamic_rotate %select_n3A_195 by %roll3A_212 dim 1 : vector<100x128xi32>, i32 -> vector<100x128xi32>
    %roll3A_214 = arith.constant 124 : i32
    %roll3A_215 = tpu.dynamic_rotate %select_n3A_195 by %roll3A_214 dim 1 : vector<100x128xi32>, i32 -> vector<100x128xi32>
    %select_n3A_216 = arith.select %ne3A_201, %roll3A_213, %roll3A_215 : vector<100x128xi1>, vector<100x128xi32>
    %gt3A_217 = arith.cmpi sgt, %select_n3A_193, %select_n3A_206 : vector<100x128xi32>
    %eq3A_218 = arith.cmpi eq, %select_n3A_193, %select_n3A_206 : vector<100x128xi32>
    %gt3A_219 = arith.cmpi sgt, %select_n3A_194, %select_n3A_211 : vector<100x128xi32>
    %eq3A_220 = arith.cmpi eq, %select_n3A_194, %select_n3A_211 : vector<100x128xi32>
    %lt3A_221 = arith.cmpi slt, %select_n3A_195, %select_n3A_216 : vector<100x128xi32>
    %and3A_222 = arith.andi %eq3A_220, %lt3A_221 : vector<100x128xi1>
    %or3A_223 = arith.ori %gt3A_219, %and3A_222 : vector<100x128xi1>
    %and3A_224 = arith.andi %eq3A_218, %or3A_223 : vector<100x128xi1>
    %or3A_225 = arith.ori %gt3A_217, %and3A_224 : vector<100x128xi1>
    %and3A_226 = arith.constant 8 : i32
    %and3A_227 = vector.broadcast %and3A_226 : i32 to vector<100x128xi32>
    %and3A_228 = arith.andi %iota3A_65, %and3A_227 : vector<100x128xi32>
    %ne3A_229 = arith.constant 0 : i32
    %ne3A_230 = vector.broadcast %ne3A_229 : i32 to vector<100x128xi32>
    %ne3A_231 = arith.cmpi ne, %and3A_228, %ne3A_230 : vector<100x128xi32>
    %eq3A_232 = arith.xori %ne3A_201, %ne3A_231 : vector<100x128xi1>
    %eq3A_233 = arith.constant dense<true> : vector<100x128xi1>
    %eq3A_234 = arith.xori %eq3A_232, %eq3A_233 : vector<100x128xi1>
    %eq3A_235 = arith.xori %eq3A_234, %or3A_225 : vector<100x128xi1>
    %eq3A_236 = arith.constant dense<true> : vector<100x128xi1>
    %eq3A_237 = arith.xori %eq3A_235, %eq3A_236 : vector<100x128xi1>
    %select_n3A_238 = arith.select %eq3A_237, %select_n3A_193, %select_n3A_206 : vector<100x128xi1>, vector<100x128xi32>
    %select_n3A_239 = arith.select %eq3A_237, %select_n3A_194, %select_n3A_211 : vector<100x128xi1>, vector<100x128xi32>
    %select_n3A_240 = arith.select %eq3A_237, %select_n3A_195, %select_n3A_216 : vector<100x128xi1>, vector<100x128xi32>
    %and3A_241 = arith.constant 2 : i32
    %and3A_242 = vector.broadcast %and3A_241 : i32 to vector<100x128xi32>
    %and3A_243 = arith.andi %iota3A_65, %and3A_242 : vector<100x128xi32>
    %ne3A_244 = arith.constant 0 : i32
    %ne3A_245 = vector.broadcast %ne3A_244 : i32 to vector<100x128xi32>
    %ne3A_246 = arith.cmpi ne, %and3A_243, %ne3A_245 : vector<100x128xi32>
    %roll3A_247 = arith.constant 2 : i32
    %roll3A_248 = tpu.dynamic_rotate %select_n3A_238 by %roll3A_247 dim 1 : vector<100x128xi32>, i32 -> vector<100x128xi32>
    %roll3A_249 = arith.constant 126 : i32
    %roll3A_250 = tpu.dynamic_rotate %select_n3A_238 by %roll3A_249 dim 1 : vector<100x128xi32>, i32 -> vector<100x128xi32>
    %select_n3A_251 = arith.select %ne3A_246, %roll3A_248, %roll3A_250 : vector<100x128xi1>, vector<100x128xi32>
    %roll3A_252 = arith.constant 2 : i32
    %roll3A_253 = tpu.dynamic_rotate %select_n3A_239 by %roll3A_252 dim 1 : vector<100x128xi32>, i32 -> vector<100x128xi32>
    %roll3A_254 = arith.constant 126 : i32
    %roll3A_255 = tpu.dynamic_rotate %select_n3A_239 by %roll3A_254 dim 1 : vector<100x128xi32>, i32 -> vector<100x128xi32>
    %select_n3A_256 = arith.select %ne3A_246, %roll3A_253, %roll3A_255 : vector<100x128xi1>, vector<100x128xi32>
    %roll3A_257 = arith.constant 2 : i32
    %roll3A_258 = tpu.dynamic_rotate %select_n3A_240 by %roll3A_257 dim 1 : vector<100x128xi32>, i32 -> vector<100x128xi32>
    %roll3A_259 = arith.constant 126 : i32
    %roll3A_260 = tpu.dynamic_rotate %select_n3A_240 by %roll3A_259 dim 1 : vector<100x128xi32>, i32 -> vector<100x128xi32>
    %select_n3A_261 = arith.select %ne3A_246, %roll3A_258, %roll3A_260 : vector<100x128xi1>, vector<100x128xi32>
    %gt3A_262 = arith.cmpi sgt, %select_n3A_238, %select_n3A_251 : vector<100x128xi32>
    %eq3A_263 = arith.cmpi eq, %select_n3A_238, %select_n3A_251 : vector<100x128xi32>
    %gt3A_264 = arith.cmpi sgt, %select_n3A_239, %select_n3A_256 : vector<100x128xi32>
    %eq3A_265 = arith.cmpi eq, %select_n3A_239, %select_n3A_256 : vector<100x128xi32>
    %lt3A_266 = arith.cmpi slt, %select_n3A_240, %select_n3A_261 : vector<100x128xi32>
    %and3A_267 = arith.andi %eq3A_265, %lt3A_266 : vector<100x128xi1>
    %or3A_268 = arith.ori %gt3A_264, %and3A_267 : vector<100x128xi1>
    %and3A_269 = arith.andi %eq3A_263, %or3A_268 : vector<100x128xi1>
    %or3A_270 = arith.ori %gt3A_262, %and3A_269 : vector<100x128xi1>
    %and3A_271 = arith.constant 8 : i32
    %and3A_272 = vector.broadcast %and3A_271 : i32 to vector<100x128xi32>
    %and3A_273 = arith.andi %iota3A_65, %and3A_272 : vector<100x128xi32>
    %ne3A_274 = arith.constant 0 : i32
    %ne3A_275 = vector.broadcast %ne3A_274 : i32 to vector<100x128xi32>
    %ne3A_276 = arith.cmpi ne, %and3A_273, %ne3A_275 : vector<100x128xi32>
    %eq3A_277 = arith.xori %ne3A_246, %ne3A_276 : vector<100x128xi1>
    %eq3A_278 = arith.constant dense<true> : vector<100x128xi1>
    %eq3A_279 = arith.xori %eq3A_277, %eq3A_278 : vector<100x128xi1>
    %eq3A_280 = arith.xori %eq3A_279, %or3A_270 : vector<100x128xi1>
    %eq3A_281 = arith.constant dense<true> : vector<100x128xi1>
    %eq3A_282 = arith.xori %eq3A_280, %eq3A_281 : vector<100x128xi1>
    %select_n3A_283 = arith.select %eq3A_282, %select_n3A_238, %select_n3A_251 : vector<100x128xi1>, vector<100x128xi32>
    %select_n3A_284 = arith.select %eq3A_282, %select_n3A_239, %select_n3A_256 : vector<100x128xi1>, vector<100x128xi32>
    %select_n3A_285 = arith.select %eq3A_282, %select_n3A_240, %select_n3A_261 : vector<100x128xi1>, vector<100x128xi32>
    %and3A_286 = arith.constant 1 : i32
    %and3A_287 = vector.broadcast %and3A_286 : i32 to vector<100x128xi32>
    %and3A_288 = arith.andi %iota3A_65, %and3A_287 : vector<100x128xi32>
    %ne3A_289 = arith.constant 0 : i32
    %ne3A_290 = vector.broadcast %ne3A_289 : i32 to vector<100x128xi32>
    %ne3A_291 = arith.cmpi ne, %and3A_288, %ne3A_290 : vector<100x128xi32>
    %roll3A_292 = arith.constant 1 : i32
    %roll3A_293 = tpu.dynamic_rotate %select_n3A_283 by %roll3A_292 dim 1 : vector<100x128xi32>, i32 -> vector<100x128xi32>
    %roll3A_294 = arith.constant 127 : i32
    %roll3A_295 = tpu.dynamic_rotate %select_n3A_283 by %roll3A_294 dim 1 : vector<100x128xi32>, i32 -> vector<100x128xi32>
    %select_n3A_296 = arith.select %ne3A_291, %roll3A_293, %roll3A_295 : vector<100x128xi1>, vector<100x128xi32>
    %roll3A_297 = arith.constant 1 : i32
    %roll3A_298 = tpu.dynamic_rotate %select_n3A_284 by %roll3A_297 dim 1 : vector<100x128xi32>, i32 -> vector<100x128xi32>
    %roll3A_299 = arith.constant 127 : i32
    %roll3A_300 = tpu.dynamic_rotate %select_n3A_284 by %roll3A_299 dim 1 : vector<100x128xi32>, i32 -> vector<100x128xi32>
    %select_n3A_301 = arith.select %ne3A_291, %roll3A_298, %roll3A_300 : vector<100x128xi1>, vector<100x128xi32>
    %roll3A_302 = arith.constant 1 : i32
    %roll3A_303 = tpu.dynamic_rotate %select_n3A_285 by %roll3A_302 dim 1 : vector<100x128xi32>, i32 -> vector<100x128xi32>
    %roll3A_304 = arith.constant 127 : i32
    %roll3A_305 = tpu.dynamic_rotate %select_n3A_285 by %roll3A_304 dim 1 : vector<100x128xi32>, i32 -> vector<100x128xi32>
    %select_n3A_306 = arith.select %ne3A_291, %roll3A_303, %roll3A_305 : vector<100x128xi1>, vector<100x128xi32>
    %gt3A_307 = arith.cmpi sgt, %select_n3A_283, %select_n3A_296 : vector<100x128xi32>
    %eq3A_308 = arith.cmpi eq, %select_n3A_283, %select_n3A_296 : vector<100x128xi32>
    %gt3A_309 = arith.cmpi sgt, %select_n3A_284, %select_n3A_301 : vector<100x128xi32>
    %eq3A_310 = arith.cmpi eq, %select_n3A_284, %select_n3A_301 : vector<100x128xi32>
    %lt3A_311 = arith.cmpi slt, %select_n3A_285, %select_n3A_306 : vector<100x128xi32>
    %and3A_312 = arith.andi %eq3A_310, %lt3A_311 : vector<100x128xi1>
    %or3A_313 = arith.ori %gt3A_309, %and3A_312 : vector<100x128xi1>
    %and3A_314 = arith.andi %eq3A_308, %or3A_313 : vector<100x128xi1>
    %or3A_315 = arith.ori %gt3A_307, %and3A_314 : vector<100x128xi1>
    %and3A_316 = arith.constant 8 : i32
    %and3A_317 = vector.broadcast %and3A_316 : i32 to vector<100x128xi32>
    %and3A_318 = arith.andi %iota3A_65, %and3A_317 : vector<100x128xi32>
    %ne3A_319 = arith.constant 0 : i32
    %ne3A_320 = vector.broadcast %ne3A_319 : i32 to vector<100x128xi32>
    %ne3A_321 = arith.cmpi ne, %and3A_318, %ne3A_320 : vector<100x128xi32>
    %eq3A_322 = arith.xori %ne3A_291, %ne3A_321 : vector<100x128xi1>
    %eq3A_323 = arith.constant dense<true> : vector<100x128xi1>
    %eq3A_324 = arith.xori %eq3A_322, %eq3A_323 : vector<100x128xi1>
    %eq3A_325 = arith.xori %eq3A_324, %or3A_315 : vector<100x128xi1>
    %eq3A_326 = arith.constant dense<true> : vector<100x128xi1>
    %eq3A_327 = arith.xori %eq3A_325, %eq3A_326 : vector<100x128xi1>
    %select_n3A_328 = arith.select %eq3A_327, %select_n3A_283, %select_n3A_296 : vector<100x128xi1>, vector<100x128xi32>
    %select_n3A_329 = arith.select %eq3A_327, %select_n3A_284, %select_n3A_301 : vector<100x128xi1>, vector<100x128xi32>
    %select_n3A_330 = arith.select %eq3A_327, %select_n3A_285, %select_n3A_306 : vector<100x128xi1>, vector<100x128xi32>
    %and3A_331 = arith.constant 8 : i32
    %and3A_332 = vector.broadcast %and3A_331 : i32 to vector<100x128xi32>
    %and3A_333 = arith.andi %iota3A_65, %and3A_332 : vector<100x128xi32>
    %ne3A_334 = arith.constant 0 : i32
    %ne3A_335 = vector.broadcast %ne3A_334 : i32 to vector<100x128xi32>
    %ne3A_336 = arith.cmpi ne, %and3A_333, %ne3A_335 : vector<100x128xi32>
    %roll3A_337 = arith.constant 8 : i32
    %roll3A_338 = tpu.dynamic_rotate %select_n3A_328 by %roll3A_337 dim 1 : vector<100x128xi32>, i32 -> vector<100x128xi32>
    %roll3A_339 = arith.constant 120 : i32
    %roll3A_340 = tpu.dynamic_rotate %select_n3A_328 by %roll3A_339 dim 1 : vector<100x128xi32>, i32 -> vector<100x128xi32>
    %select_n3A_341 = arith.select %ne3A_336, %roll3A_338, %roll3A_340 : vector<100x128xi1>, vector<100x128xi32>
    %roll3A_342 = arith.constant 8 : i32
    %roll3A_343 = tpu.dynamic_rotate %select_n3A_329 by %roll3A_342 dim 1 : vector<100x128xi32>, i32 -> vector<100x128xi32>
    %roll3A_344 = arith.constant 120 : i32
    %roll3A_345 = tpu.dynamic_rotate %select_n3A_329 by %roll3A_344 dim 1 : vector<100x128xi32>, i32 -> vector<100x128xi32>
    %select_n3A_346 = arith.select %ne3A_336, %roll3A_343, %roll3A_345 : vector<100x128xi1>, vector<100x128xi32>
    %roll3A_347 = arith.constant 8 : i32
    %roll3A_348 = tpu.dynamic_rotate %select_n3A_330 by %roll3A_347 dim 1 : vector<100x128xi32>, i32 -> vector<100x128xi32>
    %roll3A_349 = arith.constant 120 : i32
    %roll3A_350 = tpu.dynamic_rotate %select_n3A_330 by %roll3A_349 dim 1 : vector<100x128xi32>, i32 -> vector<100x128xi32>
    %select_n3A_351 = arith.select %ne3A_336, %roll3A_348, %roll3A_350 : vector<100x128xi1>, vector<100x128xi32>
    %gt3A_352 = arith.cmpi sgt, %select_n3A_328, %select_n3A_341 : vector<100x128xi32>
    %eq3A_353 = arith.cmpi eq, %select_n3A_328, %select_n3A_341 : vector<100x128xi32>
    %gt3A_354 = arith.cmpi sgt, %select_n3A_329, %select_n3A_346 : vector<100x128xi32>
    %eq3A_355 = arith.cmpi eq, %select_n3A_329, %select_n3A_346 : vector<100x128xi32>
    %lt3A_356 = arith.cmpi slt, %select_n3A_330, %select_n3A_351 : vector<100x128xi32>
    %and3A_357 = arith.andi %eq3A_355, %lt3A_356 : vector<100x128xi1>
    %or3A_358 = arith.ori %gt3A_354, %and3A_357 : vector<100x128xi1>
    %and3A_359 = arith.andi %eq3A_353, %or3A_358 : vector<100x128xi1>
    %or3A_360 = arith.ori %gt3A_352, %and3A_359 : vector<100x128xi1>
    %and3A_361 = arith.constant 16 : i32
    %and3A_362 = vector.broadcast %and3A_361 : i32 to vector<100x128xi32>
    %and3A_363 = arith.andi %iota3A_65, %and3A_362 : vector<100x128xi32>
    %ne3A_364 = arith.constant 0 : i32
    %ne3A_365 = vector.broadcast %ne3A_364 : i32 to vector<100x128xi32>
    %ne3A_366 = arith.cmpi ne, %and3A_363, %ne3A_365 : vector<100x128xi32>
    %eq3A_367 = arith.xori %ne3A_336, %ne3A_366 : vector<100x128xi1>
    %eq3A_368 = arith.constant dense<true> : vector<100x128xi1>
    %eq3A_369 = arith.xori %eq3A_367, %eq3A_368 : vector<100x128xi1>
    %eq3A_370 = arith.xori %eq3A_369, %or3A_360 : vector<100x128xi1>
    %eq3A_371 = arith.constant dense<true> : vector<100x128xi1>
    %eq3A_372 = arith.xori %eq3A_370, %eq3A_371 : vector<100x128xi1>
    %select_n3A_373 = arith.select %eq3A_372, %select_n3A_328, %select_n3A_341 : vector<100x128xi1>, vector<100x128xi32>
    %select_n3A_374 = arith.select %eq3A_372, %select_n3A_329, %select_n3A_346 : vector<100x128xi1>, vector<100x128xi32>
    %select_n3A_375 = arith.select %eq3A_372, %select_n3A_330, %select_n3A_351 : vector<100x128xi1>, vector<100x128xi32>
    %and3A_376 = arith.constant 4 : i32
    %and3A_377 = vector.broadcast %and3A_376 : i32 to vector<100x128xi32>
    %and3A_378 = arith.andi %iota3A_65, %and3A_377 : vector<100x128xi32>
    %ne3A_379 = arith.constant 0 : i32
    %ne3A_380 = vector.broadcast %ne3A_379 : i32 to vector<100x128xi32>
    %ne3A_381 = arith.cmpi ne, %and3A_378, %ne3A_380 : vector<100x128xi32>
    %roll3A_382 = arith.constant 4 : i32
    %roll3A_383 = tpu.dynamic_rotate %select_n3A_373 by %roll3A_382 dim 1 : vector<100x128xi32>, i32 -> vector<100x128xi32>
    %roll3A_384 = arith.constant 124 : i32
    %roll3A_385 = tpu.dynamic_rotate %select_n3A_373 by %roll3A_384 dim 1 : vector<100x128xi32>, i32 -> vector<100x128xi32>
    %select_n3A_386 = arith.select %ne3A_381, %roll3A_383, %roll3A_385 : vector<100x128xi1>, vector<100x128xi32>
    %roll3A_387 = arith.constant 4 : i32
    %roll3A_388 = tpu.dynamic_rotate %select_n3A_374 by %roll3A_387 dim 1 : vector<100x128xi32>, i32 -> vector<100x128xi32>
    %roll3A_389 = arith.constant 124 : i32
    %roll3A_390 = tpu.dynamic_rotate %select_n3A_374 by %roll3A_389 dim 1 : vector<100x128xi32>, i32 -> vector<100x128xi32>
    %select_n3A_391 = arith.select %ne3A_381, %roll3A_388, %roll3A_390 : vector<100x128xi1>, vector<100x128xi32>
    %roll3A_392 = arith.constant 4 : i32
    %roll3A_393 = tpu.dynamic_rotate %select_n3A_375 by %roll3A_392 dim 1 : vector<100x128xi32>, i32 -> vector<100x128xi32>
    %roll3A_394 = arith.constant 124 : i32
    %roll3A_395 = tpu.dynamic_rotate %select_n3A_375 by %roll3A_394 dim 1 : vector<100x128xi32>, i32 -> vector<100x128xi32>
    %select_n3A_396 = arith.select %ne3A_381, %roll3A_393, %roll3A_395 : vector<100x128xi1>, vector<100x128xi32>
    %gt3A_397 = arith.cmpi sgt, %select_n3A_373, %select_n3A_386 : vector<100x128xi32>
    %eq3A_398 = arith.cmpi eq, %select_n3A_373, %select_n3A_386 : vector<100x128xi32>
    %gt3A_399 = arith.cmpi sgt, %select_n3A_374, %select_n3A_391 : vector<100x128xi32>
    %eq3A_400 = arith.cmpi eq, %select_n3A_374, %select_n3A_391 : vector<100x128xi32>
    %lt3A_401 = arith.cmpi slt, %select_n3A_375, %select_n3A_396 : vector<100x128xi32>
    %and3A_402 = arith.andi %eq3A_400, %lt3A_401 : vector<100x128xi1>
    %or3A_403 = arith.ori %gt3A_399, %and3A_402 : vector<100x128xi1>
    %and3A_404 = arith.andi %eq3A_398, %or3A_403 : vector<100x128xi1>
    %or3A_405 = arith.ori %gt3A_397, %and3A_404 : vector<100x128xi1>
    %and3A_406 = arith.constant 16 : i32
    %and3A_407 = vector.broadcast %and3A_406 : i32 to vector<100x128xi32>
    %and3A_408 = arith.andi %iota3A_65, %and3A_407 : vector<100x128xi32>
    %ne3A_409 = arith.constant 0 : i32
    %ne3A_410 = vector.broadcast %ne3A_409 : i32 to vector<100x128xi32>
    %ne3A_411 = arith.cmpi ne, %and3A_408, %ne3A_410 : vector<100x128xi32>
    %eq3A_412 = arith.xori %ne3A_381, %ne3A_411 : vector<100x128xi1>
    %eq3A_413 = arith.constant dense<true> : vector<100x128xi1>
    %eq3A_414 = arith.xori %eq3A_412, %eq3A_413 : vector<100x128xi1>
    %eq3A_415 = arith.xori %eq3A_414, %or3A_405 : vector<100x128xi1>
    %eq3A_416 = arith.constant dense<true> : vector<100x128xi1>
    %eq3A_417 = arith.xori %eq3A_415, %eq3A_416 : vector<100x128xi1>
    %select_n3A_418 = arith.select %eq3A_417, %select_n3A_373, %select_n3A_386 : vector<100x128xi1>, vector<100x128xi32>
    %select_n3A_419 = arith.select %eq3A_417, %select_n3A_374, %select_n3A_391 : vector<100x128xi1>, vector<100x128xi32>
    %select_n3A_420 = arith.select %eq3A_417, %select_n3A_375, %select_n3A_396 : vector<100x128xi1>, vector<100x128xi32>
    %and3A_421 = arith.constant 2 : i32
    %and3A_422 = vector.broadcast %and3A_421 : i32 to vector<100x128xi32>
    %and3A_423 = arith.andi %iota3A_65, %and3A_422 : vector<100x128xi32>
    %ne3A_424 = arith.constant 0 : i32
    %ne3A_425 = vector.broadcast %ne3A_424 : i32 to vector<100x128xi32>
    %ne3A_426 = arith.cmpi ne, %and3A_423, %ne3A_425 : vector<100x128xi32>
    %roll3A_427 = arith.constant 2 : i32
    %roll3A_428 = tpu.dynamic_rotate %select_n3A_418 by %roll3A_427 dim 1 : vector<100x128xi32>, i32 -> vector<100x128xi32>
    %roll3A_429 = arith.constant 126 : i32
    %roll3A_430 = tpu.dynamic_rotate %select_n3A_418 by %roll3A_429 dim 1 : vector<100x128xi32>, i32 -> vector<100x128xi32>
    %select_n3A_431 = arith.select %ne3A_426, %roll3A_428, %roll3A_430 : vector<100x128xi1>, vector<100x128xi32>
    %roll3A_432 = arith.constant 2 : i32
    %roll3A_433 = tpu.dynamic_rotate %select_n3A_419 by %roll3A_432 dim 1 : vector<100x128xi32>, i32 -> vector<100x128xi32>
    %roll3A_434 = arith.constant 126 : i32
    %roll3A_435 = tpu.dynamic_rotate %select_n3A_419 by %roll3A_434 dim 1 : vector<100x128xi32>, i32 -> vector<100x128xi32>
    %select_n3A_436 = arith.select %ne3A_426, %roll3A_433, %roll3A_435 : vector<100x128xi1>, vector<100x128xi32>
    %roll3A_437 = arith.constant 2 : i32
    %roll3A_438 = tpu.dynamic_rotate %select_n3A_420 by %roll3A_437 dim 1 : vector<100x128xi32>, i32 -> vector<100x128xi32>
    %roll3A_439 = arith.constant 126 : i32
    %roll3A_440 = tpu.dynamic_rotate %select_n3A_420 by %roll3A_439 dim 1 : vector<100x128xi32>, i32 -> vector<100x128xi32>
    %select_n3A_441 = arith.select %ne3A_426, %roll3A_438, %roll3A_440 : vector<100x128xi1>, vector<100x128xi32>
    %gt3A_442 = arith.cmpi sgt, %select_n3A_418, %select_n3A_431 : vector<100x128xi32>
    %eq3A_443 = arith.cmpi eq, %select_n3A_418, %select_n3A_431 : vector<100x128xi32>
    %gt3A_444 = arith.cmpi sgt, %select_n3A_419, %select_n3A_436 : vector<100x128xi32>
    %eq3A_445 = arith.cmpi eq, %select_n3A_419, %select_n3A_436 : vector<100x128xi32>
    %lt3A_446 = arith.cmpi slt, %select_n3A_420, %select_n3A_441 : vector<100x128xi32>
    %and3A_447 = arith.andi %eq3A_445, %lt3A_446 : vector<100x128xi1>
    %or3A_448 = arith.ori %gt3A_444, %and3A_447 : vector<100x128xi1>
    %and3A_449 = arith.andi %eq3A_443, %or3A_448 : vector<100x128xi1>
    %or3A_450 = arith.ori %gt3A_442, %and3A_449 : vector<100x128xi1>
    %and3A_451 = arith.constant 16 : i32
    %and3A_452 = vector.broadcast %and3A_451 : i32 to vector<100x128xi32>
    %and3A_453 = arith.andi %iota3A_65, %and3A_452 : vector<100x128xi32>
    %ne3A_454 = arith.constant 0 : i32
    %ne3A_455 = vector.broadcast %ne3A_454 : i32 to vector<100x128xi32>
    %ne3A_456 = arith.cmpi ne, %and3A_453, %ne3A_455 : vector<100x128xi32>
    %eq3A_457 = arith.xori %ne3A_426, %ne3A_456 : vector<100x128xi1>
    %eq3A_458 = arith.constant dense<true> : vector<100x128xi1>
    %eq3A_459 = arith.xori %eq3A_457, %eq3A_458 : vector<100x128xi1>
    %eq3A_460 = arith.xori %eq3A_459, %or3A_450 : vector<100x128xi1>
    %eq3A_461 = arith.constant dense<true> : vector<100x128xi1>
    %eq3A_462 = arith.xori %eq3A_460, %eq3A_461 : vector<100x128xi1>
    %select_n3A_463 = arith.select %eq3A_462, %select_n3A_418, %select_n3A_431 : vector<100x128xi1>, vector<100x128xi32>
    %select_n3A_464 = arith.select %eq3A_462, %select_n3A_419, %select_n3A_436 : vector<100x128xi1>, vector<100x128xi32>
    %select_n3A_465 = arith.select %eq3A_462, %select_n3A_420, %select_n3A_441 : vector<100x128xi1>, vector<100x128xi32>
    %and3A_466 = arith.constant 1 : i32
    %and3A_467 = vector.broadcast %and3A_466 : i32 to vector<100x128xi32>
    %and3A_468 = arith.andi %iota3A_65, %and3A_467 : vector<100x128xi32>
    %ne3A_469 = arith.constant 0 : i32
    %ne3A_470 = vector.broadcast %ne3A_469 : i32 to vector<100x128xi32>
    %ne3A_471 = arith.cmpi ne, %and3A_468, %ne3A_470 : vector<100x128xi32>
    %roll3A_472 = arith.constant 1 : i32
    %roll3A_473 = tpu.dynamic_rotate %select_n3A_463 by %roll3A_472 dim 1 : vector<100x128xi32>, i32 -> vector<100x128xi32>
    %roll3A_474 = arith.constant 127 : i32
    %roll3A_475 = tpu.dynamic_rotate %select_n3A_463 by %roll3A_474 dim 1 : vector<100x128xi32>, i32 -> vector<100x128xi32>
    %select_n3A_476 = arith.select %ne3A_471, %roll3A_473, %roll3A_475 : vector<100x128xi1>, vector<100x128xi32>
    %roll3A_477 = arith.constant 1 : i32
    %roll3A_478 = tpu.dynamic_rotate %select_n3A_464 by %roll3A_477 dim 1 : vector<100x128xi32>, i32 -> vector<100x128xi32>
    %roll3A_479 = arith.constant 127 : i32
    %roll3A_480 = tpu.dynamic_rotate %select_n3A_464 by %roll3A_479 dim 1 : vector<100x128xi32>, i32 -> vector<100x128xi32>
    %select_n3A_481 = arith.select %ne3A_471, %roll3A_478, %roll3A_480 : vector<100x128xi1>, vector<100x128xi32>
    %roll3A_482 = arith.constant 1 : i32
    %roll3A_483 = tpu.dynamic_rotate %select_n3A_465 by %roll3A_482 dim 1 : vector<100x128xi32>, i32 -> vector<100x128xi32>
    %roll3A_484 = arith.constant 127 : i32
    %roll3A_485 = tpu.dynamic_rotate %select_n3A_465 by %roll3A_484 dim 1 : vector<100x128xi32>, i32 -> vector<100x128xi32>
    %select_n3A_486 = arith.select %ne3A_471, %roll3A_483, %roll3A_485 : vector<100x128xi1>, vector<100x128xi32>
    %gt3A_487 = arith.cmpi sgt, %select_n3A_463, %select_n3A_476 : vector<100x128xi32>
    %eq3A_488 = arith.cmpi eq, %select_n3A_463, %select_n3A_476 : vector<100x128xi32>
    %gt3A_489 = arith.cmpi sgt, %select_n3A_464, %select_n3A_481 : vector<100x128xi32>
    %eq3A_490 = arith.cmpi eq, %select_n3A_464, %select_n3A_481 : vector<100x128xi32>
    %lt3A_491 = arith.cmpi slt, %select_n3A_465, %select_n3A_486 : vector<100x128xi32>
    %and3A_492 = arith.andi %eq3A_490, %lt3A_491 : vector<100x128xi1>
    %or3A_493 = arith.ori %gt3A_489, %and3A_492 : vector<100x128xi1>
    %and3A_494 = arith.andi %eq3A_488, %or3A_493 : vector<100x128xi1>
    %or3A_495 = arith.ori %gt3A_487, %and3A_494 : vector<100x128xi1>
    %and3A_496 = arith.constant 16 : i32
    %and3A_497 = vector.broadcast %and3A_496 : i32 to vector<100x128xi32>
    %and3A_498 = arith.andi %iota3A_65, %and3A_497 : vector<100x128xi32>
    %ne3A_499 = arith.constant 0 : i32
    %ne3A_500 = vector.broadcast %ne3A_499 : i32 to vector<100x128xi32>
    %ne3A_501 = arith.cmpi ne, %and3A_498, %ne3A_500 : vector<100x128xi32>
    %eq3A_502 = arith.xori %ne3A_471, %ne3A_501 : vector<100x128xi1>
    %eq3A_503 = arith.constant dense<true> : vector<100x128xi1>
    %eq3A_504 = arith.xori %eq3A_502, %eq3A_503 : vector<100x128xi1>
    %eq3A_505 = arith.xori %eq3A_504, %or3A_495 : vector<100x128xi1>
    %eq3A_506 = arith.constant dense<true> : vector<100x128xi1>
    %eq3A_507 = arith.xori %eq3A_505, %eq3A_506 : vector<100x128xi1>
    %select_n3A_508 = arith.select %eq3A_507, %select_n3A_463, %select_n3A_476 : vector<100x128xi1>, vector<100x128xi32>
    %select_n3A_509 = arith.select %eq3A_507, %select_n3A_464, %select_n3A_481 : vector<100x128xi1>, vector<100x128xi32>
    %select_n3A_510 = arith.select %eq3A_507, %select_n3A_465, %select_n3A_486 : vector<100x128xi1>, vector<100x128xi32>
    %and3A_511 = arith.constant 16 : i32
    %and3A_512 = vector.broadcast %and3A_511 : i32 to vector<100x128xi32>
    %and3A_513 = arith.andi %iota3A_65, %and3A_512 : vector<100x128xi32>
    %ne3A_514 = arith.constant 0 : i32
    %ne3A_515 = vector.broadcast %ne3A_514 : i32 to vector<100x128xi32>
    %ne3A_516 = arith.cmpi ne, %and3A_513, %ne3A_515 : vector<100x128xi32>
    %roll3A_517 = arith.constant 16 : i32
    %roll3A_518 = tpu.dynamic_rotate %select_n3A_508 by %roll3A_517 dim 1 : vector<100x128xi32>, i32 -> vector<100x128xi32>
    %roll3A_519 = arith.constant 112 : i32
    %roll3A_520 = tpu.dynamic_rotate %select_n3A_508 by %roll3A_519 dim 1 : vector<100x128xi32>, i32 -> vector<100x128xi32>
    %select_n3A_521 = arith.select %ne3A_516, %roll3A_518, %roll3A_520 : vector<100x128xi1>, vector<100x128xi32>
    %roll3A_522 = arith.constant 16 : i32
    %roll3A_523 = tpu.dynamic_rotate %select_n3A_509 by %roll3A_522 dim 1 : vector<100x128xi32>, i32 -> vector<100x128xi32>
    %roll3A_524 = arith.constant 112 : i32
    %roll3A_525 = tpu.dynamic_rotate %select_n3A_509 by %roll3A_524 dim 1 : vector<100x128xi32>, i32 -> vector<100x128xi32>
    %select_n3A_526 = arith.select %ne3A_516, %roll3A_523, %roll3A_525 : vector<100x128xi1>, vector<100x128xi32>
    %roll3A_527 = arith.constant 16 : i32
    %roll3A_528 = tpu.dynamic_rotate %select_n3A_510 by %roll3A_527 dim 1 : vector<100x128xi32>, i32 -> vector<100x128xi32>
    %roll3A_529 = arith.constant 112 : i32
    %roll3A_530 = tpu.dynamic_rotate %select_n3A_510 by %roll3A_529 dim 1 : vector<100x128xi32>, i32 -> vector<100x128xi32>
    %select_n3A_531 = arith.select %ne3A_516, %roll3A_528, %roll3A_530 : vector<100x128xi1>, vector<100x128xi32>
    %gt3A_532 = arith.cmpi sgt, %select_n3A_508, %select_n3A_521 : vector<100x128xi32>
    %eq3A_533 = arith.cmpi eq, %select_n3A_508, %select_n3A_521 : vector<100x128xi32>
    %gt3A_534 = arith.cmpi sgt, %select_n3A_509, %select_n3A_526 : vector<100x128xi32>
    %eq3A_535 = arith.cmpi eq, %select_n3A_509, %select_n3A_526 : vector<100x128xi32>
    %lt3A_536 = arith.cmpi slt, %select_n3A_510, %select_n3A_531 : vector<100x128xi32>
    %and3A_537 = arith.andi %eq3A_535, %lt3A_536 : vector<100x128xi1>
    %or3A_538 = arith.ori %gt3A_534, %and3A_537 : vector<100x128xi1>
    %and3A_539 = arith.andi %eq3A_533, %or3A_538 : vector<100x128xi1>
    %or3A_540 = arith.ori %gt3A_532, %and3A_539 : vector<100x128xi1>
    %and3A_541 = arith.constant 32 : i32
    %and3A_542 = vector.broadcast %and3A_541 : i32 to vector<100x128xi32>
    %and3A_543 = arith.andi %iota3A_65, %and3A_542 : vector<100x128xi32>
    %ne3A_544 = arith.constant 0 : i32
    %ne3A_545 = vector.broadcast %ne3A_544 : i32 to vector<100x128xi32>
    %ne3A_546 = arith.cmpi ne, %and3A_543, %ne3A_545 : vector<100x128xi32>
    %eq3A_547 = arith.xori %ne3A_516, %ne3A_546 : vector<100x128xi1>
    %eq3A_548 = arith.constant dense<true> : vector<100x128xi1>
    %eq3A_549 = arith.xori %eq3A_547, %eq3A_548 : vector<100x128xi1>
    %eq3A_550 = arith.xori %eq3A_549, %or3A_540 : vector<100x128xi1>
    %eq3A_551 = arith.constant dense<true> : vector<100x128xi1>
    %eq3A_552 = arith.xori %eq3A_550, %eq3A_551 : vector<100x128xi1>
    %select_n3A_553 = arith.select %eq3A_552, %select_n3A_508, %select_n3A_521 : vector<100x128xi1>, vector<100x128xi32>
    %select_n3A_554 = arith.select %eq3A_552, %select_n3A_509, %select_n3A_526 : vector<100x128xi1>, vector<100x128xi32>
    %select_n3A_555 = arith.select %eq3A_552, %select_n3A_510, %select_n3A_531 : vector<100x128xi1>, vector<100x128xi32>
    %and3A_556 = arith.constant 8 : i32
    %and3A_557 = vector.broadcast %and3A_556 : i32 to vector<100x128xi32>
    %and3A_558 = arith.andi %iota3A_65, %and3A_557 : vector<100x128xi32>
    %ne3A_559 = arith.constant 0 : i32
    %ne3A_560 = vector.broadcast %ne3A_559 : i32 to vector<100x128xi32>
    %ne3A_561 = arith.cmpi ne, %and3A_558, %ne3A_560 : vector<100x128xi32>
    %roll3A_562 = arith.constant 8 : i32
    %roll3A_563 = tpu.dynamic_rotate %select_n3A_553 by %roll3A_562 dim 1 : vector<100x128xi32>, i32 -> vector<100x128xi32>
    %roll3A_564 = arith.constant 120 : i32
    %roll3A_565 = tpu.dynamic_rotate %select_n3A_553 by %roll3A_564 dim 1 : vector<100x128xi32>, i32 -> vector<100x128xi32>
    %select_n3A_566 = arith.select %ne3A_561, %roll3A_563, %roll3A_565 : vector<100x128xi1>, vector<100x128xi32>
    %roll3A_567 = arith.constant 8 : i32
    %roll3A_568 = tpu.dynamic_rotate %select_n3A_554 by %roll3A_567 dim 1 : vector<100x128xi32>, i32 -> vector<100x128xi32>
    %roll3A_569 = arith.constant 120 : i32
    %roll3A_570 = tpu.dynamic_rotate %select_n3A_554 by %roll3A_569 dim 1 : vector<100x128xi32>, i32 -> vector<100x128xi32>
    %select_n3A_571 = arith.select %ne3A_561, %roll3A_568, %roll3A_570 : vector<100x128xi1>, vector<100x128xi32>
    %roll3A_572 = arith.constant 8 : i32
    %roll3A_573 = tpu.dynamic_rotate %select_n3A_555 by %roll3A_572 dim 1 : vector<100x128xi32>, i32 -> vector<100x128xi32>
    %roll3A_574 = arith.constant 120 : i32
    %roll3A_575 = tpu.dynamic_rotate %select_n3A_555 by %roll3A_574 dim 1 : vector<100x128xi32>, i32 -> vector<100x128xi32>
    %select_n3A_576 = arith.select %ne3A_561, %roll3A_573, %roll3A_575 : vector<100x128xi1>, vector<100x128xi32>
    %gt3A_577 = arith.cmpi sgt, %select_n3A_553, %select_n3A_566 : vector<100x128xi32>
    %eq3A_578 = arith.cmpi eq, %select_n3A_553, %select_n3A_566 : vector<100x128xi32>
    %gt3A_579 = arith.cmpi sgt, %select_n3A_554, %select_n3A_571 : vector<100x128xi32>
    %eq3A_580 = arith.cmpi eq, %select_n3A_554, %select_n3A_571 : vector<100x128xi32>
    %lt3A_581 = arith.cmpi slt, %select_n3A_555, %select_n3A_576 : vector<100x128xi32>
    %and3A_582 = arith.andi %eq3A_580, %lt3A_581 : vector<100x128xi1>
    %or3A_583 = arith.ori %gt3A_579, %and3A_582 : vector<100x128xi1>
    %and3A_584 = arith.andi %eq3A_578, %or3A_583 : vector<100x128xi1>
    %or3A_585 = arith.ori %gt3A_577, %and3A_584 : vector<100x128xi1>
    %and3A_586 = arith.constant 32 : i32
    %and3A_587 = vector.broadcast %and3A_586 : i32 to vector<100x128xi32>
    %and3A_588 = arith.andi %iota3A_65, %and3A_587 : vector<100x128xi32>
    %ne3A_589 = arith.constant 0 : i32
    %ne3A_590 = vector.broadcast %ne3A_589 : i32 to vector<100x128xi32>
    %ne3A_591 = arith.cmpi ne, %and3A_588, %ne3A_590 : vector<100x128xi32>
    %eq3A_592 = arith.xori %ne3A_561, %ne3A_591 : vector<100x128xi1>
    %eq3A_593 = arith.constant dense<true> : vector<100x128xi1>
    %eq3A_594 = arith.xori %eq3A_592, %eq3A_593 : vector<100x128xi1>
    %eq3A_595 = arith.xori %eq3A_594, %or3A_585 : vector<100x128xi1>
    %eq3A_596 = arith.constant dense<true> : vector<100x128xi1>
    %eq3A_597 = arith.xori %eq3A_595, %eq3A_596 : vector<100x128xi1>
    %select_n3A_598 = arith.select %eq3A_597, %select_n3A_553, %select_n3A_566 : vector<100x128xi1>, vector<100x128xi32>
    %select_n3A_599 = arith.select %eq3A_597, %select_n3A_554, %select_n3A_571 : vector<100x128xi1>, vector<100x128xi32>
    %select_n3A_600 = arith.select %eq3A_597, %select_n3A_555, %select_n3A_576 : vector<100x128xi1>, vector<100x128xi32>
    %and3A_601 = arith.constant 4 : i32
    %and3A_602 = vector.broadcast %and3A_601 : i32 to vector<100x128xi32>
    %and3A_603 = arith.andi %iota3A_65, %and3A_602 : vector<100x128xi32>
    %ne3A_604 = arith.constant 0 : i32
    %ne3A_605 = vector.broadcast %ne3A_604 : i32 to vector<100x128xi32>
    %ne3A_606 = arith.cmpi ne, %and3A_603, %ne3A_605 : vector<100x128xi32>
    %roll3A_607 = arith.constant 4 : i32
    %roll3A_608 = tpu.dynamic_rotate %select_n3A_598 by %roll3A_607 dim 1 : vector<100x128xi32>, i32 -> vector<100x128xi32>
    %roll3A_609 = arith.constant 124 : i32
    %roll3A_610 = tpu.dynamic_rotate %select_n3A_598 by %roll3A_609 dim 1 : vector<100x128xi32>, i32 -> vector<100x128xi32>
    %select_n3A_611 = arith.select %ne3A_606, %roll3A_608, %roll3A_610 : vector<100x128xi1>, vector<100x128xi32>
    %roll3A_612 = arith.constant 4 : i32
    %roll3A_613 = tpu.dynamic_rotate %select_n3A_599 by %roll3A_612 dim 1 : vector<100x128xi32>, i32 -> vector<100x128xi32>
    %roll3A_614 = arith.constant 124 : i32
    %roll3A_615 = tpu.dynamic_rotate %select_n3A_599 by %roll3A_614 dim 1 : vector<100x128xi32>, i32 -> vector<100x128xi32>
    %select_n3A_616 = arith.select %ne3A_606, %roll3A_613, %roll3A_615 : vector<100x128xi1>, vector<100x128xi32>
    %roll3A_617 = arith.constant 4 : i32
    %roll3A_618 = tpu.dynamic_rotate %select_n3A_600 by %roll3A_617 dim 1 : vector<100x128xi32>, i32 -> vector<100x128xi32>
    %roll3A_619 = arith.constant 124 : i32
    %roll3A_620 = tpu.dynamic_rotate %select_n3A_600 by %roll3A_619 dim 1 : vector<100x128xi32>, i32 -> vector<100x128xi32>
    %select_n3A_621 = arith.select %ne3A_606, %roll3A_618, %roll3A_620 : vector<100x128xi1>, vector<100x128xi32>
    %gt3A_622 = arith.cmpi sgt, %select_n3A_598, %select_n3A_611 : vector<100x128xi32>
    %eq3A_623 = arith.cmpi eq, %select_n3A_598, %select_n3A_611 : vector<100x128xi32>
    %gt3A_624 = arith.cmpi sgt, %select_n3A_599, %select_n3A_616 : vector<100x128xi32>
    %eq3A_625 = arith.cmpi eq, %select_n3A_599, %select_n3A_616 : vector<100x128xi32>
    %lt3A_626 = arith.cmpi slt, %select_n3A_600, %select_n3A_621 : vector<100x128xi32>
    %and3A_627 = arith.andi %eq3A_625, %lt3A_626 : vector<100x128xi1>
    %or3A_628 = arith.ori %gt3A_624, %and3A_627 : vector<100x128xi1>
    %and3A_629 = arith.andi %eq3A_623, %or3A_628 : vector<100x128xi1>
    %or3A_630 = arith.ori %gt3A_622, %and3A_629 : vector<100x128xi1>
    %and3A_631 = arith.constant 32 : i32
    %and3A_632 = vector.broadcast %and3A_631 : i32 to vector<100x128xi32>
    %and3A_633 = arith.andi %iota3A_65, %and3A_632 : vector<100x128xi32>
    %ne3A_634 = arith.constant 0 : i32
    %ne3A_635 = vector.broadcast %ne3A_634 : i32 to vector<100x128xi32>
    %ne3A_636 = arith.cmpi ne, %and3A_633, %ne3A_635 : vector<100x128xi32>
    %eq3A_637 = arith.xori %ne3A_606, %ne3A_636 : vector<100x128xi1>
    %eq3A_638 = arith.constant dense<true> : vector<100x128xi1>
    %eq3A_639 = arith.xori %eq3A_637, %eq3A_638 : vector<100x128xi1>
    %eq3A_640 = arith.xori %eq3A_639, %or3A_630 : vector<100x128xi1>
    %eq3A_641 = arith.constant dense<true> : vector<100x128xi1>
    %eq3A_642 = arith.xori %eq3A_640, %eq3A_641 : vector<100x128xi1>
    %select_n3A_643 = arith.select %eq3A_642, %select_n3A_598, %select_n3A_611 : vector<100x128xi1>, vector<100x128xi32>
    %select_n3A_644 = arith.select %eq3A_642, %select_n3A_599, %select_n3A_616 : vector<100x128xi1>, vector<100x128xi32>
    %select_n3A_645 = arith.select %eq3A_642, %select_n3A_600, %select_n3A_621 : vector<100x128xi1>, vector<100x128xi32>
    %and3A_646 = arith.constant 2 : i32
    %and3A_647 = vector.broadcast %and3A_646 : i32 to vector<100x128xi32>
    %and3A_648 = arith.andi %iota3A_65, %and3A_647 : vector<100x128xi32>
    %ne3A_649 = arith.constant 0 : i32
    %ne3A_650 = vector.broadcast %ne3A_649 : i32 to vector<100x128xi32>
    %ne3A_651 = arith.cmpi ne, %and3A_648, %ne3A_650 : vector<100x128xi32>
    %roll3A_652 = arith.constant 2 : i32
    %roll3A_653 = tpu.dynamic_rotate %select_n3A_643 by %roll3A_652 dim 1 : vector<100x128xi32>, i32 -> vector<100x128xi32>
    %roll3A_654 = arith.constant 126 : i32
    %roll3A_655 = tpu.dynamic_rotate %select_n3A_643 by %roll3A_654 dim 1 : vector<100x128xi32>, i32 -> vector<100x128xi32>
    %select_n3A_656 = arith.select %ne3A_651, %roll3A_653, %roll3A_655 : vector<100x128xi1>, vector<100x128xi32>
    %roll3A_657 = arith.constant 2 : i32
    %roll3A_658 = tpu.dynamic_rotate %select_n3A_644 by %roll3A_657 dim 1 : vector<100x128xi32>, i32 -> vector<100x128xi32>
    %roll3A_659 = arith.constant 126 : i32
    %roll3A_660 = tpu.dynamic_rotate %select_n3A_644 by %roll3A_659 dim 1 : vector<100x128xi32>, i32 -> vector<100x128xi32>
    %select_n3A_661 = arith.select %ne3A_651, %roll3A_658, %roll3A_660 : vector<100x128xi1>, vector<100x128xi32>
    %roll3A_662 = arith.constant 2 : i32
    %roll3A_663 = tpu.dynamic_rotate %select_n3A_645 by %roll3A_662 dim 1 : vector<100x128xi32>, i32 -> vector<100x128xi32>
    %roll3A_664 = arith.constant 126 : i32
    %roll3A_665 = tpu.dynamic_rotate %select_n3A_645 by %roll3A_664 dim 1 : vector<100x128xi32>, i32 -> vector<100x128xi32>
    %select_n3A_666 = arith.select %ne3A_651, %roll3A_663, %roll3A_665 : vector<100x128xi1>, vector<100x128xi32>
    %gt3A_667 = arith.cmpi sgt, %select_n3A_643, %select_n3A_656 : vector<100x128xi32>
    %eq3A_668 = arith.cmpi eq, %select_n3A_643, %select_n3A_656 : vector<100x128xi32>
    %gt3A_669 = arith.cmpi sgt, %select_n3A_644, %select_n3A_661 : vector<100x128xi32>
    %eq3A_670 = arith.cmpi eq, %select_n3A_644, %select_n3A_661 : vector<100x128xi32>
    %lt3A_671 = arith.cmpi slt, %select_n3A_645, %select_n3A_666 : vector<100x128xi32>
    %and3A_672 = arith.andi %eq3A_670, %lt3A_671 : vector<100x128xi1>
    %or3A_673 = arith.ori %gt3A_669, %and3A_672 : vector<100x128xi1>
    %and3A_674 = arith.andi %eq3A_668, %or3A_673 : vector<100x128xi1>
    %or3A_675 = arith.ori %gt3A_667, %and3A_674 : vector<100x128xi1>
    %and3A_676 = arith.constant 32 : i32
    %and3A_677 = vector.broadcast %and3A_676 : i32 to vector<100x128xi32>
    %and3A_678 = arith.andi %iota3A_65, %and3A_677 : vector<100x128xi32>
    %ne3A_679 = arith.constant 0 : i32
    %ne3A_680 = vector.broadcast %ne3A_679 : i32 to vector<100x128xi32>
    %ne3A_681 = arith.cmpi ne, %and3A_678, %ne3A_680 : vector<100x128xi32>
    %eq3A_682 = arith.xori %ne3A_651, %ne3A_681 : vector<100x128xi1>
    %eq3A_683 = arith.constant dense<true> : vector<100x128xi1>
    %eq3A_684 = arith.xori %eq3A_682, %eq3A_683 : vector<100x128xi1>
    %eq3A_685 = arith.xori %eq3A_684, %or3A_675 : vector<100x128xi1>
    %eq3A_686 = arith.constant dense<true> : vector<100x128xi1>
    %eq3A_687 = arith.xori %eq3A_685, %eq3A_686 : vector<100x128xi1>
    %select_n3A_688 = arith.select %eq3A_687, %select_n3A_643, %select_n3A_656 : vector<100x128xi1>, vector<100x128xi32>
    %select_n3A_689 = arith.select %eq3A_687, %select_n3A_644, %select_n3A_661 : vector<100x128xi1>, vector<100x128xi32>
    %select_n3A_690 = arith.select %eq3A_687, %select_n3A_645, %select_n3A_666 : vector<100x128xi1>, vector<100x128xi32>
    %and3A_691 = arith.constant 1 : i32
    %and3A_692 = vector.broadcast %and3A_691 : i32 to vector<100x128xi32>
    %and3A_693 = arith.andi %iota3A_65, %and3A_692 : vector<100x128xi32>
    %ne3A_694 = arith.constant 0 : i32
    %ne3A_695 = vector.broadcast %ne3A_694 : i32 to vector<100x128xi32>
    %ne3A_696 = arith.cmpi ne, %and3A_693, %ne3A_695 : vector<100x128xi32>
    %roll3A_697 = arith.constant 1 : i32
    %roll3A_698 = tpu.dynamic_rotate %select_n3A_688 by %roll3A_697 dim 1 : vector<100x128xi32>, i32 -> vector<100x128xi32>
    %roll3A_699 = arith.constant 127 : i32
    %roll3A_700 = tpu.dynamic_rotate %select_n3A_688 by %roll3A_699 dim 1 : vector<100x128xi32>, i32 -> vector<100x128xi32>
    %select_n3A_701 = arith.select %ne3A_696, %roll3A_698, %roll3A_700 : vector<100x128xi1>, vector<100x128xi32>
    %roll3A_702 = arith.constant 1 : i32
    %roll3A_703 = tpu.dynamic_rotate %select_n3A_689 by %roll3A_702 dim 1 : vector<100x128xi32>, i32 -> vector<100x128xi32>
    %roll3A_704 = arith.constant 127 : i32
    %roll3A_705 = tpu.dynamic_rotate %select_n3A_689 by %roll3A_704 dim 1 : vector<100x128xi32>, i32 -> vector<100x128xi32>
    %select_n3A_706 = arith.select %ne3A_696, %roll3A_703, %roll3A_705 : vector<100x128xi1>, vector<100x128xi32>
    %roll3A_707 = arith.constant 1 : i32
    %roll3A_708 = tpu.dynamic_rotate %select_n3A_690 by %roll3A_707 dim 1 : vector<100x128xi32>, i32 -> vector<100x128xi32>
    %roll3A_709 = arith.constant 127 : i32
    %roll3A_710 = tpu.dynamic_rotate %select_n3A_690 by %roll3A_709 dim 1 : vector<100x128xi32>, i32 -> vector<100x128xi32>
    %select_n3A_711 = arith.select %ne3A_696, %roll3A_708, %roll3A_710 : vector<100x128xi1>, vector<100x128xi32>
    %gt3A_712 = arith.cmpi sgt, %select_n3A_688, %select_n3A_701 : vector<100x128xi32>
    %eq3A_713 = arith.cmpi eq, %select_n3A_688, %select_n3A_701 : vector<100x128xi32>
    %gt3A_714 = arith.cmpi sgt, %select_n3A_689, %select_n3A_706 : vector<100x128xi32>
    %eq3A_715 = arith.cmpi eq, %select_n3A_689, %select_n3A_706 : vector<100x128xi32>
    %lt3A_716 = arith.cmpi slt, %select_n3A_690, %select_n3A_711 : vector<100x128xi32>
    %and3A_717 = arith.andi %eq3A_715, %lt3A_716 : vector<100x128xi1>
    %or3A_718 = arith.ori %gt3A_714, %and3A_717 : vector<100x128xi1>
    %and3A_719 = arith.andi %eq3A_713, %or3A_718 : vector<100x128xi1>
    %or3A_720 = arith.ori %gt3A_712, %and3A_719 : vector<100x128xi1>
    %and3A_721 = arith.constant 32 : i32
    %and3A_722 = vector.broadcast %and3A_721 : i32 to vector<100x128xi32>
    %and3A_723 = arith.andi %iota3A_65, %and3A_722 : vector<100x128xi32>
    %ne3A_724 = arith.constant 0 : i32
    %ne3A_725 = vector.broadcast %ne3A_724 : i32 to vector<100x128xi32>
    %ne3A_726 = arith.cmpi ne, %and3A_723, %ne3A_725 : vector<100x128xi32>
    %eq3A_727 = arith.xori %ne3A_696, %ne3A_726 : vector<100x128xi1>
    %eq3A_728 = arith.constant dense<true> : vector<100x128xi1>
    %eq3A_729 = arith.xori %eq3A_727, %eq3A_728 : vector<100x128xi1>
    %eq3A_730 = arith.xori %eq3A_729, %or3A_720 : vector<100x128xi1>
    %eq3A_731 = arith.constant dense<true> : vector<100x128xi1>
    %eq3A_732 = arith.xori %eq3A_730, %eq3A_731 : vector<100x128xi1>
    %select_n3A_733 = arith.select %eq3A_732, %select_n3A_688, %select_n3A_701 : vector<100x128xi1>, vector<100x128xi32>
    %select_n3A_734 = arith.select %eq3A_732, %select_n3A_689, %select_n3A_706 : vector<100x128xi1>, vector<100x128xi32>
    %select_n3A_735 = arith.select %eq3A_732, %select_n3A_690, %select_n3A_711 : vector<100x128xi1>, vector<100x128xi32>
    %and3A_736 = arith.constant 32 : i32
    %and3A_737 = vector.broadcast %and3A_736 : i32 to vector<100x128xi32>
    %and3A_738 = arith.andi %iota3A_65, %and3A_737 : vector<100x128xi32>
    %ne3A_739 = arith.constant 0 : i32
    %ne3A_740 = vector.broadcast %ne3A_739 : i32 to vector<100x128xi32>
    %ne3A_741 = arith.cmpi ne, %and3A_738, %ne3A_740 : vector<100x128xi32>
    %roll3A_742 = arith.constant 32 : i32
    %roll3A_743 = tpu.dynamic_rotate %select_n3A_733 by %roll3A_742 dim 1 : vector<100x128xi32>, i32 -> vector<100x128xi32>
    %roll3A_744 = arith.constant 96 : i32
    %roll3A_745 = tpu.dynamic_rotate %select_n3A_733 by %roll3A_744 dim 1 : vector<100x128xi32>, i32 -> vector<100x128xi32>
    %select_n3A_746 = arith.select %ne3A_741, %roll3A_743, %roll3A_745 : vector<100x128xi1>, vector<100x128xi32>
    %roll3A_747 = arith.constant 32 : i32
    %roll3A_748 = tpu.dynamic_rotate %select_n3A_734 by %roll3A_747 dim 1 : vector<100x128xi32>, i32 -> vector<100x128xi32>
    %roll3A_749 = arith.constant 96 : i32
    %roll3A_750 = tpu.dynamic_rotate %select_n3A_734 by %roll3A_749 dim 1 : vector<100x128xi32>, i32 -> vector<100x128xi32>
    %select_n3A_751 = arith.select %ne3A_741, %roll3A_748, %roll3A_750 : vector<100x128xi1>, vector<100x128xi32>
    %roll3A_752 = arith.constant 32 : i32
    %roll3A_753 = tpu.dynamic_rotate %select_n3A_735 by %roll3A_752 dim 1 : vector<100x128xi32>, i32 -> vector<100x128xi32>
    %roll3A_754 = arith.constant 96 : i32
    %roll3A_755 = tpu.dynamic_rotate %select_n3A_735 by %roll3A_754 dim 1 : vector<100x128xi32>, i32 -> vector<100x128xi32>
    %select_n3A_756 = arith.select %ne3A_741, %roll3A_753, %roll3A_755 : vector<100x128xi1>, vector<100x128xi32>
    %gt3A_757 = arith.cmpi sgt, %select_n3A_733, %select_n3A_746 : vector<100x128xi32>
    %eq3A_758 = arith.cmpi eq, %select_n3A_733, %select_n3A_746 : vector<100x128xi32>
    %gt3A_759 = arith.cmpi sgt, %select_n3A_734, %select_n3A_751 : vector<100x128xi32>
    %eq3A_760 = arith.cmpi eq, %select_n3A_734, %select_n3A_751 : vector<100x128xi32>
    %lt3A_761 = arith.cmpi slt, %select_n3A_735, %select_n3A_756 : vector<100x128xi32>
    %and3A_762 = arith.andi %eq3A_760, %lt3A_761 : vector<100x128xi1>
    %or3A_763 = arith.ori %gt3A_759, %and3A_762 : vector<100x128xi1>
    %and3A_764 = arith.andi %eq3A_758, %or3A_763 : vector<100x128xi1>
    %or3A_765 = arith.ori %gt3A_757, %and3A_764 : vector<100x128xi1>
    %and3A_766 = arith.constant 64 : i32
    %and3A_767 = vector.broadcast %and3A_766 : i32 to vector<100x128xi32>
    %and3A_768 = arith.andi %iota3A_65, %and3A_767 : vector<100x128xi32>
    %ne3A_769 = arith.constant 0 : i32
    %ne3A_770 = vector.broadcast %ne3A_769 : i32 to vector<100x128xi32>
    %ne3A_771 = arith.cmpi ne, %and3A_768, %ne3A_770 : vector<100x128xi32>
    %eq3A_772 = arith.xori %ne3A_741, %ne3A_771 : vector<100x128xi1>
    %eq3A_773 = arith.constant dense<true> : vector<100x128xi1>
    %eq3A_774 = arith.xori %eq3A_772, %eq3A_773 : vector<100x128xi1>
    %eq3A_775 = arith.xori %eq3A_774, %or3A_765 : vector<100x128xi1>
    %eq3A_776 = arith.constant dense<true> : vector<100x128xi1>
    %eq3A_777 = arith.xori %eq3A_775, %eq3A_776 : vector<100x128xi1>
    %select_n3A_778 = arith.select %eq3A_777, %select_n3A_733, %select_n3A_746 : vector<100x128xi1>, vector<100x128xi32>
    %select_n3A_779 = arith.select %eq3A_777, %select_n3A_734, %select_n3A_751 : vector<100x128xi1>, vector<100x128xi32>
    %select_n3A_780 = arith.select %eq3A_777, %select_n3A_735, %select_n3A_756 : vector<100x128xi1>, vector<100x128xi32>
    %and3A_781 = arith.constant 16 : i32
    %and3A_782 = vector.broadcast %and3A_781 : i32 to vector<100x128xi32>
    %and3A_783 = arith.andi %iota3A_65, %and3A_782 : vector<100x128xi32>
    %ne3A_784 = arith.constant 0 : i32
    %ne3A_785 = vector.broadcast %ne3A_784 : i32 to vector<100x128xi32>
    %ne3A_786 = arith.cmpi ne, %and3A_783, %ne3A_785 : vector<100x128xi32>
    %roll3A_787 = arith.constant 16 : i32
    %roll3A_788 = tpu.dynamic_rotate %select_n3A_778 by %roll3A_787 dim 1 : vector<100x128xi32>, i32 -> vector<100x128xi32>
    %roll3A_789 = arith.constant 112 : i32
    %roll3A_790 = tpu.dynamic_rotate %select_n3A_778 by %roll3A_789 dim 1 : vector<100x128xi32>, i32 -> vector<100x128xi32>
    %select_n3A_791 = arith.select %ne3A_786, %roll3A_788, %roll3A_790 : vector<100x128xi1>, vector<100x128xi32>
    %roll3A_792 = arith.constant 16 : i32
    %roll3A_793 = tpu.dynamic_rotate %select_n3A_779 by %roll3A_792 dim 1 : vector<100x128xi32>, i32 -> vector<100x128xi32>
    %roll3A_794 = arith.constant 112 : i32
    %roll3A_795 = tpu.dynamic_rotate %select_n3A_779 by %roll3A_794 dim 1 : vector<100x128xi32>, i32 -> vector<100x128xi32>
    %select_n3A_796 = arith.select %ne3A_786, %roll3A_793, %roll3A_795 : vector<100x128xi1>, vector<100x128xi32>
    %roll3A_797 = arith.constant 16 : i32
    %roll3A_798 = tpu.dynamic_rotate %select_n3A_780 by %roll3A_797 dim 1 : vector<100x128xi32>, i32 -> vector<100x128xi32>
    %roll3A_799 = arith.constant 112 : i32
    %roll3A_800 = tpu.dynamic_rotate %select_n3A_780 by %roll3A_799 dim 1 : vector<100x128xi32>, i32 -> vector<100x128xi32>
    %select_n3A_801 = arith.select %ne3A_786, %roll3A_798, %roll3A_800 : vector<100x128xi1>, vector<100x128xi32>
    %gt3A_802 = arith.cmpi sgt, %select_n3A_778, %select_n3A_791 : vector<100x128xi32>
    %eq3A_803 = arith.cmpi eq, %select_n3A_778, %select_n3A_791 : vector<100x128xi32>
    %gt3A_804 = arith.cmpi sgt, %select_n3A_779, %select_n3A_796 : vector<100x128xi32>
    %eq3A_805 = arith.cmpi eq, %select_n3A_779, %select_n3A_796 : vector<100x128xi32>
    %lt3A_806 = arith.cmpi slt, %select_n3A_780, %select_n3A_801 : vector<100x128xi32>
    %and3A_807 = arith.andi %eq3A_805, %lt3A_806 : vector<100x128xi1>
    %or3A_808 = arith.ori %gt3A_804, %and3A_807 : vector<100x128xi1>
    %and3A_809 = arith.andi %eq3A_803, %or3A_808 : vector<100x128xi1>
    %or3A_810 = arith.ori %gt3A_802, %and3A_809 : vector<100x128xi1>
    %and3A_811 = arith.constant 64 : i32
    %and3A_812 = vector.broadcast %and3A_811 : i32 to vector<100x128xi32>
    %and3A_813 = arith.andi %iota3A_65, %and3A_812 : vector<100x128xi32>
    %ne3A_814 = arith.constant 0 : i32
    %ne3A_815 = vector.broadcast %ne3A_814 : i32 to vector<100x128xi32>
    %ne3A_816 = arith.cmpi ne, %and3A_813, %ne3A_815 : vector<100x128xi32>
    %eq3A_817 = arith.xori %ne3A_786, %ne3A_816 : vector<100x128xi1>
    %eq3A_818 = arith.constant dense<true> : vector<100x128xi1>
    %eq3A_819 = arith.xori %eq3A_817, %eq3A_818 : vector<100x128xi1>
    %eq3A_820 = arith.xori %eq3A_819, %or3A_810 : vector<100x128xi1>
    %eq3A_821 = arith.constant dense<true> : vector<100x128xi1>
    %eq3A_822 = arith.xori %eq3A_820, %eq3A_821 : vector<100x128xi1>
    %select_n3A_823 = arith.select %eq3A_822, %select_n3A_778, %select_n3A_791 : vector<100x128xi1>, vector<100x128xi32>
    %select_n3A_824 = arith.select %eq3A_822, %select_n3A_779, %select_n3A_796 : vector<100x128xi1>, vector<100x128xi32>
    %select_n3A_825 = arith.select %eq3A_822, %select_n3A_780, %select_n3A_801 : vector<100x128xi1>, vector<100x128xi32>
    %and3A_826 = arith.constant 8 : i32
    %and3A_827 = vector.broadcast %and3A_826 : i32 to vector<100x128xi32>
    %and3A_828 = arith.andi %iota3A_65, %and3A_827 : vector<100x128xi32>
    %ne3A_829 = arith.constant 0 : i32
    %ne3A_830 = vector.broadcast %ne3A_829 : i32 to vector<100x128xi32>
    %ne3A_831 = arith.cmpi ne, %and3A_828, %ne3A_830 : vector<100x128xi32>
    %roll3A_832 = arith.constant 8 : i32
    %roll3A_833 = tpu.dynamic_rotate %select_n3A_823 by %roll3A_832 dim 1 : vector<100x128xi32>, i32 -> vector<100x128xi32>
    %roll3A_834 = arith.constant 120 : i32
    %roll3A_835 = tpu.dynamic_rotate %select_n3A_823 by %roll3A_834 dim 1 : vector<100x128xi32>, i32 -> vector<100x128xi32>
    %select_n3A_836 = arith.select %ne3A_831, %roll3A_833, %roll3A_835 : vector<100x128xi1>, vector<100x128xi32>
    %roll3A_837 = arith.constant 8 : i32
    %roll3A_838 = tpu.dynamic_rotate %select_n3A_824 by %roll3A_837 dim 1 : vector<100x128xi32>, i32 -> vector<100x128xi32>
    %roll3A_839 = arith.constant 120 : i32
    %roll3A_840 = tpu.dynamic_rotate %select_n3A_824 by %roll3A_839 dim 1 : vector<100x128xi32>, i32 -> vector<100x128xi32>
    %select_n3A_841 = arith.select %ne3A_831, %roll3A_838, %roll3A_840 : vector<100x128xi1>, vector<100x128xi32>
    %roll3A_842 = arith.constant 8 : i32
    %roll3A_843 = tpu.dynamic_rotate %select_n3A_825 by %roll3A_842 dim 1 : vector<100x128xi32>, i32 -> vector<100x128xi32>
    %roll3A_844 = arith.constant 120 : i32
    %roll3A_845 = tpu.dynamic_rotate %select_n3A_825 by %roll3A_844 dim 1 : vector<100x128xi32>, i32 -> vector<100x128xi32>
    %select_n3A_846 = arith.select %ne3A_831, %roll3A_843, %roll3A_845 : vector<100x128xi1>, vector<100x128xi32>
    %gt3A_847 = arith.cmpi sgt, %select_n3A_823, %select_n3A_836 : vector<100x128xi32>
    %eq3A_848 = arith.cmpi eq, %select_n3A_823, %select_n3A_836 : vector<100x128xi32>
    %gt3A_849 = arith.cmpi sgt, %select_n3A_824, %select_n3A_841 : vector<100x128xi32>
    %eq3A_850 = arith.cmpi eq, %select_n3A_824, %select_n3A_841 : vector<100x128xi32>
    %lt3A_851 = arith.cmpi slt, %select_n3A_825, %select_n3A_846 : vector<100x128xi32>
    %and3A_852 = arith.andi %eq3A_850, %lt3A_851 : vector<100x128xi1>
    %or3A_853 = arith.ori %gt3A_849, %and3A_852 : vector<100x128xi1>
    %and3A_854 = arith.andi %eq3A_848, %or3A_853 : vector<100x128xi1>
    %or3A_855 = arith.ori %gt3A_847, %and3A_854 : vector<100x128xi1>
    %and3A_856 = arith.constant 64 : i32
    %and3A_857 = vector.broadcast %and3A_856 : i32 to vector<100x128xi32>
    %and3A_858 = arith.andi %iota3A_65, %and3A_857 : vector<100x128xi32>
    %ne3A_859 = arith.constant 0 : i32
    %ne3A_860 = vector.broadcast %ne3A_859 : i32 to vector<100x128xi32>
    %ne3A_861 = arith.cmpi ne, %and3A_858, %ne3A_860 : vector<100x128xi32>
    %eq3A_862 = arith.xori %ne3A_831, %ne3A_861 : vector<100x128xi1>
    %eq3A_863 = arith.constant dense<true> : vector<100x128xi1>
    %eq3A_864 = arith.xori %eq3A_862, %eq3A_863 : vector<100x128xi1>
    %eq3A_865 = arith.xori %eq3A_864, %or3A_855 : vector<100x128xi1>
    %eq3A_866 = arith.constant dense<true> : vector<100x128xi1>
    %eq3A_867 = arith.xori %eq3A_865, %eq3A_866 : vector<100x128xi1>
    %select_n3A_868 = arith.select %eq3A_867, %select_n3A_823, %select_n3A_836 : vector<100x128xi1>, vector<100x128xi32>
    %select_n3A_869 = arith.select %eq3A_867, %select_n3A_824, %select_n3A_841 : vector<100x128xi1>, vector<100x128xi32>
    %select_n3A_870 = arith.select %eq3A_867, %select_n3A_825, %select_n3A_846 : vector<100x128xi1>, vector<100x128xi32>
    %and3A_871 = arith.constant 4 : i32
    %and3A_872 = vector.broadcast %and3A_871 : i32 to vector<100x128xi32>
    %and3A_873 = arith.andi %iota3A_65, %and3A_872 : vector<100x128xi32>
    %ne3A_874 = arith.constant 0 : i32
    %ne3A_875 = vector.broadcast %ne3A_874 : i32 to vector<100x128xi32>
    %ne3A_876 = arith.cmpi ne, %and3A_873, %ne3A_875 : vector<100x128xi32>
    %roll3A_877 = arith.constant 4 : i32
    %roll3A_878 = tpu.dynamic_rotate %select_n3A_868 by %roll3A_877 dim 1 : vector<100x128xi32>, i32 -> vector<100x128xi32>
    %roll3A_879 = arith.constant 124 : i32
    %roll3A_880 = tpu.dynamic_rotate %select_n3A_868 by %roll3A_879 dim 1 : vector<100x128xi32>, i32 -> vector<100x128xi32>
    %select_n3A_881 = arith.select %ne3A_876, %roll3A_878, %roll3A_880 : vector<100x128xi1>, vector<100x128xi32>
    %roll3A_882 = arith.constant 4 : i32
    %roll3A_883 = tpu.dynamic_rotate %select_n3A_869 by %roll3A_882 dim 1 : vector<100x128xi32>, i32 -> vector<100x128xi32>
    %roll3A_884 = arith.constant 124 : i32
    %roll3A_885 = tpu.dynamic_rotate %select_n3A_869 by %roll3A_884 dim 1 : vector<100x128xi32>, i32 -> vector<100x128xi32>
    %select_n3A_886 = arith.select %ne3A_876, %roll3A_883, %roll3A_885 : vector<100x128xi1>, vector<100x128xi32>
    %roll3A_887 = arith.constant 4 : i32
    %roll3A_888 = tpu.dynamic_rotate %select_n3A_870 by %roll3A_887 dim 1 : vector<100x128xi32>, i32 -> vector<100x128xi32>
    %roll3A_889 = arith.constant 124 : i32
    %roll3A_890 = tpu.dynamic_rotate %select_n3A_870 by %roll3A_889 dim 1 : vector<100x128xi32>, i32 -> vector<100x128xi32>
    %select_n3A_891 = arith.select %ne3A_876, %roll3A_888, %roll3A_890 : vector<100x128xi1>, vector<100x128xi32>
    %gt3A_892 = arith.cmpi sgt, %select_n3A_868, %select_n3A_881 : vector<100x128xi32>
    %eq3A_893 = arith.cmpi eq, %select_n3A_868, %select_n3A_881 : vector<100x128xi32>
    %gt3A_894 = arith.cmpi sgt, %select_n3A_869, %select_n3A_886 : vector<100x128xi32>
    %eq3A_895 = arith.cmpi eq, %select_n3A_869, %select_n3A_886 : vector<100x128xi32>
    %lt3A_896 = arith.cmpi slt, %select_n3A_870, %select_n3A_891 : vector<100x128xi32>
    %and3A_897 = arith.andi %eq3A_895, %lt3A_896 : vector<100x128xi1>
    %or3A_898 = arith.ori %gt3A_894, %and3A_897 : vector<100x128xi1>
    %and3A_899 = arith.andi %eq3A_893, %or3A_898 : vector<100x128xi1>
    %or3A_900 = arith.ori %gt3A_892, %and3A_899 : vector<100x128xi1>
    %and3A_901 = arith.constant 64 : i32
    %and3A_902 = vector.broadcast %and3A_901 : i32 to vector<100x128xi32>
    %and3A_903 = arith.andi %iota3A_65, %and3A_902 : vector<100x128xi32>
    %ne3A_904 = arith.constant 0 : i32
    %ne3A_905 = vector.broadcast %ne3A_904 : i32 to vector<100x128xi32>
    %ne3A_906 = arith.cmpi ne, %and3A_903, %ne3A_905 : vector<100x128xi32>
    %eq3A_907 = arith.xori %ne3A_876, %ne3A_906 : vector<100x128xi1>
    %eq3A_908 = arith.constant dense<true> : vector<100x128xi1>
    %eq3A_909 = arith.xori %eq3A_907, %eq3A_908 : vector<100x128xi1>
    %eq3A_910 = arith.xori %eq3A_909, %or3A_900 : vector<100x128xi1>
    %eq3A_911 = arith.constant dense<true> : vector<100x128xi1>
    %eq3A_912 = arith.xori %eq3A_910, %eq3A_911 : vector<100x128xi1>
    %select_n3A_913 = arith.select %eq3A_912, %select_n3A_868, %select_n3A_881 : vector<100x128xi1>, vector<100x128xi32>
    %select_n3A_914 = arith.select %eq3A_912, %select_n3A_869, %select_n3A_886 : vector<100x128xi1>, vector<100x128xi32>
    %select_n3A_915 = arith.select %eq3A_912, %select_n3A_870, %select_n3A_891 : vector<100x128xi1>, vector<100x128xi32>
    %and3A_916 = arith.constant 2 : i32
    %and3A_917 = vector.broadcast %and3A_916 : i32 to vector<100x128xi32>
    %and3A_918 = arith.andi %iota3A_65, %and3A_917 : vector<100x128xi32>
    %ne3A_919 = arith.constant 0 : i32
    %ne3A_920 = vector.broadcast %ne3A_919 : i32 to vector<100x128xi32>
    %ne3A_921 = arith.cmpi ne, %and3A_918, %ne3A_920 : vector<100x128xi32>
    %roll3A_922 = arith.constant 2 : i32
    %roll3A_923 = tpu.dynamic_rotate %select_n3A_913 by %roll3A_922 dim 1 : vector<100x128xi32>, i32 -> vector<100x128xi32>
    %roll3A_924 = arith.constant 126 : i32
    %roll3A_925 = tpu.dynamic_rotate %select_n3A_913 by %roll3A_924 dim 1 : vector<100x128xi32>, i32 -> vector<100x128xi32>
    %select_n3A_926 = arith.select %ne3A_921, %roll3A_923, %roll3A_925 : vector<100x128xi1>, vector<100x128xi32>
    %roll3A_927 = arith.constant 2 : i32
    %roll3A_928 = tpu.dynamic_rotate %select_n3A_914 by %roll3A_927 dim 1 : vector<100x128xi32>, i32 -> vector<100x128xi32>
    %roll3A_929 = arith.constant 126 : i32
    %roll3A_930 = tpu.dynamic_rotate %select_n3A_914 by %roll3A_929 dim 1 : vector<100x128xi32>, i32 -> vector<100x128xi32>
    %select_n3A_931 = arith.select %ne3A_921, %roll3A_928, %roll3A_930 : vector<100x128xi1>, vector<100x128xi32>
    %roll3A_932 = arith.constant 2 : i32
    %roll3A_933 = tpu.dynamic_rotate %select_n3A_915 by %roll3A_932 dim 1 : vector<100x128xi32>, i32 -> vector<100x128xi32>
    %roll3A_934 = arith.constant 126 : i32
    %roll3A_935 = tpu.dynamic_rotate %select_n3A_915 by %roll3A_934 dim 1 : vector<100x128xi32>, i32 -> vector<100x128xi32>
    %select_n3A_936 = arith.select %ne3A_921, %roll3A_933, %roll3A_935 : vector<100x128xi1>, vector<100x128xi32>
    %gt3A_937 = arith.cmpi sgt, %select_n3A_913, %select_n3A_926 : vector<100x128xi32>
    %eq3A_938 = arith.cmpi eq, %select_n3A_913, %select_n3A_926 : vector<100x128xi32>
    %gt3A_939 = arith.cmpi sgt, %select_n3A_914, %select_n3A_931 : vector<100x128xi32>
    %eq3A_940 = arith.cmpi eq, %select_n3A_914, %select_n3A_931 : vector<100x128xi32>
    %lt3A_941 = arith.cmpi slt, %select_n3A_915, %select_n3A_936 : vector<100x128xi32>
    %and3A_942 = arith.andi %eq3A_940, %lt3A_941 : vector<100x128xi1>
    %or3A_943 = arith.ori %gt3A_939, %and3A_942 : vector<100x128xi1>
    %and3A_944 = arith.andi %eq3A_938, %or3A_943 : vector<100x128xi1>
    %or3A_945 = arith.ori %gt3A_937, %and3A_944 : vector<100x128xi1>
    %and3A_946 = arith.constant 64 : i32
    %and3A_947 = vector.broadcast %and3A_946 : i32 to vector<100x128xi32>
    %and3A_948 = arith.andi %iota3A_65, %and3A_947 : vector<100x128xi32>
    %ne3A_949 = arith.constant 0 : i32
    %ne3A_950 = vector.broadcast %ne3A_949 : i32 to vector<100x128xi32>
    %ne3A_951 = arith.cmpi ne, %and3A_948, %ne3A_950 : vector<100x128xi32>
    %eq3A_952 = arith.xori %ne3A_921, %ne3A_951 : vector<100x128xi1>
    %eq3A_953 = arith.constant dense<true> : vector<100x128xi1>
    %eq3A_954 = arith.xori %eq3A_952, %eq3A_953 : vector<100x128xi1>
    %eq3A_955 = arith.xori %eq3A_954, %or3A_945 : vector<100x128xi1>
    %eq3A_956 = arith.constant dense<true> : vector<100x128xi1>
    %eq3A_957 = arith.xori %eq3A_955, %eq3A_956 : vector<100x128xi1>
    %select_n3A_958 = arith.select %eq3A_957, %select_n3A_913, %select_n3A_926 : vector<100x128xi1>, vector<100x128xi32>
    %select_n3A_959 = arith.select %eq3A_957, %select_n3A_914, %select_n3A_931 : vector<100x128xi1>, vector<100x128xi32>
    %select_n3A_960 = arith.select %eq3A_957, %select_n3A_915, %select_n3A_936 : vector<100x128xi1>, vector<100x128xi32>
    %and3A_961 = arith.constant 1 : i32
    %and3A_962 = vector.broadcast %and3A_961 : i32 to vector<100x128xi32>
    %and3A_963 = arith.andi %iota3A_65, %and3A_962 : vector<100x128xi32>
    %ne3A_964 = arith.constant 0 : i32
    %ne3A_965 = vector.broadcast %ne3A_964 : i32 to vector<100x128xi32>
    %ne3A_966 = arith.cmpi ne, %and3A_963, %ne3A_965 : vector<100x128xi32>
    %roll3A_967 = arith.constant 1 : i32
    %roll3A_968 = tpu.dynamic_rotate %select_n3A_958 by %roll3A_967 dim 1 : vector<100x128xi32>, i32 -> vector<100x128xi32>
    %roll3A_969 = arith.constant 127 : i32
    %roll3A_970 = tpu.dynamic_rotate %select_n3A_958 by %roll3A_969 dim 1 : vector<100x128xi32>, i32 -> vector<100x128xi32>
    %select_n3A_971 = arith.select %ne3A_966, %roll3A_968, %roll3A_970 : vector<100x128xi1>, vector<100x128xi32>
    %roll3A_972 = arith.constant 1 : i32
    %roll3A_973 = tpu.dynamic_rotate %select_n3A_959 by %roll3A_972 dim 1 : vector<100x128xi32>, i32 -> vector<100x128xi32>
    %roll3A_974 = arith.constant 127 : i32
    %roll3A_975 = tpu.dynamic_rotate %select_n3A_959 by %roll3A_974 dim 1 : vector<100x128xi32>, i32 -> vector<100x128xi32>
    %select_n3A_976 = arith.select %ne3A_966, %roll3A_973, %roll3A_975 : vector<100x128xi1>, vector<100x128xi32>
    %roll3A_977 = arith.constant 1 : i32
    %roll3A_978 = tpu.dynamic_rotate %select_n3A_960 by %roll3A_977 dim 1 : vector<100x128xi32>, i32 -> vector<100x128xi32>
    %roll3A_979 = arith.constant 127 : i32
    %roll3A_980 = tpu.dynamic_rotate %select_n3A_960 by %roll3A_979 dim 1 : vector<100x128xi32>, i32 -> vector<100x128xi32>
    %select_n3A_981 = arith.select %ne3A_966, %roll3A_978, %roll3A_980 : vector<100x128xi1>, vector<100x128xi32>
    %gt3A_982 = arith.cmpi sgt, %select_n3A_958, %select_n3A_971 : vector<100x128xi32>
    %eq3A_983 = arith.cmpi eq, %select_n3A_958, %select_n3A_971 : vector<100x128xi32>
    %gt3A_984 = arith.cmpi sgt, %select_n3A_959, %select_n3A_976 : vector<100x128xi32>
    %eq3A_985 = arith.cmpi eq, %select_n3A_959, %select_n3A_976 : vector<100x128xi32>
    %lt3A_986 = arith.cmpi slt, %select_n3A_960, %select_n3A_981 : vector<100x128xi32>
    %and3A_987 = arith.andi %eq3A_985, %lt3A_986 : vector<100x128xi1>
    %or3A_988 = arith.ori %gt3A_984, %and3A_987 : vector<100x128xi1>
    %and3A_989 = arith.andi %eq3A_983, %or3A_988 : vector<100x128xi1>
    %or3A_990 = arith.ori %gt3A_982, %and3A_989 : vector<100x128xi1>
    %and3A_991 = arith.constant 64 : i32
    %and3A_992 = vector.broadcast %and3A_991 : i32 to vector<100x128xi32>
    %and3A_993 = arith.andi %iota3A_65, %and3A_992 : vector<100x128xi32>
    %ne3A_994 = arith.constant 0 : i32
    %ne3A_995 = vector.broadcast %ne3A_994 : i32 to vector<100x128xi32>
    %ne3A_996 = arith.cmpi ne, %and3A_993, %ne3A_995 : vector<100x128xi32>
    %eq3A_997 = arith.xori %ne3A_966, %ne3A_996 : vector<100x128xi1>
    %eq3A_998 = arith.constant dense<true> : vector<100x128xi1>
    %eq3A_999 = arith.xori %eq3A_997, %eq3A_998 : vector<100x128xi1>
    %eq3A_1000 = arith.xori %eq3A_999, %or3A_990 : vector<100x128xi1>
    %eq3A_1001 = arith.constant dense<true> : vector<100x128xi1>
    %eq3A_1002 = arith.xori %eq3A_1000, %eq3A_1001 : vector<100x128xi1>
    %select_n3A_1003 = arith.select %eq3A_1002, %select_n3A_958, %select_n3A_971 : vector<100x128xi1>, vector<100x128xi32>
    %select_n3A_1004 = arith.select %eq3A_1002, %select_n3A_959, %select_n3A_976 : vector<100x128xi1>, vector<100x128xi32>
    %select_n3A_1005 = arith.select %eq3A_1002, %select_n3A_960, %select_n3A_981 : vector<100x128xi1>, vector<100x128xi32>
    %and3A_1006 = arith.constant 64 : i32
    %and3A_1007 = vector.broadcast %and3A_1006 : i32 to vector<100x128xi32>
    %and3A_1008 = arith.andi %iota3A_65, %and3A_1007 : vector<100x128xi32>
    %ne3A_1009 = arith.constant 0 : i32
    %ne3A_1010 = vector.broadcast %ne3A_1009 : i32 to vector<100x128xi32>
    %ne3A_1011 = arith.cmpi ne, %and3A_1008, %ne3A_1010 : vector<100x128xi32>
    %roll3A_1012 = arith.constant 64 : i32
    %roll3A_1013 = tpu.dynamic_rotate %select_n3A_1003 by %roll3A_1012 dim 1 : vector<100x128xi32>, i32 -> vector<100x128xi32>
    %roll3A_1014 = arith.constant 64 : i32
    %roll3A_1015 = tpu.dynamic_rotate %select_n3A_1003 by %roll3A_1014 dim 1 : vector<100x128xi32>, i32 -> vector<100x128xi32>
    %select_n3A_1016 = arith.select %ne3A_1011, %roll3A_1013, %roll3A_1015 : vector<100x128xi1>, vector<100x128xi32>
    %roll3A_1017 = arith.constant 64 : i32
    %roll3A_1018 = tpu.dynamic_rotate %select_n3A_1004 by %roll3A_1017 dim 1 : vector<100x128xi32>, i32 -> vector<100x128xi32>
    %roll3A_1019 = arith.constant 64 : i32
    %roll3A_1020 = tpu.dynamic_rotate %select_n3A_1004 by %roll3A_1019 dim 1 : vector<100x128xi32>, i32 -> vector<100x128xi32>
    %select_n3A_1021 = arith.select %ne3A_1011, %roll3A_1018, %roll3A_1020 : vector<100x128xi1>, vector<100x128xi32>
    %roll3A_1022 = arith.constant 64 : i32
    %roll3A_1023 = tpu.dynamic_rotate %select_n3A_1005 by %roll3A_1022 dim 1 : vector<100x128xi32>, i32 -> vector<100x128xi32>
    %roll3A_1024 = arith.constant 64 : i32
    %roll3A_1025 = tpu.dynamic_rotate %select_n3A_1005 by %roll3A_1024 dim 1 : vector<100x128xi32>, i32 -> vector<100x128xi32>
    %select_n3A_1026 = arith.select %ne3A_1011, %roll3A_1023, %roll3A_1025 : vector<100x128xi1>, vector<100x128xi32>
    %gt3A_1027 = arith.cmpi sgt, %select_n3A_1003, %select_n3A_1016 : vector<100x128xi32>
    %eq3A_1028 = arith.cmpi eq, %select_n3A_1003, %select_n3A_1016 : vector<100x128xi32>
    %gt3A_1029 = arith.cmpi sgt, %select_n3A_1004, %select_n3A_1021 : vector<100x128xi32>
    %eq3A_1030 = arith.cmpi eq, %select_n3A_1004, %select_n3A_1021 : vector<100x128xi32>
    %lt3A_1031 = arith.cmpi slt, %select_n3A_1005, %select_n3A_1026 : vector<100x128xi32>
    %and3A_1032 = arith.andi %eq3A_1030, %lt3A_1031 : vector<100x128xi1>
    %or3A_1033 = arith.ori %gt3A_1029, %and3A_1032 : vector<100x128xi1>
    %and3A_1034 = arith.andi %eq3A_1028, %or3A_1033 : vector<100x128xi1>
    %or3A_1035 = arith.ori %gt3A_1027, %and3A_1034 : vector<100x128xi1>
    %and3A_1036 = arith.constant 128 : i32
    %and3A_1037 = vector.broadcast %and3A_1036 : i32 to vector<100x128xi32>
    %and3A_1038 = arith.andi %iota3A_65, %and3A_1037 : vector<100x128xi32>
    %ne3A_1039 = arith.constant 0 : i32
    %ne3A_1040 = vector.broadcast %ne3A_1039 : i32 to vector<100x128xi32>
    %ne3A_1041 = arith.cmpi ne, %and3A_1038, %ne3A_1040 : vector<100x128xi32>
    %eq3A_1042 = arith.xori %ne3A_1011, %ne3A_1041 : vector<100x128xi1>
    %eq3A_1043 = arith.constant dense<true> : vector<100x128xi1>
    %eq3A_1044 = arith.xori %eq3A_1042, %eq3A_1043 : vector<100x128xi1>
    %eq3A_1045 = arith.xori %eq3A_1044, %or3A_1035 : vector<100x128xi1>
    %eq3A_1046 = arith.constant dense<true> : vector<100x128xi1>
    %eq3A_1047 = arith.xori %eq3A_1045, %eq3A_1046 : vector<100x128xi1>
    %select_n3A_1048 = arith.select %eq3A_1047, %select_n3A_1003, %select_n3A_1016 : vector<100x128xi1>, vector<100x128xi32>
    %select_n3A_1049 = arith.select %eq3A_1047, %select_n3A_1004, %select_n3A_1021 : vector<100x128xi1>, vector<100x128xi32>
    %select_n3A_1050 = arith.select %eq3A_1047, %select_n3A_1005, %select_n3A_1026 : vector<100x128xi1>, vector<100x128xi32>
    %and3A_1051 = arith.constant 32 : i32
    %and3A_1052 = vector.broadcast %and3A_1051 : i32 to vector<100x128xi32>
    %and3A_1053 = arith.andi %iota3A_65, %and3A_1052 : vector<100x128xi32>
    %ne3A_1054 = arith.constant 0 : i32
    %ne3A_1055 = vector.broadcast %ne3A_1054 : i32 to vector<100x128xi32>
    %ne3A_1056 = arith.cmpi ne, %and3A_1053, %ne3A_1055 : vector<100x128xi32>
    %roll3A_1057 = arith.constant 32 : i32
    %roll3A_1058 = tpu.dynamic_rotate %select_n3A_1048 by %roll3A_1057 dim 1 : vector<100x128xi32>, i32 -> vector<100x128xi32>
    %roll3A_1059 = arith.constant 96 : i32
    %roll3A_1060 = tpu.dynamic_rotate %select_n3A_1048 by %roll3A_1059 dim 1 : vector<100x128xi32>, i32 -> vector<100x128xi32>
    %select_n3A_1061 = arith.select %ne3A_1056, %roll3A_1058, %roll3A_1060 : vector<100x128xi1>, vector<100x128xi32>
    %roll3A_1062 = arith.constant 32 : i32
    %roll3A_1063 = tpu.dynamic_rotate %select_n3A_1049 by %roll3A_1062 dim 1 : vector<100x128xi32>, i32 -> vector<100x128xi32>
    %roll3A_1064 = arith.constant 96 : i32
    %roll3A_1065 = tpu.dynamic_rotate %select_n3A_1049 by %roll3A_1064 dim 1 : vector<100x128xi32>, i32 -> vector<100x128xi32>
    %select_n3A_1066 = arith.select %ne3A_1056, %roll3A_1063, %roll3A_1065 : vector<100x128xi1>, vector<100x128xi32>
    %roll3A_1067 = arith.constant 32 : i32
    %roll3A_1068 = tpu.dynamic_rotate %select_n3A_1050 by %roll3A_1067 dim 1 : vector<100x128xi32>, i32 -> vector<100x128xi32>
    %roll3A_1069 = arith.constant 96 : i32
    %roll3A_1070 = tpu.dynamic_rotate %select_n3A_1050 by %roll3A_1069 dim 1 : vector<100x128xi32>, i32 -> vector<100x128xi32>
    %select_n3A_1071 = arith.select %ne3A_1056, %roll3A_1068, %roll3A_1070 : vector<100x128xi1>, vector<100x128xi32>
    %gt3A_1072 = arith.cmpi sgt, %select_n3A_1048, %select_n3A_1061 : vector<100x128xi32>
    %eq3A_1073 = arith.cmpi eq, %select_n3A_1048, %select_n3A_1061 : vector<100x128xi32>
    %gt3A_1074 = arith.cmpi sgt, %select_n3A_1049, %select_n3A_1066 : vector<100x128xi32>
    %eq3A_1075 = arith.cmpi eq, %select_n3A_1049, %select_n3A_1066 : vector<100x128xi32>
    %lt3A_1076 = arith.cmpi slt, %select_n3A_1050, %select_n3A_1071 : vector<100x128xi32>
    %and3A_1077 = arith.andi %eq3A_1075, %lt3A_1076 : vector<100x128xi1>
    %or3A_1078 = arith.ori %gt3A_1074, %and3A_1077 : vector<100x128xi1>
    %and3A_1079 = arith.andi %eq3A_1073, %or3A_1078 : vector<100x128xi1>
    %or3A_1080 = arith.ori %gt3A_1072, %and3A_1079 : vector<100x128xi1>
    %and3A_1081 = arith.constant 128 : i32
    %and3A_1082 = vector.broadcast %and3A_1081 : i32 to vector<100x128xi32>
    %and3A_1083 = arith.andi %iota3A_65, %and3A_1082 : vector<100x128xi32>
    %ne3A_1084 = arith.constant 0 : i32
    %ne3A_1085 = vector.broadcast %ne3A_1084 : i32 to vector<100x128xi32>
    %ne3A_1086 = arith.cmpi ne, %and3A_1083, %ne3A_1085 : vector<100x128xi32>
    %eq3A_1087 = arith.xori %ne3A_1056, %ne3A_1086 : vector<100x128xi1>
    %eq3A_1088 = arith.constant dense<true> : vector<100x128xi1>
    %eq3A_1089 = arith.xori %eq3A_1087, %eq3A_1088 : vector<100x128xi1>
    %eq3A_1090 = arith.xori %eq3A_1089, %or3A_1080 : vector<100x128xi1>
    %eq3A_1091 = arith.constant dense<true> : vector<100x128xi1>
    %eq3A_1092 = arith.xori %eq3A_1090, %eq3A_1091 : vector<100x128xi1>
    %select_n3A_1093 = arith.select %eq3A_1092, %select_n3A_1048, %select_n3A_1061 : vector<100x128xi1>, vector<100x128xi32>
    %select_n3A_1094 = arith.select %eq3A_1092, %select_n3A_1049, %select_n3A_1066 : vector<100x128xi1>, vector<100x128xi32>
    %select_n3A_1095 = arith.select %eq3A_1092, %select_n3A_1050, %select_n3A_1071 : vector<100x128xi1>, vector<100x128xi32>
    %and3A_1096 = arith.constant 16 : i32
    %and3A_1097 = vector.broadcast %and3A_1096 : i32 to vector<100x128xi32>
    %and3A_1098 = arith.andi %iota3A_65, %and3A_1097 : vector<100x128xi32>
    %ne3A_1099 = arith.constant 0 : i32
    %ne3A_1100 = vector.broadcast %ne3A_1099 : i32 to vector<100x128xi32>
    %ne3A_1101 = arith.cmpi ne, %and3A_1098, %ne3A_1100 : vector<100x128xi32>
    %roll3A_1102 = arith.constant 16 : i32
    %roll3A_1103 = tpu.dynamic_rotate %select_n3A_1093 by %roll3A_1102 dim 1 : vector<100x128xi32>, i32 -> vector<100x128xi32>
    %roll3A_1104 = arith.constant 112 : i32
    %roll3A_1105 = tpu.dynamic_rotate %select_n3A_1093 by %roll3A_1104 dim 1 : vector<100x128xi32>, i32 -> vector<100x128xi32>
    %select_n3A_1106 = arith.select %ne3A_1101, %roll3A_1103, %roll3A_1105 : vector<100x128xi1>, vector<100x128xi32>
    %roll3A_1107 = arith.constant 16 : i32
    %roll3A_1108 = tpu.dynamic_rotate %select_n3A_1094 by %roll3A_1107 dim 1 : vector<100x128xi32>, i32 -> vector<100x128xi32>
    %roll3A_1109 = arith.constant 112 : i32
    %roll3A_1110 = tpu.dynamic_rotate %select_n3A_1094 by %roll3A_1109 dim 1 : vector<100x128xi32>, i32 -> vector<100x128xi32>
    %select_n3A_1111 = arith.select %ne3A_1101, %roll3A_1108, %roll3A_1110 : vector<100x128xi1>, vector<100x128xi32>
    %roll3A_1112 = arith.constant 16 : i32
    %roll3A_1113 = tpu.dynamic_rotate %select_n3A_1095 by %roll3A_1112 dim 1 : vector<100x128xi32>, i32 -> vector<100x128xi32>
    %roll3A_1114 = arith.constant 112 : i32
    %roll3A_1115 = tpu.dynamic_rotate %select_n3A_1095 by %roll3A_1114 dim 1 : vector<100x128xi32>, i32 -> vector<100x128xi32>
    %select_n3A_1116 = arith.select %ne3A_1101, %roll3A_1113, %roll3A_1115 : vector<100x128xi1>, vector<100x128xi32>
    %gt3A_1117 = arith.cmpi sgt, %select_n3A_1093, %select_n3A_1106 : vector<100x128xi32>
    %eq3A_1118 = arith.cmpi eq, %select_n3A_1093, %select_n3A_1106 : vector<100x128xi32>
    %gt3A_1119 = arith.cmpi sgt, %select_n3A_1094, %select_n3A_1111 : vector<100x128xi32>
    %eq3A_1120 = arith.cmpi eq, %select_n3A_1094, %select_n3A_1111 : vector<100x128xi32>
    %lt3A_1121 = arith.cmpi slt, %select_n3A_1095, %select_n3A_1116 : vector<100x128xi32>
    %and3A_1122 = arith.andi %eq3A_1120, %lt3A_1121 : vector<100x128xi1>
    %or3A_1123 = arith.ori %gt3A_1119, %and3A_1122 : vector<100x128xi1>
    %and3A_1124 = arith.andi %eq3A_1118, %or3A_1123 : vector<100x128xi1>
    %or3A_1125 = arith.ori %gt3A_1117, %and3A_1124 : vector<100x128xi1>
    %and3A_1126 = arith.constant 128 : i32
    %and3A_1127 = vector.broadcast %and3A_1126 : i32 to vector<100x128xi32>
    %and3A_1128 = arith.andi %iota3A_65, %and3A_1127 : vector<100x128xi32>
    %ne3A_1129 = arith.constant 0 : i32
    %ne3A_1130 = vector.broadcast %ne3A_1129 : i32 to vector<100x128xi32>
    %ne3A_1131 = arith.cmpi ne, %and3A_1128, %ne3A_1130 : vector<100x128xi32>
    %eq3A_1132 = arith.xori %ne3A_1101, %ne3A_1131 : vector<100x128xi1>
    %eq3A_1133 = arith.constant dense<true> : vector<100x128xi1>
    %eq3A_1134 = arith.xori %eq3A_1132, %eq3A_1133 : vector<100x128xi1>
    %eq3A_1135 = arith.xori %eq3A_1134, %or3A_1125 : vector<100x128xi1>
    %eq3A_1136 = arith.constant dense<true> : vector<100x128xi1>
    %eq3A_1137 = arith.xori %eq3A_1135, %eq3A_1136 : vector<100x128xi1>
    %select_n3A_1138 = arith.select %eq3A_1137, %select_n3A_1093, %select_n3A_1106 : vector<100x128xi1>, vector<100x128xi32>
    %select_n3A_1139 = arith.select %eq3A_1137, %select_n3A_1094, %select_n3A_1111 : vector<100x128xi1>, vector<100x128xi32>
    %select_n3A_1140 = arith.select %eq3A_1137, %select_n3A_1095, %select_n3A_1116 : vector<100x128xi1>, vector<100x128xi32>
    %and3A_1141 = arith.constant 8 : i32
    %and3A_1142 = vector.broadcast %and3A_1141 : i32 to vector<100x128xi32>
    %and3A_1143 = arith.andi %iota3A_65, %and3A_1142 : vector<100x128xi32>
    %ne3A_1144 = arith.constant 0 : i32
    %ne3A_1145 = vector.broadcast %ne3A_1144 : i32 to vector<100x128xi32>
    %ne3A_1146 = arith.cmpi ne, %and3A_1143, %ne3A_1145 : vector<100x128xi32>
    %roll3A_1147 = arith.constant 8 : i32
    %roll3A_1148 = tpu.dynamic_rotate %select_n3A_1138 by %roll3A_1147 dim 1 : vector<100x128xi32>, i32 -> vector<100x128xi32>
    %roll3A_1149 = arith.constant 120 : i32
    %roll3A_1150 = tpu.dynamic_rotate %select_n3A_1138 by %roll3A_1149 dim 1 : vector<100x128xi32>, i32 -> vector<100x128xi32>
    %select_n3A_1151 = arith.select %ne3A_1146, %roll3A_1148, %roll3A_1150 : vector<100x128xi1>, vector<100x128xi32>
    %roll3A_1152 = arith.constant 8 : i32
    %roll3A_1153 = tpu.dynamic_rotate %select_n3A_1139 by %roll3A_1152 dim 1 : vector<100x128xi32>, i32 -> vector<100x128xi32>
    %roll3A_1154 = arith.constant 120 : i32
    %roll3A_1155 = tpu.dynamic_rotate %select_n3A_1139 by %roll3A_1154 dim 1 : vector<100x128xi32>, i32 -> vector<100x128xi32>
    %select_n3A_1156 = arith.select %ne3A_1146, %roll3A_1153, %roll3A_1155 : vector<100x128xi1>, vector<100x128xi32>
    %roll3A_1157 = arith.constant 8 : i32
    %roll3A_1158 = tpu.dynamic_rotate %select_n3A_1140 by %roll3A_1157 dim 1 : vector<100x128xi32>, i32 -> vector<100x128xi32>
    %roll3A_1159 = arith.constant 120 : i32
    %roll3A_1160 = tpu.dynamic_rotate %select_n3A_1140 by %roll3A_1159 dim 1 : vector<100x128xi32>, i32 -> vector<100x128xi32>
    %select_n3A_1161 = arith.select %ne3A_1146, %roll3A_1158, %roll3A_1160 : vector<100x128xi1>, vector<100x128xi32>
    %gt3A_1162 = arith.cmpi sgt, %select_n3A_1138, %select_n3A_1151 : vector<100x128xi32>
    %eq3A_1163 = arith.cmpi eq, %select_n3A_1138, %select_n3A_1151 : vector<100x128xi32>
    %gt3A_1164 = arith.cmpi sgt, %select_n3A_1139, %select_n3A_1156 : vector<100x128xi32>
    %eq3A_1165 = arith.cmpi eq, %select_n3A_1139, %select_n3A_1156 : vector<100x128xi32>
    %lt3A_1166 = arith.cmpi slt, %select_n3A_1140, %select_n3A_1161 : vector<100x128xi32>
    %and3A_1167 = arith.andi %eq3A_1165, %lt3A_1166 : vector<100x128xi1>
    %or3A_1168 = arith.ori %gt3A_1164, %and3A_1167 : vector<100x128xi1>
    %and3A_1169 = arith.andi %eq3A_1163, %or3A_1168 : vector<100x128xi1>
    %or3A_1170 = arith.ori %gt3A_1162, %and3A_1169 : vector<100x128xi1>
    %and3A_1171 = arith.constant 128 : i32
    %and3A_1172 = vector.broadcast %and3A_1171 : i32 to vector<100x128xi32>
    %and3A_1173 = arith.andi %iota3A_65, %and3A_1172 : vector<100x128xi32>
    %ne3A_1174 = arith.constant 0 : i32
    %ne3A_1175 = vector.broadcast %ne3A_1174 : i32 to vector<100x128xi32>
    %ne3A_1176 = arith.cmpi ne, %and3A_1173, %ne3A_1175 : vector<100x128xi32>
    %eq3A_1177 = arith.xori %ne3A_1146, %ne3A_1176 : vector<100x128xi1>
    %eq3A_1178 = arith.constant dense<true> : vector<100x128xi1>
    %eq3A_1179 = arith.xori %eq3A_1177, %eq3A_1178 : vector<100x128xi1>
    %eq3A_1180 = arith.xori %eq3A_1179, %or3A_1170 : vector<100x128xi1>
    %eq3A_1181 = arith.constant dense<true> : vector<100x128xi1>
    %eq3A_1182 = arith.xori %eq3A_1180, %eq3A_1181 : vector<100x128xi1>
    %select_n3A_1183 = arith.select %eq3A_1182, %select_n3A_1138, %select_n3A_1151 : vector<100x128xi1>, vector<100x128xi32>
    %select_n3A_1184 = arith.select %eq3A_1182, %select_n3A_1139, %select_n3A_1156 : vector<100x128xi1>, vector<100x128xi32>
    %select_n3A_1185 = arith.select %eq3A_1182, %select_n3A_1140, %select_n3A_1161 : vector<100x128xi1>, vector<100x128xi32>
    %and3A_1186 = arith.constant 4 : i32
    %and3A_1187 = vector.broadcast %and3A_1186 : i32 to vector<100x128xi32>
    %and3A_1188 = arith.andi %iota3A_65, %and3A_1187 : vector<100x128xi32>
    %ne3A_1189 = arith.constant 0 : i32
    %ne3A_1190 = vector.broadcast %ne3A_1189 : i32 to vector<100x128xi32>
    %ne3A_1191 = arith.cmpi ne, %and3A_1188, %ne3A_1190 : vector<100x128xi32>
    %roll3A_1192 = arith.constant 4 : i32
    %roll3A_1193 = tpu.dynamic_rotate %select_n3A_1183 by %roll3A_1192 dim 1 : vector<100x128xi32>, i32 -> vector<100x128xi32>
    %roll3A_1194 = arith.constant 124 : i32
    %roll3A_1195 = tpu.dynamic_rotate %select_n3A_1183 by %roll3A_1194 dim 1 : vector<100x128xi32>, i32 -> vector<100x128xi32>
    %select_n3A_1196 = arith.select %ne3A_1191, %roll3A_1193, %roll3A_1195 : vector<100x128xi1>, vector<100x128xi32>
    %roll3A_1197 = arith.constant 4 : i32
    %roll3A_1198 = tpu.dynamic_rotate %select_n3A_1184 by %roll3A_1197 dim 1 : vector<100x128xi32>, i32 -> vector<100x128xi32>
    %roll3A_1199 = arith.constant 124 : i32
    %roll3A_1200 = tpu.dynamic_rotate %select_n3A_1184 by %roll3A_1199 dim 1 : vector<100x128xi32>, i32 -> vector<100x128xi32>
    %select_n3A_1201 = arith.select %ne3A_1191, %roll3A_1198, %roll3A_1200 : vector<100x128xi1>, vector<100x128xi32>
    %roll3A_1202 = arith.constant 4 : i32
    %roll3A_1203 = tpu.dynamic_rotate %select_n3A_1185 by %roll3A_1202 dim 1 : vector<100x128xi32>, i32 -> vector<100x128xi32>
    %roll3A_1204 = arith.constant 124 : i32
    %roll3A_1205 = tpu.dynamic_rotate %select_n3A_1185 by %roll3A_1204 dim 1 : vector<100x128xi32>, i32 -> vector<100x128xi32>
    %select_n3A_1206 = arith.select %ne3A_1191, %roll3A_1203, %roll3A_1205 : vector<100x128xi1>, vector<100x128xi32>
    %gt3A_1207 = arith.cmpi sgt, %select_n3A_1183, %select_n3A_1196 : vector<100x128xi32>
    %eq3A_1208 = arith.cmpi eq, %select_n3A_1183, %select_n3A_1196 : vector<100x128xi32>
    %gt3A_1209 = arith.cmpi sgt, %select_n3A_1184, %select_n3A_1201 : vector<100x128xi32>
    %eq3A_1210 = arith.cmpi eq, %select_n3A_1184, %select_n3A_1201 : vector<100x128xi32>
    %lt3A_1211 = arith.cmpi slt, %select_n3A_1185, %select_n3A_1206 : vector<100x128xi32>
    %and3A_1212 = arith.andi %eq3A_1210, %lt3A_1211 : vector<100x128xi1>
    %or3A_1213 = arith.ori %gt3A_1209, %and3A_1212 : vector<100x128xi1>
    %and3A_1214 = arith.andi %eq3A_1208, %or3A_1213 : vector<100x128xi1>
    %or3A_1215 = arith.ori %gt3A_1207, %and3A_1214 : vector<100x128xi1>
    %and3A_1216 = arith.constant 128 : i32
    %and3A_1217 = vector.broadcast %and3A_1216 : i32 to vector<100x128xi32>
    %and3A_1218 = arith.andi %iota3A_65, %and3A_1217 : vector<100x128xi32>
    %ne3A_1219 = arith.constant 0 : i32
    %ne3A_1220 = vector.broadcast %ne3A_1219 : i32 to vector<100x128xi32>
    %ne3A_1221 = arith.cmpi ne, %and3A_1218, %ne3A_1220 : vector<100x128xi32>
    %eq3A_1222 = arith.xori %ne3A_1191, %ne3A_1221 : vector<100x128xi1>
    %eq3A_1223 = arith.constant dense<true> : vector<100x128xi1>
    %eq3A_1224 = arith.xori %eq3A_1222, %eq3A_1223 : vector<100x128xi1>
    %eq3A_1225 = arith.xori %eq3A_1224, %or3A_1215 : vector<100x128xi1>
    %eq3A_1226 = arith.constant dense<true> : vector<100x128xi1>
    %eq3A_1227 = arith.xori %eq3A_1225, %eq3A_1226 : vector<100x128xi1>
    %select_n3A_1228 = arith.select %eq3A_1227, %select_n3A_1183, %select_n3A_1196 : vector<100x128xi1>, vector<100x128xi32>
    %select_n3A_1229 = arith.select %eq3A_1227, %select_n3A_1184, %select_n3A_1201 : vector<100x128xi1>, vector<100x128xi32>
    %select_n3A_1230 = arith.select %eq3A_1227, %select_n3A_1185, %select_n3A_1206 : vector<100x128xi1>, vector<100x128xi32>
    %and3A_1231 = arith.constant 2 : i32
    %and3A_1232 = vector.broadcast %and3A_1231 : i32 to vector<100x128xi32>
    %and3A_1233 = arith.andi %iota3A_65, %and3A_1232 : vector<100x128xi32>
    %ne3A_1234 = arith.constant 0 : i32
    %ne3A_1235 = vector.broadcast %ne3A_1234 : i32 to vector<100x128xi32>
    %ne3A_1236 = arith.cmpi ne, %and3A_1233, %ne3A_1235 : vector<100x128xi32>
    %roll3A_1237 = arith.constant 2 : i32
    %roll3A_1238 = tpu.dynamic_rotate %select_n3A_1228 by %roll3A_1237 dim 1 : vector<100x128xi32>, i32 -> vector<100x128xi32>
    %roll3A_1239 = arith.constant 126 : i32
    %roll3A_1240 = tpu.dynamic_rotate %select_n3A_1228 by %roll3A_1239 dim 1 : vector<100x128xi32>, i32 -> vector<100x128xi32>
    %select_n3A_1241 = arith.select %ne3A_1236, %roll3A_1238, %roll3A_1240 : vector<100x128xi1>, vector<100x128xi32>
    %roll3A_1242 = arith.constant 2 : i32
    %roll3A_1243 = tpu.dynamic_rotate %select_n3A_1229 by %roll3A_1242 dim 1 : vector<100x128xi32>, i32 -> vector<100x128xi32>
    %roll3A_1244 = arith.constant 126 : i32
    %roll3A_1245 = tpu.dynamic_rotate %select_n3A_1229 by %roll3A_1244 dim 1 : vector<100x128xi32>, i32 -> vector<100x128xi32>
    %select_n3A_1246 = arith.select %ne3A_1236, %roll3A_1243, %roll3A_1245 : vector<100x128xi1>, vector<100x128xi32>
    %roll3A_1247 = arith.constant 2 : i32
    %roll3A_1248 = tpu.dynamic_rotate %select_n3A_1230 by %roll3A_1247 dim 1 : vector<100x128xi32>, i32 -> vector<100x128xi32>
    %roll3A_1249 = arith.constant 126 : i32
    %roll3A_1250 = tpu.dynamic_rotate %select_n3A_1230 by %roll3A_1249 dim 1 : vector<100x128xi32>, i32 -> vector<100x128xi32>
    %select_n3A_1251 = arith.select %ne3A_1236, %roll3A_1248, %roll3A_1250 : vector<100x128xi1>, vector<100x128xi32>
    %gt3A_1252 = arith.cmpi sgt, %select_n3A_1228, %select_n3A_1241 : vector<100x128xi32>
    %eq3A_1253 = arith.cmpi eq, %select_n3A_1228, %select_n3A_1241 : vector<100x128xi32>
    %gt3A_1254 = arith.cmpi sgt, %select_n3A_1229, %select_n3A_1246 : vector<100x128xi32>
    %eq3A_1255 = arith.cmpi eq, %select_n3A_1229, %select_n3A_1246 : vector<100x128xi32>
    %lt3A_1256 = arith.cmpi slt, %select_n3A_1230, %select_n3A_1251 : vector<100x128xi32>
    %and3A_1257 = arith.andi %eq3A_1255, %lt3A_1256 : vector<100x128xi1>
    %or3A_1258 = arith.ori %gt3A_1254, %and3A_1257 : vector<100x128xi1>
    %and3A_1259 = arith.andi %eq3A_1253, %or3A_1258 : vector<100x128xi1>
    %or3A_1260 = arith.ori %gt3A_1252, %and3A_1259 : vector<100x128xi1>
    %and3A_1261 = arith.constant 128 : i32
    %and3A_1262 = vector.broadcast %and3A_1261 : i32 to vector<100x128xi32>
    %and3A_1263 = arith.andi %iota3A_65, %and3A_1262 : vector<100x128xi32>
    %ne3A_1264 = arith.constant 0 : i32
    %ne3A_1265 = vector.broadcast %ne3A_1264 : i32 to vector<100x128xi32>
    %ne3A_1266 = arith.cmpi ne, %and3A_1263, %ne3A_1265 : vector<100x128xi32>
    %eq3A_1267 = arith.xori %ne3A_1236, %ne3A_1266 : vector<100x128xi1>
    %eq3A_1268 = arith.constant dense<true> : vector<100x128xi1>
    %eq3A_1269 = arith.xori %eq3A_1267, %eq3A_1268 : vector<100x128xi1>
    %eq3A_1270 = arith.xori %eq3A_1269, %or3A_1260 : vector<100x128xi1>
    %eq3A_1271 = arith.constant dense<true> : vector<100x128xi1>
    %eq3A_1272 = arith.xori %eq3A_1270, %eq3A_1271 : vector<100x128xi1>
    %select_n3A_1273 = arith.select %eq3A_1272, %select_n3A_1228, %select_n3A_1241 : vector<100x128xi1>, vector<100x128xi32>
    %select_n3A_1274 = arith.select %eq3A_1272, %select_n3A_1229, %select_n3A_1246 : vector<100x128xi1>, vector<100x128xi32>
    %select_n3A_1275 = arith.select %eq3A_1272, %select_n3A_1230, %select_n3A_1251 : vector<100x128xi1>, vector<100x128xi32>
    %and3A_1276 = arith.constant 1 : i32
    %and3A_1277 = vector.broadcast %and3A_1276 : i32 to vector<100x128xi32>
    %and3A_1278 = arith.andi %iota3A_65, %and3A_1277 : vector<100x128xi32>
    %ne3A_1279 = arith.constant 0 : i32
    %ne3A_1280 = vector.broadcast %ne3A_1279 : i32 to vector<100x128xi32>
    %ne3A_1281 = arith.cmpi ne, %and3A_1278, %ne3A_1280 : vector<100x128xi32>
    %roll3A_1282 = arith.constant 1 : i32
    %roll3A_1283 = tpu.dynamic_rotate %select_n3A_1273 by %roll3A_1282 dim 1 : vector<100x128xi32>, i32 -> vector<100x128xi32>
    %roll3A_1284 = arith.constant 127 : i32
    %roll3A_1285 = tpu.dynamic_rotate %select_n3A_1273 by %roll3A_1284 dim 1 : vector<100x128xi32>, i32 -> vector<100x128xi32>
    %select_n3A_1286 = arith.select %ne3A_1281, %roll3A_1283, %roll3A_1285 : vector<100x128xi1>, vector<100x128xi32>
    %roll3A_1287 = arith.constant 1 : i32
    %roll3A_1288 = tpu.dynamic_rotate %select_n3A_1274 by %roll3A_1287 dim 1 : vector<100x128xi32>, i32 -> vector<100x128xi32>
    %roll3A_1289 = arith.constant 127 : i32
    %roll3A_1290 = tpu.dynamic_rotate %select_n3A_1274 by %roll3A_1289 dim 1 : vector<100x128xi32>, i32 -> vector<100x128xi32>
    %select_n3A_1291 = arith.select %ne3A_1281, %roll3A_1288, %roll3A_1290 : vector<100x128xi1>, vector<100x128xi32>
    %roll3A_1292 = arith.constant 1 : i32
    %roll3A_1293 = tpu.dynamic_rotate %select_n3A_1275 by %roll3A_1292 dim 1 : vector<100x128xi32>, i32 -> vector<100x128xi32>
    %roll3A_1294 = arith.constant 127 : i32
    %roll3A_1295 = tpu.dynamic_rotate %select_n3A_1275 by %roll3A_1294 dim 1 : vector<100x128xi32>, i32 -> vector<100x128xi32>
    %select_n3A_1296 = arith.select %ne3A_1281, %roll3A_1293, %roll3A_1295 : vector<100x128xi1>, vector<100x128xi32>
    %gt3A_1297 = arith.cmpi sgt, %select_n3A_1273, %select_n3A_1286 : vector<100x128xi32>
    %eq3A_1298 = arith.cmpi eq, %select_n3A_1273, %select_n3A_1286 : vector<100x128xi32>
    %gt3A_1299 = arith.cmpi sgt, %select_n3A_1274, %select_n3A_1291 : vector<100x128xi32>
    %eq3A_1300 = arith.cmpi eq, %select_n3A_1274, %select_n3A_1291 : vector<100x128xi32>
    %lt3A_1301 = arith.cmpi slt, %select_n3A_1275, %select_n3A_1296 : vector<100x128xi32>
    %and3A_1302 = arith.andi %eq3A_1300, %lt3A_1301 : vector<100x128xi1>
    %or3A_1303 = arith.ori %gt3A_1299, %and3A_1302 : vector<100x128xi1>
    %and3A_1304 = arith.andi %eq3A_1298, %or3A_1303 : vector<100x128xi1>
    %or3A_1305 = arith.ori %gt3A_1297, %and3A_1304 : vector<100x128xi1>
    %and3A_1306 = arith.constant 128 : i32
    %and3A_1307 = vector.broadcast %and3A_1306 : i32 to vector<100x128xi32>
    %and3A_1308 = arith.andi %iota3A_65, %and3A_1307 : vector<100x128xi32>
    %ne3A_1309 = arith.constant 0 : i32
    %ne3A_1310 = vector.broadcast %ne3A_1309 : i32 to vector<100x128xi32>
    %ne3A_1311 = arith.cmpi ne, %and3A_1308, %ne3A_1310 : vector<100x128xi32>
    %eq3A_1312 = arith.xori %ne3A_1281, %ne3A_1311 : vector<100x128xi1>
    %eq3A_1313 = arith.constant dense<true> : vector<100x128xi1>
    %eq3A_1314 = arith.xori %eq3A_1312, %eq3A_1313 : vector<100x128xi1>
    %eq3A_1315 = arith.xori %eq3A_1314, %or3A_1305 : vector<100x128xi1>
    %eq3A_1316 = arith.constant dense<true> : vector<100x128xi1>
    %eq3A_1317 = arith.xori %eq3A_1315, %eq3A_1316 : vector<100x128xi1>
    %select_n3A_1318 = arith.select %eq3A_1317, %select_n3A_1273, %select_n3A_1286 : vector<100x128xi1>, vector<100x128xi32>
    %select_n3A_1319 = arith.select %eq3A_1317, %select_n3A_1274, %select_n3A_1291 : vector<100x128xi1>, vector<100x128xi32>
    %select_n3A_1320 = arith.select %eq3A_1317, %select_n3A_1275, %select_n3A_1296 : vector<100x128xi1>, vector<100x128xi32>
    %slice3A = vector.extract_strided_slice %select_n3A_1318 {offsets = [0, 0], sizes = [100, 25], strides = [1, 1]} : vector<100x128xi32> to vector<100x25xi32>
    %lt3A_1321 = arith.constant 0 : i32
    %lt3A_1322 = vector.broadcast %lt3A_1321 : i32 to vector<100x25xi32>
    %lt3A_1323 = arith.cmpi slt, %slice3A, %lt3A_1322 : vector<100x25xi32>
    %xor3A_1324 = arith.constant 2147483647 : i32
    %xor3A_1325 = vector.broadcast %xor3A_1324 : i32 to vector<100x25xi32>
    %xor3A_1326 = arith.xori %slice3A, %xor3A_1325 : vector<100x25xi32>
    %select_n3A_1327 = arith.select %lt3A_1323, %xor3A_1326, %slice3A : vector<100x25xi1>, vector<100x25xi32>
    %bitcast_convert_type3A_1328 = tpu.bitcast %select_n3A_1327 : vector<100x25xi32> -> vector<100x25xf32>
    %logistic3A = arith.negf %bitcast_convert_type3A_1328 : vector<100x25xf32>
    %logistic3A_1329 = math.exp %logistic3A : vector<100x25xf32>
    %logistic3A_1330 = arith.constant 1.000000e+00 : f32
    %logistic3A_1331 = vector.broadcast %logistic3A_1330 : f32 to vector<100x25xf32>
    %logistic3A_1332 = arith.addf %logistic3A_1331, %logistic3A_1329 : vector<100x25xf32>
    %logistic3A_1333 = arith.divf %logistic3A_1331, %logistic3A_1332 : vector<100x25xf32>
    %swap3A_1334 = arith.constant 0 : index
    %swap3A_1335 = arith.constant 0 : index
    %swap3A_1336 = arith.constant 0 : index
    %swap3A_1337 = vector.load %arg27[%swap3A_1334, %swap3A_1335, %swap3A_1336] : memref<1x100x25xf32, #tpu.memory_space<vmem>>, vector<1x100x25xf32>
    %swap3A_1338 = vector.shape_cast %swap3A_1337 : vector<1x100x25xf32> to vector<100x25xf32>
    %swap3A_1339 = vector.shape_cast %logistic3A_1333 : vector<100x25xf32> to vector<1x100x25xf32>
    tpu.vector_store %arg27[%swap3A_1334, %swap3A_1335, %swap3A_1336], %swap3A_1339 {strides = array<i32>} : memref<1x100x25xf32, #tpu.memory_space<vmem>>, vector<1x100x25xf32>,
    %slice3A_1340 = vector.extract_strided_slice %select_n3A_1318 {offsets = [0, 24], sizes = [100, 1], strides = [1, 1]} : vector<100x128xi32> to vector<100x1xi32>
    %slice3A_1341 = vector.extract_strided_slice %select_n3A_1319 {offsets = [0, 24], sizes = [100, 1], strides = [1, 1]} : vector<100x128xi32> to vector<100x1xi32>
    %slice3A_1342 = vector.extract_strided_slice %select_n3A_1320 {offsets = [0, 24], sizes = [100, 1], strides = [1, 1]} : vector<100x128xi32> to vector<100x1xi32>
    %slice3A_1343 = vector.extract_strided_slice %iota3A {offsets = [0, 0], sizes = [100, 100], strides = [1, 1]} : vector<100x128xi32> to vector<100x100xi32>
    %gt3A_1344 = vector.broadcast %slice3A_1340 : vector<100x1xi32> to vector<100x100xi32>
    %gt3A_1345 = arith.cmpi sgt, %select_n3A_51, %gt3A_1344 : vector<100x100xi32>
    %eq3A_1346 = vector.broadcast %slice3A_1340 : vector<100x1xi32> to vector<100x100xi32>
    %eq3A_1347 = arith.cmpi eq, %select_n3A_51, %eq3A_1346 : vector<100x100xi32>
    %gt3A_1348 = vector.broadcast %slice3A_1341 : vector<100x1xi32> to vector<100x100xi32>
    %gt3A_1349 = arith.cmpi sgt, %select_n3A_59, %gt3A_1348 : vector<100x100xi32>
    %eq3A_1350 = vector.broadcast %slice3A_1341 : vector<100x1xi32> to vector<100x100xi32>
    %eq3A_1351 = arith.cmpi eq, %select_n3A_59, %eq3A_1350 : vector<100x100xi32>
    %le3A = vector.broadcast %slice3A_1342 : vector<100x1xi32> to vector<100x100xi32>
    %le3A_1352 = arith.cmpi sle, %slice3A_1343, %le3A : vector<100x100xi32>
    %and3A_1353 = arith.andi %eq3A_1351, %le3A_1352 : vector<100x100xi1>
    %or3A_1354 = arith.ori %gt3A_1349, %and3A_1353 : vector<100x100xi1>
    %and3A_1355 = arith.andi %eq3A_1347, %or3A_1354 : vector<100x100xi1>
    %or3A_1356 = arith.ori %gt3A_1345, %and3A_1355 : vector<100x100xi1>
    %convert_element_type3A_1357 = arith.extui %or3A_1356 : vector<100x100xi1> to vector<100x100xi32>
    %convert_element_type3A_1358 = arith.sitofp %convert_element_type3A_1357 : vector<100x100xi32> to vector<100x100xf32>
    %reshape3A_1359 = vector.shape_cast %max3A_15 : vector<10000x64xf32> to vector<100x100x64xf32>
    %mul3A_1360 = arith.mulf %get3A_33, %convert_element_type3A_1358 : vector<100x100xf32>
    %reshape3A_1361 = vector.shape_cast %mul3A_1360 : vector<100x100xf32> to vector<100x100x1xf32>
    %mul3A_1362 = vector.broadcast %reshape3A_1361 : vector<100x100x1xf32> to vector<100x100x64xf32>
    %mul3A_1363 = arith.mulf %reshape3A_1359, %mul3A_1362 : vector<100x100x64xf32>
    %reshape3A_1364 = vector.shape_cast %convert_element_type3A_1358 : vector<100x100xf32> to vector<100x100x1xf32>
    %gt3A_1365 = arith.constant 0.000000e+00 : f32
    %gt3A_1366 = vector.broadcast %gt3A_1365 : f32 to vector<100x100x1xf32>
    %gt3A_1367 = arith.cmpf ogt, %reshape3A_1364, %gt3A_1366 : vector<100x100x1xf32>
    %jit3A_1368 = arith.constant 0xFF800000 : f32
    %broadcast_in_dim3A_1369 = vector.shape_cast %gt3A_1367 : vector<100x100x1xi1> to vector<100x100x1xi1>
    %broadcast_in_dim3A_1370 = vector.broadcast %broadcast_in_dim3A_1369 : vector<100x100x1xi1> to vector<100x100x64xi1>
    %broadcast_in_dim3A_1371 = vector.broadcast %jit3A_1368 : f32 to vector<100x100x64xf32>
    %select_n3A_1372 = arith.select %broadcast_in_dim3A_1370, %mul3A_1363, %broadcast_in_dim3A_1371 : vector<100x100x64xi1>, vector<100x100x64xf32>
    %reduce_max3A = arith.constant dense<0xFF800000> : vector<100x64xf32>
    %reduce_max3A_1373 = vector.multi_reduction <maximumf>, %select_n3A_1372, %reduce_max3A [1] : vector<100x100x64xf32> to vector<100x64xf32>
    %reduce_sum3A_1374 = arith.constant dense<0.000000e+00> : vector<100x64xf32>
    %reduce_sum3A_1375 = vector.multi_reduction <add>, %mul3A_1363, %reduce_sum3A_1374 [1] : vector<100x100x64xf32> to vector<100x64xf32>
    %mul3A_1376 = arith.constant 4.000000e-02 : f32
    %mul3A_1377 = vector.broadcast %mul3A_1376 : f32 to vector<100x64xf32>
    %mul3A_1378 = arith.mulf %reduce_sum3A_1375, %mul3A_1377 : vector<100x64xf32>
    %get3A_1379 = arith.constant 0 : index
    %get3A_1380 = arith.constant 0 : index
    %get3A_1381 = arith.constant 0 : index
    %get3A_1382 = vector.load %arg6[%get3A_1379, %get3A_1380, %get3A_1381] : memref<1x100x128xf32, #tpu.memory_space<vmem>>, vector<1x100x128xf32>
    %get3A_1383 = vector.shape_cast %get3A_1382 : vector<1x100x128xf32> to vector<100x128xf32>
    %concatenate3A_1384 = tpu.concatenate %get3A_1383, %reduce_max3A_1373, %mul3A_1378 in 1 : vector<100x128xf32>, vector<100x64xf32>, vector<100x64xf32> -> vector<100x256xf32>
    %sqrt3A_1385 = arith.constant 1.000010e+00 : f32
    %sqrt3A_1386 = math.sqrt %sqrt3A_1385 : f32
    %div3A_1387 = arith.constant 1.000000e+00 : f32
    %div3A_1388 = arith.divf %div3A_1387, %sqrt3A_1386 : f32
    %get3A_1389 = arith.constant 0 : index
    %get3A_1390 = arith.constant 0 : index
    %get3A_1391 = vector.load %arg7[%get3A_1389, %get3A_1390] : memref<512x256xf32, #tpu.memory_space<vmem>>, vector<512x256xf32>
    %dot_general3A = arith.constant dense<0.000000e+00> : vector<100x512xf32>
    %dot_general3A_1392 = tpu.matmul %concatenate3A_1384, %get3A_1391, %dot_general3A {dimension_numbers = #tpu.dot_dimension_numbers<[1], [1], [0], [0], [0, 0, 1, 0], [], []>, transpose_lhs_hint = false} : vector<100x256xf32>, vector<512x256xf32>, vector<100x512xf32> -> vector<100x512xf32>
    %get3A_1393 = arith.constant 0 : index
    %get3A_1394 = arith.constant 0 : index
    %get3A_1395 = vector.load %arg8[%get3A_1393, %get3A_1394] : memref<1x512xf32, #tpu.memory_space<vmem>>, vector<1x512xf32>
    %add3A_1396 = vector.broadcast %get3A_1395 : vector<1x512xf32> to vector<100x512xf32>
    %add3A_1397 = arith.addf %dot_general3A_1392, %add3A_1396 : vector<100x512xf32>
    %max3A_1398 = arith.constant 0.000000e+00 : f32
    %max3A_1399 = vector.broadcast %max3A_1398 : f32 to vector<100x512xf32>
    %max3A_1400 = arith.maximumf %add3A_1397, %max3A_1399 : vector<100x512xf32>
    %mul3A_1401 = vector.broadcast %div3A_1388 : f32 to vector<100x512xf32>
    %mul3A_1402 = arith.mulf %max3A_1400, %mul3A_1401 : vector<100x512xf32>
    %get3A_1403 = arith.constant 0 : index
    %get3A_1404 = arith.constant 0 : index
    %get3A_1405 = vector.load %arg9[%get3A_1403, %get3A_1404] : memref<1x512xf32, #tpu.memory_space<vmem>>, vector<1x512xf32>
    %mul3A_1406 = vector.broadcast %get3A_1405 : vector<1x512xf32> to vector<100x512xf32>
    %mul3A_1407 = arith.mulf %mul3A_1402, %mul3A_1406 : vector<100x512xf32>
    %get3A_1408 = arith.constant 0 : index
    %get3A_1409 = arith.constant 0 : index
    %get3A_1410 = vector.load %arg10[%get3A_1408, %get3A_1409] : memref<1x512xf32, #tpu.memory_space<vmem>>, vector<1x512xf32>
    %add3A_1411 = vector.broadcast %get3A_1410 : vector<1x512xf32> to vector<100x512xf32>
    %add3A_1412 = arith.addf %mul3A_1407, %add3A_1411 : vector<100x512xf32>
    %get3A_1413 = arith.constant 0 : index
    %get3A_1414 = arith.constant 0 : index
    %get3A_1415 = vector.load %arg11[%get3A_1413, %get3A_1414] : memref<1024x512xf32, #tpu.memory_space<vmem>>, vector<1024x512xf32>
    %dot_general3A_1416 = arith.constant dense<0.000000e+00> : vector<100x1024xf32>
    %dot_general3A_1417 = tpu.matmul %add3A_1412, %get3A_1415, %dot_general3A_1416 {dimension_numbers = #tpu.dot_dimension_numbers<[1], [1], [0], [0], [0, 0, 1, 0], [], []>, transpose_lhs_hint = false} : vector<100x512xf32>, vector<1024x512xf32>, vector<100x1024xf32> -> vector<100x1024xf32>
    %get3A_1418 = arith.constant 0 : index
    %get3A_1419 = arith.constant 0 : index
    %get3A_1420 = vector.load %arg12[%get3A_1418, %get3A_1419] : memref<1x1024xf32, #tpu.memory_space<vmem>>, vector<1x1024xf32>
    %add3A_1421 = vector.broadcast %get3A_1420 : vector<1x1024xf32> to vector<100x1024xf32>
    %add3A_1422 = arith.addf %dot_general3A_1417, %add3A_1421 : vector<100x1024xf32>
    %max3A_1423 = arith.constant 0.000000e+00 : f32
    %max3A_1424 = vector.broadcast %max3A_1423 : f32 to vector<100x1024xf32>
    %max3A_1425 = arith.maximumf %add3A_1422, %max3A_1424 : vector<100x1024xf32>
    %mul3A_1426 = vector.broadcast %div3A_1388 : f32 to vector<100x1024xf32>
    %mul3A_1427 = arith.mulf %max3A_1425, %mul3A_1426 : vector<100x1024xf32>
    %get3A_1428 = arith.constant 0 : index
    %get3A_1429 = arith.constant 0 : index
    %get3A_1430 = vector.load %arg13[%get3A_1428, %get3A_1429] : memref<1x1024xf32, #tpu.memory_space<vmem>>, vector<1x1024xf32>
    %mul3A_1431 = vector.broadcast %get3A_1430 : vector<1x1024xf32> to vector<100x1024xf32>
    %mul3A_1432 = arith.mulf %mul3A_1427, %mul3A_1431 : vector<100x1024xf32>
    %get3A_1433 = arith.constant 0 : index
    %get3A_1434 = arith.constant 0 : index
    %get3A_1435 = vector.load %arg14[%get3A_1433, %get3A_1434] : memref<1x1024xf32, #tpu.memory_space<vmem>>, vector<1x1024xf32>
    %add3A_1436 = vector.broadcast %get3A_1435 : vector<1x1024xf32> to vector<100x1024xf32>
    %add3A_1437 = arith.addf %mul3A_1432, %add3A_1436 : vector<100x1024xf32>
    %get3A_1438 = arith.constant 0 : index
    %get3A_1439 = arith.constant 0 : index
    %get3A_1440 = vector.load %arg15[%get3A_1438, %get3A_1439] : memref<2x1024xf32, #tpu.memory_space<vmem>>, vector<2x1024xf32>
    %dot_general3A_1441 = arith.constant dense<0.000000e+00> : vector<100x2xf32>
    %dot_general3A_1442 = tpu.matmul %add3A_1437, %get3A_1440, %dot_general3A_1441 {dimension_numbers = #tpu.dot_dimension_numbers<[1], [1], [0], [0], [0, 0, 1, 0], [], []>, transpose_lhs_hint = false} : vector<100x1024xf32>, vector<2x1024xf32>, vector<100x2xf32> -> vector<100x2xf32>
    %get3A_1443 = arith.constant 0 : index
    %get3A_1444 = arith.constant 0 : index
    %get3A_1445 = vector.load %arg16[%get3A_1443, %get3A_1444] : memref<1x2xf32, #tpu.memory_space<vmem>>, vector<1x2xf32>
    %add3A_1446 = vector.broadcast %get3A_1445 : vector<1x2xf32> to vector<100x2xf32>
    %add3A_1447 = arith.addf %dot_general3A_1442, %add3A_1446 : vector<100x2xf32>
    %reduce_max3A_1448 = arith.constant dense<0xFF800000> : vector<100xf32>
    %reduce_max3A_1449 = vector.multi_reduction <maximumf>, %add3A_1447, %reduce_max3A_1448 [1] : vector<100x2xf32> to vector<100xf32>
    %broadcast_in_dim3A_1450 = vector.shape_cast %reduce_max3A_1449 : vector<100xf32> to vector<100x1xf32>
    %sub3A = vector.broadcast %broadcast_in_dim3A_1450 : vector<100x1xf32> to vector<100x2xf32>
    %sub3A_1451 = arith.subf %add3A_1447, %sub3A : vector<100x2xf32>
    %exp3A = math.exp %sub3A_1451 : vector<100x2xf32>
    %reduce_sum3A_1452 = arith.constant dense<0.000000e+00> : vector<100xf32>
    %reduce_sum3A_1453 = vector.multi_reduction <add>, %exp3A, %reduce_sum3A_1452 [1] : vector<100x2xf32> to vector<100xf32>
    %broadcast_in_dim3A_1454 = vector.shape_cast %reduce_sum3A_1453 : vector<100xf32> to vector<100x1xf32>
    %log3A = math.log %broadcast_in_dim3A_1454 : vector<100x1xf32>
    %sub3A_1455 = vector.broadcast %log3A : vector<100x1xf32> to vector<100x2xf32>
    %sub3A_1456 = arith.subf %sub3A_1451, %sub3A_1455 : vector<100x2xf32>
    %swap3A_1457 = arith.constant 0 : index
    %swap3A_1458 = arith.constant 0 : index
    %swap3A_1459 = arith.constant 0 : index
    %swap3A_1460 = vector.load %arg28[%swap3A_1457, %swap3A_1458, %swap3A_1459] : memref<1x100x2xf32, #tpu.memory_space<vmem>>, vector<1x100x2xf32>
    %swap3A_1461 = vector.shape_cast %swap3A_1460 : vector<1x100x2xf32> to vector<100x2xf32>
    %swap3A_1462 = vector.shape_cast %sub3A_1456 : vector<100x2xf32> to vector<1x100x2xf32>
    tpu.vector_store %arg28[%swap3A_1457, %swap3A_1458, %swap3A_1459], %swap3A_1462 {strides = array<i32>} : memref<1x100x2xf32, #tpu.memory_space<vmem>>, vector<1x100x2xf32>,
    %get3A_1463 = arith.constant 0 : index
    %get3A_1464 = arith.constant 0 : index
    %get3A_1465 = vector.load %arg17[%get3A_1463, %get3A_1464] : memref<128x256xf32, #tpu.memory_space<vmem>>, vector<128x256xf32>
    %dot_general3A_1466 = arith.constant dense<0.000000e+00> : vector<100x128xf32>
    %dot_general3A_1467 = tpu.matmul %concatenate3A_1384, %get3A_1465, %dot_general3A_1466 {dimension_numbers = #tpu.dot_dimension_numbers<[1], [1], [0], [0], [0, 0, 1, 0], [], []>, transpose_lhs_hint = false} : vector<100x256xf32>, vector<128x256xf32>, vector<100x128xf32> -> vector<100x128xf32>
    %get3A_1468 = arith.constant 0 : index
    %get3A_1469 = arith.constant 0 : index
    %get3A_1470 = vector.load %arg18[%get3A_1468, %get3A_1469] : memref<1x128xf32, #tpu.memory_space<vmem>>, vector<1x128xf32>
    %add3A_1471 = vector.broadcast %get3A_1470 : vector<1x128xf32> to vector<100x128xf32>
    %add3A_1472 = arith.addf %dot_general3A_1467, %add3A_1471 : vector<100x128xf32>
    %max3A_1473 = arith.constant 0.000000e+00 : f32
    %max3A_1474 = vector.broadcast %max3A_1473 : f32 to vector<100x128xf32>
    %max3A_1475 = arith.maximumf %add3A_1472, %max3A_1474 : vector<100x128xf32>
    %mul3A_1476 = vector.broadcast %div3A_1388 : f32 to vector<100x128xf32>
    %mul3A_1477 = arith.mulf %max3A_1475, %mul3A_1476 : vector<100x128xf32>
    %get3A_1478 = arith.constant 0 : index
    %get3A_1479 = arith.constant 0 : index
    %get3A_1480 = vector.load %arg19[%get3A_1478, %get3A_1479] : memref<1x128xf32, #tpu.memory_space<vmem>>, vector<1x128xf32>
    %mul3A_1481 = vector.broadcast %get3A_1480 : vector<1x128xf32> to vector<100x128xf32>
    %mul3A_1482 = arith.mulf %mul3A_1477, %mul3A_1481 : vector<100x128xf32>
    %get3A_1483 = arith.constant 0 : index
    %get3A_1484 = arith.constant 0 : index
    %get3A_1485 = vector.load %arg20[%get3A_1483, %get3A_1484] : memref<1x128xf32, #tpu.memory_space<vmem>>, vector<1x128xf32>
    %add3A_1486 = vector.broadcast %get3A_1485 : vector<1x128xf32> to vector<100x128xf32>
    %add3A_1487 = arith.addf %mul3A_1482, %add3A_1486 : vector<100x128xf32>
    %get3A_1488 = arith.constant 0 : index
    %get3A_1489 = arith.constant 0 : index
    %get3A_1490 = vector.load %arg21[%get3A_1488, %get3A_1489] : memref<256x128xf32, #tpu.memory_space<vmem>>, vector<256x128xf32>
    %dot_general3A_1491 = arith.constant dense<0.000000e+00> : vector<100x256xf32>
    %dot_general3A_1492 = tpu.matmul %add3A_1487, %get3A_1490, %dot_general3A_1491 {dimension_numbers = #tpu.dot_dimension_numbers<[1], [1], [0], [0], [0, 0, 1, 0], [], []>, transpose_lhs_hint = false} : vector<100x128xf32>, vector<256x128xf32>, vector<100x256xf32> -> vector<100x256xf32>
    %get3A_1493 = arith.constant 0 : index
    %get3A_1494 = arith.constant 0 : index
    %get3A_1495 = vector.load %arg22[%get3A_1493, %get3A_1494] : memref<1x256xf32, #tpu.memory_space<vmem>>, vector<1x256xf32>
    %add3A_1496 = vector.broadcast %get3A_1495 : vector<1x256xf32> to vector<100x256xf32>
    %add3A_1497 = arith.addf %dot_general3A_1492, %add3A_1496 : vector<100x256xf32>
    %max3A_1498 = arith.constant 0.000000e+00 : f32
    %max3A_1499 = vector.broadcast %max3A_1498 : f32 to vector<100x256xf32>
    %max3A_1500 = arith.maximumf %add3A_1497, %max3A_1499 : vector<100x256xf32>
    %mul3A_1501 = vector.broadcast %div3A_1388 : f32 to vector<100x256xf32>
    %mul3A_1502 = arith.mulf %max3A_1500, %mul3A_1501 : vector<100x256xf32>
    %get3A_1503 = arith.constant 0 : index
    %get3A_1504 = arith.constant 0 : index
    %get3A_1505 = vector.load %arg23[%get3A_1503, %get3A_1504] : memref<1x256xf32, #tpu.memory_space<vmem>>, vector<1x256xf32>
    %mul3A_1506 = vector.broadcast %get3A_1505 : vector<1x256xf32> to vector<100x256xf32>
    %mul3A_1507 = arith.mulf %mul3A_1502, %mul3A_1506 : vector<100x256xf32>
    %get3A_1508 = arith.constant 0 : index
    %get3A_1509 = arith.constant 0 : index
    %get3A_1510 = vector.load %arg24[%get3A_1508, %get3A_1509] : memref<1x256xf32, #tpu.memory_space<vmem>>, vector<1x256xf32>
    %add3A_1511 = vector.broadcast %get3A_1510 : vector<1x256xf32> to vector<100x256xf32>
    %add3A_1512 = arith.addf %mul3A_1507, %add3A_1511 : vector<100x256xf32>
    %get3A_1513 = arith.constant 0 : index
    %get3A_1514 = arith.constant 0 : index
    %get3A_1515 = vector.load %arg25[%get3A_1513, %get3A_1514] : memref<20x256xf32, #tpu.memory_space<vmem>>, vector<20x256xf32>
    %dot_general3A_1516 = arith.constant dense<0.000000e+00> : vector<100x20xf32>
    %dot_general3A_1517 = tpu.matmul %add3A_1512, %get3A_1515, %dot_general3A_1516 {dimension_numbers = #tpu.dot_dimension_numbers<[1], [1], [0], [0], [0, 0, 1, 0], [], []>, transpose_lhs_hint = false} : vector<100x256xf32>, vector<20x256xf32>, vector<100x20xf32> -> vector<100x20xf32>
    %get3A_1518 = arith.constant 0 : index
    %get3A_1519 = arith.constant 0 : index
    %get3A_1520 = vector.load %arg26[%get3A_1518, %get3A_1519] : memref<1x20xf32, #tpu.memory_space<vmem>>, vector<1x20xf32>
    %add3A_1521 = vector.broadcast %get3A_1520 : vector<1x20xf32> to vector<100x20xf32>
    %add3A_1522 = arith.addf %dot_general3A_1517, %add3A_1521 : vector<100x20xf32>
    %reduce_max3A_1523 = arith.constant dense<0xFF800000> : vector<100xf32>
    %reduce_max3A_1524 = vector.multi_reduction <maximumf>, %add3A_1522, %reduce_max3A_1523 [1] : vector<100x20xf32> to vector<100xf32>
    %broadcast_in_dim3A_1525 = vector.shape_cast %reduce_max3A_1524 : vector<100xf32> to vector<100x1xf32>
    %sub3A_1526 = vector.broadcast %broadcast_in_dim3A_1525 : vector<100x1xf32> to vector<100x20xf32>
    %sub3A_1527 = arith.subf %add3A_1522, %sub3A_1526 : vector<100x20xf32>
    %exp3A_1528 = math.exp %sub3A_1527 : vector<100x20xf32>
    %reduce_sum3A_1529 = arith.constant dense<0.000000e+00> : vector<100xf32>
    %reduce_sum3A_1530 = vector.multi_reduction <add>, %exp3A_1528, %reduce_sum3A_1529 [1] : vector<100x20xf32> to vector<100xf32>
    %broadcast_in_dim3A_1531 = vector.shape_cast %reduce_sum3A_1530 : vector<100xf32> to vector<100x1xf32>
    %log3A_1532 = math.log %broadcast_in_dim3A_1531 : vector<100x1xf32>
    %sub3A_1533 = vector.broadcast %log3A_1532 : vector<100x1xf32> to vector<100x20xf32>
    %sub3A_1534 = arith.subf %sub3A_1527, %sub3A_1533 : vector<100x20xf32>
    %swap3A_1535 = arith.constant 0 : index
    %swap3A_1536 = arith.constant 0 : index
    %swap3A_1537 = arith.constant 0 : index
    %swap3A_1538 = vector.load %arg29[%swap3A_1535, %swap3A_1536, %swap3A_1537] : memref<1x100x20xf32, #tpu.memory_space<vmem>>, vector<1x100x20xf32>
    %swap3A_1539 = vector.shape_cast %swap3A_1538 : vector<1x100x20xf32> to vector<100x20xf32>
    %swap3A_1540 = vector.shape_cast %sub3A_1534 : vector<100x20xf32> to vector<1x100x20xf32>
    tpu.vector_store %arg29[%swap3A_1535, %swap3A_1536, %swap3A_1537], %swap3A_1540 {strides = array<i32>} : memref<1x100x20xf32, #tpu.memory_space<vmem>>, vector<1x100x20xf32>,
    return
  }
  func.func @transform_0(%arg0: i32) -> (i32, i32, i32) {
    %c0_i32 = arith.constant 0 : i32
    %c0_i32_0 = arith.constant 0 : i32
    %c0_i32_1 = arith.constant 0 : i32
    return %c0_i32, %arg0, %c0_i32_0 : i32, i32, i32
  }
  func.func @transform_1(%arg0: i32) -> (i32, i32) {
    %c0_i32 = arith.constant 0 : i32
    %c0_i32_0 = arith.constant 0 : i32
    %c0_i32_1 = arith.constant 0 : i32
    return %c0_i32, %c0_i32_0 : i32, i32
  }
  func.func @transform_2(%arg0: i32) -> (i32, i32) {
    %c0_i32 = arith.constant 0 : i32
    %c0_i32_0 = arith.constant 0 : i32
    %c0_i32_1 = arith.constant 0 : i32
    return %c0_i32, %c0_i32_0 : i32, i32
  }
  func.func @transform_3(%arg0: i32) -> (i32, i32, i32) {
    %c0_i32 = arith.constant 0 : i32
    %c0_i32_0 = arith.constant 0 : i32
    %c0_i32_1 = arith.constant 0 : i32
    return %arg0, %c0_i32, %c0_i32_0 : i32, i32, i32
  }
  func.func @transform_4(%arg0: i32) -> (i32, i32, i32) {
    %c0_i32 = arith.constant 0 : i32
    %c0_i32_0 = arith.constant 0 : i32
    %c0_i32_1 = arith.constant 0 : i32
    return %arg0, %c0_i32, %c0_i32_0 : i32, i32, i32
  }
  func.func @transform_5(%arg0: i32) -> (i32, i32, i32) {
    %c0_i32 = arith.constant 0 : i32
    %c0_i32_0 = arith.constant 0 : i32
    %c0_i32_1 = arith.constant 0 : i32
    return %arg0, %c0_i32, %c0_i32_0 : i32, i32, i32
  }
  func.func @transform_6(%arg0: i32) -> (i32, i32) {
    %c0_i32 = arith.constant 0 : i32
    %c0_i32_0 = arith.constant 0 : i32
    %c0_i32_1 = arith.constant 0 : i32
    return %c0_i32, %c0_i32_0 : i32, i32
  }
  func.func @transform_7(%arg0: i32) -> (i32, i32) {
    %c0_i32 = arith.constant 0 : i32
    %c0_i32_0 = arith.constant 0 : i32
    %c0_i32_1 = arith.constant 0 : i32
    return %c0_i32, %c0_i32_0 : i32, i32
  }
  func.func @transform_8(%arg0: i32) -> (i32, i32) {
    %c0_i32 = arith.constant 0 : i32
    %c0_i32_0 = arith.constant 0 : i32
    %c0_i32_1 = arith.constant 0 : i32
    return %c0_i32, %c0_i32_0 : i32, i32
  }
  func.func @transform_9(%arg0: i32) -> (i32, i32) {
    %c0_i32 = arith.constant 0 : i32
    %c0_i32_0 = arith.constant 0 : i32
    %c0_i32_1 = arith.constant 0 : i32
    return %c0_i32, %c0_i32_0 : i32, i32
  }
  func.func @transform_10(%arg0: i32) -> (i32, i32) {
    %c0_i32 = arith.constant 0 : i32
    %c0_i32_0 = arith.constant 0 : i32
    %c0_i32_1 = arith.constant 0 : i32
    return %c0_i32, %c0_i32_0 : i32, i32
  }
  func.func @transform_11(%arg0: i32) -> (i32, i32) {
    %c0_i32 = arith.constant 0 : i32
    %c0_i32_0 = arith.constant 0 : i32
    %c0_i32_1 = arith.constant 0 : i32
    return %c0_i32, %c0_i32_0 : i32, i32
  }
  func.func @transform_12(%arg0: i32) -> (i32, i32) {
    %c0_i32 = arith.constant 0 : i32
    %c0_i32_0 = arith.constant 0 : i32
    %c0_i32_1 = arith.constant 0 : i32
    return %c0_i32, %c0_i32_0 : i32, i32
  }
  func.func @transform_13(%arg0: i32) -> (i32, i32) {
    %c0_i32 = arith.constant 0 : i32
    %c0_i32_0 = arith.constant 0 : i32
    %c0_i32_1 = arith.constant 0 : i32
    return %c0_i32, %c0_i32_0 : i32, i32
  }
  func.func @transform_14(%arg0: i32) -> (i32, i32) {
    %c0_i32 = arith.constant 0 : i32
    %c0_i32_0 = arith.constant 0 : i32
    %c0_i32_1 = arith.constant 0 : i32
    return %c0_i32, %c0_i32_0 : i32, i32
  }
  func.func @transform_15(%arg0: i32) -> (i32, i32) {
    %c0_i32 = arith.constant 0 : i32
    %c0_i32_0 = arith.constant 0 : i32
    %c0_i32_1 = arith.constant 0 : i32
    return %c0_i32, %c0_i32_0 : i32, i32
  }
  func.func @transform_16(%arg0: i32) -> (i32, i32) {
    %c0_i32 = arith.constant 0 : i32
    %c0_i32_0 = arith.constant 0 : i32
    %c0_i32_1 = arith.constant 0 : i32
    return %c0_i32, %c0_i32_0 : i32, i32
  }
  func.func @transform_17(%arg0: i32) -> (i32, i32) {
    %c0_i32 = arith.constant 0 : i32
    %c0_i32_0 = arith.constant 0 : i32
    %c0_i32_1 = arith.constant 0 : i32
    return %c0_i32, %c0_i32_0 : i32, i32
  }
  func.func @transform_18(%arg0: i32) -> (i32, i32) {
    %c0_i32 = arith.constant 0 : i32
    %c0_i32_0 = arith.constant 0 : i32
    %c0_i32_1 = arith.constant 0 : i32
    return %c0_i32, %c0_i32_0 : i32, i32
  }
  func.func @transform_19(%arg0: i32) -> (i32, i32) {
    %c0_i32 = arith.constant 0 : i32
    %c0_i32_0 = arith.constant 0 : i32
    %c0_i32_1 = arith.constant 0 : i32
    return %c0_i32, %c0_i32_0 : i32, i32
  }
  func.func @transform_20(%arg0: i32) -> (i32, i32) {
    %c0_i32 = arith.constant 0 : i32
    %c0_i32_0 = arith.constant 0 : i32
    %c0_i32_1 = arith.constant 0 : i32
    return %c0_i32, %c0_i32_0 : i32, i32
  }
  func.func @transform_21(%arg0: i32) -> (i32, i32) {
    %c0_i32 = arith.constant 0 : i32
    %c0_i32_0 = arith.constant 0 : i32
    %c0_i32_1 = arith.constant 0 : i32
    return %c0_i32, %c0_i32_0 : i32, i32
  }
  func.func @transform_22(%arg0: i32) -> (i32, i32) {
    %c0_i32 = arith.constant 0 : i32
    %c0_i32_0 = arith.constant 0 : i32
    %c0_i32_1 = arith.constant 0 : i32
    return %c0_i32, %c0_i32_0 : i32, i32
  }
  func.func @transform_23(%arg0: i32) -> (i32, i32) {
    %c0_i32 = arith.constant 0 : i32
    %c0_i32_0 = arith.constant 0 : i32
    %c0_i32_1 = arith.constant 0 : i32
    return %c0_i32, %c0_i32_0 : i32, i32
  }
  func.func @transform_24(%arg0: i32) -> (i32, i32) {
    %c0_i32 = arith.constant 0 : i32
    %c0_i32_0 = arith.constant 0 : i32
    %c0_i32_1 = arith.constant 0 : i32
    return %c0_i32, %c0_i32_0 : i32, i32
  }
  func.func @transform_25(%arg0: i32) -> (i32, i32) {
    %c0_i32 = arith.constant 0 : i32
    %c0_i32_0 = arith.constant 0 : i32
    %c0_i32_1 = arith.constant 0 : i32
    return %c0_i32, %c0_i32_0 : i32, i32
  }
  func.func @transform_26(%arg0: i32) -> (i32, i32, i32) {
    %c0_i32 = arith.constant 0 : i32
    %c0_i32_0 = arith.constant 0 : i32
    %c0_i32_1 = arith.constant 0 : i32
    return %arg0, %c0_i32, %c0_i32_0 : i32, i32, i32
  }
  func.func @transform_27(%arg0: i32) -> (i32, i32, i32) {
    %c0_i32 = arith.constant 0 : i32
    %c0_i32_0 = arith.constant 0 : i32
    %c0_i32_1 = arith.constant 0 : i32
    return %arg0, %c0_i32, %c0_i32_0 : i32, i32, i32
  }
  func.func @transform_28(%arg0: i32) -> (i32, i32, i32) {
    %c0_i32 = arith.constant 0 : i32
    %c0_i32_0 = arith.constant 0 : i32
    %c0_i32_1 = arith.constant 0 : i32
    return %arg0, %c0_i32, %c0_i32_0 : i32, i32, i32
  }
}

</mosaic_0001>

<sc_bundles>
// kernel: kernel.10.cloned.1.call-start
scs
__scs_entry_jumppad:
0x0: {  	(pc) =	sbr.rel $0x88, $3  }
0x1: {  	(tag) =	ssettag $0x0;
	lr =	simm.s32 $0x1  }
0x2: {  	[smem:$0x3F85] =	sst lr;
	_ =	strace $0xD0000000  }
0x3: {  	_ = 	snop  }
0x4: {  	_ = 	snop  }
0x5: {  	_ = 	snop  }
0x6: {  	_ = 	snop  }
0x7: {  	_ = 	snop  }
__scs_overlays_trampoline_lowered:
0x8: {  	[smem:$0x3F94] =	sst s0  }
0x9: {  	[smem:$0x3F95] =	sst s1  }
0xa: {  	[smem:$0x3F96] =	sst s2  }
0xb: {  	[smem:$0x3F97] =	sst s3  }
0xc: {  	[smem:$0x3F98] =	sst s4  }
0xd: {  	[smem:$0x3F99] =	sst s5  }
0xe: {  	[smem:$0x3F9A] =	sst s6  }
0xf: {  	[smem:$0x3F9B] =	sst s7  }
0x10: {  	[smem:$0x3F9C] =	sst s8  }
0x11: {  	[smem:$0x3F9D] =	sst s9;
	s0 =	simm.s32 @!p0 $0x0  }
0x12: {  	s1 =	sld [smem:$0x3F83];
	s0 =	simm.s32 @p0 $0x1  }
0x13: {  	[smem:$0x3F9E] =	sst s0;
	s0 =	simm.s32 @!p1 $0x0  }
0x14: {  	s2 =	sld [smem:$0x3F82];
	s0 =	simm.s32 @p1 $0x1  }
0x15: {  	[smem:$0x3F9F] =	sst s0;
	s0 =	simm.s32 @!p2 $0x0  }
0x16: {  	s3 =	sld [smem:$0x3FDB];
	s0 =	simm.s32 @p2 $0x1  }
0x17: {  	s4 =	simm.s32 $0x1BF5;
	[smem:$0x3FA1] =	sst s0  }
0x18: {  	s0 =	sld [smem:$0x3F84];
	_ =	swait.ge [sflag:s4], $0x0  }
0x19: {  	s7 =	sld [smem:$0x3F85]  }
0x1a: {  	s8 =	sadd.s32 $0xFFFFE003, lr  }
0x1b: {  	s9 =	sadd.s32 $0xFFFFFEF7, lr;
	s5 =	simm.s32 $0xFFFFFFFF;
	p2 =	slt.u32 s8, $0xFFFFF086  }
0x1c: {  	p1 =	slt.u32 s9, $0xF7A;
	s5 =	simm.s32 @!p2 $0x0  }
0x1d: {  	s5 =	simm.s32 @p1 $0x1;
	p0 =	seq.s32 s7, s2  }
0x1e: {  	s7 =	smul.u32 @!p0 $0xF7A, s2;
	p2 =	seq.s32 @!p0 s5, $0x0  }
0x1f: {  	s9 =	smul.u32 $0xF7A, s1;
	s8 =	simm.s32 @!p0 $0x1BF5;
	p2 =	por !p2, p0  }
0x20: {  	[sflag:s8] =	ssyncset.s32 @!p0 $0xFFFFF086;
	s6 =	sadd.s32 @!p0 s3, s7;
	s7 =	simm.s32 @!p0 $0x108  }
0x21: {  	s3 =	sadd.s32 s3, s9;
	s6 =	sadd.s32 @!p0 $0x88, s6;
	s7 =	simm.s32 @p2 $0x1082  }
0x22: {  	[simem:s7], [sflag:s8] =	dma.local @!p0 [hbm:s6], $0xF7A  }
0x23: {  	s9 =	sor.u32 $0xD0000000, s2;
	s6 =	simm.s32 $0x108;
	_ =	swait.ge @!p0 [sflag:s8], $0x0  }
0x24: {  	s3 =	sadd.s32 $0x88, s3;
	s6 =	simm.s32 @!p1 $0x1082;
	[sflag:s4] =	ssyncset.s32 $0xFFFFF086  }
0x25: {  	[simem:s6], [sflag:s4] =	dma.local [hbm:s3], $0xF7A  }
0x26: {  	[smem:$0x3F85] =	sst s1;
	(tag) =	ssettag s2;
	_ =	strace s9  }
0x27: {  	s1 =	sld [smem:$0x3F95]  }
0x28: {  	s2 =	sld [smem:$0x3F96]  }
0x29: {  	s4 =	sld [smem:$0x3F98]  }
0x2a: {  	p0 =	seq.s32 s5, $0x0;
	s5 =	sld [smem:$0x3F99]  }
0x2b: {  	s6 =	sld [smem:$0x3F9A]  }
0x2c: {  	s7 =	sld [smem:$0x3F9B]  }
0x2d: {  	s3 =	simm.s32 $0x108;
	s8 =	sld [smem:$0x3F9C]  }
0x2e: {  	s3 =	simm.s32 @!p0 $0x1082;
	s9 =	sld [smem:$0x3F9D]  }
0x2f: {  	lr =	sadd.s32 s0, s3;
	s0 =	sld [smem:$0x3F94]  }
0x30: {  	s3 =	sld [smem:$0x3F97]  }
0x31: {  	[smem:$0x3FA0] =	sst s10  }
0x32: {  	s10 =	sld [smem:$0x3F9E];
	_ =	sdelay $0x3  }
0x33: {  	p0 =	seq.s32 s10, $0x1;
	s10 =	sld [smem:$0x3FA0];
	_ =	sdelay $0x3  }
0x34: {  	[smem:$0x3FA0] =	sst s10  }
0x35: {  	s10 =	sld [smem:$0x3F9F];
	_ =	sdelay $0x3  }
0x36: {  	p1 =	seq.s32 s10, $0x1;
	s10 =	sld [smem:$0x3FA0];
	_ =	sdelay $0x3  }
0x37: {  	[smem:$0x3FA0] =	sst s10  }
0x38: {  	s10 =	sld [smem:$0x3FA1]  }
0x39: {  	_ = 	snop;
	(pc) =	sbr.ind lr, $3  }
0x3a: {  	_ = 	snop  }
0x3b: {  	_ = 	snop  }
0x3c: {  	p2 =	seq.s32 s10, $0x1;
	s10 =	sld [smem:$0x3FA0]  }
0x3d: {  	_ =	shalt  }
0x3e: {  	_ =	shalt  }
0x3f: {  	_ =	shalt  }
0x40: {  	_ =	shalt  }
0x41: {  	_ =	shalt  }
0x42: {  	_ =	shalt  }
0x43: {  	_ =	shalt  }
0x44: {  	_ =	shalt  }
0x45: {  	_ =	shalt  }
0x46: {  	_ =	shalt  }
0x47: {  	_ =	shalt  }
0x48: {  	_ =	shalt  }
0x49: {  	_ =	shalt  }
0x4a: {  	_ =	shalt  }
0x4b: {  	_ =	shalt  }
0x4c: {  	_ =	shalt  }
0x4d: {  	_ =	shalt  }
0x4e: {  	_ =	shalt  }
0x4f: {  	_ =	shalt  }
0x50: {  	_ =	shalt  }
0x51: {  	_ =	shalt  }
0x52: {  	_ =	shalt  }
0x53: {  	_ =	shalt  }
0x54: {  	_ =	shalt  }
0x55: {  	_ =	shalt  }
0x56: {  	_ =	shalt  }
0x57: {  	_ =	shalt  }
0x58: {  	_ =	shalt  }
0x59: {  	_ =	shalt  }
0x5a: {  	_ =	shalt  }
0x5b: {  	_ =	shalt  }
0x5c: {  	_ =	shalt  }
0x5d: {  	_ =	shalt  }
0x5e: {  	_ =	shalt  }
0x5f: {  	_ =	shalt  }
0x60: {  	_ =	shalt  }
0x61: {  	_ =	shalt  }
0x62: {  	_ =	shalt  }
0x63: {  	_ =	shalt  }
0x64: {  	_ =	shalt  }
0x65: {  	_ =	shalt  }
0x66: {  	_ =	shalt  }
0x67: {  	_ =	shalt  }
0x68: {  	_ =	shalt  }
0x69: {  	_ =	shalt  }
0x6a: {  	_ =	shalt  }
0x6b: {  	_ =	shalt  }
0x6c: {  	_ =	shalt  }
0x6d: {  	_ =	shalt  }
0x6e: {  	_ =	shalt  }
0x6f: {  	_ =	shalt  }
0x70: {  	_ =	shalt  }
0x71: {  	_ =	shalt  }
0x72: {  	_ =	shalt  }
0x73: {  	_ =	shalt  }
0x74: {  	_ =	shalt  }
0x75: {  	_ =	shalt  }
0x76: {  	_ =	shalt  }
0x77: {  	_ =	shalt  }
0x78: {  	_ =	shalt  }
0x79: {  	_ =	shalt  }
0x7a: {  	_ =	shalt  }
0x7b: {  	_ =	shalt  }
0x7c: {  	_ =	shalt  }
0x7d: {  	_ =	shalt  }
0x7e: {  	_ =	shalt  }
0x7f: {  	_ =	shalt  }
0x80: {  	_ =	shalt  }
0x81: {  	_ =	shalt  }
0x82: {  	_ =	shalt  }
0x83: {  	_ =	shalt  }
0x84: {  	_ =	shalt  }
0x85: {  	_ =	shalt  }
0x86: {  	_ =	shalt  }
0x87: {  	_ =	shalt  }
.Lfunc_end0:
.L_simem_size_0:
called_computation.1_lowered:
.L_overlay_start_0:
0x88: {  	s2 =	sld [smem:$0x3FD9]  }
0x89: {  	s3 =	sld [smem:$0x3FFE];
	_ =	sdelay $0x1  }
0x8a: {  	s1 =	srdreg.scid  }
0x8b: {  	s0 =	sand.u32 $0x1, s1  }
0x8c: {  	s16 =	sshll.u32 s0, $0xA;
	s2 =	sadd.s32 s3, s2  }
0x8d: {  	s2 =	sadd.s32 s2, s16  }
0x8e: {  	[smem:$0x3FAC] =	sst s2  }
0x8f: {  	_ = 	snop  }
0x90: {  	(tm) =	ssettm $0x1  }
0x91: {  	s17 =	sld [smem:$0x3FFB];
	_ =	sdelay $0x3  }
0x92: {  	_ =	strace s17  }
0x93: {  	s2 =	sld [smem:$0x3FFC];
	_ =	sdelay $0x3  }
0x94: {  	_ =	strace s2  }
0x95: {  	s2 =	sld [smem:$0x3FFD];
	_ =	sdelay $0x3  }
0x96: {  	_ =	strace s2  }
0x97: {  	_ =	strace $0x8FFFFFFF  }
0x98: {  	s18 =	sld [smem:$0x3FDB];
	_ =	sdelay $0x1  }
0x99: {  	s19 =	simm.s32 $_scs_section_size  }
0x9a: {  	s4 =	simm.s32 $_size__tile_overlayer_lowered;
	s5 =	simm.s32 $_tile_overlayer_lowered  }
0x9b: {  	s22 =	simm.s32 $0x1BFF;
	s21 =	sshll.u32 s5, $0x1;
	s2 =	sadd.s32 s19, s18  }
0x9c: {  	s6 =	simm.s32 $0x0;
	s20 =	sshll.u32 s4, $0x1;
	s4 =	sadd.s32 s21, s2  }
0x9d: {  	[timem:s6], [sflag:s22] =	dma.local [hbm:s4], s20  }
0x9e: {  	_ =	swait.ge [sflag:s22], s20  }
0x9f: {  	s3 =	ssub.s32 $0x0, s20;
	[sflag:s22] =	ssyncset.done $0x0  }
0xa0: {  	[sflag:s22] =	ssyncadd.s32 s3;
	_ =	sdelay $0x1  }
0xa1: {  	s23 =	simm.s32 $0x1B8B  }
0xa2: {  	_ =	swait.ge [sflag:s23], $0x1  }
0xa3: {  	[sflag:s23] =	ssyncset.done $0x0  }
0xa4: {  	s25 =	simm.s32 $0x1B8E;
	s24 =	sld [smem:$0x3FFE];
	[sflag:s23] =	ssyncadd.s32 $0xFFFFFFFF  }
0xa5: {  	s26 =	simm.s32 $execute0_lowered;
	[smem:$0x3FD2] =	sst s25  }
0xa6: {  	s4 =	sshll.u32 s26, $0x1;
	_ =	strace $0x80000049;
	[dreg:$0x1] =	wrdreg $0xFFFFFFFF  }
0xa7: {  	s28 =	simm.s32 $_size_execute0_lowered;
	s2 =	sadd.s32 s2, s4;
	[dreg:$0x0] =	wrdreg $0x0  }
0xa8: {  	s4 =	sshll.u32 s28, $0x1;
	[dreg:$0x2] =	wrdreg s2  }
0xa9: {  	[dreg:$0x3] =	wrdreg s4  }
0xaa: {  	[dreg:$0x4] =	wrdreg $0xC0  }
0xab: {  	_ =	task [dreg:s6], $0x5FFFF  }
0xac: {  	[dreg:$0x1] =	wrdreg $0xFFFFFFFF  }
0xad: {  	[dreg:$0x0] =	wrdreg $0x60  }
0xae: {  	[dreg:$0x2] =	wrdreg s24  }
0xaf: {  	[dreg:$0x3] =	wrdreg $0x11D000  }
0xb0: {  	[dreg:$0x4] =	wrdreg $0x9  }
0xb1: {  	_ =	task.clear_ibuf [dreg:s6], $0x5FFFF;
	_ =	strace $0x90000049  }
0xb2: {  	s29 =	simm.s32 $0x9;
	_ =	strace $0x8000004B  }
0xb3: {  	_ =	swait.ge [sflag:s29], $0x1  }
0xb4: {  	[sflag:s29] =	ssyncadd.s32 $0xFFFFFFFF  }
0xb5: {  	_ =	strace $0x9000004B  }
0xb6: {  	_ =	sfence  }
0xb7: {  	s30 =	sld [smem:$0x0];
	_ =	sdelay $0x2  }
0xb8: {  	s31 =	sshll.u32 s1, $0xD;
	s1 =	sshrl.u32 s1, $0x2  }
0xb9: {  	s3 =	sand.u32 $0x4000, s31;
	s1 =	sadd.s32 s1, s30  }
0xba: {  	s0 =	sor.u32 s3, s0;
	s1 =	sshll.u32 s1, $0x11  }
0xbb: {  	s0 =	sor.u32 s1, s0  }
0xbc: {  	s0 =	sadd.s32 $0x8F2B, s0  }
0xbd: {  	[sflag:s0] =	ssyncadd.remote.s32 $0x1  }
0xbe: {  	_ =	sfence.sel $0xFFFF  }
0xbf: {  	[dreg:$0x0] =	wrdreg $0xFFFFFFFF;
	(pc) =	sbr.abs _section_cstart, $3  }
0xc0: {  	[dreg:$0x1] =	wrdreg $0xFFFFFFFF  }
0xc1: {  	_ =	task.clear_ibuf [dreg:s6], $0x2FFFF;
	_ =	strace $0x9FFFFFFF  }
0xc2: {  	(tm) =	ssettm $0x7FFFFFFF  }
0xc3: {  	_ =	shalt  }
tec
execute0_lowered:
.L_overlay_start_1:
0x0: {  	(tag) =	ssettag $0x1  }
0x1: {  	s0 =	rddreg [dreg:$0x0];
	s1 =	srdreg.scid  }
0x2: {  	s6 =	stileid.u32;
	s2 =	rddreg [dreg:$0x1]  }
0x3: {  	s3 =	simm.s32 $0x0;
	s13 =	simm.s32 $0xCD00;
	s14 =	simm.s32 $0x9  }
0x4: {  	s16 =	simm.s32 $0x7D;
	s17 =	simm.s32 $0x5000;
	s19 =	simm.s32 $0x6F40  }
0x5: {  	s21 =	simm.s32 $0x8E80;
	s23 =	simm.s32 $0xADC0;
	s24 =	simm.s32 $0x1  }
0x6: {  	s25 =	simm.s32 $0x2;
	s28 =	simm.s32 $0x4;
	s29 =	simm.s32 $0x5  }
0x7: {  	s30 =	simm.s32 $0x6;
	s31 =	simm.s32 $0x7;
	s20 =	simm.s32 $0x4F80  }
0x8: {  	s22 =	simm.s32 $0x0;
	s1 =	sand.u32 $0x1, s1;
	s4 =	sshll.u32 s6, $0x1  }
0x9: {  	[smem:$0x7FF] =	sst s3;
	s10 =	smul.u32 $0xA000, s6;
	s4 =	sor.u32 s1, s4  }
0xa: {  	_ =	strace $0x8000004A;
	s26 =	ssub.s32 $0x2, s1;
	s1 =	smul.u32 $0xA0000, s1  }
0xb: {  	s5 =	smul.u32 $0x500, s4;
	s4 =	sadd.s32 $0x18000, s0;
	s7 =	sshrl.u32 s26, $0x1  }
0xc: {  	s11 =	sadd.s32 $0x5000, s10;
	s6 =	sadd.s32 s10, s2;
	s12 =	ssub.s32 s26, s7  }
0xd: {  	s7 =	sadd.s32 s11, s2;
	s10 =	sadd.s32 s10, s1;
	s1 =	sadd.s32 s1, s11  }
0xe: {  	s26 =	simm.s32 $0x3;
	s9 =	sadd.s32 s5, s0;
	s5 =	sadd.s32 $0x2BA00, s0  }
0xf: {  	s0 =	sadd.s32 $0x2C400, s0;
	s10 =	sshrl.u32 s10, $0x3;
	s1 =	sshrl.u32 s1, $0x3  }
0x10: {  	s12 =	smax.u32 s12, $0x1;
	s8 =	sadd.s32 $0xE000, s9;
	s9 =	sadd.s32 $0x4000, s9  }
0x11: {  	s10 =	sadd.s32 s0, s10;
	s11 =	sadd.s32 s0, s1;
	s1 =	simm.s32 $0x8  }
.LBB2_1:
0x12: {  	[tilespmem:s13], [sflag:$0x9] =	stream.linear.gather [hbm4b:s5+s3], $0x5000, $0x38;
	[tilespmem:$0x1BD00] =	vst v63  }
0x13: {  	_ =	swait.ge [sflag:s14], $0x5000  }
0x14: {  	[sflag:s14] =	ssyncset.done $0x0  }
0x15: {  	[sflag:s14] =	ssyncadd.s32 $0xFFFFB000  }
0x16: {  	[spmem:s6] =	stream.linear.scatter [tilespmem:s13], [sflag:$0x9], $0x5000, $0x38;
	[tilespmem:$0x1BD00] =	vst v63  }
0x17: {  	_ =	swait.ge [sflag:s14], $0x5000  }
0x18: {  	[sflag:s14] =	ssyncset.done $0x0  }
0x19: {  	[sflag:s14] =	ssyncadd.s32 $0xFFFFB000  }
0x1a: {  	[spmem:s7] =	stream.linear.scatter [tilespmem:s13], [sflag:$0x9], $0x5000, $0x38;
	[tilespmem:$0x1BD00] =	vst v63  }
0x1b: {  	_ =	swait.ge [sflag:s14], $0x5000  }
0x1c: {  	[sflag:s14] =	ssyncset.done $0x0  }
0x1d: {  	[sflag:s14] =	ssyncadd.s32 $0xFFFFB000  }
0x1e: {  	[tilespmem:s3], [sflag:$0x9] =	stream.linear.gather [hbm4b:s8+s3], $0x2800, $0x38;
	[tilespmem:$0x1BD00] =	vst v63  }
0x1f: {  	_ =	swait.ge [sflag:s14], $0x2800  }
0x20: {  	[sflag:s14] =	ssyncset.done $0x0  }
0x21: {  	s0 =	simm.s32 $0x2800;
	[sflag:s14] =	ssyncadd.s32 $0xFFFFD800  }
0x22: {  	[tilespmem:s0], [sflag:$0x9] =	stream.linear.gather [hbm4b:s9+s3], $0x2800, $0x38;
	[tilespmem:$0x1BD00] =	vst v63  }
0x23: {  	_ =	swait.ge [sflag:s14], $0x2800  }
0x24: {  	[sflag:s14] =	ssyncset.done $0x0  }
0x25: {  	[sflag:s14] =	ssyncadd.s32 $0xFFFFD800  }
0x26: {  	[bflag:$0x0] =	sbarrier.arrive $0xFFFF  }
0x27: {  	[tilespmem:s17], [sflag:$0x1] =	stream.indirect.gather [hbm4b:s4+s16], $0x40, s3, s16, $0xb8;
	[tilespmem:$0x1BD00] =	vst v63  }
0x28: {  	s15 =	simm.s32 $0x80  }
0x29: {  	[tilespmem:s19], [sflag:$0x2] =	stream.indirect.gather [hbm4b:s4+s16], $0x40, s15, s16, $0xb8;
	[tilespmem:$0x1BD00] =	vst v63  }
0x2a: {  	s18 =	simm.s32 $0x100  }
0x2b: {  	[tilespmem:s21], [sflag:$0x3] =	stream.indirect.gather [hbm4b:s4+s16], $0x40, s18, s16, $0xb8;
	[tilespmem:$0x1BD00] =	vst v63  }
0x2c: {  	s15 =	simm.s32 $0x180  }
0x2d: {  	[tilespmem:s23], [sflag:$0x4] =	stream.indirect.gather [hbm4b:s4+s16], $0x40, s15, s16, $0xb8;
	[tilespmem:$0x1BD00] =	vst v63  }
0x2e: {  	_ =	swait.ge [sflag:s24], $0x1F40  }
0x2f: {  	[sflag:s24] =	ssyncset.done $0x0  }
0x30: {  	s18 =	simm.s32 $0x2800;
	[sflag:s24] =	ssyncadd.s32 $0xFFFFE0C0  }
0x31: {  	[spmem:s2] =	stream.indirect.scatter.add.f32 [tilespmem:s17], [sflag:$0x5], $0x40, s18, s16, $0xb8;
	[tilespmem:$0x1BD00] =	vst v63  }
0x32: {  	_ =	swait.ge [sflag:s25], $0x1F40  }
0x33: {  	[sflag:s25] =	ssyncset.done $0x0  }
0x34: {  	s15 =	simm.s32 $0x2880;
	[sflag:s25] =	ssyncadd.s32 $0xFFFFE0C0  }
0x35: {  	[spmem:s2] =	stream.indirect.scatter.add.f32 [tilespmem:s19], [sflag:$0x6], $0x40, s15, s16, $0xb8;
	[tilespmem:$0x1BD00] =	vst v63  }
0x36: {  	_ =	swait.ge [sflag:s26], $0x1F40  }
0x37: {  	[sflag:s26] =	ssyncset.done $0x0  }
0x38: {  	s18 =	simm.s32 $0x2900;
	[sflag:s26] =	ssyncadd.s32 $0xFFFFE0C0  }
0x39: {  	[spmem:s2] =	stream.indirect.scatter.add.f32 [tilespmem:s21], [sflag:$0x7], $0x40, s18, s16, $0xb8;
	[tilespmem:$0x1BD00] =	vst v63  }
0x3a: {  	_ =	swait.ge [sflag:s28], $0x1F40  }
0x3b: {  	[sflag:s28] =	ssyncset.done $0x0  }
0x3c: {  	s15 =	simm.s32 $0x2980;
	[sflag:s28] =	ssyncadd.s32 $0xFFFFE0C0  }
0x3d: {  	[spmem:s2] =	stream.indirect.scatter.add.f32 [tilespmem:s23], [sflag:$0x8], $0x40, s15, s16, $0xb8;
	[tilespmem:$0x1BD00] =	vst v63  }
0x3e: {  	_ =	swait.ge [sflag:s29], $0x1F40  }
0x3f: {  	[sflag:s29] =	ssyncset.done $0x0  }
0x40: {  	s18 =	simm.s32 $0x200;
	[sflag:s29] =	ssyncadd.s32 $0xFFFFE0C0  }
0x41: {  	[tilespmem:s17], [sflag:$0x1] =	stream.indirect.gather [hbm4b:s4+s16], $0x40, s18, s16, $0xb8;
	[tilespmem:$0x1BD00] =	vst v63  }
0x42: {  	_ =	swait.ge [sflag:s30], $0x1F40  }
0x43: {  	[sflag:s30] =	ssyncset.done $0x0  }
0x44: {  	s15 =	simm.s32 $0x280;
	[sflag:s30] =	ssyncadd.s32 $0xFFFFE0C0  }
0x45: {  	[tilespmem:s19], [sflag:$0x2] =	stream.indirect.gather [hbm4b:s4+s16], $0x40, s15, s16, $0xb8;
	[tilespmem:$0x1BD00] =	vst v63  }
0x46: {  	_ =	swait.ge [sflag:s31], $0x1F40  }
0x47: {  	[sflag:s31] =	ssyncset.done $0x0  }
0x48: {  	s18 =	simm.s32 $0x300;
	[sflag:s31] =	ssyncadd.s32 $0xFFFFE0C0  }
0x49: {  	[tilespmem:s21], [sflag:$0x3] =	stream.indirect.gather [hbm4b:s4+s16], $0x40, s18, s16, $0xb8;
	[tilespmem:$0x1BD00] =	vst v63  }
0x4a: {  	_ =	swait.ge [sflag:s1], $0x1F40  }
0x4b: {  	[sflag:s1] =	ssyncset.done $0x0  }
0x4c: {  	s0 =	simm.s32 $0x800;
	s15 =	simm.s32 $0x380;
	[sflag:s1] =	ssyncadd.s32 $0xFFFFE0C0  }
.LBB2_2:
0x4d: {  	[tilespmem:s23], [sflag:$0x4] =	stream.indirect.gather [hbm4b:s4+s16], $0x40, s15, s16, $0xb8;
	[tilespmem:$0x1BD00] =	vst v63  }
0x4e: {  	s15 =	smov.u32 s0  }
0x4f: {  	p0 =	sne.s32 s0, $0x9000;
	s0 =	sadd.s32 $0x800, s0;
	_ =	swait.ge [sflag:s24], $0x1F40  }
0x50: {  	s15 =	sshra.s32 s15, $0x2;
	[sflag:s24] =	ssyncset.done $0x0  }
0x51: {  	s18 =	sadd.s32 $0x2800, s15;
	[sflag:s24] =	ssyncadd.s32 $0xFFFFE0C0  }
0x52: {  	[spmem:s2] =	stream.indirect.scatter.add.f32 [tilespmem:s17], [sflag:$0x5], $0x40, s18, s16, $0xb8;
	[tilespmem:$0x1BD00] =	vst v63  }
0x53: {  	_ =	swait.ge [sflag:s25], $0x1F40  }
0x54: {  	[sflag:s25] =	ssyncset.done $0x0  }
0x55: {  	s18 =	sadd.s32 $0x2880, s15;
	[sflag:s25] =	ssyncadd.s32 $0xFFFFE0C0  }
0x56: {  	[spmem:s2] =	stream.indirect.scatter.add.f32 [tilespmem:s19], [sflag:$0x6], $0x40, s18, s16, $0xb8;
	[tilespmem:$0x1BD00] =	vst v63  }
0x57: {  	_ =	swait.ge [sflag:s26], $0x1F40  }
0x58: {  	[sflag:s26] =	ssyncset.done $0x0  }
0x59: {  	s18 =	sadd.s32 $0x2900, s15;
	[sflag:s26] =	ssyncadd.s32 $0xFFFFE0C0  }
0x5a: {  	[spmem:s2] =	stream.indirect.scatter.add.f32 [tilespmem:s21], [sflag:$0x7], $0x40, s18, s16, $0xb8;
	[tilespmem:$0x1BD00] =	vst v63  }
0x5b: {  	_ =	swait.ge [sflag:s28], $0x1F40  }
0x5c: {  	[sflag:s28] =	ssyncset.done $0x0  }
0x5d: {  	s18 =	sadd.s32 $0x2980, s15;
	[sflag:s28] =	ssyncadd.s32 $0xFFFFE0C0  }
0x5e: {  	[spmem:s2] =	stream.indirect.scatter.add.f32 [tilespmem:s23], [sflag:$0x8], $0x40, s18, s16, $0xb8;
	[tilespmem:$0x1BD00] =	vst v63  }
0x5f: {  	_ =	swait.ge [sflag:s29], $0x1F40  }
0x60: {  	[sflag:s29] =	ssyncset.done $0x0  }
0x61: {  	s18 =	sadd.s32 $0x200, s15;
	[sflag:s29] =	ssyncadd.s32 $0xFFFFE0C0  }
0x62: {  	[tilespmem:s17], [sflag:$0x1] =	stream.indirect.gather [hbm4b:s4+s16], $0x40, s18, s16, $0xb8;
	[tilespmem:$0x1BD00] =	vst v63  }
0x63: {  	_ =	swait.ge [sflag:s30], $0x1F40  }
0x64: {  	[sflag:s30] =	ssyncset.done $0x0  }
0x65: {  	s18 =	sadd.s32 $0x280, s15;
	[sflag:s30] =	ssyncadd.s32 $0xFFFFE0C0  }
0x66: {  	[tilespmem:s19], [sflag:$0x2] =	stream.indirect.gather [hbm4b:s4+s16], $0x40, s18, s16, $0xb8;
	[tilespmem:$0x1BD00] =	vst v63  }
0x67: {  	_ =	swait.ge [sflag:s31], $0x1F40  }
0x68: {  	[sflag:s31] =	ssyncset.done $0x0  }
.Ltmp0:
0x69: {  	s18 =	sadd.s32 $0x300, s15;
	[sflag:s31] =	ssyncadd.s32 $0xFFFFE0C0;
	(pc) =	sbr.rel @p0 .LBB2_2-.Ltmp0, $4  }
0x6a: {  	[tilespmem:s21], [sflag:$0x3] =	stream.indirect.gather [hbm4b:s4+s16], $0x40, s18, s16, $0xb8;
	[tilespmem:$0x1BD00] =	vst v63  }
0x6b: {  	_ =	swait.ge [sflag:s1], $0x1F40  }
0x6c: {  	[sflag:s1] =	ssyncset.done $0x0  }
0x6d: {  	s15 =	sadd.s32 $0x380, s15;
	[sflag:s1] =	ssyncadd.s32 $0xFFFFE0C0  }
0x6e: {  	[tilespmem:s23], [sflag:$0x4] =	stream.indirect.gather [hbm4b:s4+s16], $0x40, s15, s16, $0xb8;
	[tilespmem:$0x1BD00] =	vst v63  }
0x6f: {  	_ =	swait.ge [sflag:s24], $0x1F40  }
0x70: {  	[sflag:s24] =	ssyncset.done $0x0  }
0x71: {  	s0 =	simm.s32 $0x4E00;
	[sflag:s24] =	ssyncadd.s32 $0xFFFFE0C0  }
0x72: {  	[spmem:s2] =	stream.indirect.scatter.add.f32 [tilespmem:s17], [sflag:$0x5], $0x40, s0, s16, $0xb8;
	[tilespmem:$0x1BD00] =	vst v63  }
0x73: {  	_ =	swait.ge [sflag:s25], $0x1F40  }
0x74: {  	[sflag:s25] =	ssyncset.done $0x0  }
0x75: {  	s15 =	simm.s32 $0x4E80;
	[sflag:s25] =	ssyncadd.s32 $0xFFFFE0C0  }
0x76: {  	[spmem:s2] =	stream.indirect.scatter.add.f32 [tilespmem:s19], [sflag:$0x6], $0x40, s15, s16, $0xb8;
	[tilespmem:$0x1BD00] =	vst v63  }
0x77: {  	_ =	swait.ge [sflag:s26], $0x1F40  }
0x78: {  	[sflag:s26] =	ssyncset.done $0x0  }
0x79: {  	s18 =	simm.s32 $0x4F00;
	[sflag:s26] =	ssyncadd.s32 $0xFFFFE0C0  }
0x7a: {  	[spmem:s2] =	stream.indirect.scatter.add.f32 [tilespmem:s21], [sflag:$0x7], $0x40, s18, s16, $0xb8;
	[tilespmem:$0x1BD00] =	vst v63  }
0x7b: {  	_ =	swait.ge [sflag:s28], $0x1F40  }
0x7c: {  	[sflag:s28] =	ssyncset.done $0x0  }
0x7d: {  	[sflag:s28] =	ssyncadd.s32 $0xFFFFE0C0  }
0x7e: {  	[spmem:s2] =	stream.indirect.scatter.add.f32 [tilespmem:s23], [sflag:$0x8], $0x40, s20, s16, $0xb8;
	[tilespmem:$0x1BD00] =	vst v63  }
0x7f: {  	_ =	swait.ge [sflag:s29], $0x1F40  }
0x80: {  	[sflag:s29] =	ssyncset.done $0x0  }
0x81: {  	[sflag:s29] =	ssyncadd.s32 $0xFFFFE0C0  }
0x82: {  	_ =	swait.ge [sflag:s30], $0x1F40  }
0x83: {  	[sflag:s30] =	ssyncset.done $0x0  }
0x84: {  	[sflag:s30] =	ssyncadd.s32 $0xFFFFE0C0  }
0x85: {  	_ =	swait.ge [sflag:s31], $0x1F40  }
0x86: {  	[sflag:s31] =	ssyncset.done $0x0  }
0x87: {  	[sflag:s31] =	ssyncadd.s32 $0xFFFFE0C0  }
0x88: {  	_ =	swait.ge [sflag:s1], $0x1F40  }
0x89: {  	[sflag:s1] =	ssyncset.done $0x0  }
0x8a: {  	[sflag:s1] =	ssyncadd.s32 $0xFFFFE0C0  }
0x8b: {  	[bflag:$0x0] =	sbarrier.arrive $0xFFFF  }
0x8c: {  	[tilespmem:s13], [sflag:$0x9] =	stream.linear.gather [spmem:s6], $0x5000, $0x38;
	[tilespmem:$0x1BD00] =	vst v63  }
0x8d: {  	_ =	swait.ge [sflag:s14], $0x5000  }
0x8e: {  	[sflag:s14] =	ssyncset.done $0x0  }
0x8f: {  	[sflag:s14] =	ssyncadd.s32 $0xFFFFB000  }
0x90: {  	[hbm4b:s10+s3] =	stream.linear.scatter [tilespmem:s13], [sflag:$0x9], $0x5000, $0x38;
	[tilespmem:$0x1BD00] =	vst v63  }
0x91: {  	_ =	swait.ge [sflag:s14], $0x5000  }
0x92: {  	[sflag:s14] =	ssyncset.done $0x0  }
0x93: {  	[sflag:s14] =	ssyncadd.s32 $0xFFFFB000  }
0x94: {  	[tilespmem:s13], [sflag:$0x9] =	stream.linear.gather [spmem:s7], $0x5000, $0x38;
	[tilespmem:$0x1BD00] =	vst v63  }
0x95: {  	s22 =	sadd.s32 $0x1, s22;
	_ =	swait.ge [sflag:s14], $0x5000  }
0x96: {  	p0 =	sne.s32 s22, s12;
	[sflag:s14] =	ssyncset.done $0x0  }
.Ltmp1:
0x97: {  	[sflag:s14] =	ssyncadd.s32 $0xFFFFB000;
	(pc) =	sbr.rel @p0 .LBB2_1-.Ltmp1, $4  }
0x98: {  	[hbm4b:s11+s3] =	stream.linear.scatter [tilespmem:s13], [sflag:$0x9], $0x5000, $0x38;
	[tilespmem:$0x1BD00] =	vst v63  }
0x99: {  	_ =	swait.ge [sflag:s14], $0x5000  }
0x9a: {  	[sflag:s14] =	ssyncset.done $0x0  }
0x9b: {  	[sflag:s14] =	ssyncadd.s32 $0xFFFFB000  }
0x9c: {  	_ =	sfence.sel $0x180000  }
0x9d: {  	[bflag:$0x0] =	sbarrier.arrive $0xFFFF  }
0x9e: {  	_ =	strace $0x9000004A  }
0x9f: {  	s0 =	stileid.u32;
	[bflag:$0x2] =	sbarrier.arrive $0xFFFF  }
0xa0: {  	p0 =	sne.s32 s0, $0x0;
	s0 =	rddreg [dreg:$0x2]  }
0xa1: {  	s0 =	sadd.s32 @!p0 $0x100000, s0  }
0xa2: {  	[sflag:s0] =	ssyncadd.tile.s32 @!p0 $0x1;
	_ =	shalt  }
.Lfunc_end2:
_tile_overlayer_lowered:
.L_overlay_start_2:
0xa3: {  	(tag) =	ssettag $0x2  }
0xa4: {  	s0 =	rddreg [dreg:$0x0];
	s2 =	stileid.u32  }
0xa5: {  	s1 =	rddreg [dreg:$0x1];
	p0 =	sne.s32 s2, $0x0  }
0xa6: {  	s3 =	rddreg [dreg:$0x2];
	[bflag:$0x3] =	sbarrier.arrive $0xFFFF;
	s2 =	simm.s32 @!p0 $0x1C09  }
0xa7: {  	[timem:s3], [sflag:s2] =	dma.local @!p0 [hbm:s0], s1  }
0xa8: {  	s0 =	simm.s32 @!p0 $0x9  }
0xa9: {  	_ =	swait.ge @!p0 [sflag:s0], s1  }
0xaa: {  	s1 =	ssub.s32 @!p0 $0x0, s1;
	[sflag:s0] =	ssyncset.done @!p0 $0x0  }
0xab: {  	[sflag:s0] =	ssyncadd.s32 @!p0 s1  }
0xac: {  	[bflag:$0x3] =	sbarrier.arrive $0xFFFF  }
0xad: {  	_ =	shalt  }

// kernel: kernel.7.cloned.1.call-start
scs
__scs_entry_jumppad:
0x0: {  	(pc) =	sbr.rel $0x88, $3  }
0x1: {  	(tag) =	ssettag $0x0;
	lr =	simm.s32 $0x1  }
0x2: {  	[smem:$0x3F85] =	sst lr;
	_ =	strace $0xD0000000  }
0x3: {  	_ = 	snop  }
0x4: {  	_ = 	snop  }
0x5: {  	_ = 	snop  }
0x6: {  	_ = 	snop  }
0x7: {  	_ = 	snop  }
__scs_overlays_trampoline_lowered:
0x8: {  	[smem:$0x3F94] =	sst s0  }
0x9: {  	[smem:$0x3F95] =	sst s1  }
0xa: {  	[smem:$0x3F96] =	sst s2  }
0xb: {  	[smem:$0x3F97] =	sst s3  }
0xc: {  	[smem:$0x3F98] =	sst s4  }
0xd: {  	[smem:$0x3F99] =	sst s5  }
0xe: {  	[smem:$0x3F9A] =	sst s6  }
0xf: {  	[smem:$0x3F9B] =	sst s7  }
0x10: {  	[smem:$0x3F9C] =	sst s8  }
0x11: {  	[smem:$0x3F9D] =	sst s9;
	s0 =	simm.s32 @!p0 $0x0  }
0x12: {  	s1 =	sld [smem:$0x3F83];
	s0 =	simm.s32 @p0 $0x1  }
0x13: {  	[smem:$0x3F9E] =	sst s0;
	s0 =	simm.s32 @!p1 $0x0  }
0x14: {  	s2 =	sld [smem:$0x3F82];
	s0 =	simm.s32 @p1 $0x1  }
0x15: {  	[smem:$0x3F9F] =	sst s0;
	s0 =	simm.s32 @!p2 $0x0  }
0x16: {  	s3 =	sld [smem:$0x3FDB];
	s0 =	simm.s32 @p2 $0x1  }
0x17: {  	s4 =	simm.s32 $0x1BF5;
	[smem:$0x3FA1] =	sst s0  }
0x18: {  	s0 =	sld [smem:$0x3F84];
	_ =	swait.ge [sflag:s4], $0x0  }
0x19: {  	s7 =	sld [smem:$0x3F85]  }
0x1a: {  	s8 =	sadd.s32 $0xFFFFE003, lr  }
0x1b: {  	s9 =	sadd.s32 $0xFFFFFEF7, lr;
	s5 =	simm.s32 $0xFFFFFFFF;
	p2 =	slt.u32 s8, $0xFFFFF086  }
0x1c: {  	p1 =	slt.u32 s9, $0xF7A;
	s5 =	simm.s32 @!p2 $0x0  }
0x1d: {  	s5 =	simm.s32 @p1 $0x1;
	p0 =	seq.s32 s7, s2  }
0x1e: {  	s7 =	smul.u32 @!p0 $0xF7A, s2;
	p2 =	seq.s32 @!p0 s5, $0x0  }
0x1f: {  	s9 =	smul.u32 $0xF7A, s1;
	s8 =	simm.s32 @!p0 $0x1BF5;
	p2 =	por !p2, p0  }
0x20: {  	[sflag:s8] =	ssyncset.s32 @!p0 $0xFFFFF086;
	s6 =	sadd.s32 @!p0 s3, s7;
	s7 =	simm.s32 @!p0 $0x108  }
0x21: {  	s3 =	sadd.s32 s3, s9;
	s6 =	sadd.s32 @!p0 $0x88, s6;
	s7 =	simm.s32 @p2 $0x1082  }
0x22: {  	[simem:s7], [sflag:s8] =	dma.local @!p0 [hbm:s6], $0xF7A  }
0x23: {  	s9 =	sor.u32 $0xD0000000, s2;
	s6 =	simm.s32 $0x108;
	_ =	swait.ge @!p0 [sflag:s8], $0x0  }
0x24: {  	s3 =	sadd.s32 $0x88, s3;
	s6 =	simm.s32 @!p1 $0x1082;
	[sflag:s4] =	ssyncset.s32 $0xFFFFF086  }
0x25: {  	[simem:s6], [sflag:s4] =	dma.local [hbm:s3], $0xF7A  }
0x26: {  	[smem:$0x3F85] =	sst s1;
	(tag) =	ssettag s2;
	_ =	strace s9  }
0x27: {  	s1 =	sld [smem:$0x3F95]  }
0x28: {  	s2 =	sld [smem:$0x3F96]  }
0x29: {  	s4 =	sld [smem:$0x3F98]  }
0x2a: {  	p0 =	seq.s32 s5, $0x0;
	s5 =	sld [smem:$0x3F99]  }
0x2b: {  	s6 =	sld [smem:$0x3F9A]  }
0x2c: {  	s7 =	sld [smem:$0x3F9B]  }
0x2d: {  	s3 =	simm.s32 $0x108;
	s8 =	sld [smem:$0x3F9C]  }
0x2e: {  	s3 =	simm.s32 @!p0 $0x1082;
	s9 =	sld [smem:$0x3F9D]  }
0x2f: {  	lr =	sadd.s32 s0, s3;
	s0 =	sld [smem:$0x3F94]  }
0x30: {  	s3 =	sld [smem:$0x3F97]  }
0x31: {  	[smem:$0x3FA0] =	sst s10  }
0x32: {  	s10 =	sld [smem:$0x3F9E];
	_ =	sdelay $0x3  }
0x33: {  	p0 =	seq.s32 s10, $0x1;
	s10 =	sld [smem:$0x3FA0];
	_ =	sdelay $0x3  }
0x34: {  	[smem:$0x3FA0] =	sst s10  }
0x35: {  	s10 =	sld [smem:$0x3F9F];
	_ =	sdelay $0x3  }
0x36: {  	p1 =	seq.s32 s10, $0x1;
	s10 =	sld [smem:$0x3FA0];
	_ =	sdelay $0x3  }
0x37: {  	[smem:$0x3FA0] =	sst s10  }
0x38: {  	s10 =	sld [smem:$0x3FA1]  }
0x39: {  	_ = 	snop;
	(pc) =	sbr.ind lr, $3  }
0x3a: {  	_ = 	snop  }
0x3b: {  	_ = 	snop  }
0x3c: {  	p2 =	seq.s32 s10, $0x1;
	s10 =	sld [smem:$0x3FA0]  }
0x3d: {  	_ =	shalt  }
0x3e: {  	_ =	shalt  }
0x3f: {  	_ =	shalt  }
0x40: {  	_ =	shalt  }
0x41: {  	_ =	shalt  }
0x42: {  	_ =	shalt  }
0x43: {  	_ =	shalt  }
0x44: {  	_ =	shalt  }
0x45: {  	_ =	shalt  }
0x46: {  	_ =	shalt  }
0x47: {  	_ =	shalt  }
0x48: {  	_ =	shalt  }
0x49: {  	_ =	shalt  }
0x4a: {  	_ =	shalt  }
0x4b: {  	_ =	shalt  }
0x4c: {  	_ =	shalt  }
0x4d: {  	_ =	shalt  }
0x4e: {  	_ =	shalt  }
0x4f: {  	_ =	shalt  }
0x50: {  	_ =	shalt  }
0x51: {  	_ =	shalt  }
0x52: {  	_ =	shalt  }
0x53: {  	_ =	shalt  }
0x54: {  	_ =	shalt  }
0x55: {  	_ =	shalt  }
0x56: {  	_ =	shalt  }
0x57: {  	_ =	shalt  }
0x58: {  	_ =	shalt  }
0x59: {  	_ =	shalt  }
0x5a: {  	_ =	shalt  }
0x5b: {  	_ =	shalt  }
0x5c: {  	_ =	shalt  }
0x5d: {  	_ =	shalt  }
0x5e: {  	_ =	shalt  }
0x5f: {  	_ =	shalt  }
0x60: {  	_ =	shalt  }
0x61: {  	_ =	shalt  }
0x62: {  	_ =	shalt  }
0x63: {  	_ =	shalt  }
0x64: {  	_ =	shalt  }
0x65: {  	_ =	shalt  }
0x66: {  	_ =	shalt  }
0x67: {  	_ =	shalt  }
0x68: {  	_ =	shalt  }
0x69: {  	_ =	shalt  }
0x6a: {  	_ =	shalt  }
0x6b: {  	_ =	shalt  }
0x6c: {  	_ =	shalt  }
0x6d: {  	_ =	shalt  }
0x6e: {  	_ =	shalt  }
0x6f: {  	_ =	shalt  }
0x70: {  	_ =	shalt  }
0x71: {  	_ =	shalt  }
0x72: {  	_ =	shalt  }
0x73: {  	_ =	shalt  }
0x74: {  	_ =	shalt  }
0x75: {  	_ =	shalt  }
0x76: {  	_ =	shalt  }
0x77: {  	_ =	shalt  }
0x78: {  	_ =	shalt  }
0x79: {  	_ =	shalt  }
0x7a: {  	_ =	shalt  }
0x7b: {  	_ =	shalt  }
0x7c: {  	_ =	shalt  }
0x7d: {  	_ =	shalt  }
0x7e: {  	_ =	shalt  }
0x7f: {  	_ =	shalt  }
0x80: {  	_ =	shalt  }
0x81: {  	_ =	shalt  }
0x82: {  	_ =	shalt  }
0x83: {  	_ =	shalt  }
0x84: {  	_ =	shalt  }
0x85: {  	_ =	shalt  }
0x86: {  	_ =	shalt  }
0x87: {  	_ =	shalt  }
.Lfunc_end0:
.L_simem_size_0:
called_computation_lowered:
.L_overlay_start_0:
0x88: {  	s2 =	sld [smem:$0x3FD9]  }
0x89: {  	s3 =	sld [smem:$0x3FFE];
	_ =	sdelay $0x1  }
0x8a: {  	s1 =	srdreg.scid  }
0x8b: {  	s0 =	sand.u32 $0x1, s1  }
0x8c: {  	s16 =	sshll.u32 s0, $0xA;
	s2 =	sadd.s32 s3, s2  }
0x8d: {  	s2 =	sadd.s32 s2, s16  }
0x8e: {  	[smem:$0x3FAC] =	sst s2  }
0x8f: {  	_ = 	snop  }
0x90: {  	(tm) =	ssettm $0x1  }
0x91: {  	s17 =	sld [smem:$0x3FFB];
	_ =	sdelay $0x3  }
0x92: {  	_ =	strace s17  }
0x93: {  	s2 =	sld [smem:$0x3FFC];
	_ =	sdelay $0x3  }
0x94: {  	_ =	strace s2  }
0x95: {  	s2 =	sld [smem:$0x3FFD];
	_ =	sdelay $0x3  }
0x96: {  	_ =	strace s2  }
0x97: {  	_ =	strace $0x8FFFFFFF  }
0x98: {  	s18 =	sld [smem:$0x3FDB];
	_ =	sdelay $0x1  }
0x99: {  	s19 =	simm.s32 $_scs_section_size  }
0x9a: {  	s4 =	simm.s32 $_size__tile_overlayer_lowered;
	s5 =	simm.s32 $_tile_overlayer_lowered  }
0x9b: {  	s22 =	simm.s32 $0x1BFF;
	s21 =	sshll.u32 s5, $0x1;
	s2 =	sadd.s32 s19, s18  }
0x9c: {  	s6 =	simm.s32 $0x0;
	s20 =	sshll.u32 s4, $0x1;
	s4 =	sadd.s32 s21, s2  }
0x9d: {  	[timem:s6], [sflag:s22] =	dma.local [hbm:s4], s20  }
0x9e: {  	_ =	swait.ge [sflag:s22], s20  }
0x9f: {  	s3 =	ssub.s32 $0x0, s20;
	[sflag:s22] =	ssyncset.done $0x0  }
0xa0: {  	[sflag:s22] =	ssyncadd.s32 s3;
	_ =	sdelay $0x1  }
0xa1: {  	s23 =	simm.s32 $0x1B8B  }
0xa2: {  	_ =	swait.ge [sflag:s23], $0x1  }
0xa3: {  	[sflag:s23] =	ssyncset.done $0x0  }
0xa4: {  	s25 =	simm.s32 $0x1B8E;
	s24 =	sld [smem:$0x3FFE];
	[sflag:s23] =	ssyncadd.s32 $0xFFFFFFFF  }
0xa5: {  	s26 =	simm.s32 $execute0_lowered;
	[smem:$0x3FD2] =	sst s25  }
0xa6: {  	s4 =	sshll.u32 s26, $0x1;
	_ =	strace $0x80000046;
	[dreg:$0x1] =	wrdreg $0xFFFFFFFF  }
0xa7: {  	s28 =	simm.s32 $_size_execute0_lowered;
	s2 =	sadd.s32 s2, s4;
	[dreg:$0x0] =	wrdreg $0x0  }
0xa8: {  	s4 =	sshll.u32 s28, $0x1;
	[dreg:$0x2] =	wrdreg s2  }
0xa9: {  	[dreg:$0x3] =	wrdreg s4  }
0xaa: {  	[dreg:$0x4] =	wrdreg $0xC0  }
0xab: {  	_ =	task [dreg:s6], $0x5FFFF  }
0xac: {  	[dreg:$0x1] =	wrdreg $0xFFFFFFFF  }
0xad: {  	[dreg:$0x0] =	wrdreg $0x60  }
0xae: {  	[dreg:$0x2] =	wrdreg s24  }
0xaf: {  	[dreg:$0x3] =	wrdreg $0x11D000  }
0xb0: {  	[dreg:$0x4] =	wrdreg $0x9  }
0xb1: {  	_ =	task.clear_ibuf [dreg:s6], $0x5FFFF;
	_ =	strace $0x90000046  }
0xb2: {  	s29 =	simm.s32 $0x9;
	_ =	strace $0x80000048  }
0xb3: {  	_ =	swait.ge [sflag:s29], $0x1  }
0xb4: {  	[sflag:s29] =	ssyncadd.s32 $0xFFFFFFFF  }
0xb5: {  	_ =	strace $0x90000048  }
0xb6: {  	_ =	sfence  }
0xb7: {  	s30 =	sld [smem:$0x0];
	_ =	sdelay $0x2  }
0xb8: {  	s31 =	sshll.u32 s1, $0xD;
	s1 =	sshrl.u32 s1, $0x2  }
0xb9: {  	s3 =	sand.u32 $0x4000, s31;
	s1 =	sadd.s32 s1, s30  }
0xba: {  	s0 =	sor.u32 s3, s0;
	s1 =	sshll.u32 s1, $0x11  }
0xbb: {  	s0 =	sor.u32 s1, s0  }
0xbc: {  	s0 =	sadd.s32 $0x8F2B, s0  }
0xbd: {  	[sflag:s0] =	ssyncadd.remote.s32 $0x1  }
0xbe: {  	_ =	sfence.sel $0xFFFF  }
0xbf: {  	[dreg:$0x0] =	wrdreg $0xFFFFFFFF;
	(pc) =	sbr.abs _section_cstart, $3  }
0xc0: {  	[dreg:$0x1] =	wrdreg $0xFFFFFFFF  }
0xc1: {  	_ =	task.clear_ibuf [dreg:s6], $0x2FFFF;
	_ =	strace $0x9FFFFFFF  }
0xc2: {  	(tm) =	ssettm $0x7FFFFFFF  }
0xc3: {  	_ =	shalt  }
tec
execute0_lowered:
.L_overlay_start_1:
0x0: {  	(tag) =	ssettag $0x1  }
0x1: {  	s0 =	rddreg [dreg:$0x0];
	s1 =	srdreg.scid  }
0x2: {  	s6 =	stileid.u32;
	s2 =	rddreg [dreg:$0x1]  }
0x3: {  	s3 =	simm.s32 $0x0;
	s13 =	simm.s32 $0xCD00;
	s14 =	simm.s32 $0x9  }
0x4: {  	s16 =	simm.s32 $0x7D;
	s17 =	simm.s32 $0x5000;
	s19 =	simm.s32 $0x6F40  }
0x5: {  	s21 =	simm.s32 $0x8E80;
	s23 =	simm.s32 $0xADC0;
	s24 =	simm.s32 $0x1  }
0x6: {  	s25 =	simm.s32 $0x2;
	s28 =	simm.s32 $0x4;
	s29 =	simm.s32 $0x5  }
0x7: {  	s30 =	simm.s32 $0x6;
	s31 =	simm.s32 $0x7;
	s20 =	simm.s32 $0x4F80  }
0x8: {  	s22 =	simm.s32 $0x0;
	s1 =	sand.u32 $0x1, s1;
	s4 =	sshll.u32 s6, $0x1  }
0x9: {  	[smem:$0x7FF] =	sst s3;
	s10 =	smul.u32 $0xA000, s6;
	s4 =	sor.u32 s1, s4  }
0xa: {  	_ =	strace $0x80000047;
	s26 =	ssub.s32 $0x2, s1;
	s1 =	smul.u32 $0xA0000, s1  }
0xb: {  	s5 =	smul.u32 $0x500, s4;
	s4 =	sadd.s32 $0x18000, s0;
	s7 =	sshrl.u32 s26, $0x1  }
0xc: {  	s11 =	sadd.s32 $0x5000, s10;
	s6 =	sadd.s32 s10, s2;
	s12 =	ssub.s32 s26, s7  }
0xd: {  	s7 =	sadd.s32 s11, s2;
	s10 =	sadd.s32 s10, s1;
	s1 =	sadd.s32 s1, s11  }
0xe: {  	s26 =	simm.s32 $0x3;
	s9 =	sadd.s32 s5, s0;
	s5 =	sadd.s32 $0x2BA00, s0  }
0xf: {  	s0 =	sadd.s32 $0x2C400, s0;
	s10 =	sshrl.u32 s10, $0x3;
	s1 =	sshrl.u32 s1, $0x3  }
0x10: {  	s12 =	smax.u32 s12, $0x1;
	s8 =	sadd.s32 $0xE000, s9;
	s9 =	sadd.s32 $0x4000, s9  }
0x11: {  	s10 =	sadd.s32 s0, s10;
	s11 =	sadd.s32 s0, s1;
	s1 =	simm.s32 $0x8  }
.LBB2_1:
0x12: {  	[tilespmem:s13], [sflag:$0x9] =	stream.linear.gather [hbm4b:s5+s3], $0x5000, $0x38;
	[tilespmem:$0x1BD00] =	vst v63  }
0x13: {  	_ =	swait.ge [sflag:s14], $0x5000  }
0x14: {  	[sflag:s14] =	ssyncset.done $0x0  }
0x15: {  	[sflag:s14] =	ssyncadd.s32 $0xFFFFB000  }
0x16: {  	[spmem:s6] =	stream.linear.scatter [tilespmem:s13], [sflag:$0x9], $0x5000, $0x38;
	[tilespmem:$0x1BD00] =	vst v63  }
0x17: {  	_ =	swait.ge [sflag:s14], $0x5000  }
0x18: {  	[sflag:s14] =	ssyncset.done $0x0  }
0x19: {  	[sflag:s14] =	ssyncadd.s32 $0xFFFFB000  }
0x1a: {  	[spmem:s7] =	stream.linear.scatter [tilespmem:s13], [sflag:$0x9], $0x5000, $0x38;
	[tilespmem:$0x1BD00] =	vst v63  }
0x1b: {  	_ =	swait.ge [sflag:s14], $0x5000  }
0x1c: {  	[sflag:s14] =	ssyncset.done $0x0  }
0x1d: {  	[sflag:s14] =	ssyncadd.s32 $0xFFFFB000  }
0x1e: {  	[tilespmem:s3], [sflag:$0x9] =	stream.linear.gather [hbm4b:s8+s3], $0x2800, $0x38;
	[tilespmem:$0x1BD00] =	vst v63  }
0x1f: {  	_ =	swait.ge [sflag:s14], $0x2800  }
0x20: {  	[sflag:s14] =	ssyncset.done $0x0  }
0x21: {  	s0 =	simm.s32 $0x2800;
	[sflag:s14] =	ssyncadd.s32 $0xFFFFD800  }
0x22: {  	[tilespmem:s0], [sflag:$0x9] =	stream.linear.gather [hbm4b:s9+s3], $0x2800, $0x38;
	[tilespmem:$0x1BD00] =	vst v63  }
0x23: {  	_ =	swait.ge [sflag:s14], $0x2800  }
0x24: {  	[sflag:s14] =	ssyncset.done $0x0  }
0x25: {  	[sflag:s14] =	ssyncadd.s32 $0xFFFFD800  }
0x26: {  	[bflag:$0x0] =	sbarrier.arrive $0xFFFF  }
0x27: {  	[tilespmem:s17], [sflag:$0x1] =	stream.indirect.gather [hbm4b:s4+s16], $0x40, s3, s16, $0xb8;
	[tilespmem:$0x1BD00] =	vst v63  }
0x28: {  	s15 =	simm.s32 $0x80  }
0x29: {  	[tilespmem:s19], [sflag:$0x2] =	stream.indirect.gather [hbm4b:s4+s16], $0x40, s15, s16, $0xb8;
	[tilespmem:$0x1BD00] =	vst v63  }
0x2a: {  	s18 =	simm.s32 $0x100  }
0x2b: {  	[tilespmem:s21], [sflag:$0x3] =	stream.indirect.gather [hbm4b:s4+s16], $0x40, s18, s16, $0xb8;
	[tilespmem:$0x1BD00] =	vst v63  }
0x2c: {  	s15 =	simm.s32 $0x180  }
0x2d: {  	[tilespmem:s23], [sflag:$0x4] =	stream.indirect.gather [hbm4b:s4+s16], $0x40, s15, s16, $0xb8;
	[tilespmem:$0x1BD00] =	vst v63  }
0x2e: {  	_ =	swait.ge [sflag:s24], $0x1F40  }
0x2f: {  	[sflag:s24] =	ssyncset.done $0x0  }
0x30: {  	s18 =	simm.s32 $0x2800;
	[sflag:s24] =	ssyncadd.s32 $0xFFFFE0C0  }
0x31: {  	[spmem:s2] =	stream.indirect.scatter.add.f32 [tilespmem:s17], [sflag:$0x5], $0x40, s18, s16, $0xb8;
	[tilespmem:$0x1BD00] =	vst v63  }
0x32: {  	_ =	swait.ge [sflag:s25], $0x1F40  }
0x33: {  	[sflag:s25] =	ssyncset.done $0x0  }
0x34: {  	s15 =	simm.s32 $0x2880;
	[sflag:s25] =	ssyncadd.s32 $0xFFFFE0C0  }
0x35: {  	[spmem:s2] =	stream.indirect.scatter.add.f32 [tilespmem:s19], [sflag:$0x6], $0x40, s15, s16, $0xb8;
	[tilespmem:$0x1BD00] =	vst v63  }
0x36: {  	_ =	swait.ge [sflag:s26], $0x1F40  }
0x37: {  	[sflag:s26] =	ssyncset.done $0x0  }
0x38: {  	s18 =	simm.s32 $0x2900;
	[sflag:s26] =	ssyncadd.s32 $0xFFFFE0C0  }
0x39: {  	[spmem:s2] =	stream.indirect.scatter.add.f32 [tilespmem:s21], [sflag:$0x7], $0x40, s18, s16, $0xb8;
	[tilespmem:$0x1BD00] =	vst v63  }
0x3a: {  	_ =	swait.ge [sflag:s28], $0x1F40  }
0x3b: {  	[sflag:s28] =	ssyncset.done $0x0  }
0x3c: {  	s15 =	simm.s32 $0x2980;
	[sflag:s28] =	ssyncadd.s32 $0xFFFFE0C0  }
0x3d: {  	[spmem:s2] =	stream.indirect.scatter.add.f32 [tilespmem:s23], [sflag:$0x8], $0x40, s15, s16, $0xb8;
	[tilespmem:$0x1BD00] =	vst v63  }
0x3e: {  	_ =	swait.ge [sflag:s29], $0x1F40  }
0x3f: {  	[sflag:s29] =	ssyncset.done $0x0  }
0x40: {  	s18 =	simm.s32 $0x200;
	[sflag:s29] =	ssyncadd.s32 $0xFFFFE0C0  }
0x41: {  	[tilespmem:s17], [sflag:$0x1] =	stream.indirect.gather [hbm4b:s4+s16], $0x40, s18, s16, $0xb8;
	[tilespmem:$0x1BD00] =	vst v63  }
0x42: {  	_ =	swait.ge [sflag:s30], $0x1F40  }
0x43: {  	[sflag:s30] =	ssyncset.done $0x0  }
0x44: {  	s15 =	simm.s32 $0x280;
	[sflag:s30] =	ssyncadd.s32 $0xFFFFE0C0  }
0x45: {  	[tilespmem:s19], [sflag:$0x2] =	stream.indirect.gather [hbm4b:s4+s16], $0x40, s15, s16, $0xb8;
	[tilespmem:$0x1BD00] =	vst v63  }
0x46: {  	_ =	swait.ge [sflag:s31], $0x1F40  }
0x47: {  	[sflag:s31] =	ssyncset.done $0x0  }
0x48: {  	s18 =	simm.s32 $0x300;
	[sflag:s31] =	ssyncadd.s32 $0xFFFFE0C0  }
0x49: {  	[tilespmem:s21], [sflag:$0x3] =	stream.indirect.gather [hbm4b:s4+s16], $0x40, s18, s16, $0xb8;
	[tilespmem:$0x1BD00] =	vst v63  }
0x4a: {  	_ =	swait.ge [sflag:s1], $0x1F40  }
0x4b: {  	[sflag:s1] =	ssyncset.done $0x0  }
0x4c: {  	s0 =	simm.s32 $0x800;
	s15 =	simm.s32 $0x380;
	[sflag:s1] =	ssyncadd.s32 $0xFFFFE0C0  }
.LBB2_2:
0x4d: {  	[tilespmem:s23], [sflag:$0x4] =	stream.indirect.gather [hbm4b:s4+s16], $0x40, s15, s16, $0xb8;
	[tilespmem:$0x1BD00] =	vst v63  }
0x4e: {  	s15 =	smov.u32 s0  }
0x4f: {  	p0 =	sne.s32 s0, $0x9000;
	s0 =	sadd.s32 $0x800, s0;
	_ =	swait.ge [sflag:s24], $0x1F40  }
0x50: {  	s15 =	sshra.s32 s15, $0x2;
	[sflag:s24] =	ssyncset.done $0x0  }
0x51: {  	s18 =	sadd.s32 $0x2800, s15;
	[sflag:s24] =	ssyncadd.s32 $0xFFFFE0C0  }
0x52: {  	[spmem:s2] =	stream.indirect.scatter.add.f32 [tilespmem:s17], [sflag:$0x5], $0x40, s18, s16, $0xb8;
	[tilespmem:$0x1BD00] =	vst v63  }
0x53: {  	_ =	swait.ge [sflag:s25], $0x1F40  }
0x54: {  	[sflag:s25] =	ssyncset.done $0x0  }
0x55: {  	s18 =	sadd.s32 $0x2880, s15;
	[sflag:s25] =	ssyncadd.s32 $0xFFFFE0C0  }
0x56: {  	[spmem:s2] =	stream.indirect.scatter.add.f32 [tilespmem:s19], [sflag:$0x6], $0x40, s18, s16, $0xb8;
	[tilespmem:$0x1BD00] =	vst v63  }
0x57: {  	_ =	swait.ge [sflag:s26], $0x1F40  }
0x58: {  	[sflag:s26] =	ssyncset.done $0x0  }
0x59: {  	s18 =	sadd.s32 $0x2900, s15;
	[sflag:s26] =	ssyncadd.s32 $0xFFFFE0C0  }
0x5a: {  	[spmem:s2] =	stream.indirect.scatter.add.f32 [tilespmem:s21], [sflag:$0x7], $0x40, s18, s16, $0xb8;
	[tilespmem:$0x1BD00] =	vst v63  }
0x5b: {  	_ =	swait.ge [sflag:s28], $0x1F40  }
0x5c: {  	[sflag:s28] =	ssyncset.done $0x0  }
0x5d: {  	s18 =	sadd.s32 $0x2980, s15;
	[sflag:s28] =	ssyncadd.s32 $0xFFFFE0C0  }
0x5e: {  	[spmem:s2] =	stream.indirect.scatter.add.f32 [tilespmem:s23], [sflag:$0x8], $0x40, s18, s16, $0xb8;
	[tilespmem:$0x1BD00] =	vst v63  }
0x5f: {  	_ =	swait.ge [sflag:s29], $0x1F40  }
0x60: {  	[sflag:s29] =	ssyncset.done $0x0  }
0x61: {  	s18 =	sadd.s32 $0x200, s15;
	[sflag:s29] =	ssyncadd.s32 $0xFFFFE0C0  }
0x62: {  	[tilespmem:s17], [sflag:$0x1] =	stream.indirect.gather [hbm4b:s4+s16], $0x40, s18, s16, $0xb8;
	[tilespmem:$0x1BD00] =	vst v63  }
0x63: {  	_ =	swait.ge [sflag:s30], $0x1F40  }
0x64: {  	[sflag:s30] =	ssyncset.done $0x0  }
0x65: {  	s18 =	sadd.s32 $0x280, s15;
	[sflag:s30] =	ssyncadd.s32 $0xFFFFE0C0  }
0x66: {  	[tilespmem:s19], [sflag:$0x2] =	stream.indirect.gather [hbm4b:s4+s16], $0x40, s18, s16, $0xb8;
	[tilespmem:$0x1BD00] =	vst v63  }
0x67: {  	_ =	swait.ge [sflag:s31], $0x1F40  }
0x68: {  	[sflag:s31] =	ssyncset.done $0x0  }
.Ltmp0:
0x69: {  	s18 =	sadd.s32 $0x300, s15;
	[sflag:s31] =	ssyncadd.s32 $0xFFFFE0C0;
	(pc) =	sbr.rel @p0 .LBB2_2-.Ltmp0, $4  }
0x6a: {  	[tilespmem:s21], [sflag:$0x3] =	stream.indirect.gather [hbm4b:s4+s16], $0x40, s18, s16, $0xb8;
	[tilespmem:$0x1BD00] =	vst v63  }
0x6b: {  	_ =	swait.ge [sflag:s1], $0x1F40  }
0x6c: {  	[sflag:s1] =	ssyncset.done $0x0  }
0x6d: {  	s15 =	sadd.s32 $0x380, s15;
	[sflag:s1] =	ssyncadd.s32 $0xFFFFE0C0  }
0x6e: {  	[tilespmem:s23], [sflag:$0x4] =	stream.indirect.gather [hbm4b:s4+s16], $0x40, s15, s16, $0xb8;
	[tilespmem:$0x1BD00] =	vst v63  }
0x6f: {  	_ =	swait.ge [sflag:s24], $0x1F40  }
0x70: {  	[sflag:s24] =	ssyncset.done $0x0  }
0x71: {  	s0 =	simm.s32 $0x4E00;
	[sflag:s24] =	ssyncadd.s32 $0xFFFFE0C0  }
0x72: {  	[spmem:s2] =	stream.indirect.scatter.add.f32 [tilespmem:s17], [sflag:$0x5], $0x40, s0, s16, $0xb8;
	[tilespmem:$0x1BD00] =	vst v63  }
0x73: {  	_ =	swait.ge [sflag:s25], $0x1F40  }
0x74: {  	[sflag:s25] =	ssyncset.done $0x0  }
0x75: {  	s15 =	simm.s32 $0x4E80;
	[sflag:s25] =	ssyncadd.s32 $0xFFFFE0C0  }
0x76: {  	[spmem:s2] =	stream.indirect.scatter.add.f32 [tilespmem:s19], [sflag:$0x6], $0x40, s15, s16, $0xb8;
	[tilespmem:$0x1BD00] =	vst v63  }
0x77: {  	_ =	swait.ge [sflag:s26], $0x1F40  }
0x78: {  	[sflag:s26] =	ssyncset.done $0x0  }
0x79: {  	s18 =	simm.s32 $0x4F00;
	[sflag:s26] =	ssyncadd.s32 $0xFFFFE0C0  }
0x7a: {  	[spmem:s2] =	stream.indirect.scatter.add.f32 [tilespmem:s21], [sflag:$0x7], $0x40, s18, s16, $0xb8;
	[tilespmem:$0x1BD00] =	vst v63  }
0x7b: {  	_ =	swait.ge [sflag:s28], $0x1F40  }
0x7c: {  	[sflag:s28] =	ssyncset.done $0x0  }
0x7d: {  	[sflag:s28] =	ssyncadd.s32 $0xFFFFE0C0  }
0x7e: {  	[spmem:s2] =	stream.indirect.scatter.add.f32 [tilespmem:s23], [sflag:$0x8], $0x40, s20, s16, $0xb8;
	[tilespmem:$0x1BD00] =	vst v63  }
0x7f: {  	_ =	swait.ge [sflag:s29], $0x1F40  }
0x80: {  	[sflag:s29] =	ssyncset.done $0x0  }
0x81: {  	[sflag:s29] =	ssyncadd.s32 $0xFFFFE0C0  }
0x82: {  	_ =	swait.ge [sflag:s30], $0x1F40  }
0x83: {  	[sflag:s30] =	ssyncset.done $0x0  }
0x84: {  	[sflag:s30] =	ssyncadd.s32 $0xFFFFE0C0  }
0x85: {  	_ =	swait.ge [sflag:s31], $0x1F40  }
0x86: {  	[sflag:s31] =	ssyncset.done $0x0  }
0x87: {  	[sflag:s31] =	ssyncadd.s32 $0xFFFFE0C0  }
0x88: {  	_ =	swait.ge [sflag:s1], $0x1F40  }
0x89: {  	[sflag:s1] =	ssyncset.done $0x0  }
0x8a: {  	[sflag:s1] =	ssyncadd.s32 $0xFFFFE0C0  }
0x8b: {  	[bflag:$0x0] =	sbarrier.arrive $0xFFFF  }
0x8c: {  	[tilespmem:s13], [sflag:$0x9] =	stream.linear.gather [spmem:s6], $0x5000, $0x38;
	[tilespmem:$0x1BD00] =	vst v63  }
0x8d: {  	_ =	swait.ge [sflag:s14], $0x5000  }
0x8e: {  	[sflag:s14] =	ssyncset.done $0x0  }
0x8f: {  	[sflag:s14] =	ssyncadd.s32 $0xFFFFB000  }
0x90: {  	[hbm4b:s10+s3] =	stream.linear.scatter [tilespmem:s13], [sflag:$0x9], $0x5000, $0x38;
	[tilespmem:$0x1BD00] =	vst v63  }
0x91: {  	_ =	swait.ge [sflag:s14], $0x5000  }
0x92: {  	[sflag:s14] =	ssyncset.done $0x0  }
0x93: {  	[sflag:s14] =	ssyncadd.s32 $0xFFFFB000  }
0x94: {  	[tilespmem:s13], [sflag:$0x9] =	stream.linear.gather [spmem:s7], $0x5000, $0x38;
	[tilespmem:$0x1BD00] =	vst v63  }
0x95: {  	s22 =	sadd.s32 $0x1, s22;
	_ =	swait.ge [sflag:s14], $0x5000  }
0x96: {  	p0 =	sne.s32 s22, s12;
	[sflag:s14] =	ssyncset.done $0x0  }
.Ltmp1:
0x97: {  	[sflag:s14] =	ssyncadd.s32 $0xFFFFB000;
	(pc) =	sbr.rel @p0 .LBB2_1-.Ltmp1, $4  }
0x98: {  	[hbm4b:s11+s3] =	stream.linear.scatter [tilespmem:s13], [sflag:$0x9], $0x5000, $0x38;
	[tilespmem:$0x1BD00] =	vst v63  }
0x99: {  	_ =	swait.ge [sflag:s14], $0x5000  }
0x9a: {  	[sflag:s14] =	ssyncset.done $0x0  }
0x9b: {  	[sflag:s14] =	ssyncadd.s32 $0xFFFFB000  }
0x9c: {  	_ =	sfence.sel $0x180000  }
0x9d: {  	[bflag:$0x0] =	sbarrier.arrive $0xFFFF  }
0x9e: {  	_ =	strace $0x90000047  }
0x9f: {  	s0 =	stileid.u32;
	[bflag:$0x2] =	sbarrier.arrive $0xFFFF  }
0xa0: {  	p0 =	sne.s32 s0, $0x0;
	s0 =	rddreg [dreg:$0x2]  }
0xa1: {  	s0 =	sadd.s32 @!p0 $0x100000, s0  }
0xa2: {  	[sflag:s0] =	ssyncadd.tile.s32 @!p0 $0x1;
	_ =	shalt  }
.Lfunc_end2:
_tile_overlayer_lowered:
.L_overlay_start_2:
0xa3: {  	(tag) =	ssettag $0x2  }
0xa4: {  	s0 =	rddreg [dreg:$0x0];
	s2 =	stileid.u32  }
0xa5: {  	s1 =	rddreg [dreg:$0x1];
	p0 =	sne.s32 s2, $0x0  }
0xa6: {  	s3 =	rddreg [dreg:$0x2];
	[bflag:$0x3] =	sbarrier.arrive $0xFFFF;
	s2 =	simm.s32 @!p0 $0x1C09  }
0xa7: {  	[timem:s3], [sflag:s2] =	dma.local @!p0 [hbm:s0], s1  }
0xa8: {  	s0 =	simm.s32 @!p0 $0x9  }
0xa9: {  	_ =	swait.ge @!p0 [sflag:s0], s1  }
0xaa: {  	s1 =	ssub.s32 @!p0 $0x0, s1;
	[sflag:s0] =	ssyncset.done @!p0 $0x0  }
0xab: {  	[sflag:s0] =	ssyncadd.s32 @!p0 s1  }
0xac: {  	[bflag:$0x3] =	sbarrier.arrive $0xFFFF  }
0xad: {  	_ =	shalt  }

</sc_bundles>
